<compile_context>
chip_gen: v7x
topology: tpu7x:2x2x1
jax: 0.10.2.dev20260603
libtpu: 0.0.44.dev20260713+nightly
codegen_flags: <defaults>
</compile_context>

<pallas_src>
import functools

import jax
import jax.numpy as jnp
from jax import lax
from jax.experimental import pallas as pl
from jax.experimental.pallas import tpu as pltpu
from jax.experimental.pallas import tpu_sc as plsc

F32 = jnp.float32
_NW = 32
_CH = 128
_RNG = 3200


def _mesh():
    return plsc.VectorSubcoreMesh(core_axis_name="c", subcore_axis_name="s")


def _wid():
    return lax.axis_index("s") * 2 + lax.axis_index("c")


def _sc_gather_winner(sess_tab, W_emb, user, input_item, pos_items, neg_items):
    B = user.shape[0]
    bw_u = B // _NW
    bw_i = B // _NW
    GC = 64
    n_vec = B // 16

    @functools.partial(
        pl.kernel,
        out_type=(
            jax.ShapeDtypeStruct((B, 2, 128), F32),
            jax.ShapeDtypeStruct((3 * B, 128), F32),
            jax.ShapeDtypeStruct((_NW * _RNG,), jnp.int32),
        ),
        mesh=_mesh(),
        compiler_params=pltpu.CompilerParams(needs_layout_passes=False),
        scratch_types=[
            pltpu.VMEM((bw_u,), jnp.int32),
            pltpu.VMEM((3 * bw_i,), jnp.int32),
            pltpu.VMEM((B,), jnp.int32),
            pltpu.VMEM((_RNG,), jnp.int32),
            pltpu.VMEM((3, 64, 2, 128), F32),
            pltpu.VMEM((3, 64, 128), F32),
            pltpu.SemaphoreType.DMA,
            pltpu.SemaphoreType.DMA,
            pltpu.SemaphoreType.DMA,
            pltpu.SemaphoreType.DMA,
            pltpu.SemaphoreType.DMA,
            pltpu.SemaphoreType.DMA,
        ],
    )
    def k(sess_hbm, emb_hbm, user_hbm, in_hbm, pos_hbm, neg_hbm,
          sess_out, xpn_out, win_out,
          uidx, iidx, uall, wloc, sbuf, ebuf, g0, g1, g2, w0, w1, w2):
        wid = _wid()
        ubase = pl.multiple_of(wid * bw_u, _CH)
        ibase = pl.multiple_of(wid * bw_i, _CH)
        lo = pl.multiple_of(wid * _RNG, _RNG)
        pltpu.sync_copy(user_hbm.at[pl.ds(ubase, bw_u)], uidx)
        for r, hbm in enumerate((in_hbm, pos_hbm, neg_hbm)):
            pltpu.sync_copy(hbm.at[pl.ds(ibase, bw_i)],
                            iidx.at[pl.ds(r * bw_i, bw_i)])
        pltpu.sync_copy(user_hbm, uall)
        gsem = (g0, g1, g2)
        wsem = (w0, w1, w2)

        lane = lax.iota(jnp.int32, 16)

        def win_body(j, carry):
            u = uall[pl.ds(pl.multiple_of(j * 16, 16), 16)]
            ps = j * 16 + lane
            inr = jnp.logical_and(u >= lo, u < lo + _RNG)
            plsc.store_scatter(wloc, [u - lo], ps, mask=inr)
            return carry

        def pipeline(n, tab, idx, buf, out, obase_fn):
            gh = [None] * n
            wh = [None] * n

            def start_gather(j):
                return pltpu.async_copy(
                    tab.at[idx.at[pl.ds(j * GC, GC)]], buf.at[j % 3],
                    gsem[j % 3])

            gh[0] = start_gather(0)
            if n >= 2:
                gh[1] = start_gather(1)
            for j in range(n):
                gh[j].wait()
                dst = out.at[pl.ds(pl.multiple_of(obase_fn(j), GC), GC)]
                wh[j] = pltpu.async_copy(buf.at[j % 3], dst, wsem[j % 3])
                if j + 2 < n:
                    if j >= 1:
                        wh[j - 1].wait()
                    gh[j + 2] = start_gather(j + 2)
            for t in range(max(0, n - 3), n):
                wh[t].wait()

        nu = bw_u // GC
        ni = bw_i // GC
        pipeline(nu, sess_hbm, uidx, sbuf, sess_out,
                 lambda j: ubase + j * GC)
        pipeline(3 * ni, emb_hbm, iidx, ebuf, xpn_out,
                 lambda j: (j // ni) * B + ibase + (j % ni) * GC)

        @pl.loop(0, n_vec, unroll=4)
        def _(j):
            win_body(j, 0)

        pltpu.sync_copy(wloc, win_out.at[pl.ds(lo, _RNG)])

    return k(sess_tab, W_emb, user, input_item, pos_items, neg_items)


def _tc_gru(sess, xpn, w_ih, w_hh, b_ih, b_hh):
    B = sess.shape[0]
    BB = 2048
    nb = B // BB
    dn = (((1,), (1,)), ((), ()))

    def body(sess_ref, x_ref, p_ref, n_ref, wih_ref, whh_ref, bih_ref, bhh_ref,
             out_ref, sc_ref):
        h_in = x_ref[...]
        hs = []
        for l in range(2):
            h_prev = sess_ref[:, l, :]
            gi = lax.dot_general(h_in, wih_ref[l], dn,
                                 preferred_element_type=F32) + bih_ref[l][None, :]
            gh = lax.dot_general(h_prev, whh_ref[l], dn,
                                 preferred_element_type=F32) + bhh_ref[l][None, :]
            r = jax.nn.sigmoid(gi[:, 0:128] + gh[:, 0:128])
            z = jax.nn.sigmoid(gi[:, 128:256] + gh[:, 128:256])
            n = jnp.tanh(gi[:, 256:384] + r * gh[:, 256:384])
            h_in = (1.0 - z) * n + z * h_prev
            hs.append(h_in)
        out_ref[:, 0, :] = hs[0]
        out_ref[:, 1, :] = hs[1]
        sc_ref[...] = jnp.sum(h_in * (p_ref[...] - n_ref[...]),
                              axis=-1, keepdims=True)

    return pl.pallas_call(
        body,
        grid=(nb,),
        in_specs=[
            pl.BlockSpec((BB, 2, 128), lambda i: (i, 0, 0)),
            pl.BlockSpec((BB, 128), lambda i: (i, 0)),
            pl.BlockSpec((BB, 128), lambda i, _nb=nb: (i + _nb, 0)),
            pl.BlockSpec((BB, 128), lambda i, _nb=nb: (i + 2 * _nb, 0)),
            pl.BlockSpec((2, 384, 128), lambda i: (0, 0, 0)),
            pl.BlockSpec((2, 384, 128), lambda i: (0, 0, 0)),
            pl.BlockSpec((2, 384), lambda i: (0, 0)),
            pl.BlockSpec((2, 384), lambda i: (0, 0)),
        ],
        out_specs=[
            pl.BlockSpec((BB, 2, 128), lambda i: (i, 0, 0)),
            pl.BlockSpec((BB, 1), lambda i: (i, 0)),
        ],
        out_shape=[
            jax.ShapeDtypeStruct((B, 2, 128), F32),
            jax.ShapeDtypeStruct((B, 1), F32),
        ],
    )(sess, xpn, xpn, xpn, w_ih, w_hh, b_ih, b_hh)


def _tc_copy(tab):
    R = tab.shape[0]
    BR = 5000

    def body(in_ref, out_ref):
        out_ref[...] = in_ref[...]

    return pl.pallas_call(
        body,
        grid=(R // BR,),
        in_specs=[pl.BlockSpec((BR, 2, 128), lambda i: (i, 0, 0))],
        out_specs=pl.BlockSpec((BR, 2, 128), lambda i: (i, 0, 0)),
        out_shape=jax.ShapeDtypeStruct((R, 2, 128), F32),
    )(tab)


def _sc_scatter(upd, user, win, new_rows):
    B = user.shape[0]
    bw = B // _NW

    n = bw // _CH

    @functools.partial(
        pl.kernel,
        mesh=_mesh(),
        scratch_types=[
            pltpu.VMEM((n, _CH), jnp.int32),
            pltpu.VMEM((n, _CH), jnp.int32),
            pltpu.VMEM((2, _CH, 2, 128), F32),
            pltpu.SemaphoreType.DMA,
            pltpu.SemaphoreType.DMA,
        ],
    )
    def k(out_hbm, user_hbm, win_hbm, rows_hbm, uidx, sel, row, sem0, sem1):
        wid = _wid()
        sems = (sem0, sem1)

        uh = [pltpu.async_copy(
                  user_hbm.at[pl.ds(pl.multiple_of(wid * bw + j * _CH, _CH), _CH)],
                  uidx.at[j], sem1)
              for j in range(n)]
        for h in uh:
            h.wait()
        sh = [pltpu.async_copy(win_hbm.at[uidx.at[j]], sel.at[j], sem0)
              for j in range(n)]
        for h in sh:
            h.wait()

        gh = [None] * n
        wh = [None] * n
        gh[0] = pltpu.async_copy(rows_hbm.at[sel.at[0]], row.at[0], sems[0])
        for j in range(n):
            b = j & 1
            gh[j].wait()
            wh[j] = pltpu.async_copy(row.at[b], out_hbm.at[uidx.at[j]], sems[b])
            if j + 1 < n:
                if j >= 1:
                    wh[j - 1].wait()
                gh[j + 1] = pltpu.async_copy(
                    rows_hbm.at[sel.at[j + 1]], row.at[(j + 1) & 1],
                    sems[(j + 1) & 1])
        if n >= 2:
            wh[n - 2].wait()
        wh[n - 1].wait()

    ref = jax.new_ref(upd)
    k(ref, user, win, new_rows)
    return ref[...]


def kernel(user, input_item, pos_items, neg_items, user_sessions, W_emb,
           w_ih, w_hh, b_ih, b_hh):
    user = user.astype(jnp.int32)
    sess, xpn, win = _sc_gather_winner(
        user_sessions, W_emb, user, input_item.astype(jnp.int32),
        pos_items.astype(jnp.int32), neg_items.astype(jnp.int32))
    new_rows, scores = _tc_gru(sess, xpn, w_ih, w_hh, b_ih, b_hh)
    upd = _tc_copy(user_sessions)
    return scores, _sc_scatter(upd, user, win, new_rows)

# --- scband reference (transcript-rebuilt; emitter-appended) ---
"""Pipeline reference for scband-session-aware-wrapper-10307921510819 (READ-ONLY COPY).

The authoritative reference and input builder live on the scoring server;
editing this copy changes nothing except your own understanding.
"""

import jax, jax.numpy as jnp
import numpy as np

NUM_USERS = 100000
NUM_ITEMS = 100000
NUM_LAYERS = 2
H = 128
B = 16384


def setup_inputs(seed: int = 0) -> dict:
    key = jax.random.key(seed)
    ks = jax.random.split(key, 10)
    user = jax.random.randint(ks[0], (B,), 0, NUM_USERS)
    input_item = jax.random.randint(ks[1], (B,), 0, NUM_ITEMS)
    pos_items = jax.random.randint(ks[2], (B,), 0, NUM_ITEMS)
    neg_items = jax.random.randint(ks[3], (B,), 0, NUM_ITEMS)
    user_sessions = jax.random.normal(ks[4], (NUM_USERS, NUM_LAYERS, H), dtype=jnp.float32) * 0.1
    W_emb = jax.random.normal(ks[5], (NUM_ITEMS, H), dtype=jnp.float32) * 0.02
    w_ih = jax.random.normal(ks[6], (NUM_LAYERS, 3 * H, H), dtype=jnp.float32) * 0.05
    w_hh = jax.random.normal(ks[7], (NUM_LAYERS, 3 * H, H), dtype=jnp.float32) * 0.05
    b_ih = jnp.zeros((NUM_LAYERS, 3 * H), dtype=jnp.float32)
    b_hh = jnp.zeros((NUM_LAYERS, 3 * H), dtype=jnp.float32)
    return {
        "user": user,
        "input_item": input_item,
        "pos_items": pos_items,
        "neg_items": neg_items,
        "user_sessions": user_sessions,
        "W_emb": W_emb,
        "w_ih": w_ih,
        "w_hh": w_hh,
        "b_ih": b_ih,
        "b_hh": b_hh,
    }


def gru_step(x, h, w_ih_l, w_hh_l, b_ih_l, b_hh_l):
    gi = x @ w_ih_l.T + b_ih_l
    gh = h @ w_hh_l.T + b_hh_l
    i_r, i_z, i_n = jnp.split(gi, 3, axis=-1)
    h_r, h_z, h_n = jnp.split(gh, 3, axis=-1)
    r = jax.nn.sigmoid(i_r + h_r)
    z = jax.nn.sigmoid(i_z + h_z)
    n = jnp.tanh(i_n + r * h_n)
    return (1.0 - z) * n + z * h


def reference(user, input_item, pos_items, neg_items, user_sessions, W_emb, w_ih, w_hh, b_ih, b_hh):
    # gather per-user recurrent session state: [B, L, H] -> [L, B, H]
    sessions = jnp.transpose(user_sessions[user], (1, 0, 2))
    # one-step multi-layer GRU over the single input item (seq_len = 1)
    x = W_emb[input_item]  # [B, H]
    new_h = []
    for l in range(NUM_LAYERS):
        h = gru_step(x, sessions[l], w_ih[l], w_hh[l], b_ih[l], b_hh[l])
        new_h.append(h)
        x = h
    new_sessions = jnp.stack(new_h, axis=0)  # [L, B, H]
    # BPR-style score: pos dot minus neg dot against final hidden
    pos_e = W_emb[pos_items]
    neg_e = W_emb[neg_items]
    scores = jnp.sum(x * pos_e, axis=-1, keepdims=True) - jnp.sum(x * neg_e, axis=-1, keepdims=True)  # [B, 1]
    # detached scatter-overwrite of the session memory (update=True path)
    updated_sessions = user_sessions.at[user].set(
        jax.lax.stop_gradient(jnp.transpose(new_sessions, (1, 0, 2)))
    )
    return scores, updated_sessions

if __name__ == "__main__":
    import jax
    _d = setup_inputs()
    print(jax.jit(kernel)(*tuple(_d.values())))

</pallas_src>

<mosaic_0001>
#map = affine_map<(d0, d1) -> (0, 0, 0)>
#map1 = affine_map<(d0, d1) -> (0, 0)>
#map2 = affine_map<(d0, d1) -> (0)>
module attributes {stable_mosaic.version = 14 : i64} {
  func.func @k(%arg0: i32, %arg1: i32, %arg2: memref<100000x2x128xf32, #tpu.memory_space<hbm>>, %arg3: memref<100000x128xf32, #tpu.memory_space<hbm>>, %arg4: memref<16384xi32, #tpu.memory_space<hbm>>, %arg5: memref<16384xi32, #tpu.memory_space<hbm>>, %arg6: memref<16384xi32, #tpu.memory_space<hbm>>, %arg7: memref<16384xi32, #tpu.memory_space<hbm>>, %arg8: memref<16384x2x128xf32, #tpu.memory_space<hbm>>, %arg9: memref<49152x128xf32, #tpu.memory_space<hbm>>, %arg10: memref<102400xi32, #tpu.memory_space<hbm>>, %arg11: memref<512xi32, #tpu.memory_space<vmem>>, %arg12: memref<1536xi32, #tpu.memory_space<vmem>>, %arg13: memref<16384xi32, #tpu.memory_space<vmem>>, %arg14: memref<3200xi32, #tpu.memory_space<vmem>>, %arg15: memref<3x64x2x128xf32, #tpu.memory_space<vmem>>, %arg16: memref<3x64x128xf32, #tpu.memory_space<vmem>>, %arg17: memref<!tpu.dma_semaphore, #tpu.memory_space<semaphore_mem>>, %arg18: memref<!tpu.dma_semaphore, #tpu.memory_space<semaphore_mem>>, %arg19: memref<!tpu.dma_semaphore, #tpu.memory_space<semaphore_mem>>, %arg20: memref<!tpu.dma_semaphore, #tpu.memory_space<semaphore_mem>>, %arg21: memref<!tpu.dma_semaphore, #tpu.memory_space<semaphore_mem>>, %arg22: memref<!tpu.dma_semaphore, #tpu.memory_space<semaphore_mem>>) attributes {dimension_semantics = [#tpu.dimension_semantics<core_parallel>, #tpu.dimension_semantics<subcore_parallel>], iteration_bounds = array<i64: 2, 16>, scalar_prefetch = 0 : i64, scratch_operands = 12 : i64, tpu.core_type = #tpu.core_type<sc_vector_subcore>, window_params = [{transform_indices = #map}, {transform_indices = #map1}, {transform_indices = #map2}, {transform_indices = #map2}, {transform_indices = #map2}, {transform_indices = #map2}, {transform_indices = #map}, {transform_indices = #map1}, {transform_indices = #map2}]} {
    %mul3A = arith.constant 2 : i32
    %mul3A_0 = arith.muli %arg1, %mul3A : i32
    %add3A = arith.addi %mul3A_0, %arg0 : i32
    %mul3A_1 = arith.constant 512 : i32
    %mul3A_2 = arith.muli %add3A, %mul3A_1 : i32
    %multiple_of3A = tpu.assume_multiple %mul3A_2, 128 : i32
    %mul3A_3 = arith.constant 512 : i32
    %mul3A_4 = arith.muli %add3A, %mul3A_3 : i32
    %multiple_of3A_5 = tpu.assume_multiple %mul3A_4, 128 : i32
    %mul3A_6 = arith.constant 3200 : i32
    %mul3A_7 = arith.muli %add3A, %mul3A_6 : i32
    %multiple_of3A_8 = tpu.assume_multiple %mul3A_7, 3200 : i32
    "tpu.region"() ({
      %run_scoped3A = tpu.sem_alloc : memref<!tpu.dma_semaphore, #tpu.memory_space<semaphore_mem>>
      %dma_start3A_1723 = tpu.memref_slice %arg4[%multiple_of3A] : memref<16384xi32, #tpu.memory_space<hbm>> -> memref<512xi32, #tpu.memory_space<hbm>>
      %dma_start3A_1724 = tpu.memref_slice %arg4[%multiple_of3A] : memref<16384xi32, #tpu.memory_space<hbm>> -> memref<512xi32, #tpu.memory_space<hbm>>
      tpu.enqueue_dma source(%dma_start3A_1724 : memref<512xi32, #tpu.memory_space<hbm>>) target(%arg11 : memref<512xi32, #tpu.memory_space<vmem>>) target_semaphore(%run_scoped3A : memref<!tpu.dma_semaphore, #tpu.memory_space<semaphore_mem>>)
      %dma_wait3A_1725 = tpu.memref_slice %arg4[%multiple_of3A] : memref<16384xi32, #tpu.memory_space<hbm>> -> memref<512xi32, #tpu.memory_space<hbm>>
      %dma_wait3A_1726 = tpu.memref_slice %arg4[%multiple_of3A] : memref<16384xi32, #tpu.memory_space<hbm>> -> memref<512xi32, #tpu.memory_space<hbm>>
      tpu.wait_dma2 semaphore(%run_scoped3A : memref<!tpu.dma_semaphore, #tpu.memory_space<semaphore_mem>>) src(%dma_wait3A_1726 : memref<512xi32, #tpu.memory_space<hbm>>) dst(%arg11 : memref<512xi32, #tpu.memory_space<vmem>>)
      tpu.yield
    }) : () -> ()
    "tpu.region"() ({
      %run_scoped3A = tpu.sem_alloc : memref<!tpu.dma_semaphore, #tpu.memory_space<semaphore_mem>>
      %dma_start3A_1723 = arith.constant 0 : i32
      %dma_start3A_1724 = tpu.memref_slice %arg12[%dma_start3A_1723] : memref<1536xi32, #tpu.memory_space<vmem>> -> memref<512xi32, #tpu.memory_space<vmem>>
      %dma_start3A_1725 = tpu.memref_slice %arg5[%multiple_of3A_5] : memref<16384xi32, #tpu.memory_space<hbm>> -> memref<512xi32, #tpu.memory_space<hbm>>
      %dma_start3A_1726 = arith.constant 0 : i32
      %dma_start3A_1727 = tpu.memref_slice %arg12[%dma_start3A_1726] : memref<1536xi32, #tpu.memory_space<vmem>> -> memref<512xi32, #tpu.memory_space<vmem>>
      %dma_start3A_1728 = tpu.memref_slice %arg5[%multiple_of3A_5] : memref<16384xi32, #tpu.memory_space<hbm>> -> memref<512xi32, #tpu.memory_space<hbm>>
      tpu.enqueue_dma source(%dma_start3A_1728 : memref<512xi32, #tpu.memory_space<hbm>>) target(%dma_start3A_1727 : memref<512xi32, #tpu.memory_space<vmem>>) target_semaphore(%run_scoped3A : memref<!tpu.dma_semaphore, #tpu.memory_space<semaphore_mem>>)
      %dma_wait3A_1729 = arith.constant 0 : i32
      %dma_wait3A_1730 = tpu.memref_slice %arg12[%dma_wait3A_1729] : memref<1536xi32, #tpu.memory_space<vmem>> -> memref<512xi32, #tpu.memory_space<vmem>>
      %dma_wait3A_1731 = tpu.memref_slice %arg5[%multiple_of3A_5] : memref<16384xi32, #tpu.memory_space<hbm>> -> memref<512xi32, #tpu.memory_space<hbm>>
      %dma_wait3A_1732 = arith.constant 0 : i32
      %dma_wait3A_1733 = tpu.memref_slice %arg12[%dma_wait3A_1732] : memref<1536xi32, #tpu.memory_space<vmem>> -> memref<512xi32, #tpu.memory_space<vmem>>
      %dma_wait3A_1734 = tpu.memref_slice %arg5[%multiple_of3A_5] : memref<16384xi32, #tpu.memory_space<hbm>> -> memref<512xi32, #tpu.memory_space<hbm>>
      tpu.wait_dma2 semaphore(%run_scoped3A : memref<!tpu.dma_semaphore, #tpu.memory_space<semaphore_mem>>) src(%dma_wait3A_1734 : memref<512xi32, #tpu.memory_space<hbm>>) dst(%dma_wait3A_1733 : memref<512xi32, #tpu.memory_space<vmem>>)
      tpu.yield
    }) : () -> ()
    "tpu.region"() ({
      %run_scoped3A = tpu.sem_alloc : memref<!tpu.dma_semaphore, #tpu.memory_space<semaphore_mem>>
      %dma_start3A_1723 = arith.constant 512 : i32
      %dma_start3A_1724 = tpu.memref_slice %arg12[%dma_start3A_1723] : memref<1536xi32, #tpu.memory_space<vmem>> -> memref<512xi32, #tpu.memory_space<vmem>>
      %dma_start3A_1725 = tpu.memref_slice %arg6[%multiple_of3A_5] : memref<16384xi32, #tpu.memory_space<hbm>> -> memref<512xi32, #tpu.memory_space<hbm>>
      %dma_start3A_1726 = arith.constant 512 : i32
      %dma_start3A_1727 = tpu.memref_slice %arg12[%dma_start3A_1726] : memref<1536xi32, #tpu.memory_space<vmem>> -> memref<512xi32, #tpu.memory_space<vmem>>
      %dma_start3A_1728 = tpu.memref_slice %arg6[%multiple_of3A_5] : memref<16384xi32, #tpu.memory_space<hbm>> -> memref<512xi32, #tpu.memory_space<hbm>>
      tpu.enqueue_dma source(%dma_start3A_1728 : memref<512xi32, #tpu.memory_space<hbm>>) target(%dma_start3A_1727 : memref<512xi32, #tpu.memory_space<vmem>>) target_semaphore(%run_scoped3A : memref<!tpu.dma_semaphore, #tpu.memory_space<semaphore_mem>>)
      %dma_wait3A_1729 = arith.constant 512 : i32
      %dma_wait3A_1730 = tpu.memref_slice %arg12[%dma_wait3A_1729] : memref<1536xi32, #tpu.memory_space<vmem>> -> memref<512xi32, #tpu.memory_space<vmem>>
      %dma_wait3A_1731 = tpu.memref_slice %arg6[%multiple_of3A_5] : memref<16384xi32, #tpu.memory_space<hbm>> -> memref<512xi32, #tpu.memory_space<hbm>>
      %dma_wait3A_1732 = arith.constant 512 : i32
      %dma_wait3A_1733 = tpu.memref_slice %arg12[%dma_wait3A_1732] : memref<1536xi32, #tpu.memory_space<vmem>> -> memref<512xi32, #tpu.memory_space<vmem>>
      %dma_wait3A_1734 = tpu.memref_slice %arg6[%multiple_of3A_5] : memref<16384xi32, #tpu.memory_space<hbm>> -> memref<512xi32, #tpu.memory_space<hbm>>
      tpu.wait_dma2 semaphore(%run_scoped3A : memref<!tpu.dma_semaphore, #tpu.memory_space<semaphore_mem>>) src(%dma_wait3A_1734 : memref<512xi32, #tpu.memory_space<hbm>>) dst(%dma_wait3A_1733 : memref<512xi32, #tpu.memory_space<vmem>>)
      tpu.yield
    }) : () -> ()
    "tpu.region"() ({
      %run_scoped3A = tpu.sem_alloc : memref<!tpu.dma_semaphore, #tpu.memory_space<semaphore_mem>>
      %dma_start3A_1723 = arith.constant 1024 : i32
      %dma_start3A_1724 = tpu.memref_slice %arg12[%dma_start3A_1723] : memref<1536xi32, #tpu.memory_space<vmem>> -> memref<512xi32, #tpu.memory_space<vmem>>
      %dma_start3A_1725 = tpu.memref_slice %arg7[%multiple_of3A_5] : memref<16384xi32, #tpu.memory_space<hbm>> -> memref<512xi32, #tpu.memory_space<hbm>>
      %dma_start3A_1726 = arith.constant 1024 : i32
      %dma_start3A_1727 = tpu.memref_slice %arg12[%dma_start3A_1726] : memref<1536xi32, #tpu.memory_space<vmem>> -> memref<512xi32, #tpu.memory_space<vmem>>
      %dma_start3A_1728 = tpu.memref_slice %arg7[%multiple_of3A_5] : memref<16384xi32, #tpu.memory_space<hbm>> -> memref<512xi32, #tpu.memory_space<hbm>>
      tpu.enqueue_dma source(%dma_start3A_1728 : memref<512xi32, #tpu.memory_space<hbm>>) target(%dma_start3A_1727 : memref<512xi32, #tpu.memory_space<vmem>>) target_semaphore(%run_scoped3A : memref<!tpu.dma_semaphore, #tpu.memory_space<semaphore_mem>>)
      %dma_wait3A_1729 = arith.constant 1024 : i32
      %dma_wait3A_1730 = tpu.memref_slice %arg12[%dma_wait3A_1729] : memref<1536xi32, #tpu.memory_space<vmem>> -> memref<512xi32, #tpu.memory_space<vmem>>
      %dma_wait3A_1731 = tpu.memref_slice %arg7[%multiple_of3A_5] : memref<16384xi32, #tpu.memory_space<hbm>> -> memref<512xi32, #tpu.memory_space<hbm>>
      %dma_wait3A_1732 = arith.constant 1024 : i32
      %dma_wait3A_1733 = tpu.memref_slice %arg12[%dma_wait3A_1732] : memref<1536xi32, #tpu.memory_space<vmem>> -> memref<512xi32, #tpu.memory_space<vmem>>
      %dma_wait3A_1734 = tpu.memref_slice %arg7[%multiple_of3A_5] : memref<16384xi32, #tpu.memory_space<hbm>> -> memref<512xi32, #tpu.memory_space<hbm>>
      tpu.wait_dma2 semaphore(%run_scoped3A : memref<!tpu.dma_semaphore, #tpu.memory_space<semaphore_mem>>) src(%dma_wait3A_1734 : memref<512xi32, #tpu.memory_space<hbm>>) dst(%dma_wait3A_1733 : memref<512xi32, #tpu.memory_space<vmem>>)
      tpu.yield
    }) : () -> ()
    "tpu.region"() ({
      %run_scoped3A = tpu.sem_alloc : memref<!tpu.dma_semaphore, #tpu.memory_space<semaphore_mem>>
      tpu.enqueue_dma source(%arg4 : memref<16384xi32, #tpu.memory_space<hbm>>) target(%arg13 : memref<16384xi32, #tpu.memory_space<vmem>>) target_semaphore(%run_scoped3A : memref<!tpu.dma_semaphore, #tpu.memory_space<semaphore_mem>>)
      tpu.wait_dma2 semaphore(%run_scoped3A : memref<!tpu.dma_semaphore, #tpu.memory_space<semaphore_mem>>) src(%arg4 : memref<16384xi32, #tpu.memory_space<hbm>>) dst(%arg13 : memref<16384xi32, #tpu.memory_space<vmem>>)
      tpu.yield
    }) : () -> ()
    %iota3A = tpu.iota {dimensions = array<i32: 0>} : vector<16xi32>
    %dma_start3A = arith.constant 0 : i32
    %dma_start3A_9 = arith.constant 0 : i32
    %dma_start3A_10 = arith.constant 0 : i32
    %dma_start3A_11 = arith.constant 0 : i32
    %dma_start3A_12 = tpu.memref_slice %arg15[%dma_start3A, %dma_start3A_9, %dma_start3A_10, %dma_start3A_11] : memref<3x64x2x128xf32, #tpu.memory_space<vmem>> -> memref<1x64x2x128xf32, #tpu.memory_space<vmem>>
    %dma_start3A_13 = tpu.memref_squeeze %dma_start3A_12 : memref<1x64x2x128xf32, #tpu.memory_space<vmem>> -> memref<64x2x128xf32, #tpu.memory_space<vmem>>
    %dma_start3A_14 = arith.constant 0 : i32
    %dma_start3A_15 = tpu.memref_slice %arg11[%dma_start3A_14] : memref<512xi32, #tpu.memory_space<vmem>> -> memref<64xi32, #tpu.memory_space<vmem>>
    %dma_start3A_16 = arith.constant 0 : i32
    %dma_start3A_17 = arith.constant 0 : i32
    %dma_start3A_18 = arith.constant 0 : i32
    %dma_start3A_19 = tpu.memref_slice %arg2[%dma_start3A_16, %dma_start3A_17, %dma_start3A_18] : memref<100000x2x128xf32, #tpu.memory_space<hbm>> -> memref<100000x2x128xf32, #tpu.memory_space<hbm>>
    tpu.enqueue_indirect_dma source(%dma_start3A_19 : memref<100000x2x128xf32, #tpu.memory_space<hbm>>) target(%dma_start3A_13 : memref<64x2x128xf32, #tpu.memory_space<vmem>>) offsets(%dma_start3A_15 : memref<64xi32, #tpu.memory_space<vmem>>) semaphore(%arg17 : memref<!tpu.dma_semaphore, #tpu.memory_space<semaphore_mem>>)
    %dma_start3A_20 = arith.constant 1 : i32
    %dma_start3A_21 = arith.constant 0 : i32
    %dma_start3A_22 = arith.constant 0 : i32
    %dma_start3A_23 = arith.constant 0 : i32
    %dma_start3A_24 = tpu.memref_slice %arg15[%dma_start3A_20, %dma_start3A_21, %dma_start3A_22, %dma_start3A_23] : memref<3x64x2x128xf32, #tpu.memory_space<vmem>> -> memref<1x64x2x128xf32, #tpu.memory_space<vmem>>
    %dma_start3A_25 = tpu.memref_squeeze %dma_start3A_24 : memref<1x64x2x128xf32, #tpu.memory_space<vmem>> -> memref<64x2x128xf32, #tpu.memory_space<vmem>>
    %dma_start3A_26 = arith.constant 64 : i32
    %dma_start3A_27 = tpu.memref_slice %arg11[%dma_start3A_26] : memref<512xi32, #tpu.memory_space<vmem>> -> memref<64xi32, #tpu.memory_space<vmem>>
    %dma_start3A_28 = arith.constant 0 : i32
    %dma_start3A_29 = arith.constant 0 : i32
    %dma_start3A_30 = arith.constant 0 : i32
    %dma_start3A_31 = tpu.memref_slice %arg2[%dma_start3A_28, %dma_start3A_29, %dma_start3A_30] : memref<100000x2x128xf32, #tpu.memory_space<hbm>> -> memref<100000x2x128xf32, #tpu.memory_space<hbm>>
    tpu.enqueue_indirect_dma source(%dma_start3A_31 : memref<100000x2x128xf32, #tpu.memory_space<hbm>>) target(%dma_start3A_25 : memref<64x2x128xf32, #tpu.memory_space<vmem>>) offsets(%dma_start3A_27 : memref<64xi32, #tpu.memory_space<vmem>>) semaphore(%arg18 : memref<!tpu.dma_semaphore, #tpu.memory_space<semaphore_mem>>)
    %dma_wait3A = arith.constant 0 : i32
    %dma_wait3A_32 = arith.constant 0 : i32
    %dma_wait3A_33 = arith.constant 0 : i32
    %dma_wait3A_34 = arith.constant 0 : i32
    %dma_wait3A_35 = tpu.memref_slice %arg15[%dma_wait3A, %dma_wait3A_32, %dma_wait3A_33, %dma_wait3A_34] : memref<3x64x2x128xf32, #tpu.memory_space<vmem>> -> memref<1x64x2x128xf32, #tpu.memory_space<vmem>>
    %dma_wait3A_36 = tpu.memref_squeeze %dma_wait3A_35 : memref<1x64x2x128xf32, #tpu.memory_space<vmem>> -> memref<64x2x128xf32, #tpu.memory_space<vmem>>
    %dma_wait3A_37 = arith.constant 0 : i32
    %dma_wait3A_38 = tpu.memref_slice %arg11[%dma_wait3A_37] : memref<512xi32, #tpu.memory_space<vmem>> -> memref<64xi32, #tpu.memory_space<vmem>>
    %dma_wait3A_39 = arith.constant 0 : i32
    %dma_wait3A_40 = arith.constant 0 : i32
    %dma_wait3A_41 = arith.constant 0 : i32
    %dma_wait3A_42 = tpu.memref_slice %arg2[%dma_wait3A_39, %dma_wait3A_40, %dma_wait3A_41] : memref<100000x2x128xf32, #tpu.memory_space<hbm>> -> memref<100000x2x128xf32, #tpu.memory_space<hbm>>
    tpu.wait_indirect_dma semaphore(%arg17 : memref<!tpu.dma_semaphore, #tpu.memory_space<semaphore_mem>>) src(%dma_wait3A_42 : memref<100000x2x128xf32, #tpu.memory_space<hbm>>) dst(%dma_wait3A_36 : memref<64x2x128xf32, #tpu.memory_space<vmem>>)
    %add3A_43 = arith.constant 0 : i32
    %add3A_44 = arith.addi %multiple_of3A, %add3A_43 : i32
    %multiple_of3A_45 = tpu.assume_multiple %add3A_44, 64 : i32
    %dma_start3A_46 = arith.constant 0 : i32
    %dma_start3A_47 = arith.constant 0 : i32
    %dma_start3A_48 = arith.constant 0 : i32
    %dma_start3A_49 = arith.constant 0 : i32
    %dma_start3A_50 = tpu.memref_slice %arg15[%dma_start3A_46, %dma_start3A_47, %dma_start3A_48, %dma_start3A_49] : memref<3x64x2x128xf32, #tpu.memory_space<vmem>> -> memref<1x64x2x128xf32, #tpu.memory_space<vmem>>
    %dma_start3A_51 = tpu.memref_squeeze %dma_start3A_50 : memref<1x64x2x128xf32, #tpu.memory_space<vmem>> -> memref<64x2x128xf32, #tpu.memory_space<vmem>>
    %dma_start3A_52 = arith.constant 0 : i32
    %dma_start3A_53 = arith.constant 0 : i32
    %dma_start3A_54 = tpu.memref_slice %arg8[%multiple_of3A_45, %dma_start3A_52, %dma_start3A_53] : memref<16384x2x128xf32, #tpu.memory_space<hbm>> -> memref<64x2x128xf32, #tpu.memory_space<hbm>>
    %dma_start3A_55 = arith.constant 0 : i32
    %dma_start3A_56 = arith.constant 0 : i32
    %dma_start3A_57 = tpu.memref_slice %arg8[%multiple_of3A_45, %dma_start3A_55, %dma_start3A_56] : memref<16384x2x128xf32, #tpu.memory_space<hbm>> -> memref<64x2x128xf32, #tpu.memory_space<hbm>>
    %dma_start3A_58 = arith.constant 0 : i32
    %dma_start3A_59 = arith.constant 0 : i32
    %dma_start3A_60 = arith.constant 0 : i32
    %dma_start3A_61 = tpu.memref_slice %arg15[%dma_start3A_46, %dma_start3A_58, %dma_start3A_59, %dma_start3A_60] : memref<3x64x2x128xf32, #tpu.memory_space<vmem>> -> memref<1x64x2x128xf32, #tpu.memory_space<vmem>>
    %dma_start3A_62 = tpu.memref_squeeze %dma_start3A_61 : memref<1x64x2x128xf32, #tpu.memory_space<vmem>> -> memref<64x2x128xf32, #tpu.memory_space<vmem>>
    tpu.enqueue_dma source(%dma_start3A_62 : memref<64x2x128xf32, #tpu.memory_space<vmem>>) target(%dma_start3A_57 : memref<64x2x128xf32, #tpu.memory_space<hbm>>) target_semaphore(%arg20 : memref<!tpu.dma_semaphore, #tpu.memory_space<semaphore_mem>>)
    %dma_start3A_63 = arith.constant 2 : i32
    %dma_start3A_64 = arith.constant 0 : i32
    %dma_start3A_65 = arith.constant 0 : i32
    %dma_start3A_66 = arith.constant 0 : i32
    %dma_start3A_67 = tpu.memref_slice %arg15[%dma_start3A_63, %dma_start3A_64, %dma_start3A_65, %dma_start3A_66] : memref<3x64x2x128xf32, #tpu.memory_space<vmem>> -> memref<1x64x2x128xf32, #tpu.memory_space<vmem>>
    %dma_start3A_68 = tpu.memref_squeeze %dma_start3A_67 : memref<1x64x2x128xf32, #tpu.memory_space<vmem>> -> memref<64x2x128xf32, #tpu.memory_space<vmem>>
    %dma_start3A_69 = arith.constant 128 : i32
    %dma_start3A_70 = tpu.memref_slice %arg11[%dma_start3A_69] : memref<512xi32, #tpu.memory_space<vmem>> -> memref<64xi32, #tpu.memory_space<vmem>>
    %dma_start3A_71 = arith.constant 0 : i32
    %dma_start3A_72 = arith.constant 0 : i32
    %dma_start3A_73 = arith.constant 0 : i32
    %dma_start3A_74 = tpu.memref_slice %arg2[%dma_start3A_71, %dma_start3A_72, %dma_start3A_73] : memref<100000x2x128xf32, #tpu.memory_space<hbm>> -> memref<100000x2x128xf32, #tpu.memory_space<hbm>>
    tpu.enqueue_indirect_dma source(%dma_start3A_74 : memref<100000x2x128xf32, #tpu.memory_space<hbm>>) target(%dma_start3A_68 : memref<64x2x128xf32, #tpu.memory_space<vmem>>) offsets(%dma_start3A_70 : memref<64xi32, #tpu.memory_space<vmem>>) semaphore(%arg19 : memref<!tpu.dma_semaphore, #tpu.memory_space<semaphore_mem>>)
    %dma_wait3A_75 = arith.constant 1 : i32
    %dma_wait3A_76 = arith.constant 0 : i32
    %dma_wait3A_77 = arith.constant 0 : i32
    %dma_wait3A_78 = arith.constant 0 : i32
    %dma_wait3A_79 = tpu.memref_slice %arg15[%dma_wait3A_75, %dma_wait3A_76, %dma_wait3A_77, %dma_wait3A_78] : memref<3x64x2x128xf32, #tpu.memory_space<vmem>> -> memref<1x64x2x128xf32, #tpu.memory_space<vmem>>
    %dma_wait3A_80 = tpu.memref_squeeze %dma_wait3A_79 : memref<1x64x2x128xf32, #tpu.memory_space<vmem>> -> memref<64x2x128xf32, #tpu.memory_space<vmem>>
    %dma_wait3A_81 = arith.constant 64 : i32
    %dma_wait3A_82 = tpu.memref_slice %arg11[%dma_wait3A_81] : memref<512xi32, #tpu.memory_space<vmem>> -> memref<64xi32, #tpu.memory_space<vmem>>
    %dma_wait3A_83 = arith.constant 0 : i32
    %dma_wait3A_84 = arith.constant 0 : i32
    %dma_wait3A_85 = arith.constant 0 : i32
    %dma_wait3A_86 = tpu.memref_slice %arg2[%dma_wait3A_83, %dma_wait3A_84, %dma_wait3A_85] : memref<100000x2x128xf32, #tpu.memory_space<hbm>> -> memref<100000x2x128xf32, #tpu.memory_space<hbm>>
    tpu.wait_indirect_dma semaphore(%arg18 : memref<!tpu.dma_semaphore, #tpu.memory_space<semaphore_mem>>) src(%dma_wait3A_86 : memref<100000x2x128xf32, #tpu.memory_space<hbm>>) dst(%dma_wait3A_80 : memref<64x2x128xf32, #tpu.memory_space<vmem>>)
    %add3A_87 = arith.constant 64 : i32
    %add3A_88 = arith.addi %multiple_of3A, %add3A_87 : i32
    %multiple_of3A_89 = tpu.assume_multiple %add3A_88, 64 : i32
    %dma_start3A_90 = arith.constant 1 : i32
    %dma_start3A_91 = arith.constant 0 : i32
    %dma_start3A_92 = arith.constant 0 : i32
    %dma_start3A_93 = arith.constant 0 : i32
    %dma_start3A_94 = tpu.memref_slice %arg15[%dma_start3A_90, %dma_start3A_91, %dma_start3A_92, %dma_start3A_93] : memref<3x64x2x128xf32, #tpu.memory_space<vmem>> -> memref<1x64x2x128xf32, #tpu.memory_space<vmem>>
    %dma_start3A_95 = tpu.memref_squeeze %dma_start3A_94 : memref<1x64x2x128xf32, #tpu.memory_space<vmem>> -> memref<64x2x128xf32, #tpu.memory_space<vmem>>
    %dma_start3A_96 = arith.constant 0 : i32
    %dma_start3A_97 = arith.constant 0 : i32
    %dma_start3A_98 = tpu.memref_slice %arg8[%multiple_of3A_89, %dma_start3A_96, %dma_start3A_97] : memref<16384x2x128xf32, #tpu.memory_space<hbm>> -> memref<64x2x128xf32, #tpu.memory_space<hbm>>
    %dma_start3A_99 = arith.constant 0 : i32
    %dma_start3A_100 = arith.constant 0 : i32
    %dma_start3A_101 = tpu.memref_slice %arg8[%multiple_of3A_89, %dma_start3A_99, %dma_start3A_100] : memref<16384x2x128xf32, #tpu.memory_space<hbm>> -> memref<64x2x128xf32, #tpu.memory_space<hbm>>
    %dma_start3A_102 = arith.constant 0 : i32
    %dma_start3A_103 = arith.constant 0 : i32
    %dma_start3A_104 = arith.constant 0 : i32
    %dma_start3A_105 = tpu.memref_slice %arg15[%dma_start3A_90, %dma_start3A_102, %dma_start3A_103, %dma_start3A_104] : memref<3x64x2x128xf32, #tpu.memory_space<vmem>> -> memref<1x64x2x128xf32, #tpu.memory_space<vmem>>
    %dma_start3A_106 = tpu.memref_squeeze %dma_start3A_105 : memref<1x64x2x128xf32, #tpu.memory_space<vmem>> -> memref<64x2x128xf32, #tpu.memory_space<vmem>>
    tpu.enqueue_dma source(%dma_start3A_106 : memref<64x2x128xf32, #tpu.memory_space<vmem>>) target(%dma_start3A_101 : memref<64x2x128xf32, #tpu.memory_space<hbm>>) target_semaphore(%arg21 : memref<!tpu.dma_semaphore, #tpu.memory_space<semaphore_mem>>)
    %dma_wait3A_107 = arith.constant 0 : i32
    %dma_wait3A_108 = arith.constant 0 : i32
    %dma_wait3A_109 = arith.constant 0 : i32
    %dma_wait3A_110 = arith.constant 0 : i32
    %dma_wait3A_111 = tpu.memref_slice %arg15[%dma_wait3A_107, %dma_wait3A_108, %dma_wait3A_109, %dma_wait3A_110] : memref<3x64x2x128xf32, #tpu.memory_space<vmem>> -> memref<1x64x2x128xf32, #tpu.memory_space<vmem>>
    %dma_wait3A_112 = tpu.memref_squeeze %dma_wait3A_111 : memref<1x64x2x128xf32, #tpu.memory_space<vmem>> -> memref<64x2x128xf32, #tpu.memory_space<vmem>>
    %dma_wait3A_113 = arith.constant 0 : i32
    %dma_wait3A_114 = arith.constant 0 : i32
    %dma_wait3A_115 = tpu.memref_slice %arg8[%multiple_of3A_45, %dma_wait3A_113, %dma_wait3A_114] : memref<16384x2x128xf32, #tpu.memory_space<hbm>> -> memref<64x2x128xf32, #tpu.memory_space<hbm>>
    %dma_wait3A_116 = arith.constant 0 : i32
    %dma_wait3A_117 = arith.constant 0 : i32
    %dma_wait3A_118 = tpu.memref_slice %arg8[%multiple_of3A_45, %dma_wait3A_116, %dma_wait3A_117] : memref<16384x2x128xf32, #tpu.memory_space<hbm>> -> memref<64x2x128xf32, #tpu.memory_space<hbm>>
    %dma_wait3A_119 = arith.constant 0 : i32
    %dma_wait3A_120 = arith.constant 0 : i32
    %dma_wait3A_121 = arith.constant 0 : i32
    %dma_wait3A_122 = tpu.memref_slice %arg15[%dma_wait3A_107, %dma_wait3A_119, %dma_wait3A_120, %dma_wait3A_121] : memref<3x64x2x128xf32, #tpu.memory_space<vmem>> -> memref<1x64x2x128xf32, #tpu.memory_space<vmem>>
    %dma_wait3A_123 = tpu.memref_squeeze %dma_wait3A_122 : memref<1x64x2x128xf32, #tpu.memory_space<vmem>> -> memref<64x2x128xf32, #tpu.memory_space<vmem>>
    tpu.wait_dma2 semaphore(%arg20 : memref<!tpu.dma_semaphore, #tpu.memory_space<semaphore_mem>>) src(%dma_wait3A_123 : memref<64x2x128xf32, #tpu.memory_space<vmem>>) dst(%dma_wait3A_118 : memref<64x2x128xf32, #tpu.memory_space<hbm>>)
    %dma_start3A_124 = arith.constant 0 : i32
    %dma_start3A_125 = arith.constant 0 : i32
    %dma_start3A_126 = arith.constant 0 : i32
    %dma_start3A_127 = arith.constant 0 : i32
    %dma_start3A_128 = tpu.memref_slice %arg15[%dma_start3A_124, %dma_start3A_125, %dma_start3A_126, %dma_start3A_127] : memref<3x64x2x128xf32, #tpu.memory_space<vmem>> -> memref<1x64x2x128xf32, #tpu.memory_space<vmem>>
    %dma_start3A_129 = tpu.memref_squeeze %dma_start3A_128 : memref<1x64x2x128xf32, #tpu.memory_space<vmem>> -> memref<64x2x128xf32, #tpu.memory_space<vmem>>
    %dma_start3A_130 = arith.constant 192 : i32
    %dma_start3A_131 = tpu.memref_slice %arg11[%dma_start3A_130] : memref<512xi32, #tpu.memory_space<vmem>> -> memref<64xi32, #tpu.memory_space<vmem>>
    %dma_start3A_132 = arith.constant 0 : i32
    %dma_start3A_133 = arith.constant 0 : i32
    %dma_start3A_134 = arith.constant 0 : i32
    %dma_start3A_135 = tpu.memref_slice %arg2[%dma_start3A_132, %dma_start3A_133, %dma_start3A_134] : memref<100000x2x128xf32, #tpu.memory_space<hbm>> -> memref<100000x2x128xf32, #tpu.memory_space<hbm>>
    tpu.enqueue_indirect_dma source(%dma_start3A_135 : memref<100000x2x128xf32, #tpu.memory_space<hbm>>) target(%dma_start3A_129 : memref<64x2x128xf32, #tpu.memory_space<vmem>>) offsets(%dma_start3A_131 : memref<64xi32, #tpu.memory_space<vmem>>) semaphore(%arg17 : memref<!tpu.dma_semaphore, #tpu.memory_space<semaphore_mem>>)
    %dma_wait3A_136 = arith.constant 2 : i32
    %dma_wait3A_137 = arith.constant 0 : i32
    %dma_wait3A_138 = arith.constant 0 : i32
    %dma_wait3A_139 = arith.constant 0 : i32
    %dma_wait3A_140 = tpu.memref_slice %arg15[%dma_wait3A_136, %dma_wait3A_137, %dma_wait3A_138, %dma_wait3A_139] : memref<3x64x2x128xf32, #tpu.memory_space<vmem>> -> memref<1x64x2x128xf32, #tpu.memory_space<vmem>>
    %dma_wait3A_141 = tpu.memref_squeeze %dma_wait3A_140 : memref<1x64x2x128xf32, #tpu.memory_space<vmem>> -> memref<64x2x128xf32, #tpu.memory_space<vmem>>
    %dma_wait3A_142 = arith.constant 128 : i32
    %dma_wait3A_143 = tpu.memref_slice %arg11[%dma_wait3A_142] : memref<512xi32, #tpu.memory_space<vmem>> -> memref<64xi32, #tpu.memory_space<vmem>>
    %dma_wait3A_144 = arith.constant 0 : i32
    %dma_wait3A_145 = arith.constant 0 : i32
    %dma_wait3A_146 = arith.constant 0 : i32
    %dma_wait3A_147 = tpu.memref_slice %arg2[%dma_wait3A_144, %dma_wait3A_145, %dma_wait3A_146] : memref<100000x2x128xf32, #tpu.memory_space<hbm>> -> memref<100000x2x128xf32, #tpu.memory_space<hbm>>
    tpu.wait_indirect_dma semaphore(%arg19 : memref<!tpu.dma_semaphore, #tpu.memory_space<semaphore_mem>>) src(%dma_wait3A_147 : memref<100000x2x128xf32, #tpu.memory_space<hbm>>) dst(%dma_wait3A_141 : memref<64x2x128xf32, #tpu.memory_space<vmem>>)
    %add3A_148 = arith.constant 128 : i32
    %add3A_149 = arith.addi %multiple_of3A, %add3A_148 : i32
    %multiple_of3A_150 = tpu.assume_multiple %add3A_149, 64 : i32
    %dma_start3A_151 = arith.constant 2 : i32
    %dma_start3A_152 = arith.constant 0 : i32
    %dma_start3A_153 = arith.constant 0 : i32
    %dma_start3A_154 = arith.constant 0 : i32
    %dma_start3A_155 = tpu.memref_slice %arg15[%dma_start3A_151, %dma_start3A_152, %dma_start3A_153, %dma_start3A_154] : memref<3x64x2x128xf32, #tpu.memory_space<vmem>> -> memref<1x64x2x128xf32, #tpu.memory_space<vmem>>
    %dma_start3A_156 = tpu.memref_squeeze %dma_start3A_155 : memref<1x64x2x128xf32, #tpu.memory_space<vmem>> -> memref<64x2x128xf32, #tpu.memory_space<vmem>>
    %dma_start3A_157 = arith.constant 0 : i32
    %dma_start3A_158 = arith.constant 0 : i32
    %dma_start3A_159 = tpu.memref_slice %arg8[%multiple_of3A_150, %dma_start3A_157, %dma_start3A_158] : memref<16384x2x128xf32, #tpu.memory_space<hbm>> -> memref<64x2x128xf32, #tpu.memory_space<hbm>>
    %dma_start3A_160 = arith.constant 0 : i32
    %dma_start3A_161 = arith.constant 0 : i32
    %dma_start3A_162 = tpu.memref_slice %arg8[%multiple_of3A_150, %dma_start3A_160, %dma_start3A_161] : memref<16384x2x128xf32, #tpu.memory_space<hbm>> -> memref<64x2x128xf32, #tpu.memory_space<hbm>>
    %dma_start3A_163 = arith.constant 0 : i32
    %dma_start3A_164 = arith.constant 0 : i32
    %dma_start3A_165 = arith.constant 0 : i32
    %dma_start3A_166 = tpu.memref_slice %arg15[%dma_start3A_151, %dma_start3A_163, %dma_start3A_164, %dma_start3A_165] : memref<3x64x2x128xf32, #tpu.memory_space<vmem>> -> memref<1x64x2x128xf32, #tpu.memory_space<vmem>>
    %dma_start3A_167 = tpu.memref_squeeze %dma_start3A_166 : memref<1x64x2x128xf32, #tpu.memory_space<vmem>> -> memref<64x2x128xf32, #tpu.memory_space<vmem>>
    tpu.enqueue_dma source(%dma_start3A_167 : memref<64x2x128xf32, #tpu.memory_space<vmem>>) target(%dma_start3A_162 : memref<64x2x128xf32, #tpu.memory_space<hbm>>) target_semaphore(%arg22 : memref<!tpu.dma_semaphore, #tpu.memory_space<semaphore_mem>>)
    %dma_wait3A_168 = arith.constant 1 : i32
    %dma_wait3A_169 = arith.constant 0 : i32
    %dma_wait3A_170 = arith.constant 0 : i32
    %dma_wait3A_171 = arith.constant 0 : i32
    %dma_wait3A_172 = tpu.memref_slice %arg15[%dma_wait3A_168, %dma_wait3A_169, %dma_wait3A_170, %dma_wait3A_171] : memref<3x64x2x128xf32, #tpu.memory_space<vmem>> -> memref<1x64x2x128xf32, #tpu.memory_space<vmem>>
    %dma_wait3A_173 = tpu.memref_squeeze %dma_wait3A_172 : memref<1x64x2x128xf32, #tpu.memory_space<vmem>> -> memref<64x2x128xf32, #tpu.memory_space<vmem>>
    %dma_wait3A_174 = arith.constant 0 : i32
    %dma_wait3A_175 = arith.constant 0 : i32
    %dma_wait3A_176 = tpu.memref_slice %arg8[%multiple_of3A_89, %dma_wait3A_174, %dma_wait3A_175] : memref<16384x2x128xf32, #tpu.memory_space<hbm>> -> memref<64x2x128xf32, #tpu.memory_space<hbm>>
    %dma_wait3A_177 = arith.constant 0 : i32
    %dma_wait3A_178 = arith.constant 0 : i32
    %dma_wait3A_179 = tpu.memref_slice %arg8[%multiple_of3A_89, %dma_wait3A_177, %dma_wait3A_178] : memref<16384x2x128xf32, #tpu.memory_space<hbm>> -> memref<64x2x128xf32, #tpu.memory_space<hbm>>
    %dma_wait3A_180 = arith.constant 0 : i32
    %dma_wait3A_181 = arith.constant 0 : i32
    %dma_wait3A_182 = arith.constant 0 : i32
    %dma_wait3A_183 = tpu.memref_slice %arg15[%dma_wait3A_168, %dma_wait3A_180, %dma_wait3A_181, %dma_wait3A_182] : memref<3x64x2x128xf32, #tpu.memory_space<vmem>> -> memref<1x64x2x128xf32, #tpu.memory_space<vmem>>
    %dma_wait3A_184 = tpu.memref_squeeze %dma_wait3A_183 : memref<1x64x2x128xf32, #tpu.memory_space<vmem>> -> memref<64x2x128xf32, #tpu.memory_space<vmem>>
    tpu.wait_dma2 semaphore(%arg21 : memref<!tpu.dma_semaphore, #tpu.memory_space<semaphore_mem>>) src(%dma_wait3A_184 : memref<64x2x128xf32, #tpu.memory_space<vmem>>) dst(%dma_wait3A_179 : memref<64x2x128xf32, #tpu.memory_space<hbm>>)
    %dma_start3A_185 = arith.constant 1 : i32
    %dma_start3A_186 = arith.constant 0 : i32
    %dma_start3A_187 = arith.constant 0 : i32
    %dma_start3A_188 = arith.constant 0 : i32
    %dma_start3A_189 = tpu.memref_slice %arg15[%dma_start3A_185, %dma_start3A_186, %dma_start3A_187, %dma_start3A_188] : memref<3x64x2x128xf32, #tpu.memory_space<vmem>> -> memref<1x64x2x128xf32, #tpu.memory_space<vmem>>
    %dma_start3A_190 = tpu.memref_squeeze %dma_start3A_189 : memref<1x64x2x128xf32, #tpu.memory_space<vmem>> -> memref<64x2x128xf32, #tpu.memory_space<vmem>>
    %dma_start3A_191 = arith.constant 256 : i32
    %dma_start3A_192 = tpu.memref_slice %arg11[%dma_start3A_191] : memref<512xi32, #tpu.memory_space<vmem>> -> memref<64xi32, #tpu.memory_space<vmem>>
    %dma_start3A_193 = arith.constant 0 : i32
    %dma_start3A_194 = arith.constant 0 : i32
    %dma_start3A_195 = arith.constant 0 : i32
    %dma_start3A_196 = tpu.memref_slice %arg2[%dma_start3A_193, %dma_start3A_194, %dma_start3A_195] : memref<100000x2x128xf32, #tpu.memory_space<hbm>> -> memref<100000x2x128xf32, #tpu.memory_space<hbm>>
    tpu.enqueue_indirect_dma source(%dma_start3A_196 : memref<100000x2x128xf32, #tpu.memory_space<hbm>>) target(%dma_start3A_190 : memref<64x2x128xf32, #tpu.memory_space<vmem>>) offsets(%dma_start3A_192 : memref<64xi32, #tpu.memory_space<vmem>>) semaphore(%arg18 : memref<!tpu.dma_semaphore, #tpu.memory_space<semaphore_mem>>)
    %dma_wait3A_197 = arith.constant 0 : i32
    %dma_wait3A_198 = arith.constant 0 : i32
    %dma_wait3A_199 = arith.constant 0 : i32
    %dma_wait3A_200 = arith.constant 0 : i32
    %dma_wait3A_201 = tpu.memref_slice %arg15[%dma_wait3A_197, %dma_wait3A_198, %dma_wait3A_199, %dma_wait3A_200] : memref<3x64x2x128xf32, #tpu.memory_space<vmem>> -> memref<1x64x2x128xf32, #tpu.memory_space<vmem>>
    %dma_wait3A_202 = tpu.memref_squeeze %dma_wait3A_201 : memref<1x64x2x128xf32, #tpu.memory_space<vmem>> -> memref<64x2x128xf32, #tpu.memory_space<vmem>>
    %dma_wait3A_203 = arith.constant 192 : i32
    %dma_wait3A_204 = tpu.memref_slice %arg11[%dma_wait3A_203] : memref<512xi32, #tpu.memory_space<vmem>> -> memref<64xi32, #tpu.memory_space<vmem>>
    %dma_wait3A_205 = arith.constant 0 : i32
    %dma_wait3A_206 = arith.constant 0 : i32
    %dma_wait3A_207 = arith.constant 0 : i32
    %dma_wait3A_208 = tpu.memref_slice %arg2[%dma_wait3A_205, %dma_wait3A_206, %dma_wait3A_207] : memref<100000x2x128xf32, #tpu.memory_space<hbm>> -> memref<100000x2x128xf32, #tpu.memory_space<hbm>>
    tpu.wait_indirect_dma semaphore(%arg17 : memref<!tpu.dma_semaphore, #tpu.memory_space<semaphore_mem>>) src(%dma_wait3A_208 : memref<100000x2x128xf32, #tpu.memory_space<hbm>>) dst(%dma_wait3A_202 : memref<64x2x128xf32, #tpu.memory_space<vmem>>)
    %add3A_209 = arith.constant 192 : i32
    %add3A_210 = arith.addi %multiple_of3A, %add3A_209 : i32
    %multiple_of3A_211 = tpu.assume_multiple %add3A_210, 64 : i32
    %dma_start3A_212 = arith.constant 0 : i32
    %dma_start3A_213 = arith.constant 0 : i32
    %dma_start3A_214 = arith.constant 0 : i32
    %dma_start3A_215 = arith.constant 0 : i32
    %dma_start3A_216 = tpu.memref_slice %arg15[%dma_start3A_212, %dma_start3A_213, %dma_start3A_214, %dma_start3A_215] : memref<3x64x2x128xf32, #tpu.memory_space<vmem>> -> memref<1x64x2x128xf32, #tpu.memory_space<vmem>>
    %dma_start3A_217 = tpu.memref_squeeze %dma_start3A_216 : memref<1x64x2x128xf32, #tpu.memory_space<vmem>> -> memref<64x2x128xf32, #tpu.memory_space<vmem>>
    %dma_start3A_218 = arith.constant 0 : i32
    %dma_start3A_219 = arith.constant 0 : i32
    %dma_start3A_220 = tpu.memref_slice %arg8[%multiple_of3A_211, %dma_start3A_218, %dma_start3A_219] : memref<16384x2x128xf32, #tpu.memory_space<hbm>> -> memref<64x2x128xf32, #tpu.memory_space<hbm>>
    %dma_start3A_221 = arith.constant 0 : i32
    %dma_start3A_222 = arith.constant 0 : i32
    %dma_start3A_223 = tpu.memref_slice %arg8[%multiple_of3A_211, %dma_start3A_221, %dma_start3A_222] : memref<16384x2x128xf32, #tpu.memory_space<hbm>> -> memref<64x2x128xf32, #tpu.memory_space<hbm>>
    %dma_start3A_224 = arith.constant 0 : i32
    %dma_start3A_225 = arith.constant 0 : i32
    %dma_start3A_226 = arith.constant 0 : i32
    %dma_start3A_227 = tpu.memref_slice %arg15[%dma_start3A_212, %dma_start3A_224, %dma_start3A_225, %dma_start3A_226] : memref<3x64x2x128xf32, #tpu.memory_space<vmem>> -> memref<1x64x2x128xf32, #tpu.memory_space<vmem>>
    %dma_start3A_228 = tpu.memref_squeeze %dma_start3A_227 : memref<1x64x2x128xf32, #tpu.memory_space<vmem>> -> memref<64x2x128xf32, #tpu.memory_space<vmem>>
    tpu.enqueue_dma source(%dma_start3A_228 : memref<64x2x128xf32, #tpu.memory_space<vmem>>) target(%dma_start3A_223 : memref<64x2x128xf32, #tpu.memory_space<hbm>>) target_semaphore(%arg20 : memref<!tpu.dma_semaphore, #tpu.memory_space<semaphore_mem>>)
    %dma_wait3A_229 = arith.constant 2 : i32
    %dma_wait3A_230 = arith.constant 0 : i32
    %dma_wait3A_231 = arith.constant 0 : i32
    %dma_wait3A_232 = arith.constant 0 : i32
    %dma_wait3A_233 = tpu.memref_slice %arg15[%dma_wait3A_229, %dma_wait3A_230, %dma_wait3A_231, %dma_wait3A_232] : memref<3x64x2x128xf32, #tpu.memory_space<vmem>> -> memref<1x64x2x128xf32, #tpu.memory_space<vmem>>
    %dma_wait3A_234 = tpu.memref_squeeze %dma_wait3A_233 : memref<1x64x2x128xf32, #tpu.memory_space<vmem>> -> memref<64x2x128xf32, #tpu.memory_space<vmem>>
    %dma_wait3A_235 = arith.constant 0 : i32
    %dma_wait3A_236 = arith.constant 0 : i32
    %dma_wait3A_237 = tpu.memref_slice %arg8[%multiple_of3A_150, %dma_wait3A_235, %dma_wait3A_236] : memref<16384x2x128xf32, #tpu.memory_space<hbm>> -> memref<64x2x128xf32, #tpu.memory_space<hbm>>
    %dma_wait3A_238 = arith.constant 0 : i32
    %dma_wait3A_239 = arith.constant 0 : i32
    %dma_wait3A_240 = tpu.memref_slice %arg8[%multiple_of3A_150, %dma_wait3A_238, %dma_wait3A_239] : memref<16384x2x128xf32, #tpu.memory_space<hbm>> -> memref<64x2x128xf32, #tpu.memory_space<hbm>>
    %dma_wait3A_241 = arith.constant 0 : i32
    %dma_wait3A_242 = arith.constant 0 : i32
    %dma_wait3A_243 = arith.constant 0 : i32
    %dma_wait3A_244 = tpu.memref_slice %arg15[%dma_wait3A_229, %dma_wait3A_241, %dma_wait3A_242, %dma_wait3A_243] : memref<3x64x2x128xf32, #tpu.memory_space<vmem>> -> memref<1x64x2x128xf32, #tpu.memory_space<vmem>>
    %dma_wait3A_245 = tpu.memref_squeeze %dma_wait3A_244 : memref<1x64x2x128xf32, #tpu.memory_space<vmem>> -> memref<64x2x128xf32, #tpu.memory_space<vmem>>
    tpu.wait_dma2 semaphore(%arg22 : memref<!tpu.dma_semaphore, #tpu.memory_space<semaphore_mem>>) src(%dma_wait3A_245 : memref<64x2x128xf32, #tpu.memory_space<vmem>>) dst(%dma_wait3A_240 : memref<64x2x128xf32, #tpu.memory_space<hbm>>)
    %dma_start3A_246 = arith.constant 2 : i32
    %dma_start3A_247 = arith.constant 0 : i32
    %dma_start3A_248 = arith.constant 0 : i32
    %dma_start3A_249 = arith.constant 0 : i32
    %dma_start3A_250 = tpu.memref_slice %arg15[%dma_start3A_246, %dma_start3A_247, %dma_start3A_248, %dma_start3A_249] : memref<3x64x2x128xf32, #tpu.memory_space<vmem>> -> memref<1x64x2x128xf32, #tpu.memory_space<vmem>>
    %dma_start3A_251 = tpu.memref_squeeze %dma_start3A_250 : memref<1x64x2x128xf32, #tpu.memory_space<vmem>> -> memref<64x2x128xf32, #tpu.memory_space<vmem>>
    %dma_start3A_252 = arith.constant 320 : i32
    %dma_start3A_253 = tpu.memref_slice %arg11[%dma_start3A_252] : memref<512xi32, #tpu.memory_space<vmem>> -> memref<64xi32, #tpu.memory_space<vmem>>
    %dma_start3A_254 = arith.constant 0 : i32
    %dma_start3A_255 = arith.constant 0 : i32
    %dma_start3A_256 = arith.constant 0 : i32
    %dma_start3A_257 = tpu.memref_slice %arg2[%dma_start3A_254, %dma_start3A_255, %dma_start3A_256] : memref<100000x2x128xf32, #tpu.memory_space<hbm>> -> memref<100000x2x128xf32, #tpu.memory_space<hbm>>
    tpu.enqueue_indirect_dma source(%dma_start3A_257 : memref<100000x2x128xf32, #tpu.memory_space<hbm>>) target(%dma_start3A_251 : memref<64x2x128xf32, #tpu.memory_space<vmem>>) offsets(%dma_start3A_253 : memref<64xi32, #tpu.memory_space<vmem>>) semaphore(%arg19 : memref<!tpu.dma_semaphore, #tpu.memory_space<semaphore_mem>>)
    %dma_wait3A_258 = arith.constant 1 : i32
    %dma_wait3A_259 = arith.constant 0 : i32
    %dma_wait3A_260 = arith.constant 0 : i32
    %dma_wait3A_261 = arith.constant 0 : i32
    %dma_wait3A_262 = tpu.memref_slice %arg15[%dma_wait3A_258, %dma_wait3A_259, %dma_wait3A_260, %dma_wait3A_261] : memref<3x64x2x128xf32, #tpu.memory_space<vmem>> -> memref<1x64x2x128xf32, #tpu.memory_space<vmem>>
    %dma_wait3A_263 = tpu.memref_squeeze %dma_wait3A_262 : memref<1x64x2x128xf32, #tpu.memory_space<vmem>> -> memref<64x2x128xf32, #tpu.memory_space<vmem>>
    %dma_wait3A_264 = arith.constant 256 : i32
    %dma_wait3A_265 = tpu.memref_slice %arg11[%dma_wait3A_264] : memref<512xi32, #tpu.memory_space<vmem>> -> memref<64xi32, #tpu.memory_space<vmem>>
    %dma_wait3A_266 = arith.constant 0 : i32
    %dma_wait3A_267 = arith.constant 0 : i32
    %dma_wait3A_268 = arith.constant 0 : i32
    %dma_wait3A_269 = tpu.memref_slice %arg2[%dma_wait3A_266, %dma_wait3A_267, %dma_wait3A_268] : memref<100000x2x128xf32, #tpu.memory_space<hbm>> -> memref<100000x2x128xf32, #tpu.memory_space<hbm>>
    tpu.wait_indirect_dma semaphore(%arg18 : memref<!tpu.dma_semaphore, #tpu.memory_space<semaphore_mem>>) src(%dma_wait3A_269 : memref<100000x2x128xf32, #tpu.memory_space<hbm>>) dst(%dma_wait3A_263 : memref<64x2x128xf32, #tpu.memory_space<vmem>>)
    %add3A_270 = arith.constant 256 : i32
    %add3A_271 = arith.addi %multiple_of3A, %add3A_270 : i32
    %multiple_of3A_272 = tpu.assume_multiple %add3A_271, 64 : i32
    %dma_start3A_273 = arith.constant 1 : i32
    %dma_start3A_274 = arith.constant 0 : i32
    %dma_start3A_275 = arith.constant 0 : i32
    %dma_start3A_276 = arith.constant 0 : i32
    %dma_start3A_277 = tpu.memref_slice %arg15[%dma_start3A_273, %dma_start3A_274, %dma_start3A_275, %dma_start3A_276] : memref<3x64x2x128xf32, #tpu.memory_space<vmem>> -> memref<1x64x2x128xf32, #tpu.memory_space<vmem>>
    %dma_start3A_278 = tpu.memref_squeeze %dma_start3A_277 : memref<1x64x2x128xf32, #tpu.memory_space<vmem>> -> memref<64x2x128xf32, #tpu.memory_space<vmem>>
    %dma_start3A_279 = arith.constant 0 : i32
    %dma_start3A_280 = arith.constant 0 : i32
    %dma_start3A_281 = tpu.memref_slice %arg8[%multiple_of3A_272, %dma_start3A_279, %dma_start3A_280] : memref<16384x2x128xf32, #tpu.memory_space<hbm>> -> memref<64x2x128xf32, #tpu.memory_space<hbm>>
    %dma_start3A_282 = arith.constant 0 : i32
    %dma_start3A_283 = arith.constant 0 : i32
    %dma_start3A_284 = tpu.memref_slice %arg8[%multiple_of3A_272, %dma_start3A_282, %dma_start3A_283] : memref<16384x2x128xf32, #tpu.memory_space<hbm>> -> memref<64x2x128xf32, #tpu.memory_space<hbm>>
    %dma_start3A_285 = arith.constant 0 : i32
    %dma_start3A_286 = arith.constant 0 : i32
    %dma_start3A_287 = arith.constant 0 : i32
    %dma_start3A_288 = tpu.memref_slice %arg15[%dma_start3A_273, %dma_start3A_285, %dma_start3A_286, %dma_start3A_287] : memref<3x64x2x128xf32, #tpu.memory_space<vmem>> -> memref<1x64x2x128xf32, #tpu.memory_space<vmem>>
    %dma_start3A_289 = tpu.memref_squeeze %dma_start3A_288 : memref<1x64x2x128xf32, #tpu.memory_space<vmem>> -> memref<64x2x128xf32, #tpu.memory_space<vmem>>
    tpu.enqueue_dma source(%dma_start3A_289 : memref<64x2x128xf32, #tpu.memory_space<vmem>>) target(%dma_start3A_284 : memref<64x2x128xf32, #tpu.memory_space<hbm>>) target_semaphore(%arg21 : memref<!tpu.dma_semaphore, #tpu.memory_space<semaphore_mem>>)
    %dma_wait3A_290 = arith.constant 0 : i32
    %dma_wait3A_291 = arith.constant 0 : i32
    %dma_wait3A_292 = arith.constant 0 : i32
    %dma_wait3A_293 = arith.constant 0 : i32
    %dma_wait3A_294 = tpu.memref_slice %arg15[%dma_wait3A_290, %dma_wait3A_291, %dma_wait3A_292, %dma_wait3A_293] : memref<3x64x2x128xf32, #tpu.memory_space<vmem>> -> memref<1x64x2x128xf32, #tpu.memory_space<vmem>>
    %dma_wait3A_295 = tpu.memref_squeeze %dma_wait3A_294 : memref<1x64x2x128xf32, #tpu.memory_space<vmem>> -> memref<64x2x128xf32, #tpu.memory_space<vmem>>
    %dma_wait3A_296 = arith.constant 0 : i32
    %dma_wait3A_297 = arith.constant 0 : i32
    %dma_wait3A_298 = tpu.memref_slice %arg8[%multiple_of3A_211, %dma_wait3A_296, %dma_wait3A_297] : memref<16384x2x128xf32, #tpu.memory_space<hbm>> -> memref<64x2x128xf32, #tpu.memory_space<hbm>>
    %dma_wait3A_299 = arith.constant 0 : i32
    %dma_wait3A_300 = arith.constant 0 : i32
    %dma_wait3A_301 = tpu.memref_slice %arg8[%multiple_of3A_211, %dma_wait3A_299, %dma_wait3A_300] : memref<16384x2x128xf32, #tpu.memory_space<hbm>> -> memref<64x2x128xf32, #tpu.memory_space<hbm>>
    %dma_wait3A_302 = arith.constant 0 : i32
    %dma_wait3A_303 = arith.constant 0 : i32
    %dma_wait3A_304 = arith.constant 0 : i32
    %dma_wait3A_305 = tpu.memref_slice %arg15[%dma_wait3A_290, %dma_wait3A_302, %dma_wait3A_303, %dma_wait3A_304] : memref<3x64x2x128xf32, #tpu.memory_space<vmem>> -> memref<1x64x2x128xf32, #tpu.memory_space<vmem>>
    %dma_wait3A_306 = tpu.memref_squeeze %dma_wait3A_305 : memref<1x64x2x128xf32, #tpu.memory_space<vmem>> -> memref<64x2x128xf32, #tpu.memory_space<vmem>>
    tpu.wait_dma2 semaphore(%arg20 : memref<!tpu.dma_semaphore, #tpu.memory_space<semaphore_mem>>) src(%dma_wait3A_306 : memref<64x2x128xf32, #tpu.memory_space<vmem>>) dst(%dma_wait3A_301 : memref<64x2x128xf32, #tpu.memory_space<hbm>>)
    %dma_start3A_307 = arith.constant 0 : i32
    %dma_start3A_308 = arith.constant 0 : i32
    %dma_start3A_309 = arith.constant 0 : i32
    %dma_start3A_310 = arith.constant 0 : i32
    %dma_start3A_311 = tpu.memref_slice %arg15[%dma_start3A_307, %dma_start3A_308, %dma_start3A_309, %dma_start3A_310] : memref<3x64x2x128xf32, #tpu.memory_space<vmem>> -> memref<1x64x2x128xf32, #tpu.memory_space<vmem>>
    %dma_start3A_312 = tpu.memref_squeeze %dma_start3A_311 : memref<1x64x2x128xf32, #tpu.memory_space<vmem>> -> memref<64x2x128xf32, #tpu.memory_space<vmem>>
    %dma_start3A_313 = arith.constant 384 : i32
    %dma_start3A_314 = tpu.memref_slice %arg11[%dma_start3A_313] : memref<512xi32, #tpu.memory_space<vmem>> -> memref<64xi32, #tpu.memory_space<vmem>>
    %dma_start3A_315 = arith.constant 0 : i32
    %dma_start3A_316 = arith.constant 0 : i32
    %dma_start3A_317 = arith.constant 0 : i32
    %dma_start3A_318 = tpu.memref_slice %arg2[%dma_start3A_315, %dma_start3A_316, %dma_start3A_317] : memref<100000x2x128xf32, #tpu.memory_space<hbm>> -> memref<100000x2x128xf32, #tpu.memory_space<hbm>>
    tpu.enqueue_indirect_dma source(%dma_start3A_318 : memref<100000x2x128xf32, #tpu.memory_space<hbm>>) target(%dma_start3A_312 : memref<64x2x128xf32, #tpu.memory_space<vmem>>) offsets(%dma_start3A_314 : memref<64xi32, #tpu.memory_space<vmem>>) semaphore(%arg17 : memref<!tpu.dma_semaphore, #tpu.memory_space<semaphore_mem>>)
    %dma_wait3A_319 = arith.constant 2 : i32
    %dma_wait3A_320 = arith.constant 0 : i32
    %dma_wait3A_321 = arith.constant 0 : i32
    %dma_wait3A_322 = arith.constant 0 : i32
    %dma_wait3A_323 = tpu.memref_slice %arg15[%dma_wait3A_319, %dma_wait3A_320, %dma_wait3A_321, %dma_wait3A_322] : memref<3x64x2x128xf32, #tpu.memory_space<vmem>> -> memref<1x64x2x128xf32, #tpu.memory_space<vmem>>
    %dma_wait3A_324 = tpu.memref_squeeze %dma_wait3A_323 : memref<1x64x2x128xf32, #tpu.memory_space<vmem>> -> memref<64x2x128xf32, #tpu.memory_space<vmem>>
    %dma_wait3A_325 = arith.constant 320 : i32
    %dma_wait3A_326 = tpu.memref_slice %arg11[%dma_wait3A_325] : memref<512xi32, #tpu.memory_space<vmem>> -> memref<64xi32, #tpu.memory_space<vmem>>
    %dma_wait3A_327 = arith.constant 0 : i32
    %dma_wait3A_328 = arith.constant 0 : i32
    %dma_wait3A_329 = arith.constant 0 : i32
    %dma_wait3A_330 = tpu.memref_slice %arg2[%dma_wait3A_327, %dma_wait3A_328, %dma_wait3A_329] : memref<100000x2x128xf32, #tpu.memory_space<hbm>> -> memref<100000x2x128xf32, #tpu.memory_space<hbm>>
    tpu.wait_indirect_dma semaphore(%arg19 : memref<!tpu.dma_semaphore, #tpu.memory_space<semaphore_mem>>) src(%dma_wait3A_330 : memref<100000x2x128xf32, #tpu.memory_space<hbm>>) dst(%dma_wait3A_324 : memref<64x2x128xf32, #tpu.memory_space<vmem>>)
    %add3A_331 = arith.constant 320 : i32
    %add3A_332 = arith.addi %multiple_of3A, %add3A_331 : i32
    %multiple_of3A_333 = tpu.assume_multiple %add3A_332, 64 : i32
    %dma_start3A_334 = arith.constant 2 : i32
    %dma_start3A_335 = arith.constant 0 : i32
    %dma_start3A_336 = arith.constant 0 : i32
    %dma_start3A_337 = arith.constant 0 : i32
    %dma_start3A_338 = tpu.memref_slice %arg15[%dma_start3A_334, %dma_start3A_335, %dma_start3A_336, %dma_start3A_337] : memref<3x64x2x128xf32, #tpu.memory_space<vmem>> -> memref<1x64x2x128xf32, #tpu.memory_space<vmem>>
    %dma_start3A_339 = tpu.memref_squeeze %dma_start3A_338 : memref<1x64x2x128xf32, #tpu.memory_space<vmem>> -> memref<64x2x128xf32, #tpu.memory_space<vmem>>
    %dma_start3A_340 = arith.constant 0 : i32
    %dma_start3A_341 = arith.constant 0 : i32
    %dma_start3A_342 = tpu.memref_slice %arg8[%multiple_of3A_333, %dma_start3A_340, %dma_start3A_341] : memref<16384x2x128xf32, #tpu.memory_space<hbm>> -> memref<64x2x128xf32, #tpu.memory_space<hbm>>
    %dma_start3A_343 = arith.constant 0 : i32
    %dma_start3A_344 = arith.constant 0 : i32
    %dma_start3A_345 = tpu.memref_slice %arg8[%multiple_of3A_333, %dma_start3A_343, %dma_start3A_344] : memref<16384x2x128xf32, #tpu.memory_space<hbm>> -> memref<64x2x128xf32, #tpu.memory_space<hbm>>
    %dma_start3A_346 = arith.constant 0 : i32
    %dma_start3A_347 = arith.constant 0 : i32
    %dma_start3A_348 = arith.constant 0 : i32
    %dma_start3A_349 = tpu.memref_slice %arg15[%dma_start3A_334, %dma_start3A_346, %dma_start3A_347, %dma_start3A_348] : memref<3x64x2x128xf32, #tpu.memory_space<vmem>> -> memref<1x64x2x128xf32, #tpu.memory_space<vmem>>
    %dma_start3A_350 = tpu.memref_squeeze %dma_start3A_349 : memref<1x64x2x128xf32, #tpu.memory_space<vmem>> -> memref<64x2x128xf32, #tpu.memory_space<vmem>>
    tpu.enqueue_dma source(%dma_start3A_350 : memref<64x2x128xf32, #tpu.memory_space<vmem>>) target(%dma_start3A_345 : memref<64x2x128xf32, #tpu.memory_space<hbm>>) target_semaphore(%arg22 : memref<!tpu.dma_semaphore, #tpu.memory_space<semaphore_mem>>)
    %dma_wait3A_351 = arith.constant 1 : i32
    %dma_wait3A_352 = arith.constant 0 : i32
    %dma_wait3A_353 = arith.constant 0 : i32
    %dma_wait3A_354 = arith.constant 0 : i32
    %dma_wait3A_355 = tpu.memref_slice %arg15[%dma_wait3A_351, %dma_wait3A_352, %dma_wait3A_353, %dma_wait3A_354] : memref<3x64x2x128xf32, #tpu.memory_space<vmem>> -> memref<1x64x2x128xf32, #tpu.memory_space<vmem>>
    %dma_wait3A_356 = tpu.memref_squeeze %dma_wait3A_355 : memref<1x64x2x128xf32, #tpu.memory_space<vmem>> -> memref<64x2x128xf32, #tpu.memory_space<vmem>>
    %dma_wait3A_357 = arith.constant 0 : i32
    %dma_wait3A_358 = arith.constant 0 : i32
    %dma_wait3A_359 = tpu.memref_slice %arg8[%multiple_of3A_272, %dma_wait3A_357, %dma_wait3A_358] : memref<16384x2x128xf32, #tpu.memory_space<hbm>> -> memref<64x2x128xf32, #tpu.memory_space<hbm>>
    %dma_wait3A_360 = arith.constant 0 : i32
    %dma_wait3A_361 = arith.constant 0 : i32
    %dma_wait3A_362 = tpu.memref_slice %arg8[%multiple_of3A_272, %dma_wait3A_360, %dma_wait3A_361] : memref<16384x2x128xf32, #tpu.memory_space<hbm>> -> memref<64x2x128xf32, #tpu.memory_space<hbm>>
    %dma_wait3A_363 = arith.constant 0 : i32
    %dma_wait3A_364 = arith.constant 0 : i32
    %dma_wait3A_365 = arith.constant 0 : i32
    %dma_wait3A_366 = tpu.memref_slice %arg15[%dma_wait3A_351, %dma_wait3A_363, %dma_wait3A_364, %dma_wait3A_365] : memref<3x64x2x128xf32, #tpu.memory_space<vmem>> -> memref<1x64x2x128xf32, #tpu.memory_space<vmem>>
    %dma_wait3A_367 = tpu.memref_squeeze %dma_wait3A_366 : memref<1x64x2x128xf32, #tpu.memory_space<vmem>> -> memref<64x2x128xf32, #tpu.memory_space<vmem>>
    tpu.wait_dma2 semaphore(%arg21 : memref<!tpu.dma_semaphore, #tpu.memory_space<semaphore_mem>>) src(%dma_wait3A_367 : memref<64x2x128xf32, #tpu.memory_space<vmem>>) dst(%dma_wait3A_362 : memref<64x2x128xf32, #tpu.memory_space<hbm>>)
    %dma_start3A_368 = arith.constant 1 : i32
    %dma_start3A_369 = arith.constant 0 : i32
    %dma_start3A_370 = arith.constant 0 : i32
    %dma_start3A_371 = arith.constant 0 : i32
    %dma_start3A_372 = tpu.memref_slice %arg15[%dma_start3A_368, %dma_start3A_369, %dma_start3A_370, %dma_start3A_371] : memref<3x64x2x128xf32, #tpu.memory_space<vmem>> -> memref<1x64x2x128xf32, #tpu.memory_space<vmem>>
    %dma_start3A_373 = tpu.memref_squeeze %dma_start3A_372 : memref<1x64x2x128xf32, #tpu.memory_space<vmem>> -> memref<64x2x128xf32, #tpu.memory_space<vmem>>
    %dma_start3A_374 = arith.constant 448 : i32
    %dma_start3A_375 = tpu.memref_slice %arg11[%dma_start3A_374] : memref<512xi32, #tpu.memory_space<vmem>> -> memref<64xi32, #tpu.memory_space<vmem>>
    %dma_start3A_376 = arith.constant 0 : i32
    %dma_start3A_377 = arith.constant 0 : i32
    %dma_start3A_378 = arith.constant 0 : i32
    %dma_start3A_379 = tpu.memref_slice %arg2[%dma_start3A_376, %dma_start3A_377, %dma_start3A_378] : memref<100000x2x128xf32, #tpu.memory_space<hbm>> -> memref<100000x2x128xf32, #tpu.memory_space<hbm>>
    tpu.enqueue_indirect_dma source(%dma_start3A_379 : memref<100000x2x128xf32, #tpu.memory_space<hbm>>) target(%dma_start3A_373 : memref<64x2x128xf32, #tpu.memory_space<vmem>>) offsets(%dma_start3A_375 : memref<64xi32, #tpu.memory_space<vmem>>) semaphore(%arg18 : memref<!tpu.dma_semaphore, #tpu.memory_space<semaphore_mem>>)
    %dma_wait3A_380 = arith.constant 0 : i32
    %dma_wait3A_381 = arith.constant 0 : i32
    %dma_wait3A_382 = arith.constant 0 : i32
    %dma_wait3A_383 = arith.constant 0 : i32
    %dma_wait3A_384 = tpu.memref_slice %arg15[%dma_wait3A_380, %dma_wait3A_381, %dma_wait3A_382, %dma_wait3A_383] : memref<3x64x2x128xf32, #tpu.memory_space<vmem>> -> memref<1x64x2x128xf32, #tpu.memory_space<vmem>>
    %dma_wait3A_385 = tpu.memref_squeeze %dma_wait3A_384 : memref<1x64x2x128xf32, #tpu.memory_space<vmem>> -> memref<64x2x128xf32, #tpu.memory_space<vmem>>
    %dma_wait3A_386 = arith.constant 384 : i32
    %dma_wait3A_387 = tpu.memref_slice %arg11[%dma_wait3A_386] : memref<512xi32, #tpu.memory_space<vmem>> -> memref<64xi32, #tpu.memory_space<vmem>>
    %dma_wait3A_388 = arith.constant 0 : i32
    %dma_wait3A_389 = arith.constant 0 : i32
    %dma_wait3A_390 = arith.constant 0 : i32
    %dma_wait3A_391 = tpu.memref_slice %arg2[%dma_wait3A_388, %dma_wait3A_389, %dma_wait3A_390] : memref<100000x2x128xf32, #tpu.memory_space<hbm>> -> memref<100000x2x128xf32, #tpu.memory_space<hbm>>
    tpu.wait_indirect_dma semaphore(%arg17 : memref<!tpu.dma_semaphore, #tpu.memory_space<semaphore_mem>>) src(%dma_wait3A_391 : memref<100000x2x128xf32, #tpu.memory_space<hbm>>) dst(%dma_wait3A_385 : memref<64x2x128xf32, #tpu.memory_space<vmem>>)
    %add3A_392 = arith.constant 384 : i32
    %add3A_393 = arith.addi %multiple_of3A, %add3A_392 : i32
    %multiple_of3A_394 = tpu.assume_multiple %add3A_393, 64 : i32
    %dma_start3A_395 = arith.constant 0 : i32
    %dma_start3A_396 = arith.constant 0 : i32
    %dma_start3A_397 = arith.constant 0 : i32
    %dma_start3A_398 = arith.constant 0 : i32
    %dma_start3A_399 = tpu.memref_slice %arg15[%dma_start3A_395, %dma_start3A_396, %dma_start3A_397, %dma_start3A_398] : memref<3x64x2x128xf32, #tpu.memory_space<vmem>> -> memref<1x64x2x128xf32, #tpu.memory_space<vmem>>
    %dma_start3A_400 = tpu.memref_squeeze %dma_start3A_399 : memref<1x64x2x128xf32, #tpu.memory_space<vmem>> -> memref<64x2x128xf32, #tpu.memory_space<vmem>>
    %dma_start3A_401 = arith.constant 0 : i32
    %dma_start3A_402 = arith.constant 0 : i32
    %dma_start3A_403 = tpu.memref_slice %arg8[%multiple_of3A_394, %dma_start3A_401, %dma_start3A_402] : memref<16384x2x128xf32, #tpu.memory_space<hbm>> -> memref<64x2x128xf32, #tpu.memory_space<hbm>>
    %dma_start3A_404 = arith.constant 0 : i32
    %dma_start3A_405 = arith.constant 0 : i32
    %dma_start3A_406 = tpu.memref_slice %arg8[%multiple_of3A_394, %dma_start3A_404, %dma_start3A_405] : memref<16384x2x128xf32, #tpu.memory_space<hbm>> -> memref<64x2x128xf32, #tpu.memory_space<hbm>>
    %dma_start3A_407 = arith.constant 0 : i32
    %dma_start3A_408 = arith.constant 0 : i32
    %dma_start3A_409 = arith.constant 0 : i32
    %dma_start3A_410 = tpu.memref_slice %arg15[%dma_start3A_395, %dma_start3A_407, %dma_start3A_408, %dma_start3A_409] : memref<3x64x2x128xf32, #tpu.memory_space<vmem>> -> memref<1x64x2x128xf32, #tpu.memory_space<vmem>>
    %dma_start3A_411 = tpu.memref_squeeze %dma_start3A_410 : memref<1x64x2x128xf32, #tpu.memory_space<vmem>> -> memref<64x2x128xf32, #tpu.memory_space<vmem>>
    tpu.enqueue_dma source(%dma_start3A_411 : memref<64x2x128xf32, #tpu.memory_space<vmem>>) target(%dma_start3A_406 : memref<64x2x128xf32, #tpu.memory_space<hbm>>) target_semaphore(%arg20 : memref<!tpu.dma_semaphore, #tpu.memory_space<semaphore_mem>>)
    %dma_wait3A_412 = arith.constant 1 : i32
    %dma_wait3A_413 = arith.constant 0 : i32
    %dma_wait3A_414 = arith.constant 0 : i32
    %dma_wait3A_415 = arith.constant 0 : i32
    %dma_wait3A_416 = tpu.memref_slice %arg15[%dma_wait3A_412, %dma_wait3A_413, %dma_wait3A_414, %dma_wait3A_415] : memref<3x64x2x128xf32, #tpu.memory_space<vmem>> -> memref<1x64x2x128xf32, #tpu.memory_space<vmem>>
    %dma_wait3A_417 = tpu.memref_squeeze %dma_wait3A_416 : memref<1x64x2x128xf32, #tpu.memory_space<vmem>> -> memref<64x2x128xf32, #tpu.memory_space<vmem>>
    %dma_wait3A_418 = arith.constant 448 : i32
    %dma_wait3A_419 = tpu.memref_slice %arg11[%dma_wait3A_418] : memref<512xi32, #tpu.memory_space<vmem>> -> memref<64xi32, #tpu.memory_space<vmem>>
    %dma_wait3A_420 = arith.constant 0 : i32
    %dma_wait3A_421 = arith.constant 0 : i32
    %dma_wait3A_422 = arith.constant 0 : i32
    %dma_wait3A_423 = tpu.memref_slice %arg2[%dma_wait3A_420, %dma_wait3A_421, %dma_wait3A_422] : memref<100000x2x128xf32, #tpu.memory_space<hbm>> -> memref<100000x2x128xf32, #tpu.memory_space<hbm>>
    tpu.wait_indirect_dma semaphore(%arg18 : memref<!tpu.dma_semaphore, #tpu.memory_space<semaphore_mem>>) src(%dma_wait3A_423 : memref<100000x2x128xf32, #tpu.memory_space<hbm>>) dst(%dma_wait3A_417 : memref<64x2x128xf32, #tpu.memory_space<vmem>>)
    %add3A_424 = arith.constant 448 : i32
    %add3A_425 = arith.addi %multiple_of3A, %add3A_424 : i32
    %multiple_of3A_426 = tpu.assume_multiple %add3A_425, 64 : i32
    %dma_start3A_427 = arith.constant 1 : i32
    %dma_start3A_428 = arith.constant 0 : i32
    %dma_start3A_429 = arith.constant 0 : i32
    %dma_start3A_430 = arith.constant 0 : i32
    %dma_start3A_431 = tpu.memref_slice %arg15[%dma_start3A_427, %dma_start3A_428, %dma_start3A_429, %dma_start3A_430] : memref<3x64x2x128xf32, #tpu.memory_space<vmem>> -> memref<1x64x2x128xf32, #tpu.memory_space<vmem>>
    %dma_start3A_432 = tpu.memref_squeeze %dma_start3A_431 : memref<1x64x2x128xf32, #tpu.memory_space<vmem>> -> memref<64x2x128xf32, #tpu.memory_space<vmem>>
    %dma_start3A_433 = arith.constant 0 : i32
    %dma_start3A_434 = arith.constant 0 : i32
    %dma_start3A_435 = tpu.memref_slice %arg8[%multiple_of3A_426, %dma_start3A_433, %dma_start3A_434] : memref<16384x2x128xf32, #tpu.memory_space<hbm>> -> memref<64x2x128xf32, #tpu.memory_space<hbm>>
    %dma_start3A_436 = arith.constant 0 : i32
    %dma_start3A_437 = arith.constant 0 : i32
    %dma_start3A_438 = tpu.memref_slice %arg8[%multiple_of3A_426, %dma_start3A_436, %dma_start3A_437] : memref<16384x2x128xf32, #tpu.memory_space<hbm>> -> memref<64x2x128xf32, #tpu.memory_space<hbm>>
    %dma_start3A_439 = arith.constant 0 : i32
    %dma_start3A_440 = arith.constant 0 : i32
    %dma_start3A_441 = arith.constant 0 : i32
    %dma_start3A_442 = tpu.memref_slice %arg15[%dma_start3A_427, %dma_start3A_439, %dma_start3A_440, %dma_start3A_441] : memref<3x64x2x128xf32, #tpu.memory_space<vmem>> -> memref<1x64x2x128xf32, #tpu.memory_space<vmem>>
    %dma_start3A_443 = tpu.memref_squeeze %dma_start3A_442 : memref<1x64x2x128xf32, #tpu.memory_space<vmem>> -> memref<64x2x128xf32, #tpu.memory_space<vmem>>
    tpu.enqueue_dma source(%dma_start3A_443 : memref<64x2x128xf32, #tpu.memory_space<vmem>>) target(%dma_start3A_438 : memref<64x2x128xf32, #tpu.memory_space<hbm>>) target_semaphore(%arg21 : memref<!tpu.dma_semaphore, #tpu.memory_space<semaphore_mem>>)
    %dma_wait3A_444 = arith.constant 2 : i32
    %dma_wait3A_445 = arith.constant 0 : i32
    %dma_wait3A_446 = arith.constant 0 : i32
    %dma_wait3A_447 = arith.constant 0 : i32
    %dma_wait3A_448 = tpu.memref_slice %arg15[%dma_wait3A_444, %dma_wait3A_445, %dma_wait3A_446, %dma_wait3A_447] : memref<3x64x2x128xf32, #tpu.memory_space<vmem>> -> memref<1x64x2x128xf32, #tpu.memory_space<vmem>>
    %dma_wait3A_449 = tpu.memref_squeeze %dma_wait3A_448 : memref<1x64x2x128xf32, #tpu.memory_space<vmem>> -> memref<64x2x128xf32, #tpu.memory_space<vmem>>
    %dma_wait3A_450 = arith.constant 0 : i32
    %dma_wait3A_451 = arith.constant 0 : i32
    %dma_wait3A_452 = tpu.memref_slice %arg8[%multiple_of3A_333, %dma_wait3A_450, %dma_wait3A_451] : memref<16384x2x128xf32, #tpu.memory_space<hbm>> -> memref<64x2x128xf32, #tpu.memory_space<hbm>>
    %dma_wait3A_453 = arith.constant 0 : i32
    %dma_wait3A_454 = arith.constant 0 : i32
    %dma_wait3A_455 = tpu.memref_slice %arg8[%multiple_of3A_333, %dma_wait3A_453, %dma_wait3A_454] : memref<16384x2x128xf32, #tpu.memory_space<hbm>> -> memref<64x2x128xf32, #tpu.memory_space<hbm>>
    %dma_wait3A_456 = arith.constant 0 : i32
    %dma_wait3A_457 = arith.constant 0 : i32
    %dma_wait3A_458 = arith.constant 0 : i32
    %dma_wait3A_459 = tpu.memref_slice %arg15[%dma_wait3A_444, %dma_wait3A_456, %dma_wait3A_457, %dma_wait3A_458] : memref<3x64x2x128xf32, #tpu.memory_space<vmem>> -> memref<1x64x2x128xf32, #tpu.memory_space<vmem>>
    %dma_wait3A_460 = tpu.memref_squeeze %dma_wait3A_459 : memref<1x64x2x128xf32, #tpu.memory_space<vmem>> -> memref<64x2x128xf32, #tpu.memory_space<vmem>>
    tpu.wait_dma2 semaphore(%arg22 : memref<!tpu.dma_semaphore, #tpu.memory_space<semaphore_mem>>) src(%dma_wait3A_460 : memref<64x2x128xf32, #tpu.memory_space<vmem>>) dst(%dma_wait3A_455 : memref<64x2x128xf32, #tpu.memory_space<hbm>>)
    %dma_wait3A_461 = arith.constant 0 : i32
    %dma_wait3A_462 = arith.constant 0 : i32
    %dma_wait3A_463 = arith.constant 0 : i32
    %dma_wait3A_464 = arith.constant 0 : i32
    %dma_wait3A_465 = tpu.memref_slice %arg15[%dma_wait3A_461, %dma_wait3A_462, %dma_wait3A_463, %dma_wait3A_464] : memref<3x64x2x128xf32, #tpu.memory_space<vmem>> -> memref<1x64x2x128xf32, #tpu.memory_space<vmem>>
    %dma_wait3A_466 = tpu.memref_squeeze %dma_wait3A_465 : memref<1x64x2x128xf32, #tpu.memory_space<vmem>> -> memref<64x2x128xf32, #tpu.memory_space<vmem>>
    %dma_wait3A_467 = arith.constant 0 : i32
    %dma_wait3A_468 = arith.constant 0 : i32
    %dma_wait3A_469 = tpu.memref_slice %arg8[%multiple_of3A_394, %dma_wait3A_467, %dma_wait3A_468] : memref<16384x2x128xf32, #tpu.memory_space<hbm>> -> memref<64x2x128xf32, #tpu.memory_space<hbm>>
    %dma_wait3A_470 = arith.constant 0 : i32
    %dma_wait3A_471 = arith.constant 0 : i32
    %dma_wait3A_472 = tpu.memref_slice %arg8[%multiple_of3A_394, %dma_wait3A_470, %dma_wait3A_471] : memref<16384x2x128xf32, #tpu.memory_space<hbm>> -> memref<64x2x128xf32, #tpu.memory_space<hbm>>
    %dma_wait3A_473 = arith.constant 0 : i32
    %dma_wait3A_474 = arith.constant 0 : i32
    %dma_wait3A_475 = arith.constant 0 : i32
    %dma_wait3A_476 = tpu.memref_slice %arg15[%dma_wait3A_461, %dma_wait3A_473, %dma_wait3A_474, %dma_wait3A_475] : memref<3x64x2x128xf32, #tpu.memory_space<vmem>> -> memref<1x64x2x128xf32, #tpu.memory_space<vmem>>
    %dma_wait3A_477 = tpu.memref_squeeze %dma_wait3A_476 : memref<1x64x2x128xf32, #tpu.memory_space<vmem>> -> memref<64x2x128xf32, #tpu.memory_space<vmem>>
    tpu.wait_dma2 semaphore(%arg20 : memref<!tpu.dma_semaphore, #tpu.memory_space<semaphore_mem>>) src(%dma_wait3A_477 : memref<64x2x128xf32, #tpu.memory_space<vmem>>) dst(%dma_wait3A_472 : memref<64x2x128xf32, #tpu.memory_space<hbm>>)
    %dma_wait3A_478 = arith.constant 1 : i32
    %dma_wait3A_479 = arith.constant 0 : i32
    %dma_wait3A_480 = arith.constant 0 : i32
    %dma_wait3A_481 = arith.constant 0 : i32
    %dma_wait3A_482 = tpu.memref_slice %arg15[%dma_wait3A_478, %dma_wait3A_479, %dma_wait3A_480, %dma_wait3A_481] : memref<3x64x2x128xf32, #tpu.memory_space<vmem>> -> memref<1x64x2x128xf32, #tpu.memory_space<vmem>>
    %dma_wait3A_483 = tpu.memref_squeeze %dma_wait3A_482 : memref<1x64x2x128xf32, #tpu.memory_space<vmem>> -> memref<64x2x128xf32, #tpu.memory_space<vmem>>
    %dma_wait3A_484 = arith.constant 0 : i32
    %dma_wait3A_485 = arith.constant 0 : i32
    %dma_wait3A_486 = tpu.memref_slice %arg8[%multiple_of3A_426, %dma_wait3A_484, %dma_wait3A_485] : memref<16384x2x128xf32, #tpu.memory_space<hbm>> -> memref<64x2x128xf32, #tpu.memory_space<hbm>>
    %dma_wait3A_487 = arith.constant 0 : i32
    %dma_wait3A_488 = arith.constant 0 : i32
    %dma_wait3A_489 = tpu.memref_slice %arg8[%multiple_of3A_426, %dma_wait3A_487, %dma_wait3A_488] : memref<16384x2x128xf32, #tpu.memory_space<hbm>> -> memref<64x2x128xf32, #tpu.memory_space<hbm>>
    %dma_wait3A_490 = arith.constant 0 : i32
    %dma_wait3A_491 = arith.constant 0 : i32
    %dma_wait3A_492 = arith.constant 0 : i32
    %dma_wait3A_493 = tpu.memref_slice %arg15[%dma_wait3A_478, %dma_wait3A_490, %dma_wait3A_491, %dma_wait3A_492] : memref<3x64x2x128xf32, #tpu.memory_space<vmem>> -> memref<1x64x2x128xf32, #tpu.memory_space<vmem>>
    %dma_wait3A_494 = tpu.memref_squeeze %dma_wait3A_493 : memref<1x64x2x128xf32, #tpu.memory_space<vmem>> -> memref<64x2x128xf32, #tpu.memory_space<vmem>>
    tpu.wait_dma2 semaphore(%arg21 : memref<!tpu.dma_semaphore, #tpu.memory_space<semaphore_mem>>) src(%dma_wait3A_494 : memref<64x2x128xf32, #tpu.memory_space<vmem>>) dst(%dma_wait3A_489 : memref<64x2x128xf32, #tpu.memory_space<hbm>>)
    %dma_start3A_495 = arith.constant 0 : i32
    %dma_start3A_496 = arith.constant 0 : i32
    %dma_start3A_497 = arith.constant 0 : i32
    %dma_start3A_498 = tpu.memref_slice %arg16[%dma_start3A_495, %dma_start3A_496, %dma_start3A_497] : memref<3x64x128xf32, #tpu.memory_space<vmem>> -> memref<1x64x128xf32, #tpu.memory_space<vmem>>
    %dma_start3A_499 = tpu.memref_squeeze %dma_start3A_498 : memref<1x64x128xf32, #tpu.memory_space<vmem>> -> memref<64x128xf32, #tpu.memory_space<vmem>>
    %dma_start3A_500 = arith.constant 0 : i32
    %dma_start3A_501 = tpu.memref_slice %arg12[%dma_start3A_500] : memref<1536xi32, #tpu.memory_space<vmem>> -> memref<64xi32, #tpu.memory_space<vmem>>
    %dma_start3A_502 = arith.constant 0 : i32
    %dma_start3A_503 = arith.constant 0 : i32
    %dma_start3A_504 = tpu.memref_slice %arg3[%dma_start3A_502, %dma_start3A_503] : memref<100000x128xf32, #tpu.memory_space<hbm>> -> memref<100000x128xf32, #tpu.memory_space<hbm>>
    tpu.enqueue_indirect_dma source(%dma_start3A_504 : memref<100000x128xf32, #tpu.memory_space<hbm>>) target(%dma_start3A_499 : memref<64x128xf32, #tpu.memory_space<vmem>>) offsets(%dma_start3A_501 : memref<64xi32, #tpu.memory_space<vmem>>) semaphore(%arg17 : memref<!tpu.dma_semaphore, #tpu.memory_space<semaphore_mem>>)
    %dma_start3A_505 = arith.constant 1 : i32
    %dma_start3A_506 = arith.constant 0 : i32
    %dma_start3A_507 = arith.constant 0 : i32
    %dma_start3A_508 = tpu.memref_slice %arg16[%dma_start3A_505, %dma_start3A_506, %dma_start3A_507] : memref<3x64x128xf32, #tpu.memory_space<vmem>> -> memref<1x64x128xf32, #tpu.memory_space<vmem>>
    %dma_start3A_509 = tpu.memref_squeeze %dma_start3A_508 : memref<1x64x128xf32, #tpu.memory_space<vmem>> -> memref<64x128xf32, #tpu.memory_space<vmem>>
    %dma_start3A_510 = arith.constant 64 : i32
    %dma_start3A_511 = tpu.memref_slice %arg12[%dma_start3A_510] : memref<1536xi32, #tpu.memory_space<vmem>> -> memref<64xi32, #tpu.memory_space<vmem>>
    %dma_start3A_512 = arith.constant 0 : i32
    %dma_start3A_513 = arith.constant 0 : i32
    %dma_start3A_514 = tpu.memref_slice %arg3[%dma_start3A_512, %dma_start3A_513] : memref<100000x128xf32, #tpu.memory_space<hbm>> -> memref<100000x128xf32, #tpu.memory_space<hbm>>
    tpu.enqueue_indirect_dma source(%dma_start3A_514 : memref<100000x128xf32, #tpu.memory_space<hbm>>) target(%dma_start3A_509 : memref<64x128xf32, #tpu.memory_space<vmem>>) offsets(%dma_start3A_511 : memref<64xi32, #tpu.memory_space<vmem>>) semaphore(%arg18 : memref<!tpu.dma_semaphore, #tpu.memory_space<semaphore_mem>>)
    %dma_wait3A_515 = arith.constant 0 : i32
    %dma_wait3A_516 = arith.constant 0 : i32
    %dma_wait3A_517 = arith.constant 0 : i32
    %dma_wait3A_518 = tpu.memref_slice %arg16[%dma_wait3A_515, %dma_wait3A_516, %dma_wait3A_517] : memref<3x64x128xf32, #tpu.memory_space<vmem>> -> memref<1x64x128xf32, #tpu.memory_space<vmem>>
    %dma_wait3A_519 = tpu.memref_squeeze %dma_wait3A_518 : memref<1x64x128xf32, #tpu.memory_space<vmem>> -> memref<64x128xf32, #tpu.memory_space<vmem>>
    %dma_wait3A_520 = arith.constant 0 : i32
    %dma_wait3A_521 = tpu.memref_slice %arg12[%dma_wait3A_520] : memref<1536xi32, #tpu.memory_space<vmem>> -> memref<64xi32, #tpu.memory_space<vmem>>
    %dma_wait3A_522 = arith.constant 0 : i32
    %dma_wait3A_523 = arith.constant 0 : i32
    %dma_wait3A_524 = tpu.memref_slice %arg3[%dma_wait3A_522, %dma_wait3A_523] : memref<100000x128xf32, #tpu.memory_space<hbm>> -> memref<100000x128xf32, #tpu.memory_space<hbm>>
    tpu.wait_indirect_dma semaphore(%arg17 : memref<!tpu.dma_semaphore, #tpu.memory_space<semaphore_mem>>) src(%dma_wait3A_524 : memref<100000x128xf32, #tpu.memory_space<hbm>>) dst(%dma_wait3A_519 : memref<64x128xf32, #tpu.memory_space<vmem>>)
    %add3A_525 = arith.constant 0 : i32
    %add3A_526 = arith.addi %add3A_525, %multiple_of3A_5 : i32
    %add3A_527 = arith.constant 0 : i32
    %add3A_528 = arith.addi %add3A_526, %add3A_527 : i32
    %multiple_of3A_529 = tpu.assume_multiple %add3A_528, 64 : i32
    %dma_start3A_530 = arith.constant 0 : i32
    %dma_start3A_531 = arith.constant 0 : i32
    %dma_start3A_532 = arith.constant 0 : i32
    %dma_start3A_533 = tpu.memref_slice %arg16[%dma_start3A_530, %dma_start3A_531, %dma_start3A_532] : memref<3x64x128xf32, #tpu.memory_space<vmem>> -> memref<1x64x128xf32, #tpu.memory_space<vmem>>
    %dma_start3A_534 = tpu.memref_squeeze %dma_start3A_533 : memref<1x64x128xf32, #tpu.memory_space<vmem>> -> memref<64x128xf32, #tpu.memory_space<vmem>>
    %dma_start3A_535 = arith.constant 0 : i32
    %dma_start3A_536 = tpu.memref_slice %arg9[%multiple_of3A_529, %dma_start3A_535] : memref<49152x128xf32, #tpu.memory_space<hbm>> -> memref<64x128xf32, #tpu.memory_space<hbm>>
    %dma_start3A_537 = arith.constant 0 : i32
    %dma_start3A_538 = tpu.memref_slice %arg9[%multiple_of3A_529, %dma_start3A_537] : memref<49152x128xf32, #tpu.memory_space<hbm>> -> memref<64x128xf32, #tpu.memory_space<hbm>>
    %dma_start3A_539 = arith.constant 0 : i32
    %dma_start3A_540 = arith.constant 0 : i32
    %dma_start3A_541 = tpu.memref_slice %arg16[%dma_start3A_530, %dma_start3A_539, %dma_start3A_540] : memref<3x64x128xf32, #tpu.memory_space<vmem>> -> memref<1x64x128xf32, #tpu.memory_space<vmem>>
    %dma_start3A_542 = tpu.memref_squeeze %dma_start3A_541 : memref<1x64x128xf32, #tpu.memory_space<vmem>> -> memref<64x128xf32, #tpu.memory_space<vmem>>
    tpu.enqueue_dma source(%dma_start3A_542 : memref<64x128xf32, #tpu.memory_space<vmem>>) target(%dma_start3A_538 : memref<64x128xf32, #tpu.memory_space<hbm>>) target_semaphore(%arg20 : memref<!tpu.dma_semaphore, #tpu.memory_space<semaphore_mem>>)
    %dma_start3A_543 = arith.constant 2 : i32
    %dma_start3A_544 = arith.constant 0 : i32
    %dma_start3A_545 = arith.constant 0 : i32
    %dma_start3A_546 = tpu.memref_slice %arg16[%dma_start3A_543, %dma_start3A_544, %dma_start3A_545] : memref<3x64x128xf32, #tpu.memory_space<vmem>> -> memref<1x64x128xf32, #tpu.memory_space<vmem>>
    %dma_start3A_547 = tpu.memref_squeeze %dma_start3A_546 : memref<1x64x128xf32, #tpu.memory_space<vmem>> -> memref<64x128xf32, #tpu.memory_space<vmem>>
    %dma_start3A_548 = arith.constant 128 : i32
    %dma_start3A_549 = tpu.memref_slice %arg12[%dma_start3A_548] : memref<1536xi32, #tpu.memory_space<vmem>> -> memref<64xi32, #tpu.memory_space<vmem>>
    %dma_start3A_550 = arith.constant 0 : i32
    %dma_start3A_551 = arith.constant 0 : i32
    %dma_start3A_552 = tpu.memref_slice %arg3[%dma_start3A_550, %dma_start3A_551] : memref<100000x128xf32, #tpu.memory_space<hbm>> -> memref<100000x128xf32, #tpu.memory_space<hbm>>
    tpu.enqueue_indirect_dma source(%dma_start3A_552 : memref<100000x128xf32, #tpu.memory_space<hbm>>) target(%dma_start3A_547 : memref<64x128xf32, #tpu.memory_space<vmem>>) offsets(%dma_start3A_549 : memref<64xi32, #tpu.memory_space<vmem>>) semaphore(%arg19 : memref<!tpu.dma_semaphore, #tpu.memory_space<semaphore_mem>>)
    %dma_wait3A_553 = arith.constant 1 : i32
    %dma_wait3A_554 = arith.constant 0 : i32
    %dma_wait3A_555 = arith.constant 0 : i32
    %dma_wait3A_556 = tpu.memref_slice %arg16[%dma_wait3A_553, %dma_wait3A_554, %dma_wait3A_555] : memref<3x64x128xf32, #tpu.memory_space<vmem>> -> memref<1x64x128xf32, #tpu.memory_space<vmem>>
    %dma_wait3A_557 = tpu.memref_squeeze %dma_wait3A_556 : memref<1x64x128xf32, #tpu.memory_space<vmem>> -> memref<64x128xf32, #tpu.memory_space<vmem>>
    %dma_wait3A_558 = arith.constant 64 : i32
    %dma_wait3A_559 = tpu.memref_slice %arg12[%dma_wait3A_558] : memref<1536xi32, #tpu.memory_space<vmem>> -> memref<64xi32, #tpu.memory_space<vmem>>
    %dma_wait3A_560 = arith.constant 0 : i32
    %dma_wait3A_561 = arith.constant 0 : i32
    %dma_wait3A_562 = tpu.memref_slice %arg3[%dma_wait3A_560, %dma_wait3A_561] : memref<100000x128xf32, #tpu.memory_space<hbm>> -> memref<100000x128xf32, #tpu.memory_space<hbm>>
    tpu.wait_indirect_dma semaphore(%arg18 : memref<!tpu.dma_semaphore, #tpu.memory_space<semaphore_mem>>) src(%dma_wait3A_562 : memref<100000x128xf32, #tpu.memory_space<hbm>>) dst(%dma_wait3A_557 : memref<64x128xf32, #tpu.memory_space<vmem>>)
    %add3A_563 = arith.constant 0 : i32
    %add3A_564 = arith.addi %add3A_563, %multiple_of3A_5 : i32
    %add3A_565 = arith.constant 64 : i32
    %add3A_566 = arith.addi %add3A_564, %add3A_565 : i32
    %multiple_of3A_567 = tpu.assume_multiple %add3A_566, 64 : i32
    %dma_start3A_568 = arith.constant 1 : i32
    %dma_start3A_569 = arith.constant 0 : i32
    %dma_start3A_570 = arith.constant 0 : i32
    %dma_start3A_571 = tpu.memref_slice %arg16[%dma_start3A_568, %dma_start3A_569, %dma_start3A_570] : memref<3x64x128xf32, #tpu.memory_space<vmem>> -> memref<1x64x128xf32, #tpu.memory_space<vmem>>
    %dma_start3A_572 = tpu.memref_squeeze %dma_start3A_571 : memref<1x64x128xf32, #tpu.memory_space<vmem>> -> memref<64x128xf32, #tpu.memory_space<vmem>>
    %dma_start3A_573 = arith.constant 0 : i32
    %dma_start3A_574 = tpu.memref_slice %arg9[%multiple_of3A_567, %dma_start3A_573] : memref<49152x128xf32, #tpu.memory_space<hbm>> -> memref<64x128xf32, #tpu.memory_space<hbm>>
    %dma_start3A_575 = arith.constant 0 : i32
    %dma_start3A_576 = tpu.memref_slice %arg9[%multiple_of3A_567, %dma_start3A_575] : memref<49152x128xf32, #tpu.memory_space<hbm>> -> memref<64x128xf32, #tpu.memory_space<hbm>>
    %dma_start3A_577 = arith.constant 0 : i32
    %dma_start3A_578 = arith.constant 0 : i32
    %dma_start3A_579 = tpu.memref_slice %arg16[%dma_start3A_568, %dma_start3A_577, %dma_start3A_578] : memref<3x64x128xf32, #tpu.memory_space<vmem>> -> memref<1x64x128xf32, #tpu.memory_space<vmem>>
    %dma_start3A_580 = tpu.memref_squeeze %dma_start3A_579 : memref<1x64x128xf32, #tpu.memory_space<vmem>> -> memref<64x128xf32, #tpu.memory_space<vmem>>
    tpu.enqueue_dma source(%dma_start3A_580 : memref<64x128xf32, #tpu.memory_space<vmem>>) target(%dma_start3A_576 : memref<64x128xf32, #tpu.memory_space<hbm>>) target_semaphore(%arg21 : memref<!tpu.dma_semaphore, #tpu.memory_space<semaphore_mem>>)
    %dma_wait3A_581 = arith.constant 0 : i32
    %dma_wait3A_582 = arith.constant 0 : i32
    %dma_wait3A_583 = arith.constant 0 : i32
    %dma_wait3A_584 = tpu.memref_slice %arg16[%dma_wait3A_581, %dma_wait3A_582, %dma_wait3A_583] : memref<3x64x128xf32, #tpu.memory_space<vmem>> -> memref<1x64x128xf32, #tpu.memory_space<vmem>>
    %dma_wait3A_585 = tpu.memref_squeeze %dma_wait3A_584 : memref<1x64x128xf32, #tpu.memory_space<vmem>> -> memref<64x128xf32, #tpu.memory_space<vmem>>
    %dma_wait3A_586 = arith.constant 0 : i32
    %dma_wait3A_587 = tpu.memref_slice %arg9[%multiple_of3A_529, %dma_wait3A_586] : memref<49152x128xf32, #tpu.memory_space<hbm>> -> memref<64x128xf32, #tpu.memory_space<hbm>>
    %dma_wait3A_588 = arith.constant 0 : i32
    %dma_wait3A_589 = tpu.memref_slice %arg9[%multiple_of3A_529, %dma_wait3A_588] : memref<49152x128xf32, #tpu.memory_space<hbm>> -> memref<64x128xf32, #tpu.memory_space<hbm>>
    %dma_wait3A_590 = arith.constant 0 : i32
    %dma_wait3A_591 = arith.constant 0 : i32
    %dma_wait3A_592 = tpu.memref_slice %arg16[%dma_wait3A_581, %dma_wait3A_590, %dma_wait3A_591] : memref<3x64x128xf32, #tpu.memory_space<vmem>> -> memref<1x64x128xf32, #tpu.memory_space<vmem>>
    %dma_wait3A_593 = tpu.memref_squeeze %dma_wait3A_592 : memref<1x64x128xf32, #tpu.memory_space<vmem>> -> memref<64x128xf32, #tpu.memory_space<vmem>>
    tpu.wait_dma2 semaphore(%arg20 : memref<!tpu.dma_semaphore, #tpu.memory_space<semaphore_mem>>) src(%dma_wait3A_593 : memref<64x128xf32, #tpu.memory_space<vmem>>) dst(%dma_wait3A_589 : memref<64x128xf32, #tpu.memory_space<hbm>>)
    %dma_start3A_594 = arith.constant 0 : i32
    %dma_start3A_595 = arith.constant 0 : i32
    %dma_start3A_596 = arith.constant 0 : i32
    %dma_start3A_597 = tpu.memref_slice %arg16[%dma_start3A_594, %dma_start3A_595, %dma_start3A_596] : memref<3x64x128xf32, #tpu.memory_space<vmem>> -> memref<1x64x128xf32, #tpu.memory_space<vmem>>
    %dma_start3A_598 = tpu.memref_squeeze %dma_start3A_597 : memref<1x64x128xf32, #tpu.memory_space<vmem>> -> memref<64x128xf32, #tpu.memory_space<vmem>>
    %dma_start3A_599 = arith.constant 192 : i32
    %dma_start3A_600 = tpu.memref_slice %arg12[%dma_start3A_599] : memref<1536xi32, #tpu.memory_space<vmem>> -> memref<64xi32, #tpu.memory_space<vmem>>
    %dma_start3A_601 = arith.constant 0 : i32
    %dma_start3A_602 = arith.constant 0 : i32
    %dma_start3A_603 = tpu.memref_slice %arg3[%dma_start3A_601, %dma_start3A_602] : memref<100000x128xf32, #tpu.memory_space<hbm>> -> memref<100000x128xf32, #tpu.memory_space<hbm>>
    tpu.enqueue_indirect_dma source(%dma_start3A_603 : memref<100000x128xf32, #tpu.memory_space<hbm>>) target(%dma_start3A_598 : memref<64x128xf32, #tpu.memory_space<vmem>>) offsets(%dma_start3A_600 : memref<64xi32, #tpu.memory_space<vmem>>) semaphore(%arg17 : memref<!tpu.dma_semaphore, #tpu.memory_space<semaphore_mem>>)
    %dma_wait3A_604 = arith.constant 2 : i32
    %dma_wait3A_605 = arith.constant 0 : i32
    %dma_wait3A_606 = arith.constant 0 : i32
    %dma_wait3A_607 = tpu.memref_slice %arg16[%dma_wait3A_604, %dma_wait3A_605, %dma_wait3A_606] : memref<3x64x128xf32, #tpu.memory_space<vmem>> -> memref<1x64x128xf32, #tpu.memory_space<vmem>>
    %dma_wait3A_608 = tpu.memref_squeeze %dma_wait3A_607 : memref<1x64x128xf32, #tpu.memory_space<vmem>> -> memref<64x128xf32, #tpu.memory_space<vmem>>
    %dma_wait3A_609 = arith.constant 128 : i32
    %dma_wait3A_610 = tpu.memref_slice %arg12[%dma_wait3A_609] : memref<1536xi32, #tpu.memory_space<vmem>> -> memref<64xi32, #tpu.memory_space<vmem>>
    %dma_wait3A_611 = arith.constant 0 : i32
    %dma_wait3A_612 = arith.constant 0 : i32
    %dma_wait3A_613 = tpu.memref_slice %arg3[%dma_wait3A_611, %dma_wait3A_612] : memref<100000x128xf32, #tpu.memory_space<hbm>> -> memref<100000x128xf32, #tpu.memory_space<hbm>>
    tpu.wait_indirect_dma semaphore(%arg19 : memref<!tpu.dma_semaphore, #tpu.memory_space<semaphore_mem>>) src(%dma_wait3A_613 : memref<100000x128xf32, #tpu.memory_space<hbm>>) dst(%dma_wait3A_608 : memref<64x128xf32, #tpu.memory_space<vmem>>)
    %add3A_614 = arith.constant 0 : i32
    %add3A_615 = arith.addi %add3A_614, %multiple_of3A_5 : i32
    %add3A_616 = arith.constant 128 : i32
    %add3A_617 = arith.addi %add3A_615, %add3A_616 : i32
    %multiple_of3A_618 = tpu.assume_multiple %add3A_617, 64 : i32
    %dma_start3A_619 = arith.constant 2 : i32
    %dma_start3A_620 = arith.constant 0 : i32
    %dma_start3A_621 = arith.constant 0 : i32
    %dma_start3A_622 = tpu.memref_slice %arg16[%dma_start3A_619, %dma_start3A_620, %dma_start3A_621] : memref<3x64x128xf32, #tpu.memory_space<vmem>> -> memref<1x64x128xf32, #tpu.memory_space<vmem>>
    %dma_start3A_623 = tpu.memref_squeeze %dma_start3A_622 : memref<1x64x128xf32, #tpu.memory_space<vmem>> -> memref<64x128xf32, #tpu.memory_space<vmem>>
    %dma_start3A_624 = arith.constant 0 : i32
    %dma_start3A_625 = tpu.memref_slice %arg9[%multiple_of3A_618, %dma_start3A_624] : memref<49152x128xf32, #tpu.memory_space<hbm>> -> memref<64x128xf32, #tpu.memory_space<hbm>>
    %dma_start3A_626 = arith.constant 0 : i32
    %dma_start3A_627 = tpu.memref_slice %arg9[%multiple_of3A_618, %dma_start3A_626] : memref<49152x128xf32, #tpu.memory_space<hbm>> -> memref<64x128xf32, #tpu.memory_space<hbm>>
    %dma_start3A_628 = arith.constant 0 : i32
    %dma_start3A_629 = arith.constant 0 : i32
    %dma_start3A_630 = tpu.memref_slice %arg16[%dma_start3A_619, %dma_start3A_628, %dma_start3A_629] : memref<3x64x128xf32, #tpu.memory_space<vmem>> -> memref<1x64x128xf32, #tpu.memory_space<vmem>>
    %dma_start3A_631 = tpu.memref_squeeze %dma_start3A_630 : memref<1x64x128xf32, #tpu.memory_space<vmem>> -> memref<64x128xf32, #tpu.memory_space<vmem>>
    tpu.enqueue_dma source(%dma_start3A_631 : memref<64x128xf32, #tpu.memory_space<vmem>>) target(%dma_start3A_627 : memref<64x128xf32, #tpu.memory_space<hbm>>) target_semaphore(%arg22 : memref<!tpu.dma_semaphore, #tpu.memory_space<semaphore_mem>>)
    %dma_wait3A_632 = arith.constant 1 : i32
    %dma_wait3A_633 = arith.constant 0 : i32
    %dma_wait3A_634 = arith.constant 0 : i32
    %dma_wait3A_635 = tpu.memref_slice %arg16[%dma_wait3A_632, %dma_wait3A_633, %dma_wait3A_634] : memref<3x64x128xf32, #tpu.memory_space<vmem>> -> memref<1x64x128xf32, #tpu.memory_space<vmem>>
    %dma_wait3A_636 = tpu.memref_squeeze %dma_wait3A_635 : memref<1x64x128xf32, #tpu.memory_space<vmem>> -> memref<64x128xf32, #tpu.memory_space<vmem>>
    %dma_wait3A_637 = arith.constant 0 : i32
    %dma_wait3A_638 = tpu.memref_slice %arg9[%multiple_of3A_567, %dma_wait3A_637] : memref<49152x128xf32, #tpu.memory_space<hbm>> -> memref<64x128xf32, #tpu.memory_space<hbm>>
    %dma_wait3A_639 = arith.constant 0 : i32
    %dma_wait3A_640 = tpu.memref_slice %arg9[%multiple_of3A_567, %dma_wait3A_639] : memref<49152x128xf32, #tpu.memory_space<hbm>> -> memref<64x128xf32, #tpu.memory_space<hbm>>
    %dma_wait3A_641 = arith.constant 0 : i32
    %dma_wait3A_642 = arith.constant 0 : i32
    %dma_wait3A_643 = tpu.memref_slice %arg16[%dma_wait3A_632, %dma_wait3A_641, %dma_wait3A_642] : memref<3x64x128xf32, #tpu.memory_space<vmem>> -> memref<1x64x128xf32, #tpu.memory_space<vmem>>
    %dma_wait3A_644 = tpu.memref_squeeze %dma_wait3A_643 : memref<1x64x128xf32, #tpu.memory_space<vmem>> -> memref<64x128xf32, #tpu.memory_space<vmem>>
    tpu.wait_dma2 semaphore(%arg21 : memref<!tpu.dma_semaphore, #tpu.memory_space<semaphore_mem>>) src(%dma_wait3A_644 : memref<64x128xf32, #tpu.memory_space<vmem>>) dst(%dma_wait3A_640 : memref<64x128xf32, #tpu.memory_space<hbm>>)
    %dma_start3A_645 = arith.constant 1 : i32
    %dma_start3A_646 = arith.constant 0 : i32
    %dma_start3A_647 = arith.constant 0 : i32
    %dma_start3A_648 = tpu.memref_slice %arg16[%dma_start3A_645, %dma_start3A_646, %dma_start3A_647] : memref<3x64x128xf32, #tpu.memory_space<vmem>> -> memref<1x64x128xf32, #tpu.memory_space<vmem>>
    %dma_start3A_649 = tpu.memref_squeeze %dma_start3A_648 : memref<1x64x128xf32, #tpu.memory_space<vmem>> -> memref<64x128xf32, #tpu.memory_space<vmem>>
    %dma_start3A_650 = arith.constant 256 : i32
    %dma_start3A_651 = tpu.memref_slice %arg12[%dma_start3A_650] : memref<1536xi32, #tpu.memory_space<vmem>> -> memref<64xi32, #tpu.memory_space<vmem>>
    %dma_start3A_652 = arith.constant 0 : i32
    %dma_start3A_653 = arith.constant 0 : i32
    %dma_start3A_654 = tpu.memref_slice %arg3[%dma_start3A_652, %dma_start3A_653] : memref<100000x128xf32, #tpu.memory_space<hbm>> -> memref<100000x128xf32, #tpu.memory_space<hbm>>
    tpu.enqueue_indirect_dma source(%dma_start3A_654 : memref<100000x128xf32, #tpu.memory_space<hbm>>) target(%dma_start3A_649 : memref<64x128xf32, #tpu.memory_space<vmem>>) offsets(%dma_start3A_651 : memref<64xi32, #tpu.memory_space<vmem>>) semaphore(%arg18 : memref<!tpu.dma_semaphore, #tpu.memory_space<semaphore_mem>>)
    %dma_wait3A_655 = arith.constant 0 : i32
    %dma_wait3A_656 = arith.constant 0 : i32
    %dma_wait3A_657 = arith.constant 0 : i32
    %dma_wait3A_658 = tpu.memref_slice %arg16[%dma_wait3A_655, %dma_wait3A_656, %dma_wait3A_657] : memref<3x64x128xf32, #tpu.memory_space<vmem>> -> memref<1x64x128xf32, #tpu.memory_space<vmem>>
    %dma_wait3A_659 = tpu.memref_squeeze %dma_wait3A_658 : memref<1x64x128xf32, #tpu.memory_space<vmem>> -> memref<64x128xf32, #tpu.memory_space<vmem>>
    %dma_wait3A_660 = arith.constant 192 : i32
    %dma_wait3A_661 = tpu.memref_slice %arg12[%dma_wait3A_660] : memref<1536xi32, #tpu.memory_space<vmem>> -> memref<64xi32, #tpu.memory_space<vmem>>
    %dma_wait3A_662 = arith.constant 0 : i32
    %dma_wait3A_663 = arith.constant 0 : i32
    %dma_wait3A_664 = tpu.memref_slice %arg3[%dma_wait3A_662, %dma_wait3A_663] : memref<100000x128xf32, #tpu.memory_space<hbm>> -> memref<100000x128xf32, #tpu.memory_space<hbm>>
    tpu.wait_indirect_dma semaphore(%arg17 : memref<!tpu.dma_semaphore, #tpu.memory_space<semaphore_mem>>) src(%dma_wait3A_664 : memref<100000x128xf32, #tpu.memory_space<hbm>>) dst(%dma_wait3A_659 : memref<64x128xf32, #tpu.memory_space<vmem>>)
    %add3A_665 = arith.constant 0 : i32
    %add3A_666 = arith.addi %add3A_665, %multiple_of3A_5 : i32
    %add3A_667 = arith.constant 192 : i32
    %add3A_668 = arith.addi %add3A_666, %add3A_667 : i32
    %multiple_of3A_669 = tpu.assume_multiple %add3A_668, 64 : i32
    %dma_start3A_670 = arith.constant 0 : i32
    %dma_start3A_671 = arith.constant 0 : i32
    %dma_start3A_672 = arith.constant 0 : i32
    %dma_start3A_673 = tpu.memref_slice %arg16[%dma_start3A_670, %dma_start3A_671, %dma_start3A_672] : memref<3x64x128xf32, #tpu.memory_space<vmem>> -> memref<1x64x128xf32, #tpu.memory_space<vmem>>
    %dma_start3A_674 = tpu.memref_squeeze %dma_start3A_673 : memref<1x64x128xf32, #tpu.memory_space<vmem>> -> memref<64x128xf32, #tpu.memory_space<vmem>>
    %dma_start3A_675 = arith.constant 0 : i32
    %dma_start3A_676 = tpu.memref_slice %arg9[%multiple_of3A_669, %dma_start3A_675] : memref<49152x128xf32, #tpu.memory_space<hbm>> -> memref<64x128xf32, #tpu.memory_space<hbm>>
    %dma_start3A_677 = arith.constant 0 : i32
    %dma_start3A_678 = tpu.memref_slice %arg9[%multiple_of3A_669, %dma_start3A_677] : memref<49152x128xf32, #tpu.memory_space<hbm>> -> memref<64x128xf32, #tpu.memory_space<hbm>>
    %dma_start3A_679 = arith.constant 0 : i32
    %dma_start3A_680 = arith.constant 0 : i32
    %dma_start3A_681 = tpu.memref_slice %arg16[%dma_start3A_670, %dma_start3A_679, %dma_start3A_680] : memref<3x64x128xf32, #tpu.memory_space<vmem>> -> memref<1x64x128xf32, #tpu.memory_space<vmem>>
    %dma_start3A_682 = tpu.memref_squeeze %dma_start3A_681 : memref<1x64x128xf32, #tpu.memory_space<vmem>> -> memref<64x128xf32, #tpu.memory_space<vmem>>
    tpu.enqueue_dma source(%dma_start3A_682 : memref<64x128xf32, #tpu.memory_space<vmem>>) target(%dma_start3A_678 : memref<64x128xf32, #tpu.memory_space<hbm>>) target_semaphore(%arg20 : memref<!tpu.dma_semaphore, #tpu.memory_space<semaphore_mem>>)
    %dma_wait3A_683 = arith.constant 2 : i32
    %dma_wait3A_684 = arith.constant 0 : i32
    %dma_wait3A_685 = arith.constant 0 : i32
    %dma_wait3A_686 = tpu.memref_slice %arg16[%dma_wait3A_683, %dma_wait3A_684, %dma_wait3A_685] : memref<3x64x128xf32, #tpu.memory_space<vmem>> -> memref<1x64x128xf32, #tpu.memory_space<vmem>>
    %dma_wait3A_687 = tpu.memref_squeeze %dma_wait3A_686 : memref<1x64x128xf32, #tpu.memory_space<vmem>> -> memref<64x128xf32, #tpu.memory_space<vmem>>
    %dma_wait3A_688 = arith.constant 0 : i32
    %dma_wait3A_689 = tpu.memref_slice %arg9[%multiple_of3A_618, %dma_wait3A_688] : memref<49152x128xf32, #tpu.memory_space<hbm>> -> memref<64x128xf32, #tpu.memory_space<hbm>>
    %dma_wait3A_690 = arith.constant 0 : i32
    %dma_wait3A_691 = tpu.memref_slice %arg9[%multiple_of3A_618, %dma_wait3A_690] : memref<49152x128xf32, #tpu.memory_space<hbm>> -> memref<64x128xf32, #tpu.memory_space<hbm>>
    %dma_wait3A_692 = arith.constant 0 : i32
    %dma_wait3A_693 = arith.constant 0 : i32
    %dma_wait3A_694 = tpu.memref_slice %arg16[%dma_wait3A_683, %dma_wait3A_692, %dma_wait3A_693] : memref<3x64x128xf32, #tpu.memory_space<vmem>> -> memref<1x64x128xf32, #tpu.memory_space<vmem>>
    %dma_wait3A_695 = tpu.memref_squeeze %dma_wait3A_694 : memref<1x64x128xf32, #tpu.memory_space<vmem>> -> memref<64x128xf32, #tpu.memory_space<vmem>>
    tpu.wait_dma2 semaphore(%arg22 : memref<!tpu.dma_semaphore, #tpu.memory_space<semaphore_mem>>) src(%dma_wait3A_695 : memref<64x128xf32, #tpu.memory_space<vmem>>) dst(%dma_wait3A_691 : memref<64x128xf32, #tpu.memory_space<hbm>>)
    %dma_start3A_696 = arith.constant 2 : i32
    %dma_start3A_697 = arith.constant 0 : i32
    %dma_start3A_698 = arith.constant 0 : i32
    %dma_start3A_699 = tpu.memref_slice %arg16[%dma_start3A_696, %dma_start3A_697, %dma_start3A_698] : memref<3x64x128xf32, #tpu.memory_space<vmem>> -> memref<1x64x128xf32, #tpu.memory_space<vmem>>
    %dma_start3A_700 = tpu.memref_squeeze %dma_start3A_699 : memref<1x64x128xf32, #tpu.memory_space<vmem>> -> memref<64x128xf32, #tpu.memory_space<vmem>>
    %dma_start3A_701 = arith.constant 320 : i32
    %dma_start3A_702 = tpu.memref_slice %arg12[%dma_start3A_701] : memref<1536xi32, #tpu.memory_space<vmem>> -> memref<64xi32, #tpu.memory_space<vmem>>
    %dma_start3A_703 = arith.constant 0 : i32
    %dma_start3A_704 = arith.constant 0 : i32
    %dma_start3A_705 = tpu.memref_slice %arg3[%dma_start3A_703, %dma_start3A_704] : memref<100000x128xf32, #tpu.memory_space<hbm>> -> memref<100000x128xf32, #tpu.memory_space<hbm>>
    tpu.enqueue_indirect_dma source(%dma_start3A_705 : memref<100000x128xf32, #tpu.memory_space<hbm>>) target(%dma_start3A_700 : memref<64x128xf32, #tpu.memory_space<vmem>>) offsets(%dma_start3A_702 : memref<64xi32, #tpu.memory_space<vmem>>) semaphore(%arg19 : memref<!tpu.dma_semaphore, #tpu.memory_space<semaphore_mem>>)
    %dma_wait3A_706 = arith.constant 1 : i32
    %dma_wait3A_707 = arith.constant 0 : i32
    %dma_wait3A_708 = arith.constant 0 : i32
    %dma_wait3A_709 = tpu.memref_slice %arg16[%dma_wait3A_706, %dma_wait3A_707, %dma_wait3A_708] : memref<3x64x128xf32, #tpu.memory_space<vmem>> -> memref<1x64x128xf32, #tpu.memory_space<vmem>>
    %dma_wait3A_710 = tpu.memref_squeeze %dma_wait3A_709 : memref<1x64x128xf32, #tpu.memory_space<vmem>> -> memref<64x128xf32, #tpu.memory_space<vmem>>
    %dma_wait3A_711 = arith.constant 256 : i32
    %dma_wait3A_712 = tpu.memref_slice %arg12[%dma_wait3A_711] : memref<1536xi32, #tpu.memory_space<vmem>> -> memref<64xi32, #tpu.memory_space<vmem>>
    %dma_wait3A_713 = arith.constant 0 : i32
    %dma_wait3A_714 = arith.constant 0 : i32
    %dma_wait3A_715 = tpu.memref_slice %arg3[%dma_wait3A_713, %dma_wait3A_714] : memref<100000x128xf32, #tpu.memory_space<hbm>> -> memref<100000x128xf32, #tpu.memory_space<hbm>>
    tpu.wait_indirect_dma semaphore(%arg18 : memref<!tpu.dma_semaphore, #tpu.memory_space<semaphore_mem>>) src(%dma_wait3A_715 : memref<100000x128xf32, #tpu.memory_space<hbm>>) dst(%dma_wait3A_710 : memref<64x128xf32, #tpu.memory_space<vmem>>)
    %add3A_716 = arith.constant 0 : i32
    %add3A_717 = arith.addi %add3A_716, %multiple_of3A_5 : i32
    %add3A_718 = arith.constant 256 : i32
    %add3A_719 = arith.addi %add3A_717, %add3A_718 : i32
    %multiple_of3A_720 = tpu.assume_multiple %add3A_719, 64 : i32
    %dma_start3A_721 = arith.constant 1 : i32
    %dma_start3A_722 = arith.constant 0 : i32
    %dma_start3A_723 = arith.constant 0 : i32
    %dma_start3A_724 = tpu.memref_slice %arg16[%dma_start3A_721, %dma_start3A_722, %dma_start3A_723] : memref<3x64x128xf32, #tpu.memory_space<vmem>> -> memref<1x64x128xf32, #tpu.memory_space<vmem>>
    %dma_start3A_725 = tpu.memref_squeeze %dma_start3A_724 : memref<1x64x128xf32, #tpu.memory_space<vmem>> -> memref<64x128xf32, #tpu.memory_space<vmem>>
    %dma_start3A_726 = arith.constant 0 : i32
    %dma_start3A_727 = tpu.memref_slice %arg9[%multiple_of3A_720, %dma_start3A_726] : memref<49152x128xf32, #tpu.memory_space<hbm>> -> memref<64x128xf32, #tpu.memory_space<hbm>>
    %dma_start3A_728 = arith.constant 0 : i32
    %dma_start3A_729 = tpu.memref_slice %arg9[%multiple_of3A_720, %dma_start3A_728] : memref<49152x128xf32, #tpu.memory_space<hbm>> -> memref<64x128xf32, #tpu.memory_space<hbm>>
    %dma_start3A_730 = arith.constant 0 : i32
    %dma_start3A_731 = arith.constant 0 : i32
    %dma_start3A_732 = tpu.memref_slice %arg16[%dma_start3A_721, %dma_start3A_730, %dma_start3A_731] : memref<3x64x128xf32, #tpu.memory_space<vmem>> -> memref<1x64x128xf32, #tpu.memory_space<vmem>>
    %dma_start3A_733 = tpu.memref_squeeze %dma_start3A_732 : memref<1x64x128xf32, #tpu.memory_space<vmem>> -> memref<64x128xf32, #tpu.memory_space<vmem>>
    tpu.enqueue_dma source(%dma_start3A_733 : memref<64x128xf32, #tpu.memory_space<vmem>>) target(%dma_start3A_729 : memref<64x128xf32, #tpu.memory_space<hbm>>) target_semaphore(%arg21 : memref<!tpu.dma_semaphore, #tpu.memory_space<semaphore_mem>>)
    %dma_wait3A_734 = arith.constant 0 : i32
    %dma_wait3A_735 = arith.constant 0 : i32
    %dma_wait3A_736 = arith.constant 0 : i32
    %dma_wait3A_737 = tpu.memref_slice %arg16[%dma_wait3A_734, %dma_wait3A_735, %dma_wait3A_736] : memref<3x64x128xf32, #tpu.memory_space<vmem>> -> memref<1x64x128xf32, #tpu.memory_space<vmem>>
    %dma_wait3A_738 = tpu.memref_squeeze %dma_wait3A_737 : memref<1x64x128xf32, #tpu.memory_space<vmem>> -> memref<64x128xf32, #tpu.memory_space<vmem>>
    %dma_wait3A_739 = arith.constant 0 : i32
    %dma_wait3A_740 = tpu.memref_slice %arg9[%multiple_of3A_669, %dma_wait3A_739] : memref<49152x128xf32, #tpu.memory_space<hbm>> -> memref<64x128xf32, #tpu.memory_space<hbm>>
    %dma_wait3A_741 = arith.constant 0 : i32
    %dma_wait3A_742 = tpu.memref_slice %arg9[%multiple_of3A_669, %dma_wait3A_741] : memref<49152x128xf32, #tpu.memory_space<hbm>> -> memref<64x128xf32, #tpu.memory_space<hbm>>
    %dma_wait3A_743 = arith.constant 0 : i32
    %dma_wait3A_744 = arith.constant 0 : i32
    %dma_wait3A_745 = tpu.memref_slice %arg16[%dma_wait3A_734, %dma_wait3A_743, %dma_wait3A_744] : memref<3x64x128xf32, #tpu.memory_space<vmem>> -> memref<1x64x128xf32, #tpu.memory_space<vmem>>
    %dma_wait3A_746 = tpu.memref_squeeze %dma_wait3A_745 : memref<1x64x128xf32, #tpu.memory_space<vmem>> -> memref<64x128xf32, #tpu.memory_space<vmem>>
    tpu.wait_dma2 semaphore(%arg20 : memref<!tpu.dma_semaphore, #tpu.memory_space<semaphore_mem>>) src(%dma_wait3A_746 : memref<64x128xf32, #tpu.memory_space<vmem>>) dst(%dma_wait3A_742 : memref<64x128xf32, #tpu.memory_space<hbm>>)
    %dma_start3A_747 = arith.constant 0 : i32
    %dma_start3A_748 = arith.constant 0 : i32
    %dma_start3A_749 = arith.constant 0 : i32
    %dma_start3A_750 = tpu.memref_slice %arg16[%dma_start3A_747, %dma_start3A_748, %dma_start3A_749] : memref<3x64x128xf32, #tpu.memory_space<vmem>> -> memref<1x64x128xf32, #tpu.memory_space<vmem>>
    %dma_start3A_751 = tpu.memref_squeeze %dma_start3A_750 : memref<1x64x128xf32, #tpu.memory_space<vmem>> -> memref<64x128xf32, #tpu.memory_space<vmem>>
    %dma_start3A_752 = arith.constant 384 : i32
    %dma_start3A_753 = tpu.memref_slice %arg12[%dma_start3A_752] : memref<1536xi32, #tpu.memory_space<vmem>> -> memref<64xi32, #tpu.memory_space<vmem>>
    %dma_start3A_754 = arith.constant 0 : i32
    %dma_start3A_755 = arith.constant 0 : i32
    %dma_start3A_756 = tpu.memref_slice %arg3[%dma_start3A_754, %dma_start3A_755] : memref<100000x128xf32, #tpu.memory_space<hbm>> -> memref<100000x128xf32, #tpu.memory_space<hbm>>
    tpu.enqueue_indirect_dma source(%dma_start3A_756 : memref<100000x128xf32, #tpu.memory_space<hbm>>) target(%dma_start3A_751 : memref<64x128xf32, #tpu.memory_space<vmem>>) offsets(%dma_start3A_753 : memref<64xi32, #tpu.memory_space<vmem>>) semaphore(%arg17 : memref<!tpu.dma_semaphore, #tpu.memory_space<semaphore_mem>>)
    %dma_wait3A_757 = arith.constant 2 : i32
    %dma_wait3A_758 = arith.constant 0 : i32
    %dma_wait3A_759 = arith.constant 0 : i32
    %dma_wait3A_760 = tpu.memref_slice %arg16[%dma_wait3A_757, %dma_wait3A_758, %dma_wait3A_759] : memref<3x64x128xf32, #tpu.memory_space<vmem>> -> memref<1x64x128xf32, #tpu.memory_space<vmem>>
    %dma_wait3A_761 = tpu.memref_squeeze %dma_wait3A_760 : memref<1x64x128xf32, #tpu.memory_space<vmem>> -> memref<64x128xf32, #tpu.memory_space<vmem>>
    %dma_wait3A_762 = arith.constant 320 : i32
    %dma_wait3A_763 = tpu.memref_slice %arg12[%dma_wait3A_762] : memref<1536xi32, #tpu.memory_space<vmem>> -> memref<64xi32, #tpu.memory_space<vmem>>
    %dma_wait3A_764 = arith.constant 0 : i32
    %dma_wait3A_765 = arith.constant 0 : i32
    %dma_wait3A_766 = tpu.memref_slice %arg3[%dma_wait3A_764, %dma_wait3A_765] : memref<100000x128xf32, #tpu.memory_space<hbm>> -> memref<100000x128xf32, #tpu.memory_space<hbm>>
    tpu.wait_indirect_dma semaphore(%arg19 : memref<!tpu.dma_semaphore, #tpu.memory_space<semaphore_mem>>) src(%dma_wait3A_766 : memref<100000x128xf32, #tpu.memory_space<hbm>>) dst(%dma_wait3A_761 : memref<64x128xf32, #tpu.memory_space<vmem>>)
    %add3A_767 = arith.constant 0 : i32
    %add3A_768 = arith.addi %add3A_767, %multiple_of3A_5 : i32
    %add3A_769 = arith.constant 320 : i32
    %add3A_770 = arith.addi %add3A_768, %add3A_769 : i32
    %multiple_of3A_771 = tpu.assume_multiple %add3A_770, 64 : i32
    %dma_start3A_772 = arith.constant 2 : i32
    %dma_start3A_773 = arith.constant 0 : i32
    %dma_start3A_774 = arith.constant 0 : i32
    %dma_start3A_775 = tpu.memref_slice %arg16[%dma_start3A_772, %dma_start3A_773, %dma_start3A_774] : memref<3x64x128xf32, #tpu.memory_space<vmem>> -> memref<1x64x128xf32, #tpu.memory_space<vmem>>
    %dma_start3A_776 = tpu.memref_squeeze %dma_start3A_775 : memref<1x64x128xf32, #tpu.memory_space<vmem>> -> memref<64x128xf32, #tpu.memory_space<vmem>>
    %dma_start3A_777 = arith.constant 0 : i32
    %dma_start3A_778 = tpu.memref_slice %arg9[%multiple_of3A_771, %dma_start3A_777] : memref<49152x128xf32, #tpu.memory_space<hbm>> -> memref<64x128xf32, #tpu.memory_space<hbm>>
    %dma_start3A_779 = arith.constant 0 : i32
    %dma_start3A_780 = tpu.memref_slice %arg9[%multiple_of3A_771, %dma_start3A_779] : memref<49152x128xf32, #tpu.memory_space<hbm>> -> memref<64x128xf32, #tpu.memory_space<hbm>>
    %dma_start3A_781 = arith.constant 0 : i32
    %dma_start3A_782 = arith.constant 0 : i32
    %dma_start3A_783 = tpu.memref_slice %arg16[%dma_start3A_772, %dma_start3A_781, %dma_start3A_782] : memref<3x64x128xf32, #tpu.memory_space<vmem>> -> memref<1x64x128xf32, #tpu.memory_space<vmem>>
    %dma_start3A_784 = tpu.memref_squeeze %dma_start3A_783 : memref<1x64x128xf32, #tpu.memory_space<vmem>> -> memref<64x128xf32, #tpu.memory_space<vmem>>
    tpu.enqueue_dma source(%dma_start3A_784 : memref<64x128xf32, #tpu.memory_space<vmem>>) target(%dma_start3A_780 : memref<64x128xf32, #tpu.memory_space<hbm>>) target_semaphore(%arg22 : memref<!tpu.dma_semaphore, #tpu.memory_space<semaphore_mem>>)
    %dma_wait3A_785 = arith.constant 1 : i32
    %dma_wait3A_786 = arith.constant 0 : i32
    %dma_wait3A_787 = arith.constant 0 : i32
    %dma_wait3A_788 = tpu.memref_slice %arg16[%dma_wait3A_785, %dma_wait3A_786, %dma_wait3A_787] : memref<3x64x128xf32, #tpu.memory_space<vmem>> -> memref<1x64x128xf32, #tpu.memory_space<vmem>>
    %dma_wait3A_789 = tpu.memref_squeeze %dma_wait3A_788 : memref<1x64x128xf32, #tpu.memory_space<vmem>> -> memref<64x128xf32, #tpu.memory_space<vmem>>
    %dma_wait3A_790 = arith.constant 0 : i32
    %dma_wait3A_791 = tpu.memref_slice %arg9[%multiple_of3A_720, %dma_wait3A_790] : memref<49152x128xf32, #tpu.memory_space<hbm>> -> memref<64x128xf32, #tpu.memory_space<hbm>>
    %dma_wait3A_792 = arith.constant 0 : i32
    %dma_wait3A_793 = tpu.memref_slice %arg9[%multiple_of3A_720, %dma_wait3A_792] : memref<49152x128xf32, #tpu.memory_space<hbm>> -> memref<64x128xf32, #tpu.memory_space<hbm>>
    %dma_wait3A_794 = arith.constant 0 : i32
    %dma_wait3A_795 = arith.constant 0 : i32
    %dma_wait3A_796 = tpu.memref_slice %arg16[%dma_wait3A_785, %dma_wait3A_794, %dma_wait3A_795] : memref<3x64x128xf32, #tpu.memory_space<vmem>> -> memref<1x64x128xf32, #tpu.memory_space<vmem>>
    %dma_wait3A_797 = tpu.memref_squeeze %dma_wait3A_796 : memref<1x64x128xf32, #tpu.memory_space<vmem>> -> memref<64x128xf32, #tpu.memory_space<vmem>>
    tpu.wait_dma2 semaphore(%arg21 : memref<!tpu.dma_semaphore, #tpu.memory_space<semaphore_mem>>) src(%dma_wait3A_797 : memref<64x128xf32, #tpu.memory_space<vmem>>) dst(%dma_wait3A_793 : memref<64x128xf32, #tpu.memory_space<hbm>>)
    %dma_start3A_798 = arith.constant 1 : i32
    %dma_start3A_799 = arith.constant 0 : i32
    %dma_start3A_800 = arith.constant 0 : i32
    %dma_start3A_801 = tpu.memref_slice %arg16[%dma_start3A_798, %dma_start3A_799, %dma_start3A_800] : memref<3x64x128xf32, #tpu.memory_space<vmem>> -> memref<1x64x128xf32, #tpu.memory_space<vmem>>
    %dma_start3A_802 = tpu.memref_squeeze %dma_start3A_801 : memref<1x64x128xf32, #tpu.memory_space<vmem>> -> memref<64x128xf32, #tpu.memory_space<vmem>>
    %dma_start3A_803 = arith.constant 448 : i32
    %dma_start3A_804 = tpu.memref_slice %arg12[%dma_start3A_803] : memref<1536xi32, #tpu.memory_space<vmem>> -> memref<64xi32, #tpu.memory_space<vmem>>
    %dma_start3A_805 = arith.constant 0 : i32
    %dma_start3A_806 = arith.constant 0 : i32
    %dma_start3A_807 = tpu.memref_slice %arg3[%dma_start3A_805, %dma_start3A_806] : memref<100000x128xf32, #tpu.memory_space<hbm>> -> memref<100000x128xf32, #tpu.memory_space<hbm>>
    tpu.enqueue_indirect_dma source(%dma_start3A_807 : memref<100000x128xf32, #tpu.memory_space<hbm>>) target(%dma_start3A_802 : memref<64x128xf32, #tpu.memory_space<vmem>>) offsets(%dma_start3A_804 : memref<64xi32, #tpu.memory_space<vmem>>) semaphore(%arg18 : memref<!tpu.dma_semaphore, #tpu.memory_space<semaphore_mem>>)
    %dma_wait3A_808 = arith.constant 0 : i32
    %dma_wait3A_809 = arith.constant 0 : i32
    %dma_wait3A_810 = arith.constant 0 : i32
    %dma_wait3A_811 = tpu.memref_slice %arg16[%dma_wait3A_808, %dma_wait3A_809, %dma_wait3A_810] : memref<3x64x128xf32, #tpu.memory_space<vmem>> -> memref<1x64x128xf32, #tpu.memory_space<vmem>>
    %dma_wait3A_812 = tpu.memref_squeeze %dma_wait3A_811 : memref<1x64x128xf32, #tpu.memory_space<vmem>> -> memref<64x128xf32, #tpu.memory_space<vmem>>
    %dma_wait3A_813 = arith.constant 384 : i32
    %dma_wait3A_814 = tpu.memref_slice %arg12[%dma_wait3A_813] : memref<1536xi32, #tpu.memory_space<vmem>> -> memref<64xi32, #tpu.memory_space<vmem>>
    %dma_wait3A_815 = arith.constant 0 : i32
    %dma_wait3A_816 = arith.constant 0 : i32
    %dma_wait3A_817 = tpu.memref_slice %arg3[%dma_wait3A_815, %dma_wait3A_816] : memref<100000x128xf32, #tpu.memory_space<hbm>> -> memref<100000x128xf32, #tpu.memory_space<hbm>>
    tpu.wait_indirect_dma semaphore(%arg17 : memref<!tpu.dma_semaphore, #tpu.memory_space<semaphore_mem>>) src(%dma_wait3A_817 : memref<100000x128xf32, #tpu.memory_space<hbm>>) dst(%dma_wait3A_812 : memref<64x128xf32, #tpu.memory_space<vmem>>)
    %add3A_818 = arith.constant 0 : i32
    %add3A_819 = arith.addi %add3A_818, %multiple_of3A_5 : i32
    %add3A_820 = arith.constant 384 : i32
    %add3A_821 = arith.addi %add3A_819, %add3A_820 : i32
    %multiple_of3A_822 = tpu.assume_multiple %add3A_821, 64 : i32
    %dma_start3A_823 = arith.constant 0 : i32
    %dma_start3A_824 = arith.constant 0 : i32
    %dma_start3A_825 = arith.constant 0 : i32
    %dma_start3A_826 = tpu.memref_slice %arg16[%dma_start3A_823, %dma_start3A_824, %dma_start3A_825] : memref<3x64x128xf32, #tpu.memory_space<vmem>> -> memref<1x64x128xf32, #tpu.memory_space<vmem>>
    %dma_start3A_827 = tpu.memref_squeeze %dma_start3A_826 : memref<1x64x128xf32, #tpu.memory_space<vmem>> -> memref<64x128xf32, #tpu.memory_space<vmem>>
    %dma_start3A_828 = arith.constant 0 : i32
    %dma_start3A_829 = tpu.memref_slice %arg9[%multiple_of3A_822, %dma_start3A_828] : memref<49152x128xf32, #tpu.memory_space<hbm>> -> memref<64x128xf32, #tpu.memory_space<hbm>>
    %dma_start3A_830 = arith.constant 0 : i32
    %dma_start3A_831 = tpu.memref_slice %arg9[%multiple_of3A_822, %dma_start3A_830] : memref<49152x128xf32, #tpu.memory_space<hbm>> -> memref<64x128xf32, #tpu.memory_space<hbm>>
    %dma_start3A_832 = arith.constant 0 : i32
    %dma_start3A_833 = arith.constant 0 : i32
    %dma_start3A_834 = tpu.memref_slice %arg16[%dma_start3A_823, %dma_start3A_832, %dma_start3A_833] : memref<3x64x128xf32, #tpu.memory_space<vmem>> -> memref<1x64x128xf32, #tpu.memory_space<vmem>>
    %dma_start3A_835 = tpu.memref_squeeze %dma_start3A_834 : memref<1x64x128xf32, #tpu.memory_space<vmem>> -> memref<64x128xf32, #tpu.memory_space<vmem>>
    tpu.enqueue_dma source(%dma_start3A_835 : memref<64x128xf32, #tpu.memory_space<vmem>>) target(%dma_start3A_831 : memref<64x128xf32, #tpu.memory_space<hbm>>) target_semaphore(%arg20 : memref<!tpu.dma_semaphore, #tpu.memory_space<semaphore_mem>>)
    %dma_wait3A_836 = arith.constant 2 : i32
    %dma_wait3A_837 = arith.constant 0 : i32
    %dma_wait3A_838 = arith.constant 0 : i32
    %dma_wait3A_839 = tpu.memref_slice %arg16[%dma_wait3A_836, %dma_wait3A_837, %dma_wait3A_838] : memref<3x64x128xf32, #tpu.memory_space<vmem>> -> memref<1x64x128xf32, #tpu.memory_space<vmem>>
    %dma_wait3A_840 = tpu.memref_squeeze %dma_wait3A_839 : memref<1x64x128xf32, #tpu.memory_space<vmem>> -> memref<64x128xf32, #tpu.memory_space<vmem>>
    %dma_wait3A_841 = arith.constant 0 : i32
    %dma_wait3A_842 = tpu.memref_slice %arg9[%multiple_of3A_771, %dma_wait3A_841] : memref<49152x128xf32, #tpu.memory_space<hbm>> -> memref<64x128xf32, #tpu.memory_space<hbm>>
    %dma_wait3A_843 = arith.constant 0 : i32
    %dma_wait3A_844 = tpu.memref_slice %arg9[%multiple_of3A_771, %dma_wait3A_843] : memref<49152x128xf32, #tpu.memory_space<hbm>> -> memref<64x128xf32, #tpu.memory_space<hbm>>
    %dma_wait3A_845 = arith.constant 0 : i32
    %dma_wait3A_846 = arith.constant 0 : i32
    %dma_wait3A_847 = tpu.memref_slice %arg16[%dma_wait3A_836, %dma_wait3A_845, %dma_wait3A_846] : memref<3x64x128xf32, #tpu.memory_space<vmem>> -> memref<1x64x128xf32, #tpu.memory_space<vmem>>
    %dma_wait3A_848 = tpu.memref_squeeze %dma_wait3A_847 : memref<1x64x128xf32, #tpu.memory_space<vmem>> -> memref<64x128xf32, #tpu.memory_space<vmem>>
    tpu.wait_dma2 semaphore(%arg22 : memref<!tpu.dma_semaphore, #tpu.memory_space<semaphore_mem>>) src(%dma_wait3A_848 : memref<64x128xf32, #tpu.memory_space<vmem>>) dst(%dma_wait3A_844 : memref<64x128xf32, #tpu.memory_space<hbm>>)
    %dma_start3A_849 = arith.constant 2 : i32
    %dma_start3A_850 = arith.constant 0 : i32
    %dma_start3A_851 = arith.constant 0 : i32
    %dma_start3A_852 = tpu.memref_slice %arg16[%dma_start3A_849, %dma_start3A_850, %dma_start3A_851] : memref<3x64x128xf32, #tpu.memory_space<vmem>> -> memref<1x64x128xf32, #tpu.memory_space<vmem>>
    %dma_start3A_853 = tpu.memref_squeeze %dma_start3A_852 : memref<1x64x128xf32, #tpu.memory_space<vmem>> -> memref<64x128xf32, #tpu.memory_space<vmem>>
    %dma_start3A_854 = arith.constant 512 : i32
    %dma_start3A_855 = tpu.memref_slice %arg12[%dma_start3A_854] : memref<1536xi32, #tpu.memory_space<vmem>> -> memref<64xi32, #tpu.memory_space<vmem>>
    %dma_start3A_856 = arith.constant 0 : i32
    %dma_start3A_857 = arith.constant 0 : i32
    %dma_start3A_858 = tpu.memref_slice %arg3[%dma_start3A_856, %dma_start3A_857] : memref<100000x128xf32, #tpu.memory_space<hbm>> -> memref<100000x128xf32, #tpu.memory_space<hbm>>
    tpu.enqueue_indirect_dma source(%dma_start3A_858 : memref<100000x128xf32, #tpu.memory_space<hbm>>) target(%dma_start3A_853 : memref<64x128xf32, #tpu.memory_space<vmem>>) offsets(%dma_start3A_855 : memref<64xi32, #tpu.memory_space<vmem>>) semaphore(%arg19 : memref<!tpu.dma_semaphore, #tpu.memory_space<semaphore_mem>>)
    %dma_wait3A_859 = arith.constant 1 : i32
    %dma_wait3A_860 = arith.constant 0 : i32
    %dma_wait3A_861 = arith.constant 0 : i32
    %dma_wait3A_862 = tpu.memref_slice %arg16[%dma_wait3A_859, %dma_wait3A_860, %dma_wait3A_861] : memref<3x64x128xf32, #tpu.memory_space<vmem>> -> memref<1x64x128xf32, #tpu.memory_space<vmem>>
    %dma_wait3A_863 = tpu.memref_squeeze %dma_wait3A_862 : memref<1x64x128xf32, #tpu.memory_space<vmem>> -> memref<64x128xf32, #tpu.memory_space<vmem>>
    %dma_wait3A_864 = arith.constant 448 : i32
    %dma_wait3A_865 = tpu.memref_slice %arg12[%dma_wait3A_864] : memref<1536xi32, #tpu.memory_space<vmem>> -> memref<64xi32, #tpu.memory_space<vmem>>
    %dma_wait3A_866 = arith.constant 0 : i32
    %dma_wait3A_867 = arith.constant 0 : i32
    %dma_wait3A_868 = tpu.memref_slice %arg3[%dma_wait3A_866, %dma_wait3A_867] : memref<100000x128xf32, #tpu.memory_space<hbm>> -> memref<100000x128xf32, #tpu.memory_space<hbm>>
    tpu.wait_indirect_dma semaphore(%arg18 : memref<!tpu.dma_semaphore, #tpu.memory_space<semaphore_mem>>) src(%dma_wait3A_868 : memref<100000x128xf32, #tpu.memory_space<hbm>>) dst(%dma_wait3A_863 : memref<64x128xf32, #tpu.memory_space<vmem>>)
    %add3A_869 = arith.constant 0 : i32
    %add3A_870 = arith.addi %add3A_869, %multiple_of3A_5 : i32
    %add3A_871 = arith.constant 448 : i32
    %add3A_872 = arith.addi %add3A_870, %add3A_871 : i32
    %multiple_of3A_873 = tpu.assume_multiple %add3A_872, 64 : i32
    %dma_start3A_874 = arith.constant 1 : i32
    %dma_start3A_875 = arith.constant 0 : i32
    %dma_start3A_876 = arith.constant 0 : i32
    %dma_start3A_877 = tpu.memref_slice %arg16[%dma_start3A_874, %dma_start3A_875, %dma_start3A_876] : memref<3x64x128xf32, #tpu.memory_space<vmem>> -> memref<1x64x128xf32, #tpu.memory_space<vmem>>
    %dma_start3A_878 = tpu.memref_squeeze %dma_start3A_877 : memref<1x64x128xf32, #tpu.memory_space<vmem>> -> memref<64x128xf32, #tpu.memory_space<vmem>>
    %dma_start3A_879 = arith.constant 0 : i32
    %dma_start3A_880 = tpu.memref_slice %arg9[%multiple_of3A_873, %dma_start3A_879] : memref<49152x128xf32, #tpu.memory_space<hbm>> -> memref<64x128xf32, #tpu.memory_space<hbm>>
    %dma_start3A_881 = arith.constant 0 : i32
    %dma_start3A_882 = tpu.memref_slice %arg9[%multiple_of3A_873, %dma_start3A_881] : memref<49152x128xf32, #tpu.memory_space<hbm>> -> memref<64x128xf32, #tpu.memory_space<hbm>>
    %dma_start3A_883 = arith.constant 0 : i32
    %dma_start3A_884 = arith.constant 0 : i32
    %dma_start3A_885 = tpu.memref_slice %arg16[%dma_start3A_874, %dma_start3A_883, %dma_start3A_884] : memref<3x64x128xf32, #tpu.memory_space<vmem>> -> memref<1x64x128xf32, #tpu.memory_space<vmem>>
    %dma_start3A_886 = tpu.memref_squeeze %dma_start3A_885 : memref<1x64x128xf32, #tpu.memory_space<vmem>> -> memref<64x128xf32, #tpu.memory_space<vmem>>
    tpu.enqueue_dma source(%dma_start3A_886 : memref<64x128xf32, #tpu.memory_space<vmem>>) target(%dma_start3A_882 : memref<64x128xf32, #tpu.memory_space<hbm>>) target_semaphore(%arg21 : memref<!tpu.dma_semaphore, #tpu.memory_space<semaphore_mem>>)
    %dma_wait3A_887 = arith.constant 0 : i32
    %dma_wait3A_888 = arith.constant 0 : i32
    %dma_wait3A_889 = arith.constant 0 : i32
    %dma_wait3A_890 = tpu.memref_slice %arg16[%dma_wait3A_887, %dma_wait3A_888, %dma_wait3A_889] : memref<3x64x128xf32, #tpu.memory_space<vmem>> -> memref<1x64x128xf32, #tpu.memory_space<vmem>>
    %dma_wait3A_891 = tpu.memref_squeeze %dma_wait3A_890 : memref<1x64x128xf32, #tpu.memory_space<vmem>> -> memref<64x128xf32, #tpu.memory_space<vmem>>
    %dma_wait3A_892 = arith.constant 0 : i32
    %dma_wait3A_893 = tpu.memref_slice %arg9[%multiple_of3A_822, %dma_wait3A_892] : memref<49152x128xf32, #tpu.memory_space<hbm>> -> memref<64x128xf32, #tpu.memory_space<hbm>>
    %dma_wait3A_894 = arith.constant 0 : i32
    %dma_wait3A_895 = tpu.memref_slice %arg9[%multiple_of3A_822, %dma_wait3A_894] : memref<49152x128xf32, #tpu.memory_space<hbm>> -> memref<64x128xf32, #tpu.memory_space<hbm>>
    %dma_wait3A_896 = arith.constant 0 : i32
    %dma_wait3A_897 = arith.constant 0 : i32
    %dma_wait3A_898 = tpu.memref_slice %arg16[%dma_wait3A_887, %dma_wait3A_896, %dma_wait3A_897] : memref<3x64x128xf32, #tpu.memory_space<vmem>> -> memref<1x64x128xf32, #tpu.memory_space<vmem>>
    %dma_wait3A_899 = tpu.memref_squeeze %dma_wait3A_898 : memref<1x64x128xf32, #tpu.memory_space<vmem>> -> memref<64x128xf32, #tpu.memory_space<vmem>>
    tpu.wait_dma2 semaphore(%arg20 : memref<!tpu.dma_semaphore, #tpu.memory_space<semaphore_mem>>) src(%dma_wait3A_899 : memref<64x128xf32, #tpu.memory_space<vmem>>) dst(%dma_wait3A_895 : memref<64x128xf32, #tpu.memory_space<hbm>>)
    %dma_start3A_900 = arith.constant 0 : i32
    %dma_start3A_901 = arith.constant 0 : i32
    %dma_start3A_902 = arith.constant 0 : i32
    %dma_start3A_903 = tpu.memref_slice %arg16[%dma_start3A_900, %dma_start3A_901, %dma_start3A_902] : memref<3x64x128xf32, #tpu.memory_space<vmem>> -> memref<1x64x128xf32, #tpu.memory_space<vmem>>
    %dma_start3A_904 = tpu.memref_squeeze %dma_start3A_903 : memref<1x64x128xf32, #tpu.memory_space<vmem>> -> memref<64x128xf32, #tpu.memory_space<vmem>>
    %dma_start3A_905 = arith.constant 576 : i32
    %dma_start3A_906 = tpu.memref_slice %arg12[%dma_start3A_905] : memref<1536xi32, #tpu.memory_space<vmem>> -> memref<64xi32, #tpu.memory_space<vmem>>
    %dma_start3A_907 = arith.constant 0 : i32
    %dma_start3A_908 = arith.constant 0 : i32
    %dma_start3A_909 = tpu.memref_slice %arg3[%dma_start3A_907, %dma_start3A_908] : memref<100000x128xf32, #tpu.memory_space<hbm>> -> memref<100000x128xf32, #tpu.memory_space<hbm>>
    tpu.enqueue_indirect_dma source(%dma_start3A_909 : memref<100000x128xf32, #tpu.memory_space<hbm>>) target(%dma_start3A_904 : memref<64x128xf32, #tpu.memory_space<vmem>>) offsets(%dma_start3A_906 : memref<64xi32, #tpu.memory_space<vmem>>) semaphore(%arg17 : memref<!tpu.dma_semaphore, #tpu.memory_space<semaphore_mem>>)
    %dma_wait3A_910 = arith.constant 2 : i32
    %dma_wait3A_911 = arith.constant 0 : i32
    %dma_wait3A_912 = arith.constant 0 : i32
    %dma_wait3A_913 = tpu.memref_slice %arg16[%dma_wait3A_910, %dma_wait3A_911, %dma_wait3A_912] : memref<3x64x128xf32, #tpu.memory_space<vmem>> -> memref<1x64x128xf32, #tpu.memory_space<vmem>>
    %dma_wait3A_914 = tpu.memref_squeeze %dma_wait3A_913 : memref<1x64x128xf32, #tpu.memory_space<vmem>> -> memref<64x128xf32, #tpu.memory_space<vmem>>
    %dma_wait3A_915 = arith.constant 512 : i32
    %dma_wait3A_916 = tpu.memref_slice %arg12[%dma_wait3A_915] : memref<1536xi32, #tpu.memory_space<vmem>> -> memref<64xi32, #tpu.memory_space<vmem>>
    %dma_wait3A_917 = arith.constant 0 : i32
    %dma_wait3A_918 = arith.constant 0 : i32
    %dma_wait3A_919 = tpu.memref_slice %arg3[%dma_wait3A_917, %dma_wait3A_918] : memref<100000x128xf32, #tpu.memory_space<hbm>> -> memref<100000x128xf32, #tpu.memory_space<hbm>>
    tpu.wait_indirect_dma semaphore(%arg19 : memref<!tpu.dma_semaphore, #tpu.memory_space<semaphore_mem>>) src(%dma_wait3A_919 : memref<100000x128xf32, #tpu.memory_space<hbm>>) dst(%dma_wait3A_914 : memref<64x128xf32, #tpu.memory_space<vmem>>)
    %add3A_920 = arith.constant 16384 : i32
    %add3A_921 = arith.addi %add3A_920, %multiple_of3A_5 : i32
    %add3A_922 = arith.constant 0 : i32
    %add3A_923 = arith.addi %add3A_921, %add3A_922 : i32
    %multiple_of3A_924 = tpu.assume_multiple %add3A_923, 64 : i32
    %dma_start3A_925 = arith.constant 2 : i32
    %dma_start3A_926 = arith.constant 0 : i32
    %dma_start3A_927 = arith.constant 0 : i32
    %dma_start3A_928 = tpu.memref_slice %arg16[%dma_start3A_925, %dma_start3A_926, %dma_start3A_927] : memref<3x64x128xf32, #tpu.memory_space<vmem>> -> memref<1x64x128xf32, #tpu.memory_space<vmem>>
    %dma_start3A_929 = tpu.memref_squeeze %dma_start3A_928 : memref<1x64x128xf32, #tpu.memory_space<vmem>> -> memref<64x128xf32, #tpu.memory_space<vmem>>
    %dma_start3A_930 = arith.constant 0 : i32
    %dma_start3A_931 = tpu.memref_slice %arg9[%multiple_of3A_924, %dma_start3A_930] : memref<49152x128xf32, #tpu.memory_space<hbm>> -> memref<64x128xf32, #tpu.memory_space<hbm>>
    %dma_start3A_932 = arith.constant 0 : i32
    %dma_start3A_933 = tpu.memref_slice %arg9[%multiple_of3A_924, %dma_start3A_932] : memref<49152x128xf32, #tpu.memory_space<hbm>> -> memref<64x128xf32, #tpu.memory_space<hbm>>
    %dma_start3A_934 = arith.constant 0 : i32
    %dma_start3A_935 = arith.constant 0 : i32
    %dma_start3A_936 = tpu.memref_slice %arg16[%dma_start3A_925, %dma_start3A_934, %dma_start3A_935] : memref<3x64x128xf32, #tpu.memory_space<vmem>> -> memref<1x64x128xf32, #tpu.memory_space<vmem>>
    %dma_start3A_937 = tpu.memref_squeeze %dma_start3A_936 : memref<1x64x128xf32, #tpu.memory_space<vmem>> -> memref<64x128xf32, #tpu.memory_space<vmem>>
    tpu.enqueue_dma source(%dma_start3A_937 : memref<64x128xf32, #tpu.memory_space<vmem>>) target(%dma_start3A_933 : memref<64x128xf32, #tpu.memory_space<hbm>>) target_semaphore(%arg22 : memref<!tpu.dma_semaphore, #tpu.memory_space<semaphore_mem>>)
    %dma_wait3A_938 = arith.constant 1 : i32
    %dma_wait3A_939 = arith.constant 0 : i32
    %dma_wait3A_940 = arith.constant 0 : i32
    %dma_wait3A_941 = tpu.memref_slice %arg16[%dma_wait3A_938, %dma_wait3A_939, %dma_wait3A_940] : memref<3x64x128xf32, #tpu.memory_space<vmem>> -> memref<1x64x128xf32, #tpu.memory_space<vmem>>
    %dma_wait3A_942 = tpu.memref_squeeze %dma_wait3A_941 : memref<1x64x128xf32, #tpu.memory_space<vmem>> -> memref<64x128xf32, #tpu.memory_space<vmem>>
    %dma_wait3A_943 = arith.constant 0 : i32
    %dma_wait3A_944 = tpu.memref_slice %arg9[%multiple_of3A_873, %dma_wait3A_943] : memref<49152x128xf32, #tpu.memory_space<hbm>> -> memref<64x128xf32, #tpu.memory_space<hbm>>
    %dma_wait3A_945 = arith.constant 0 : i32
    %dma_wait3A_946 = tpu.memref_slice %arg9[%multiple_of3A_873, %dma_wait3A_945] : memref<49152x128xf32, #tpu.memory_space<hbm>> -> memref<64x128xf32, #tpu.memory_space<hbm>>
    %dma_wait3A_947 = arith.constant 0 : i32
    %dma_wait3A_948 = arith.constant 0 : i32
    %dma_wait3A_949 = tpu.memref_slice %arg16[%dma_wait3A_938, %dma_wait3A_947, %dma_wait3A_948] : memref<3x64x128xf32, #tpu.memory_space<vmem>> -> memref<1x64x128xf32, #tpu.memory_space<vmem>>
    %dma_wait3A_950 = tpu.memref_squeeze %dma_wait3A_949 : memref<1x64x128xf32, #tpu.memory_space<vmem>> -> memref<64x128xf32, #tpu.memory_space<vmem>>
    tpu.wait_dma2 semaphore(%arg21 : memref<!tpu.dma_semaphore, #tpu.memory_space<semaphore_mem>>) src(%dma_wait3A_950 : memref<64x128xf32, #tpu.memory_space<vmem>>) dst(%dma_wait3A_946 : memref<64x128xf32, #tpu.memory_space<hbm>>)
    %dma_start3A_951 = arith.constant 1 : i32
    %dma_start3A_952 = arith.constant 0 : i32
    %dma_start3A_953 = arith.constant 0 : i32
    %dma_start3A_954 = tpu.memref_slice %arg16[%dma_start3A_951, %dma_start3A_952, %dma_start3A_953] : memref<3x64x128xf32, #tpu.memory_space<vmem>> -> memref<1x64x128xf32, #tpu.memory_space<vmem>>
    %dma_start3A_955 = tpu.memref_squeeze %dma_start3A_954 : memref<1x64x128xf32, #tpu.memory_space<vmem>> -> memref<64x128xf32, #tpu.memory_space<vmem>>
    %dma_start3A_956 = arith.constant 640 : i32
    %dma_start3A_957 = tpu.memref_slice %arg12[%dma_start3A_956] : memref<1536xi32, #tpu.memory_space<vmem>> -> memref<64xi32, #tpu.memory_space<vmem>>
    %dma_start3A_958 = arith.constant 0 : i32
    %dma_start3A_959 = arith.constant 0 : i32
    %dma_start3A_960 = tpu.memref_slice %arg3[%dma_start3A_958, %dma_start3A_959] : memref<100000x128xf32, #tpu.memory_space<hbm>> -> memref<100000x128xf32, #tpu.memory_space<hbm>>
    tpu.enqueue_indirect_dma source(%dma_start3A_960 : memref<100000x128xf32, #tpu.memory_space<hbm>>) target(%dma_start3A_955 : memref<64x128xf32, #tpu.memory_space<vmem>>) offsets(%dma_start3A_957 : memref<64xi32, #tpu.memory_space<vmem>>) semaphore(%arg18 : memref<!tpu.dma_semaphore, #tpu.memory_space<semaphore_mem>>)
    %dma_wait3A_961 = arith.constant 0 : i32
    %dma_wait3A_962 = arith.constant 0 : i32
    %dma_wait3A_963 = arith.constant 0 : i32
    %dma_wait3A_964 = tpu.memref_slice %arg16[%dma_wait3A_961, %dma_wait3A_962, %dma_wait3A_963] : memref<3x64x128xf32, #tpu.memory_space<vmem>> -> memref<1x64x128xf32, #tpu.memory_space<vmem>>
    %dma_wait3A_965 = tpu.memref_squeeze %dma_wait3A_964 : memref<1x64x128xf32, #tpu.memory_space<vmem>> -> memref<64x128xf32, #tpu.memory_space<vmem>>
    %dma_wait3A_966 = arith.constant 576 : i32
    %dma_wait3A_967 = tpu.memref_slice %arg12[%dma_wait3A_966] : memref<1536xi32, #tpu.memory_space<vmem>> -> memref<64xi32, #tpu.memory_space<vmem>>
    %dma_wait3A_968 = arith.constant 0 : i32
    %dma_wait3A_969 = arith.constant 0 : i32
    %dma_wait3A_970 = tpu.memref_slice %arg3[%dma_wait3A_968, %dma_wait3A_969] : memref<100000x128xf32, #tpu.memory_space<hbm>> -> memref<100000x128xf32, #tpu.memory_space<hbm>>
    tpu.wait_indirect_dma semaphore(%arg17 : memref<!tpu.dma_semaphore, #tpu.memory_space<semaphore_mem>>) src(%dma_wait3A_970 : memref<100000x128xf32, #tpu.memory_space<hbm>>) dst(%dma_wait3A_965 : memref<64x128xf32, #tpu.memory_space<vmem>>)
    %add3A_971 = arith.constant 16384 : i32
    %add3A_972 = arith.addi %add3A_971, %multiple_of3A_5 : i32
    %add3A_973 = arith.constant 64 : i32
    %add3A_974 = arith.addi %add3A_972, %add3A_973 : i32
    %multiple_of3A_975 = tpu.assume_multiple %add3A_974, 64 : i32
    %dma_start3A_976 = arith.constant 0 : i32
    %dma_start3A_977 = arith.constant 0 : i32
    %dma_start3A_978 = arith.constant 0 : i32
    %dma_start3A_979 = tpu.memref_slice %arg16[%dma_start3A_976, %dma_start3A_977, %dma_start3A_978] : memref<3x64x128xf32, #tpu.memory_space<vmem>> -> memref<1x64x128xf32, #tpu.memory_space<vmem>>
    %dma_start3A_980 = tpu.memref_squeeze %dma_start3A_979 : memref<1x64x128xf32, #tpu.memory_space<vmem>> -> memref<64x128xf32, #tpu.memory_space<vmem>>
    %dma_start3A_981 = arith.constant 0 : i32
    %dma_start3A_982 = tpu.memref_slice %arg9[%multiple_of3A_975, %dma_start3A_981] : memref<49152x128xf32, #tpu.memory_space<hbm>> -> memref<64x128xf32, #tpu.memory_space<hbm>>
    %dma_start3A_983 = arith.constant 0 : i32
    %dma_start3A_984 = tpu.memref_slice %arg9[%multiple_of3A_975, %dma_start3A_983] : memref<49152x128xf32, #tpu.memory_space<hbm>> -> memref<64x128xf32, #tpu.memory_space<hbm>>
    %dma_start3A_985 = arith.constant 0 : i32
    %dma_start3A_986 = arith.constant 0 : i32
    %dma_start3A_987 = tpu.memref_slice %arg16[%dma_start3A_976, %dma_start3A_985, %dma_start3A_986] : memref<3x64x128xf32, #tpu.memory_space<vmem>> -> memref<1x64x128xf32, #tpu.memory_space<vmem>>
    %dma_start3A_988 = tpu.memref_squeeze %dma_start3A_987 : memref<1x64x128xf32, #tpu.memory_space<vmem>> -> memref<64x128xf32, #tpu.memory_space<vmem>>
    tpu.enqueue_dma source(%dma_start3A_988 : memref<64x128xf32, #tpu.memory_space<vmem>>) target(%dma_start3A_984 : memref<64x128xf32, #tpu.memory_space<hbm>>) target_semaphore(%arg20 : memref<!tpu.dma_semaphore, #tpu.memory_space<semaphore_mem>>)
    %dma_wait3A_989 = arith.constant 2 : i32
    %dma_wait3A_990 = arith.constant 0 : i32
    %dma_wait3A_991 = arith.constant 0 : i32
    %dma_wait3A_992 = tpu.memref_slice %arg16[%dma_wait3A_989, %dma_wait3A_990, %dma_wait3A_991] : memref<3x64x128xf32, #tpu.memory_space<vmem>> -> memref<1x64x128xf32, #tpu.memory_space<vmem>>
    %dma_wait3A_993 = tpu.memref_squeeze %dma_wait3A_992 : memref<1x64x128xf32, #tpu.memory_space<vmem>> -> memref<64x128xf32, #tpu.memory_space<vmem>>
    %dma_wait3A_994 = arith.constant 0 : i32
    %dma_wait3A_995 = tpu.memref_slice %arg9[%multiple_of3A_924, %dma_wait3A_994] : memref<49152x128xf32, #tpu.memory_space<hbm>> -> memref<64x128xf32, #tpu.memory_space<hbm>>
    %dma_wait3A_996 = arith.constant 0 : i32
    %dma_wait3A_997 = tpu.memref_slice %arg9[%multiple_of3A_924, %dma_wait3A_996] : memref<49152x128xf32, #tpu.memory_space<hbm>> -> memref<64x128xf32, #tpu.memory_space<hbm>>
    %dma_wait3A_998 = arith.constant 0 : i32
    %dma_wait3A_999 = arith.constant 0 : i32
    %dma_wait3A_1000 = tpu.memref_slice %arg16[%dma_wait3A_989, %dma_wait3A_998, %dma_wait3A_999] : memref<3x64x128xf32, #tpu.memory_space<vmem>> -> memref<1x64x128xf32, #tpu.memory_space<vmem>>
    %dma_wait3A_1001 = tpu.memref_squeeze %dma_wait3A_1000 : memref<1x64x128xf32, #tpu.memory_space<vmem>> -> memref<64x128xf32, #tpu.memory_space<vmem>>
    tpu.wait_dma2 semaphore(%arg22 : memref<!tpu.dma_semaphore, #tpu.memory_space<semaphore_mem>>) src(%dma_wait3A_1001 : memref<64x128xf32, #tpu.memory_space<vmem>>) dst(%dma_wait3A_997 : memref<64x128xf32, #tpu.memory_space<hbm>>)
    %dma_start3A_1002 = arith.constant 2 : i32
    %dma_start3A_1003 = arith.constant 0 : i32
    %dma_start3A_1004 = arith.constant 0 : i32
    %dma_start3A_1005 = tpu.memref_slice %arg16[%dma_start3A_1002, %dma_start3A_1003, %dma_start3A_1004] : memref<3x64x128xf32, #tpu.memory_space<vmem>> -> memref<1x64x128xf32, #tpu.memory_space<vmem>>
    %dma_start3A_1006 = tpu.memref_squeeze %dma_start3A_1005 : memref<1x64x128xf32, #tpu.memory_space<vmem>> -> memref<64x128xf32, #tpu.memory_space<vmem>>
    %dma_start3A_1007 = arith.constant 704 : i32
    %dma_start3A_1008 = tpu.memref_slice %arg12[%dma_start3A_1007] : memref<1536xi32, #tpu.memory_space<vmem>> -> memref<64xi32, #tpu.memory_space<vmem>>
    %dma_start3A_1009 = arith.constant 0 : i32
    %dma_start3A_1010 = arith.constant 0 : i32
    %dma_start3A_1011 = tpu.memref_slice %arg3[%dma_start3A_1009, %dma_start3A_1010] : memref<100000x128xf32, #tpu.memory_space<hbm>> -> memref<100000x128xf32, #tpu.memory_space<hbm>>
    tpu.enqueue_indirect_dma source(%dma_start3A_1011 : memref<100000x128xf32, #tpu.memory_space<hbm>>) target(%dma_start3A_1006 : memref<64x128xf32, #tpu.memory_space<vmem>>) offsets(%dma_start3A_1008 : memref<64xi32, #tpu.memory_space<vmem>>) semaphore(%arg19 : memref<!tpu.dma_semaphore, #tpu.memory_space<semaphore_mem>>)
    %dma_wait3A_1012 = arith.constant 1 : i32
    %dma_wait3A_1013 = arith.constant 0 : i32
    %dma_wait3A_1014 = arith.constant 0 : i32
    %dma_wait3A_1015 = tpu.memref_slice %arg16[%dma_wait3A_1012, %dma_wait3A_1013, %dma_wait3A_1014] : memref<3x64x128xf32, #tpu.memory_space<vmem>> -> memref<1x64x128xf32, #tpu.memory_space<vmem>>
    %dma_wait3A_1016 = tpu.memref_squeeze %dma_wait3A_1015 : memref<1x64x128xf32, #tpu.memory_space<vmem>> -> memref<64x128xf32, #tpu.memory_space<vmem>>
    %dma_wait3A_1017 = arith.constant 640 : i32
    %dma_wait3A_1018 = tpu.memref_slice %arg12[%dma_wait3A_1017] : memref<1536xi32, #tpu.memory_space<vmem>> -> memref<64xi32, #tpu.memory_space<vmem>>
    %dma_wait3A_1019 = arith.constant 0 : i32
    %dma_wait3A_1020 = arith.constant 0 : i32
    %dma_wait3A_1021 = tpu.memref_slice %arg3[%dma_wait3A_1019, %dma_wait3A_1020] : memref<100000x128xf32, #tpu.memory_space<hbm>> -> memref<100000x128xf32, #tpu.memory_space<hbm>>
    tpu.wait_indirect_dma semaphore(%arg18 : memref<!tpu.dma_semaphore, #tpu.memory_space<semaphore_mem>>) src(%dma_wait3A_1021 : memref<100000x128xf32, #tpu.memory_space<hbm>>) dst(%dma_wait3A_1016 : memref<64x128xf32, #tpu.memory_space<vmem>>)
    %add3A_1022 = arith.constant 16384 : i32
    %add3A_1023 = arith.addi %add3A_1022, %multiple_of3A_5 : i32
    %add3A_1024 = arith.constant 128 : i32
    %add3A_1025 = arith.addi %add3A_1023, %add3A_1024 : i32
    %multiple_of3A_1026 = tpu.assume_multiple %add3A_1025, 64 : i32
    %dma_start3A_1027 = arith.constant 1 : i32
    %dma_start3A_1028 = arith.constant 0 : i32
    %dma_start3A_1029 = arith.constant 0 : i32
    %dma_start3A_1030 = tpu.memref_slice %arg16[%dma_start3A_1027, %dma_start3A_1028, %dma_start3A_1029] : memref<3x64x128xf32, #tpu.memory_space<vmem>> -> memref<1x64x128xf32, #tpu.memory_space<vmem>>
    %dma_start3A_1031 = tpu.memref_squeeze %dma_start3A_1030 : memref<1x64x128xf32, #tpu.memory_space<vmem>> -> memref<64x128xf32, #tpu.memory_space<vmem>>
    %dma_start3A_1032 = arith.constant 0 : i32
    %dma_start3A_1033 = tpu.memref_slice %arg9[%multiple_of3A_1026, %dma_start3A_1032] : memref<49152x128xf32, #tpu.memory_space<hbm>> -> memref<64x128xf32, #tpu.memory_space<hbm>>
    %dma_start3A_1034 = arith.constant 0 : i32
    %dma_start3A_1035 = tpu.memref_slice %arg9[%multiple_of3A_1026, %dma_start3A_1034] : memref<49152x128xf32, #tpu.memory_space<hbm>> -> memref<64x128xf32, #tpu.memory_space<hbm>>
    %dma_start3A_1036 = arith.constant 0 : i32
    %dma_start3A_1037 = arith.constant 0 : i32
    %dma_start3A_1038 = tpu.memref_slice %arg16[%dma_start3A_1027, %dma_start3A_1036, %dma_start3A_1037] : memref<3x64x128xf32, #tpu.memory_space<vmem>> -> memref<1x64x128xf32, #tpu.memory_space<vmem>>
    %dma_start3A_1039 = tpu.memref_squeeze %dma_start3A_1038 : memref<1x64x128xf32, #tpu.memory_space<vmem>> -> memref<64x128xf32, #tpu.memory_space<vmem>>
    tpu.enqueue_dma source(%dma_start3A_1039 : memref<64x128xf32, #tpu.memory_space<vmem>>) target(%dma_start3A_1035 : memref<64x128xf32, #tpu.memory_space<hbm>>) target_semaphore(%arg21 : memref<!tpu.dma_semaphore, #tpu.memory_space<semaphore_mem>>)
    %dma_wait3A_1040 = arith.constant 0 : i32
    %dma_wait3A_1041 = arith.constant 0 : i32
    %dma_wait3A_1042 = arith.constant 0 : i32
    %dma_wait3A_1043 = tpu.memref_slice %arg16[%dma_wait3A_1040, %dma_wait3A_1041, %dma_wait3A_1042] : memref<3x64x128xf32, #tpu.memory_space<vmem>> -> memref<1x64x128xf32, #tpu.memory_space<vmem>>
    %dma_wait3A_1044 = tpu.memref_squeeze %dma_wait3A_1043 : memref<1x64x128xf32, #tpu.memory_space<vmem>> -> memref<64x128xf32, #tpu.memory_space<vmem>>
    %dma_wait3A_1045 = arith.constant 0 : i32
    %dma_wait3A_1046 = tpu.memref_slice %arg9[%multiple_of3A_975, %dma_wait3A_1045] : memref<49152x128xf32, #tpu.memory_space<hbm>> -> memref<64x128xf32, #tpu.memory_space<hbm>>
    %dma_wait3A_1047 = arith.constant 0 : i32
    %dma_wait3A_1048 = tpu.memref_slice %arg9[%multiple_of3A_975, %dma_wait3A_1047] : memref<49152x128xf32, #tpu.memory_space<hbm>> -> memref<64x128xf32, #tpu.memory_space<hbm>>
    %dma_wait3A_1049 = arith.constant 0 : i32
    %dma_wait3A_1050 = arith.constant 0 : i32
    %dma_wait3A_1051 = tpu.memref_slice %arg16[%dma_wait3A_1040, %dma_wait3A_1049, %dma_wait3A_1050] : memref<3x64x128xf32, #tpu.memory_space<vmem>> -> memref<1x64x128xf32, #tpu.memory_space<vmem>>
    %dma_wait3A_1052 = tpu.memref_squeeze %dma_wait3A_1051 : memref<1x64x128xf32, #tpu.memory_space<vmem>> -> memref<64x128xf32, #tpu.memory_space<vmem>>
    tpu.wait_dma2 semaphore(%arg20 : memref<!tpu.dma_semaphore, #tpu.memory_space<semaphore_mem>>) src(%dma_wait3A_1052 : memref<64x128xf32, #tpu.memory_space<vmem>>) dst(%dma_wait3A_1048 : memref<64x128xf32, #tpu.memory_space<hbm>>)
    %dma_start3A_1053 = arith.constant 0 : i32
    %dma_start3A_1054 = arith.constant 0 : i32
    %dma_start3A_1055 = arith.constant 0 : i32
    %dma_start3A_1056 = tpu.memref_slice %arg16[%dma_start3A_1053, %dma_start3A_1054, %dma_start3A_1055] : memref<3x64x128xf32, #tpu.memory_space<vmem>> -> memref<1x64x128xf32, #tpu.memory_space<vmem>>
    %dma_start3A_1057 = tpu.memref_squeeze %dma_start3A_1056 : memref<1x64x128xf32, #tpu.memory_space<vmem>> -> memref<64x128xf32, #tpu.memory_space<vmem>>
    %dma_start3A_1058 = arith.constant 768 : i32
    %dma_start3A_1059 = tpu.memref_slice %arg12[%dma_start3A_1058] : memref<1536xi32, #tpu.memory_space<vmem>> -> memref<64xi32, #tpu.memory_space<vmem>>
    %dma_start3A_1060 = arith.constant 0 : i32
    %dma_start3A_1061 = arith.constant 0 : i32
    %dma_start3A_1062 = tpu.memref_slice %arg3[%dma_start3A_1060, %dma_start3A_1061] : memref<100000x128xf32, #tpu.memory_space<hbm>> -> memref<100000x128xf32, #tpu.memory_space<hbm>>
    tpu.enqueue_indirect_dma source(%dma_start3A_1062 : memref<100000x128xf32, #tpu.memory_space<hbm>>) target(%dma_start3A_1057 : memref<64x128xf32, #tpu.memory_space<vmem>>) offsets(%dma_start3A_1059 : memref<64xi32, #tpu.memory_space<vmem>>) semaphore(%arg17 : memref<!tpu.dma_semaphore, #tpu.memory_space<semaphore_mem>>)
    %dma_wait3A_1063 = arith.constant 2 : i32
    %dma_wait3A_1064 = arith.constant 0 : i32
    %dma_wait3A_1065 = arith.constant 0 : i32
    %dma_wait3A_1066 = tpu.memref_slice %arg16[%dma_wait3A_1063, %dma_wait3A_1064, %dma_wait3A_1065] : memref<3x64x128xf32, #tpu.memory_space<vmem>> -> memref<1x64x128xf32, #tpu.memory_space<vmem>>
    %dma_wait3A_1067 = tpu.memref_squeeze %dma_wait3A_1066 : memref<1x64x128xf32, #tpu.memory_space<vmem>> -> memref<64x128xf32, #tpu.memory_space<vmem>>
    %dma_wait3A_1068 = arith.constant 704 : i32
    %dma_wait3A_1069 = tpu.memref_slice %arg12[%dma_wait3A_1068] : memref<1536xi32, #tpu.memory_space<vmem>> -> memref<64xi32, #tpu.memory_space<vmem>>
    %dma_wait3A_1070 = arith.constant 0 : i32
    %dma_wait3A_1071 = arith.constant 0 : i32
    %dma_wait3A_1072 = tpu.memref_slice %arg3[%dma_wait3A_1070, %dma_wait3A_1071] : memref<100000x128xf32, #tpu.memory_space<hbm>> -> memref<100000x128xf32, #tpu.memory_space<hbm>>
    tpu.wait_indirect_dma semaphore(%arg19 : memref<!tpu.dma_semaphore, #tpu.memory_space<semaphore_mem>>) src(%dma_wait3A_1072 : memref<100000x128xf32, #tpu.memory_space<hbm>>) dst(%dma_wait3A_1067 : memref<64x128xf32, #tpu.memory_space<vmem>>)
    %add3A_1073 = arith.constant 16384 : i32
    %add3A_1074 = arith.addi %add3A_1073, %multiple_of3A_5 : i32
    %add3A_1075 = arith.constant 192 : i32
    %add3A_1076 = arith.addi %add3A_1074, %add3A_1075 : i32
    %multiple_of3A_1077 = tpu.assume_multiple %add3A_1076, 64 : i32
    %dma_start3A_1078 = arith.constant 2 : i32
    %dma_start3A_1079 = arith.constant 0 : i32
    %dma_start3A_1080 = arith.constant 0 : i32
    %dma_start3A_1081 = tpu.memref_slice %arg16[%dma_start3A_1078, %dma_start3A_1079, %dma_start3A_1080] : memref<3x64x128xf32, #tpu.memory_space<vmem>> -> memref<1x64x128xf32, #tpu.memory_space<vmem>>
    %dma_start3A_1082 = tpu.memref_squeeze %dma_start3A_1081 : memref<1x64x128xf32, #tpu.memory_space<vmem>> -> memref<64x128xf32, #tpu.memory_space<vmem>>
    %dma_start3A_1083 = arith.constant 0 : i32
    %dma_start3A_1084 = tpu.memref_slice %arg9[%multiple_of3A_1077, %dma_start3A_1083] : memref<49152x128xf32, #tpu.memory_space<hbm>> -> memref<64x128xf32, #tpu.memory_space<hbm>>
    %dma_start3A_1085 = arith.constant 0 : i32
    %dma_start3A_1086 = tpu.memref_slice %arg9[%multiple_of3A_1077, %dma_start3A_1085] : memref<49152x128xf32, #tpu.memory_space<hbm>> -> memref<64x128xf32, #tpu.memory_space<hbm>>
    %dma_start3A_1087 = arith.constant 0 : i32
    %dma_start3A_1088 = arith.constant 0 : i32
    %dma_start3A_1089 = tpu.memref_slice %arg16[%dma_start3A_1078, %dma_start3A_1087, %dma_start3A_1088] : memref<3x64x128xf32, #tpu.memory_space<vmem>> -> memref<1x64x128xf32, #tpu.memory_space<vmem>>
    %dma_start3A_1090 = tpu.memref_squeeze %dma_start3A_1089 : memref<1x64x128xf32, #tpu.memory_space<vmem>> -> memref<64x128xf32, #tpu.memory_space<vmem>>
    tpu.enqueue_dma source(%dma_start3A_1090 : memref<64x128xf32, #tpu.memory_space<vmem>>) target(%dma_start3A_1086 : memref<64x128xf32, #tpu.memory_space<hbm>>) target_semaphore(%arg22 : memref<!tpu.dma_semaphore, #tpu.memory_space<semaphore_mem>>)
    %dma_wait3A_1091 = arith.constant 1 : i32
    %dma_wait3A_1092 = arith.constant 0 : i32
    %dma_wait3A_1093 = arith.constant 0 : i32
    %dma_wait3A_1094 = tpu.memref_slice %arg16[%dma_wait3A_1091, %dma_wait3A_1092, %dma_wait3A_1093] : memref<3x64x128xf32, #tpu.memory_space<vmem>> -> memref<1x64x128xf32, #tpu.memory_space<vmem>>
    %dma_wait3A_1095 = tpu.memref_squeeze %dma_wait3A_1094 : memref<1x64x128xf32, #tpu.memory_space<vmem>> -> memref<64x128xf32, #tpu.memory_space<vmem>>
    %dma_wait3A_1096 = arith.constant 0 : i32
    %dma_wait3A_1097 = tpu.memref_slice %arg9[%multiple_of3A_1026, %dma_wait3A_1096] : memref<49152x128xf32, #tpu.memory_space<hbm>> -> memref<64x128xf32, #tpu.memory_space<hbm>>
    %dma_wait3A_1098 = arith.constant 0 : i32
    %dma_wait3A_1099 = tpu.memref_slice %arg9[%multiple_of3A_1026, %dma_wait3A_1098] : memref<49152x128xf32, #tpu.memory_space<hbm>> -> memref<64x128xf32, #tpu.memory_space<hbm>>
    %dma_wait3A_1100 = arith.constant 0 : i32
    %dma_wait3A_1101 = arith.constant 0 : i32
    %dma_wait3A_1102 = tpu.memref_slice %arg16[%dma_wait3A_1091, %dma_wait3A_1100, %dma_wait3A_1101] : memref<3x64x128xf32, #tpu.memory_space<vmem>> -> memref<1x64x128xf32, #tpu.memory_space<vmem>>
    %dma_wait3A_1103 = tpu.memref_squeeze %dma_wait3A_1102 : memref<1x64x128xf32, #tpu.memory_space<vmem>> -> memref<64x128xf32, #tpu.memory_space<vmem>>
    tpu.wait_dma2 semaphore(%arg21 : memref<!tpu.dma_semaphore, #tpu.memory_space<semaphore_mem>>) src(%dma_wait3A_1103 : memref<64x128xf32, #tpu.memory_space<vmem>>) dst(%dma_wait3A_1099 : memref<64x128xf32, #tpu.memory_space<hbm>>)
    %dma_start3A_1104 = arith.constant 1 : i32
    %dma_start3A_1105 = arith.constant 0 : i32
    %dma_start3A_1106 = arith.constant 0 : i32
    %dma_start3A_1107 = tpu.memref_slice %arg16[%dma_start3A_1104, %dma_start3A_1105, %dma_start3A_1106] : memref<3x64x128xf32, #tpu.memory_space<vmem>> -> memref<1x64x128xf32, #tpu.memory_space<vmem>>
    %dma_start3A_1108 = tpu.memref_squeeze %dma_start3A_1107 : memref<1x64x128xf32, #tpu.memory_space<vmem>> -> memref<64x128xf32, #tpu.memory_space<vmem>>
    %dma_start3A_1109 = arith.constant 832 : i32
    %dma_start3A_1110 = tpu.memref_slice %arg12[%dma_start3A_1109] : memref<1536xi32, #tpu.memory_space<vmem>> -> memref<64xi32, #tpu.memory_space<vmem>>
    %dma_start3A_1111 = arith.constant 0 : i32
    %dma_start3A_1112 = arith.constant 0 : i32
    %dma_start3A_1113 = tpu.memref_slice %arg3[%dma_start3A_1111, %dma_start3A_1112] : memref<100000x128xf32, #tpu.memory_space<hbm>> -> memref<100000x128xf32, #tpu.memory_space<hbm>>
    tpu.enqueue_indirect_dma source(%dma_start3A_1113 : memref<100000x128xf32, #tpu.memory_space<hbm>>) target(%dma_start3A_1108 : memref<64x128xf32, #tpu.memory_space<vmem>>) offsets(%dma_start3A_1110 : memref<64xi32, #tpu.memory_space<vmem>>) semaphore(%arg18 : memref<!tpu.dma_semaphore, #tpu.memory_space<semaphore_mem>>)
    %dma_wait3A_1114 = arith.constant 0 : i32
    %dma_wait3A_1115 = arith.constant 0 : i32
    %dma_wait3A_1116 = arith.constant 0 : i32
    %dma_wait3A_1117 = tpu.memref_slice %arg16[%dma_wait3A_1114, %dma_wait3A_1115, %dma_wait3A_1116] : memref<3x64x128xf32, #tpu.memory_space<vmem>> -> memref<1x64x128xf32, #tpu.memory_space<vmem>>
    %dma_wait3A_1118 = tpu.memref_squeeze %dma_wait3A_1117 : memref<1x64x128xf32, #tpu.memory_space<vmem>> -> memref<64x128xf32, #tpu.memory_space<vmem>>
    %dma_wait3A_1119 = arith.constant 768 : i32
    %dma_wait3A_1120 = tpu.memref_slice %arg12[%dma_wait3A_1119] : memref<1536xi32, #tpu.memory_space<vmem>> -> memref<64xi32, #tpu.memory_space<vmem>>
    %dma_wait3A_1121 = arith.constant 0 : i32
    %dma_wait3A_1122 = arith.constant 0 : i32
    %dma_wait3A_1123 = tpu.memref_slice %arg3[%dma_wait3A_1121, %dma_wait3A_1122] : memref<100000x128xf32, #tpu.memory_space<hbm>> -> memref<100000x128xf32, #tpu.memory_space<hbm>>
    tpu.wait_indirect_dma semaphore(%arg17 : memref<!tpu.dma_semaphore, #tpu.memory_space<semaphore_mem>>) src(%dma_wait3A_1123 : memref<100000x128xf32, #tpu.memory_space<hbm>>) dst(%dma_wait3A_1118 : memref<64x128xf32, #tpu.memory_space<vmem>>)
    %add3A_1124 = arith.constant 16384 : i32
    %add3A_1125 = arith.addi %add3A_1124, %multiple_of3A_5 : i32
    %add3A_1126 = arith.constant 256 : i32
    %add3A_1127 = arith.addi %add3A_1125, %add3A_1126 : i32
    %multiple_of3A_1128 = tpu.assume_multiple %add3A_1127, 64 : i32
    %dma_start3A_1129 = arith.constant 0 : i32
    %dma_start3A_1130 = arith.constant 0 : i32
    %dma_start3A_1131 = arith.constant 0 : i32
    %dma_start3A_1132 = tpu.memref_slice %arg16[%dma_start3A_1129, %dma_start3A_1130, %dma_start3A_1131] : memref<3x64x128xf32, #tpu.memory_space<vmem>> -> memref<1x64x128xf32, #tpu.memory_space<vmem>>
    %dma_start3A_1133 = tpu.memref_squeeze %dma_start3A_1132 : memref<1x64x128xf32, #tpu.memory_space<vmem>> -> memref<64x128xf32, #tpu.memory_space<vmem>>
    %dma_start3A_1134 = arith.constant 0 : i32
    %dma_start3A_1135 = tpu.memref_slice %arg9[%multiple_of3A_1128, %dma_start3A_1134] : memref<49152x128xf32, #tpu.memory_space<hbm>> -> memref<64x128xf32, #tpu.memory_space<hbm>>
    %dma_start3A_1136 = arith.constant 0 : i32
    %dma_start3A_1137 = tpu.memref_slice %arg9[%multiple_of3A_1128, %dma_start3A_1136] : memref<49152x128xf32, #tpu.memory_space<hbm>> -> memref<64x128xf32, #tpu.memory_space<hbm>>
    %dma_start3A_1138 = arith.constant 0 : i32
    %dma_start3A_1139 = arith.constant 0 : i32
    %dma_start3A_1140 = tpu.memref_slice %arg16[%dma_start3A_1129, %dma_start3A_1138, %dma_start3A_1139] : memref<3x64x128xf32, #tpu.memory_space<vmem>> -> memref<1x64x128xf32, #tpu.memory_space<vmem>>
    %dma_start3A_1141 = tpu.memref_squeeze %dma_start3A_1140 : memref<1x64x128xf32, #tpu.memory_space<vmem>> -> memref<64x128xf32, #tpu.memory_space<vmem>>
    tpu.enqueue_dma source(%dma_start3A_1141 : memref<64x128xf32, #tpu.memory_space<vmem>>) target(%dma_start3A_1137 : memref<64x128xf32, #tpu.memory_space<hbm>>) target_semaphore(%arg20 : memref<!tpu.dma_semaphore, #tpu.memory_space<semaphore_mem>>)
    %dma_wait3A_1142 = arith.constant 2 : i32
    %dma_wait3A_1143 = arith.constant 0 : i32
    %dma_wait3A_1144 = arith.constant 0 : i32
    %dma_wait3A_1145 = tpu.memref_slice %arg16[%dma_wait3A_1142, %dma_wait3A_1143, %dma_wait3A_1144] : memref<3x64x128xf32, #tpu.memory_space<vmem>> -> memref<1x64x128xf32, #tpu.memory_space<vmem>>
    %dma_wait3A_1146 = tpu.memref_squeeze %dma_wait3A_1145 : memref<1x64x128xf32, #tpu.memory_space<vmem>> -> memref<64x128xf32, #tpu.memory_space<vmem>>
    %dma_wait3A_1147 = arith.constant 0 : i32
    %dma_wait3A_1148 = tpu.memref_slice %arg9[%multiple_of3A_1077, %dma_wait3A_1147] : memref<49152x128xf32, #tpu.memory_space<hbm>> -> memref<64x128xf32, #tpu.memory_space<hbm>>
    %dma_wait3A_1149 = arith.constant 0 : i32
    %dma_wait3A_1150 = tpu.memref_slice %arg9[%multiple_of3A_1077, %dma_wait3A_1149] : memref<49152x128xf32, #tpu.memory_space<hbm>> -> memref<64x128xf32, #tpu.memory_space<hbm>>
    %dma_wait3A_1151 = arith.constant 0 : i32
    %dma_wait3A_1152 = arith.constant 0 : i32
    %dma_wait3A_1153 = tpu.memref_slice %arg16[%dma_wait3A_1142, %dma_wait3A_1151, %dma_wait3A_1152] : memref<3x64x128xf32, #tpu.memory_space<vmem>> -> memref<1x64x128xf32, #tpu.memory_space<vmem>>
    %dma_wait3A_1154 = tpu.memref_squeeze %dma_wait3A_1153 : memref<1x64x128xf32, #tpu.memory_space<vmem>> -> memref<64x128xf32, #tpu.memory_space<vmem>>
    tpu.wait_dma2 semaphore(%arg22 : memref<!tpu.dma_semaphore, #tpu.memory_space<semaphore_mem>>) src(%dma_wait3A_1154 : memref<64x128xf32, #tpu.memory_space<vmem>>) dst(%dma_wait3A_1150 : memref<64x128xf32, #tpu.memory_space<hbm>>)
    %dma_start3A_1155 = arith.constant 2 : i32
    %dma_start3A_1156 = arith.constant 0 : i32
    %dma_start3A_1157 = arith.constant 0 : i32
    %dma_start3A_1158 = tpu.memref_slice %arg16[%dma_start3A_1155, %dma_start3A_1156, %dma_start3A_1157] : memref<3x64x128xf32, #tpu.memory_space<vmem>> -> memref<1x64x128xf32, #tpu.memory_space<vmem>>
    %dma_start3A_1159 = tpu.memref_squeeze %dma_start3A_1158 : memref<1x64x128xf32, #tpu.memory_space<vmem>> -> memref<64x128xf32, #tpu.memory_space<vmem>>
    %dma_start3A_1160 = arith.constant 896 : i32
    %dma_start3A_1161 = tpu.memref_slice %arg12[%dma_start3A_1160] : memref<1536xi32, #tpu.memory_space<vmem>> -> memref<64xi32, #tpu.memory_space<vmem>>
    %dma_start3A_1162 = arith.constant 0 : i32
    %dma_start3A_1163 = arith.constant 0 : i32
    %dma_start3A_1164 = tpu.memref_slice %arg3[%dma_start3A_1162, %dma_start3A_1163] : memref<100000x128xf32, #tpu.memory_space<hbm>> -> memref<100000x128xf32, #tpu.memory_space<hbm>>
    tpu.enqueue_indirect_dma source(%dma_start3A_1164 : memref<100000x128xf32, #tpu.memory_space<hbm>>) target(%dma_start3A_1159 : memref<64x128xf32, #tpu.memory_space<vmem>>) offsets(%dma_start3A_1161 : memref<64xi32, #tpu.memory_space<vmem>>) semaphore(%arg19 : memref<!tpu.dma_semaphore, #tpu.memory_space<semaphore_mem>>)
    %dma_wait3A_1165 = arith.constant 1 : i32
    %dma_wait3A_1166 = arith.constant 0 : i32
    %dma_wait3A_1167 = arith.constant 0 : i32
    %dma_wait3A_1168 = tpu.memref_slice %arg16[%dma_wait3A_1165, %dma_wait3A_1166, %dma_wait3A_1167] : memref<3x64x128xf32, #tpu.memory_space<vmem>> -> memref<1x64x128xf32, #tpu.memory_space<vmem>>
    %dma_wait3A_1169 = tpu.memref_squeeze %dma_wait3A_1168 : memref<1x64x128xf32, #tpu.memory_space<vmem>> -> memref<64x128xf32, #tpu.memory_space<vmem>>
    %dma_wait3A_1170 = arith.constant 832 : i32
    %dma_wait3A_1171 = tpu.memref_slice %arg12[%dma_wait3A_1170] : memref<1536xi32, #tpu.memory_space<vmem>> -> memref<64xi32, #tpu.memory_space<vmem>>
    %dma_wait3A_1172 = arith.constant 0 : i32
    %dma_wait3A_1173 = arith.constant 0 : i32
    %dma_wait3A_1174 = tpu.memref_slice %arg3[%dma_wait3A_1172, %dma_wait3A_1173] : memref<100000x128xf32, #tpu.memory_space<hbm>> -> memref<100000x128xf32, #tpu.memory_space<hbm>>
    tpu.wait_indirect_dma semaphore(%arg18 : memref<!tpu.dma_semaphore, #tpu.memory_space<semaphore_mem>>) src(%dma_wait3A_1174 : memref<100000x128xf32, #tpu.memory_space<hbm>>) dst(%dma_wait3A_1169 : memref<64x128xf32, #tpu.memory_space<vmem>>)
    %add3A_1175 = arith.constant 16384 : i32
    %add3A_1176 = arith.addi %add3A_1175, %multiple_of3A_5 : i32
    %add3A_1177 = arith.constant 320 : i32
    %add3A_1178 = arith.addi %add3A_1176, %add3A_1177 : i32
    %multiple_of3A_1179 = tpu.assume_multiple %add3A_1178, 64 : i32
    %dma_start3A_1180 = arith.constant 1 : i32
    %dma_start3A_1181 = arith.constant 0 : i32
    %dma_start3A_1182 = arith.constant 0 : i32
    %dma_start3A_1183 = tpu.memref_slice %arg16[%dma_start3A_1180, %dma_start3A_1181, %dma_start3A_1182] : memref<3x64x128xf32, #tpu.memory_space<vmem>> -> memref<1x64x128xf32, #tpu.memory_space<vmem>>
    %dma_start3A_1184 = tpu.memref_squeeze %dma_start3A_1183 : memref<1x64x128xf32, #tpu.memory_space<vmem>> -> memref<64x128xf32, #tpu.memory_space<vmem>>
    %dma_start3A_1185 = arith.constant 0 : i32
    %dma_start3A_1186 = tpu.memref_slice %arg9[%multiple_of3A_1179, %dma_start3A_1185] : memref<49152x128xf32, #tpu.memory_space<hbm>> -> memref<64x128xf32, #tpu.memory_space<hbm>>
    %dma_start3A_1187 = arith.constant 0 : i32
    %dma_start3A_1188 = tpu.memref_slice %arg9[%multiple_of3A_1179, %dma_start3A_1187] : memref<49152x128xf32, #tpu.memory_space<hbm>> -> memref<64x128xf32, #tpu.memory_space<hbm>>
    %dma_start3A_1189 = arith.constant 0 : i32
    %dma_start3A_1190 = arith.constant 0 : i32
    %dma_start3A_1191 = tpu.memref_slice %arg16[%dma_start3A_1180, %dma_start3A_1189, %dma_start3A_1190] : memref<3x64x128xf32, #tpu.memory_space<vmem>> -> memref<1x64x128xf32, #tpu.memory_space<vmem>>
    %dma_start3A_1192 = tpu.memref_squeeze %dma_start3A_1191 : memref<1x64x128xf32, #tpu.memory_space<vmem>> -> memref<64x128xf32, #tpu.memory_space<vmem>>
    tpu.enqueue_dma source(%dma_start3A_1192 : memref<64x128xf32, #tpu.memory_space<vmem>>) target(%dma_start3A_1188 : memref<64x128xf32, #tpu.memory_space<hbm>>) target_semaphore(%arg21 : memref<!tpu.dma_semaphore, #tpu.memory_space<semaphore_mem>>)
    %dma_wait3A_1193 = arith.constant 0 : i32
    %dma_wait3A_1194 = arith.constant 0 : i32
    %dma_wait3A_1195 = arith.constant 0 : i32
    %dma_wait3A_1196 = tpu.memref_slice %arg16[%dma_wait3A_1193, %dma_wait3A_1194, %dma_wait3A_1195] : memref<3x64x128xf32, #tpu.memory_space<vmem>> -> memref<1x64x128xf32, #tpu.memory_space<vmem>>
    %dma_wait3A_1197 = tpu.memref_squeeze %dma_wait3A_1196 : memref<1x64x128xf32, #tpu.memory_space<vmem>> -> memref<64x128xf32, #tpu.memory_space<vmem>>
    %dma_wait3A_1198 = arith.constant 0 : i32
    %dma_wait3A_1199 = tpu.memref_slice %arg9[%multiple_of3A_1128, %dma_wait3A_1198] : memref<49152x128xf32, #tpu.memory_space<hbm>> -> memref<64x128xf32, #tpu.memory_space<hbm>>
    %dma_wait3A_1200 = arith.constant 0 : i32
    %dma_wait3A_1201 = tpu.memref_slice %arg9[%multiple_of3A_1128, %dma_wait3A_1200] : memref<49152x128xf32, #tpu.memory_space<hbm>> -> memref<64x128xf32, #tpu.memory_space<hbm>>
    %dma_wait3A_1202 = arith.constant 0 : i32
    %dma_wait3A_1203 = arith.constant 0 : i32
    %dma_wait3A_1204 = tpu.memref_slice %arg16[%dma_wait3A_1193, %dma_wait3A_1202, %dma_wait3A_1203] : memref<3x64x128xf32, #tpu.memory_space<vmem>> -> memref<1x64x128xf32, #tpu.memory_space<vmem>>
    %dma_wait3A_1205 = tpu.memref_squeeze %dma_wait3A_1204 : memref<1x64x128xf32, #tpu.memory_space<vmem>> -> memref<64x128xf32, #tpu.memory_space<vmem>>
    tpu.wait_dma2 semaphore(%arg20 : memref<!tpu.dma_semaphore, #tpu.memory_space<semaphore_mem>>) src(%dma_wait3A_1205 : memref<64x128xf32, #tpu.memory_space<vmem>>) dst(%dma_wait3A_1201 : memref<64x128xf32, #tpu.memory_space<hbm>>)
    %dma_start3A_1206 = arith.constant 0 : i32
    %dma_start3A_1207 = arith.constant 0 : i32
    %dma_start3A_1208 = arith.constant 0 : i32
    %dma_start3A_1209 = tpu.memref_slice %arg16[%dma_start3A_1206, %dma_start3A_1207, %dma_start3A_1208] : memref<3x64x128xf32, #tpu.memory_space<vmem>> -> memref<1x64x128xf32, #tpu.memory_space<vmem>>
    %dma_start3A_1210 = tpu.memref_squeeze %dma_start3A_1209 : memref<1x64x128xf32, #tpu.memory_space<vmem>> -> memref<64x128xf32, #tpu.memory_space<vmem>>
    %dma_start3A_1211 = arith.constant 960 : i32
    %dma_start3A_1212 = tpu.memref_slice %arg12[%dma_start3A_1211] : memref<1536xi32, #tpu.memory_space<vmem>> -> memref<64xi32, #tpu.memory_space<vmem>>
    %dma_start3A_1213 = arith.constant 0 : i32
    %dma_start3A_1214 = arith.constant 0 : i32
    %dma_start3A_1215 = tpu.memref_slice %arg3[%dma_start3A_1213, %dma_start3A_1214] : memref<100000x128xf32, #tpu.memory_space<hbm>> -> memref<100000x128xf32, #tpu.memory_space<hbm>>
    tpu.enqueue_indirect_dma source(%dma_start3A_1215 : memref<100000x128xf32, #tpu.memory_space<hbm>>) target(%dma_start3A_1210 : memref<64x128xf32, #tpu.memory_space<vmem>>) offsets(%dma_start3A_1212 : memref<64xi32, #tpu.memory_space<vmem>>) semaphore(%arg17 : memref<!tpu.dma_semaphore, #tpu.memory_space<semaphore_mem>>)
    %dma_wait3A_1216 = arith.constant 2 : i32
    %dma_wait3A_1217 = arith.constant 0 : i32
    %dma_wait3A_1218 = arith.constant 0 : i32
    %dma_wait3A_1219 = tpu.memref_slice %arg16[%dma_wait3A_1216, %dma_wait3A_1217, %dma_wait3A_1218] : memref<3x64x128xf32, #tpu.memory_space<vmem>> -> memref<1x64x128xf32, #tpu.memory_space<vmem>>
    %dma_wait3A_1220 = tpu.memref_squeeze %dma_wait3A_1219 : memref<1x64x128xf32, #tpu.memory_space<vmem>> -> memref<64x128xf32, #tpu.memory_space<vmem>>
    %dma_wait3A_1221 = arith.constant 896 : i32
    %dma_wait3A_1222 = tpu.memref_slice %arg12[%dma_wait3A_1221] : memref<1536xi32, #tpu.memory_space<vmem>> -> memref<64xi32, #tpu.memory_space<vmem>>
    %dma_wait3A_1223 = arith.constant 0 : i32
    %dma_wait3A_1224 = arith.constant 0 : i32
    %dma_wait3A_1225 = tpu.memref_slice %arg3[%dma_wait3A_1223, %dma_wait3A_1224] : memref<100000x128xf32, #tpu.memory_space<hbm>> -> memref<100000x128xf32, #tpu.memory_space<hbm>>
    tpu.wait_indirect_dma semaphore(%arg19 : memref<!tpu.dma_semaphore, #tpu.memory_space<semaphore_mem>>) src(%dma_wait3A_1225 : memref<100000x128xf32, #tpu.memory_space<hbm>>) dst(%dma_wait3A_1220 : memref<64x128xf32, #tpu.memory_space<vmem>>)
    %add3A_1226 = arith.constant 16384 : i32
    %add3A_1227 = arith.addi %add3A_1226, %multiple_of3A_5 : i32
    %add3A_1228 = arith.constant 384 : i32
    %add3A_1229 = arith.addi %add3A_1227, %add3A_1228 : i32
    %multiple_of3A_1230 = tpu.assume_multiple %add3A_1229, 64 : i32
    %dma_start3A_1231 = arith.constant 2 : i32
    %dma_start3A_1232 = arith.constant 0 : i32
    %dma_start3A_1233 = arith.constant 0 : i32
    %dma_start3A_1234 = tpu.memref_slice %arg16[%dma_start3A_1231, %dma_start3A_1232, %dma_start3A_1233] : memref<3x64x128xf32, #tpu.memory_space<vmem>> -> memref<1x64x128xf32, #tpu.memory_space<vmem>>
    %dma_start3A_1235 = tpu.memref_squeeze %dma_start3A_1234 : memref<1x64x128xf32, #tpu.memory_space<vmem>> -> memref<64x128xf32, #tpu.memory_space<vmem>>
    %dma_start3A_1236 = arith.constant 0 : i32
    %dma_start3A_1237 = tpu.memref_slice %arg9[%multiple_of3A_1230, %dma_start3A_1236] : memref<49152x128xf32, #tpu.memory_space<hbm>> -> memref<64x128xf32, #tpu.memory_space<hbm>>
    %dma_start3A_1238 = arith.constant 0 : i32
    %dma_start3A_1239 = tpu.memref_slice %arg9[%multiple_of3A_1230, %dma_start3A_1238] : memref<49152x128xf32, #tpu.memory_space<hbm>> -> memref<64x128xf32, #tpu.memory_space<hbm>>
    %dma_start3A_1240 = arith.constant 0 : i32
    %dma_start3A_1241 = arith.constant 0 : i32
    %dma_start3A_1242 = tpu.memref_slice %arg16[%dma_start3A_1231, %dma_start3A_1240, %dma_start3A_1241] : memref<3x64x128xf32, #tpu.memory_space<vmem>> -> memref<1x64x128xf32, #tpu.memory_space<vmem>>
    %dma_start3A_1243 = tpu.memref_squeeze %dma_start3A_1242 : memref<1x64x128xf32, #tpu.memory_space<vmem>> -> memref<64x128xf32, #tpu.memory_space<vmem>>
    tpu.enqueue_dma source(%dma_start3A_1243 : memref<64x128xf32, #tpu.memory_space<vmem>>) target(%dma_start3A_1239 : memref<64x128xf32, #tpu.memory_space<hbm>>) target_semaphore(%arg22 : memref<!tpu.dma_semaphore, #tpu.memory_space<semaphore_mem>>)
    %dma_wait3A_1244 = arith.constant 1 : i32
    %dma_wait3A_1245 = arith.constant 0 : i32
    %dma_wait3A_1246 = arith.constant 0 : i32
    %dma_wait3A_1247 = tpu.memref_slice %arg16[%dma_wait3A_1244, %dma_wait3A_1245, %dma_wait3A_1246] : memref<3x64x128xf32, #tpu.memory_space<vmem>> -> memref<1x64x128xf32, #tpu.memory_space<vmem>>
    %dma_wait3A_1248 = tpu.memref_squeeze %dma_wait3A_1247 : memref<1x64x128xf32, #tpu.memory_space<vmem>> -> memref<64x128xf32, #tpu.memory_space<vmem>>
    %dma_wait3A_1249 = arith.constant 0 : i32
    %dma_wait3A_1250 = tpu.memref_slice %arg9[%multiple_of3A_1179, %dma_wait3A_1249] : memref<49152x128xf32, #tpu.memory_space<hbm>> -> memref<64x128xf32, #tpu.memory_space<hbm>>
    %dma_wait3A_1251 = arith.constant 0 : i32
    %dma_wait3A_1252 = tpu.memref_slice %arg9[%multiple_of3A_1179, %dma_wait3A_1251] : memref<49152x128xf32, #tpu.memory_space<hbm>> -> memref<64x128xf32, #tpu.memory_space<hbm>>
    %dma_wait3A_1253 = arith.constant 0 : i32
    %dma_wait3A_1254 = arith.constant 0 : i32
    %dma_wait3A_1255 = tpu.memref_slice %arg16[%dma_wait3A_1244, %dma_wait3A_1253, %dma_wait3A_1254] : memref<3x64x128xf32, #tpu.memory_space<vmem>> -> memref<1x64x128xf32, #tpu.memory_space<vmem>>
    %dma_wait3A_1256 = tpu.memref_squeeze %dma_wait3A_1255 : memref<1x64x128xf32, #tpu.memory_space<vmem>> -> memref<64x128xf32, #tpu.memory_space<vmem>>
    tpu.wait_dma2 semaphore(%arg21 : memref<!tpu.dma_semaphore, #tpu.memory_space<semaphore_mem>>) src(%dma_wait3A_1256 : memref<64x128xf32, #tpu.memory_space<vmem>>) dst(%dma_wait3A_1252 : memref<64x128xf32, #tpu.memory_space<hbm>>)
    %dma_start3A_1257 = arith.constant 1 : i32
    %dma_start3A_1258 = arith.constant 0 : i32
    %dma_start3A_1259 = arith.constant 0 : i32
    %dma_start3A_1260 = tpu.memref_slice %arg16[%dma_start3A_1257, %dma_start3A_1258, %dma_start3A_1259] : memref<3x64x128xf32, #tpu.memory_space<vmem>> -> memref<1x64x128xf32, #tpu.memory_space<vmem>>
    %dma_start3A_1261 = tpu.memref_squeeze %dma_start3A_1260 : memref<1x64x128xf32, #tpu.memory_space<vmem>> -> memref<64x128xf32, #tpu.memory_space<vmem>>
    %dma_start3A_1262 = arith.constant 1024 : i32
    %dma_start3A_1263 = tpu.memref_slice %arg12[%dma_start3A_1262] : memref<1536xi32, #tpu.memory_space<vmem>> -> memref<64xi32, #tpu.memory_space<vmem>>
    %dma_start3A_1264 = arith.constant 0 : i32
    %dma_start3A_1265 = arith.constant 0 : i32
    %dma_start3A_1266 = tpu.memref_slice %arg3[%dma_start3A_1264, %dma_start3A_1265] : memref<100000x128xf32, #tpu.memory_space<hbm>> -> memref<100000x128xf32, #tpu.memory_space<hbm>>
    tpu.enqueue_indirect_dma source(%dma_start3A_1266 : memref<100000x128xf32, #tpu.memory_space<hbm>>) target(%dma_start3A_1261 : memref<64x128xf32, #tpu.memory_space<vmem>>) offsets(%dma_start3A_1263 : memref<64xi32, #tpu.memory_space<vmem>>) semaphore(%arg18 : memref<!tpu.dma_semaphore, #tpu.memory_space<semaphore_mem>>)
    %dma_wait3A_1267 = arith.constant 0 : i32
    %dma_wait3A_1268 = arith.constant 0 : i32
    %dma_wait3A_1269 = arith.constant 0 : i32
    %dma_wait3A_1270 = tpu.memref_slice %arg16[%dma_wait3A_1267, %dma_wait3A_1268, %dma_wait3A_1269] : memref<3x64x128xf32, #tpu.memory_space<vmem>> -> memref<1x64x128xf32, #tpu.memory_space<vmem>>
    %dma_wait3A_1271 = tpu.memref_squeeze %dma_wait3A_1270 : memref<1x64x128xf32, #tpu.memory_space<vmem>> -> memref<64x128xf32, #tpu.memory_space<vmem>>
    %dma_wait3A_1272 = arith.constant 960 : i32
    %dma_wait3A_1273 = tpu.memref_slice %arg12[%dma_wait3A_1272] : memref<1536xi32, #tpu.memory_space<vmem>> -> memref<64xi32, #tpu.memory_space<vmem>>
    %dma_wait3A_1274 = arith.constant 0 : i32
    %dma_wait3A_1275 = arith.constant 0 : i32
    %dma_wait3A_1276 = tpu.memref_slice %arg3[%dma_wait3A_1274, %dma_wait3A_1275] : memref<100000x128xf32, #tpu.memory_space<hbm>> -> memref<100000x128xf32, #tpu.memory_space<hbm>>
    tpu.wait_indirect_dma semaphore(%arg17 : memref<!tpu.dma_semaphore, #tpu.memory_space<semaphore_mem>>) src(%dma_wait3A_1276 : memref<100000x128xf32, #tpu.memory_space<hbm>>) dst(%dma_wait3A_1271 : memref<64x128xf32, #tpu.memory_space<vmem>>)
    %add3A_1277 = arith.constant 16384 : i32
    %add3A_1278 = arith.addi %add3A_1277, %multiple_of3A_5 : i32
    %add3A_1279 = arith.constant 448 : i32
    %add3A_1280 = arith.addi %add3A_1278, %add3A_1279 : i32
    %multiple_of3A_1281 = tpu.assume_multiple %add3A_1280, 64 : i32
    %dma_start3A_1282 = arith.constant 0 : i32
    %dma_start3A_1283 = arith.constant 0 : i32
    %dma_start3A_1284 = arith.constant 0 : i32
    %dma_start3A_1285 = tpu.memref_slice %arg16[%dma_start3A_1282, %dma_start3A_1283, %dma_start3A_1284] : memref<3x64x128xf32, #tpu.memory_space<vmem>> -> memref<1x64x128xf32, #tpu.memory_space<vmem>>
    %dma_start3A_1286 = tpu.memref_squeeze %dma_start3A_1285 : memref<1x64x128xf32, #tpu.memory_space<vmem>> -> memref<64x128xf32, #tpu.memory_space<vmem>>
    %dma_start3A_1287 = arith.constant 0 : i32
    %dma_start3A_1288 = tpu.memref_slice %arg9[%multiple_of3A_1281, %dma_start3A_1287] : memref<49152x128xf32, #tpu.memory_space<hbm>> -> memref<64x128xf32, #tpu.memory_space<hbm>>
    %dma_start3A_1289 = arith.constant 0 : i32
    %dma_start3A_1290 = tpu.memref_slice %arg9[%multiple_of3A_1281, %dma_start3A_1289] : memref<49152x128xf32, #tpu.memory_space<hbm>> -> memref<64x128xf32, #tpu.memory_space<hbm>>
    %dma_start3A_1291 = arith.constant 0 : i32
    %dma_start3A_1292 = arith.constant 0 : i32
    %dma_start3A_1293 = tpu.memref_slice %arg16[%dma_start3A_1282, %dma_start3A_1291, %dma_start3A_1292] : memref<3x64x128xf32, #tpu.memory_space<vmem>> -> memref<1x64x128xf32, #tpu.memory_space<vmem>>
    %dma_start3A_1294 = tpu.memref_squeeze %dma_start3A_1293 : memref<1x64x128xf32, #tpu.memory_space<vmem>> -> memref<64x128xf32, #tpu.memory_space<vmem>>
    tpu.enqueue_dma source(%dma_start3A_1294 : memref<64x128xf32, #tpu.memory_space<vmem>>) target(%dma_start3A_1290 : memref<64x128xf32, #tpu.memory_space<hbm>>) target_semaphore(%arg20 : memref<!tpu.dma_semaphore, #tpu.memory_space<semaphore_mem>>)
    %dma_wait3A_1295 = arith.constant 2 : i32
    %dma_wait3A_1296 = arith.constant 0 : i32
    %dma_wait3A_1297 = arith.constant 0 : i32
    %dma_wait3A_1298 = tpu.memref_slice %arg16[%dma_wait3A_1295, %dma_wait3A_1296, %dma_wait3A_1297] : memref<3x64x128xf32, #tpu.memory_space<vmem>> -> memref<1x64x128xf32, #tpu.memory_space<vmem>>
    %dma_wait3A_1299 = tpu.memref_squeeze %dma_wait3A_1298 : memref<1x64x128xf32, #tpu.memory_space<vmem>> -> memref<64x128xf32, #tpu.memory_space<vmem>>
    %dma_wait3A_1300 = arith.constant 0 : i32
    %dma_wait3A_1301 = tpu.memref_slice %arg9[%multiple_of3A_1230, %dma_wait3A_1300] : memref<49152x128xf32, #tpu.memory_space<hbm>> -> memref<64x128xf32, #tpu.memory_space<hbm>>
    %dma_wait3A_1302 = arith.constant 0 : i32
    %dma_wait3A_1303 = tpu.memref_slice %arg9[%multiple_of3A_1230, %dma_wait3A_1302] : memref<49152x128xf32, #tpu.memory_space<hbm>> -> memref<64x128xf32, #tpu.memory_space<hbm>>
    %dma_wait3A_1304 = arith.constant 0 : i32
    %dma_wait3A_1305 = arith.constant 0 : i32
    %dma_wait3A_1306 = tpu.memref_slice %arg16[%dma_wait3A_1295, %dma_wait3A_1304, %dma_wait3A_1305] : memref<3x64x128xf32, #tpu.memory_space<vmem>> -> memref<1x64x128xf32, #tpu.memory_space<vmem>>
    %dma_wait3A_1307 = tpu.memref_squeeze %dma_wait3A_1306 : memref<1x64x128xf32, #tpu.memory_space<vmem>> -> memref<64x128xf32, #tpu.memory_space<vmem>>
    tpu.wait_dma2 semaphore(%arg22 : memref<!tpu.dma_semaphore, #tpu.memory_space<semaphore_mem>>) src(%dma_wait3A_1307 : memref<64x128xf32, #tpu.memory_space<vmem>>) dst(%dma_wait3A_1303 : memref<64x128xf32, #tpu.memory_space<hbm>>)
    %dma_start3A_1308 = arith.constant 2 : i32
    %dma_start3A_1309 = arith.constant 0 : i32
    %dma_start3A_1310 = arith.constant 0 : i32
    %dma_start3A_1311 = tpu.memref_slice %arg16[%dma_start3A_1308, %dma_start3A_1309, %dma_start3A_1310] : memref<3x64x128xf32, #tpu.memory_space<vmem>> -> memref<1x64x128xf32, #tpu.memory_space<vmem>>
    %dma_start3A_1312 = tpu.memref_squeeze %dma_start3A_1311 : memref<1x64x128xf32, #tpu.memory_space<vmem>> -> memref<64x128xf32, #tpu.memory_space<vmem>>
    %dma_start3A_1313 = arith.constant 1088 : i32
    %dma_start3A_1314 = tpu.memref_slice %arg12[%dma_start3A_1313] : memref<1536xi32, #tpu.memory_space<vmem>> -> memref<64xi32, #tpu.memory_space<vmem>>
    %dma_start3A_1315 = arith.constant 0 : i32
    %dma_start3A_1316 = arith.constant 0 : i32
    %dma_start3A_1317 = tpu.memref_slice %arg3[%dma_start3A_1315, %dma_start3A_1316] : memref<100000x128xf32, #tpu.memory_space<hbm>> -> memref<100000x128xf32, #tpu.memory_space<hbm>>
    tpu.enqueue_indirect_dma source(%dma_start3A_1317 : memref<100000x128xf32, #tpu.memory_space<hbm>>) target(%dma_start3A_1312 : memref<64x128xf32, #tpu.memory_space<vmem>>) offsets(%dma_start3A_1314 : memref<64xi32, #tpu.memory_space<vmem>>) semaphore(%arg19 : memref<!tpu.dma_semaphore, #tpu.memory_space<semaphore_mem>>)
    %dma_wait3A_1318 = arith.constant 1 : i32
    %dma_wait3A_1319 = arith.constant 0 : i32
    %dma_wait3A_1320 = arith.constant 0 : i32
    %dma_wait3A_1321 = tpu.memref_slice %arg16[%dma_wait3A_1318, %dma_wait3A_1319, %dma_wait3A_1320] : memref<3x64x128xf32, #tpu.memory_space<vmem>> -> memref<1x64x128xf32, #tpu.memory_space<vmem>>
    %dma_wait3A_1322 = tpu.memref_squeeze %dma_wait3A_1321 : memref<1x64x128xf32, #tpu.memory_space<vmem>> -> memref<64x128xf32, #tpu.memory_space<vmem>>
    %dma_wait3A_1323 = arith.constant 1024 : i32
    %dma_wait3A_1324 = tpu.memref_slice %arg12[%dma_wait3A_1323] : memref<1536xi32, #tpu.memory_space<vmem>> -> memref<64xi32, #tpu.memory_space<vmem>>
    %dma_wait3A_1325 = arith.constant 0 : i32
    %dma_wait3A_1326 = arith.constant 0 : i32
    %dma_wait3A_1327 = tpu.memref_slice %arg3[%dma_wait3A_1325, %dma_wait3A_1326] : memref<100000x128xf32, #tpu.memory_space<hbm>> -> memref<100000x128xf32, #tpu.memory_space<hbm>>
    tpu.wait_indirect_dma semaphore(%arg18 : memref<!tpu.dma_semaphore, #tpu.memory_space<semaphore_mem>>) src(%dma_wait3A_1327 : memref<100000x128xf32, #tpu.memory_space<hbm>>) dst(%dma_wait3A_1322 : memref<64x128xf32, #tpu.memory_space<vmem>>)
    %add3A_1328 = arith.constant 32768 : i32
    %add3A_1329 = arith.addi %add3A_1328, %multiple_of3A_5 : i32
    %add3A_1330 = arith.constant 0 : i32
    %add3A_1331 = arith.addi %add3A_1329, %add3A_1330 : i32
    %multiple_of3A_1332 = tpu.assume_multiple %add3A_1331, 64 : i32
    %dma_start3A_1333 = arith.constant 1 : i32
    %dma_start3A_1334 = arith.constant 0 : i32
    %dma_start3A_1335 = arith.constant 0 : i32
    %dma_start3A_1336 = tpu.memref_slice %arg16[%dma_start3A_1333, %dma_start3A_1334, %dma_start3A_1335] : memref<3x64x128xf32, #tpu.memory_space<vmem>> -> memref<1x64x128xf32, #tpu.memory_space<vmem>>
    %dma_start3A_1337 = tpu.memref_squeeze %dma_start3A_1336 : memref<1x64x128xf32, #tpu.memory_space<vmem>> -> memref<64x128xf32, #tpu.memory_space<vmem>>
    %dma_start3A_1338 = arith.constant 0 : i32
    %dma_start3A_1339 = tpu.memref_slice %arg9[%multiple_of3A_1332, %dma_start3A_1338] : memref<49152x128xf32, #tpu.memory_space<hbm>> -> memref<64x128xf32, #tpu.memory_space<hbm>>
    %dma_start3A_1340 = arith.constant 0 : i32
    %dma_start3A_1341 = tpu.memref_slice %arg9[%multiple_of3A_1332, %dma_start3A_1340] : memref<49152x128xf32, #tpu.memory_space<hbm>> -> memref<64x128xf32, #tpu.memory_space<hbm>>
    %dma_start3A_1342 = arith.constant 0 : i32
    %dma_start3A_1343 = arith.constant 0 : i32
    %dma_start3A_1344 = tpu.memref_slice %arg16[%dma_start3A_1333, %dma_start3A_1342, %dma_start3A_1343] : memref<3x64x128xf32, #tpu.memory_space<vmem>> -> memref<1x64x128xf32, #tpu.memory_space<vmem>>
    %dma_start3A_1345 = tpu.memref_squeeze %dma_start3A_1344 : memref<1x64x128xf32, #tpu.memory_space<vmem>> -> memref<64x128xf32, #tpu.memory_space<vmem>>
    tpu.enqueue_dma source(%dma_start3A_1345 : memref<64x128xf32, #tpu.memory_space<vmem>>) target(%dma_start3A_1341 : memref<64x128xf32, #tpu.memory_space<hbm>>) target_semaphore(%arg21 : memref<!tpu.dma_semaphore, #tpu.memory_space<semaphore_mem>>)
    %dma_wait3A_1346 = arith.constant 0 : i32
    %dma_wait3A_1347 = arith.constant 0 : i32
    %dma_wait3A_1348 = arith.constant 0 : i32
    %dma_wait3A_1349 = tpu.memref_slice %arg16[%dma_wait3A_1346, %dma_wait3A_1347, %dma_wait3A_1348] : memref<3x64x128xf32, #tpu.memory_space<vmem>> -> memref<1x64x128xf32, #tpu.memory_space<vmem>>
    %dma_wait3A_1350 = tpu.memref_squeeze %dma_wait3A_1349 : memref<1x64x128xf32, #tpu.memory_space<vmem>> -> memref<64x128xf32, #tpu.memory_space<vmem>>
    %dma_wait3A_1351 = arith.constant 0 : i32
    %dma_wait3A_1352 = tpu.memref_slice %arg9[%multiple_of3A_1281, %dma_wait3A_1351] : memref<49152x128xf32, #tpu.memory_space<hbm>> -> memref<64x128xf32, #tpu.memory_space<hbm>>
    %dma_wait3A_1353 = arith.constant 0 : i32
    %dma_wait3A_1354 = tpu.memref_slice %arg9[%multiple_of3A_1281, %dma_wait3A_1353] : memref<49152x128xf32, #tpu.memory_space<hbm>> -> memref<64x128xf32, #tpu.memory_space<hbm>>
    %dma_wait3A_1355 = arith.constant 0 : i32
    %dma_wait3A_1356 = arith.constant 0 : i32
    %dma_wait3A_1357 = tpu.memref_slice %arg16[%dma_wait3A_1346, %dma_wait3A_1355, %dma_wait3A_1356] : memref<3x64x128xf32, #tpu.memory_space<vmem>> -> memref<1x64x128xf32, #tpu.memory_space<vmem>>
    %dma_wait3A_1358 = tpu.memref_squeeze %dma_wait3A_1357 : memref<1x64x128xf32, #tpu.memory_space<vmem>> -> memref<64x128xf32, #tpu.memory_space<vmem>>
    tpu.wait_dma2 semaphore(%arg20 : memref<!tpu.dma_semaphore, #tpu.memory_space<semaphore_mem>>) src(%dma_wait3A_1358 : memref<64x128xf32, #tpu.memory_space<vmem>>) dst(%dma_wait3A_1354 : memref<64x128xf32, #tpu.memory_space<hbm>>)
    %dma_start3A_1359 = arith.constant 0 : i32
    %dma_start3A_1360 = arith.constant 0 : i32
    %dma_start3A_1361 = arith.constant 0 : i32
    %dma_start3A_1362 = tpu.memref_slice %arg16[%dma_start3A_1359, %dma_start3A_1360, %dma_start3A_1361] : memref<3x64x128xf32, #tpu.memory_space<vmem>> -> memref<1x64x128xf32, #tpu.memory_space<vmem>>
    %dma_start3A_1363 = tpu.memref_squeeze %dma_start3A_1362 : memref<1x64x128xf32, #tpu.memory_space<vmem>> -> memref<64x128xf32, #tpu.memory_space<vmem>>
    %dma_start3A_1364 = arith.constant 1152 : i32
    %dma_start3A_1365 = tpu.memref_slice %arg12[%dma_start3A_1364] : memref<1536xi32, #tpu.memory_space<vmem>> -> memref<64xi32, #tpu.memory_space<vmem>>
    %dma_start3A_1366 = arith.constant 0 : i32
    %dma_start3A_1367 = arith.constant 0 : i32
    %dma_start3A_1368 = tpu.memref_slice %arg3[%dma_start3A_1366, %dma_start3A_1367] : memref<100000x128xf32, #tpu.memory_space<hbm>> -> memref<100000x128xf32, #tpu.memory_space<hbm>>
    tpu.enqueue_indirect_dma source(%dma_start3A_1368 : memref<100000x128xf32, #tpu.memory_space<hbm>>) target(%dma_start3A_1363 : memref<64x128xf32, #tpu.memory_space<vmem>>) offsets(%dma_start3A_1365 : memref<64xi32, #tpu.memory_space<vmem>>) semaphore(%arg17 : memref<!tpu.dma_semaphore, #tpu.memory_space<semaphore_mem>>)
    %dma_wait3A_1369 = arith.constant 2 : i32
    %dma_wait3A_1370 = arith.constant 0 : i32
    %dma_wait3A_1371 = arith.constant 0 : i32
    %dma_wait3A_1372 = tpu.memref_slice %arg16[%dma_wait3A_1369, %dma_wait3A_1370, %dma_wait3A_1371] : memref<3x64x128xf32, #tpu.memory_space<vmem>> -> memref<1x64x128xf32, #tpu.memory_space<vmem>>
    %dma_wait3A_1373 = tpu.memref_squeeze %dma_wait3A_1372 : memref<1x64x128xf32, #tpu.memory_space<vmem>> -> memref<64x128xf32, #tpu.memory_space<vmem>>
    %dma_wait3A_1374 = arith.constant 1088 : i32
    %dma_wait3A_1375 = tpu.memref_slice %arg12[%dma_wait3A_1374] : memref<1536xi32, #tpu.memory_space<vmem>> -> memref<64xi32, #tpu.memory_space<vmem>>
    %dma_wait3A_1376 = arith.constant 0 : i32
    %dma_wait3A_1377 = arith.constant 0 : i32
    %dma_wait3A_1378 = tpu.memref_slice %arg3[%dma_wait3A_1376, %dma_wait3A_1377] : memref<100000x128xf32, #tpu.memory_space<hbm>> -> memref<100000x128xf32, #tpu.memory_space<hbm>>
    tpu.wait_indirect_dma semaphore(%arg19 : memref<!tpu.dma_semaphore, #tpu.memory_space<semaphore_mem>>) src(%dma_wait3A_1378 : memref<100000x128xf32, #tpu.memory_space<hbm>>) dst(%dma_wait3A_1373 : memref<64x128xf32, #tpu.memory_space<vmem>>)
    %add3A_1379 = arith.constant 32768 : i32
    %add3A_1380 = arith.addi %add3A_1379, %multiple_of3A_5 : i32
    %add3A_1381 = arith.constant 64 : i32
    %add3A_1382 = arith.addi %add3A_1380, %add3A_1381 : i32
    %multiple_of3A_1383 = tpu.assume_multiple %add3A_1382, 64 : i32
    %dma_start3A_1384 = arith.constant 2 : i32
    %dma_start3A_1385 = arith.constant 0 : i32
    %dma_start3A_1386 = arith.constant 0 : i32
    %dma_start3A_1387 = tpu.memref_slice %arg16[%dma_start3A_1384, %dma_start3A_1385, %dma_start3A_1386] : memref<3x64x128xf32, #tpu.memory_space<vmem>> -> memref<1x64x128xf32, #tpu.memory_space<vmem>>
    %dma_start3A_1388 = tpu.memref_squeeze %dma_start3A_1387 : memref<1x64x128xf32, #tpu.memory_space<vmem>> -> memref<64x128xf32, #tpu.memory_space<vmem>>
    %dma_start3A_1389 = arith.constant 0 : i32
    %dma_start3A_1390 = tpu.memref_slice %arg9[%multiple_of3A_1383, %dma_start3A_1389] : memref<49152x128xf32, #tpu.memory_space<hbm>> -> memref<64x128xf32, #tpu.memory_space<hbm>>
    %dma_start3A_1391 = arith.constant 0 : i32
    %dma_start3A_1392 = tpu.memref_slice %arg9[%multiple_of3A_1383, %dma_start3A_1391] : memref<49152x128xf32, #tpu.memory_space<hbm>> -> memref<64x128xf32, #tpu.memory_space<hbm>>
    %dma_start3A_1393 = arith.constant 0 : i32
    %dma_start3A_1394 = arith.constant 0 : i32
    %dma_start3A_1395 = tpu.memref_slice %arg16[%dma_start3A_1384, %dma_start3A_1393, %dma_start3A_1394] : memref<3x64x128xf32, #tpu.memory_space<vmem>> -> memref<1x64x128xf32, #tpu.memory_space<vmem>>
    %dma_start3A_1396 = tpu.memref_squeeze %dma_start3A_1395 : memref<1x64x128xf32, #tpu.memory_space<vmem>> -> memref<64x128xf32, #tpu.memory_space<vmem>>
    tpu.enqueue_dma source(%dma_start3A_1396 : memref<64x128xf32, #tpu.memory_space<vmem>>) target(%dma_start3A_1392 : memref<64x128xf32, #tpu.memory_space<hbm>>) target_semaphore(%arg22 : memref<!tpu.dma_semaphore, #tpu.memory_space<semaphore_mem>>)
    %dma_wait3A_1397 = arith.constant 1 : i32
    %dma_wait3A_1398 = arith.constant 0 : i32
    %dma_wait3A_1399 = arith.constant 0 : i32
    %dma_wait3A_1400 = tpu.memref_slice %arg16[%dma_wait3A_1397, %dma_wait3A_1398, %dma_wait3A_1399] : memref<3x64x128xf32, #tpu.memory_space<vmem>> -> memref<1x64x128xf32, #tpu.memory_space<vmem>>
    %dma_wait3A_1401 = tpu.memref_squeeze %dma_wait3A_1400 : memref<1x64x128xf32, #tpu.memory_space<vmem>> -> memref<64x128xf32, #tpu.memory_space<vmem>>
    %dma_wait3A_1402 = arith.constant 0 : i32
    %dma_wait3A_1403 = tpu.memref_slice %arg9[%multiple_of3A_1332, %dma_wait3A_1402] : memref<49152x128xf32, #tpu.memory_space<hbm>> -> memref<64x128xf32, #tpu.memory_space<hbm>>
    %dma_wait3A_1404 = arith.constant 0 : i32
    %dma_wait3A_1405 = tpu.memref_slice %arg9[%multiple_of3A_1332, %dma_wait3A_1404] : memref<49152x128xf32, #tpu.memory_space<hbm>> -> memref<64x128xf32, #tpu.memory_space<hbm>>
    %dma_wait3A_1406 = arith.constant 0 : i32
    %dma_wait3A_1407 = arith.constant 0 : i32
    %dma_wait3A_1408 = tpu.memref_slice %arg16[%dma_wait3A_1397, %dma_wait3A_1406, %dma_wait3A_1407] : memref<3x64x128xf32, #tpu.memory_space<vmem>> -> memref<1x64x128xf32, #tpu.memory_space<vmem>>
    %dma_wait3A_1409 = tpu.memref_squeeze %dma_wait3A_1408 : memref<1x64x128xf32, #tpu.memory_space<vmem>> -> memref<64x128xf32, #tpu.memory_space<vmem>>
    tpu.wait_dma2 semaphore(%arg21 : memref<!tpu.dma_semaphore, #tpu.memory_space<semaphore_mem>>) src(%dma_wait3A_1409 : memref<64x128xf32, #tpu.memory_space<vmem>>) dst(%dma_wait3A_1405 : memref<64x128xf32, #tpu.memory_space<hbm>>)
    %dma_start3A_1410 = arith.constant 1 : i32
    %dma_start3A_1411 = arith.constant 0 : i32
    %dma_start3A_1412 = arith.constant 0 : i32
    %dma_start3A_1413 = tpu.memref_slice %arg16[%dma_start3A_1410, %dma_start3A_1411, %dma_start3A_1412] : memref<3x64x128xf32, #tpu.memory_space<vmem>> -> memref<1x64x128xf32, #tpu.memory_space<vmem>>
    %dma_start3A_1414 = tpu.memref_squeeze %dma_start3A_1413 : memref<1x64x128xf32, #tpu.memory_space<vmem>> -> memref<64x128xf32, #tpu.memory_space<vmem>>
    %dma_start3A_1415 = arith.constant 1216 : i32
    %dma_start3A_1416 = tpu.memref_slice %arg12[%dma_start3A_1415] : memref<1536xi32, #tpu.memory_space<vmem>> -> memref<64xi32, #tpu.memory_space<vmem>>
    %dma_start3A_1417 = arith.constant 0 : i32
    %dma_start3A_1418 = arith.constant 0 : i32
    %dma_start3A_1419 = tpu.memref_slice %arg3[%dma_start3A_1417, %dma_start3A_1418] : memref<100000x128xf32, #tpu.memory_space<hbm>> -> memref<100000x128xf32, #tpu.memory_space<hbm>>
    tpu.enqueue_indirect_dma source(%dma_start3A_1419 : memref<100000x128xf32, #tpu.memory_space<hbm>>) target(%dma_start3A_1414 : memref<64x128xf32, #tpu.memory_space<vmem>>) offsets(%dma_start3A_1416 : memref<64xi32, #tpu.memory_space<vmem>>) semaphore(%arg18 : memref<!tpu.dma_semaphore, #tpu.memory_space<semaphore_mem>>)
    %dma_wait3A_1420 = arith.constant 0 : i32
    %dma_wait3A_1421 = arith.constant 0 : i32
    %dma_wait3A_1422 = arith.constant 0 : i32
    %dma_wait3A_1423 = tpu.memref_slice %arg16[%dma_wait3A_1420, %dma_wait3A_1421, %dma_wait3A_1422] : memref<3x64x128xf32, #tpu.memory_space<vmem>> -> memref<1x64x128xf32, #tpu.memory_space<vmem>>
    %dma_wait3A_1424 = tpu.memref_squeeze %dma_wait3A_1423 : memref<1x64x128xf32, #tpu.memory_space<vmem>> -> memref<64x128xf32, #tpu.memory_space<vmem>>
    %dma_wait3A_1425 = arith.constant 1152 : i32
    %dma_wait3A_1426 = tpu.memref_slice %arg12[%dma_wait3A_1425] : memref<1536xi32, #tpu.memory_space<vmem>> -> memref<64xi32, #tpu.memory_space<vmem>>
    %dma_wait3A_1427 = arith.constant 0 : i32
    %dma_wait3A_1428 = arith.constant 0 : i32
    %dma_wait3A_1429 = tpu.memref_slice %arg3[%dma_wait3A_1427, %dma_wait3A_1428] : memref<100000x128xf32, #tpu.memory_space<hbm>> -> memref<100000x128xf32, #tpu.memory_space<hbm>>
    tpu.wait_indirect_dma semaphore(%arg17 : memref<!tpu.dma_semaphore, #tpu.memory_space<semaphore_mem>>) src(%dma_wait3A_1429 : memref<100000x128xf32, #tpu.memory_space<hbm>>) dst(%dma_wait3A_1424 : memref<64x128xf32, #tpu.memory_space<vmem>>)
    %add3A_1430 = arith.constant 32768 : i32
    %add3A_1431 = arith.addi %add3A_1430, %multiple_of3A_5 : i32
    %add3A_1432 = arith.constant 128 : i32
    %add3A_1433 = arith.addi %add3A_1431, %add3A_1432 : i32
    %multiple_of3A_1434 = tpu.assume_multiple %add3A_1433, 64 : i32
    %dma_start3A_1435 = arith.constant 0 : i32
    %dma_start3A_1436 = arith.constant 0 : i32
    %dma_start3A_1437 = arith.constant 0 : i32
    %dma_start3A_1438 = tpu.memref_slice %arg16[%dma_start3A_1435, %dma_start3A_1436, %dma_start3A_1437] : memref<3x64x128xf32, #tpu.memory_space<vmem>> -> memref<1x64x128xf32, #tpu.memory_space<vmem>>
    %dma_start3A_1439 = tpu.memref_squeeze %dma_start3A_1438 : memref<1x64x128xf32, #tpu.memory_space<vmem>> -> memref<64x128xf32, #tpu.memory_space<vmem>>
    %dma_start3A_1440 = arith.constant 0 : i32
    %dma_start3A_1441 = tpu.memref_slice %arg9[%multiple_of3A_1434, %dma_start3A_1440] : memref<49152x128xf32, #tpu.memory_space<hbm>> -> memref<64x128xf32, #tpu.memory_space<hbm>>
    %dma_start3A_1442 = arith.constant 0 : i32
    %dma_start3A_1443 = tpu.memref_slice %arg9[%multiple_of3A_1434, %dma_start3A_1442] : memref<49152x128xf32, #tpu.memory_space<hbm>> -> memref<64x128xf32, #tpu.memory_space<hbm>>
    %dma_start3A_1444 = arith.constant 0 : i32
    %dma_start3A_1445 = arith.constant 0 : i32
    %dma_start3A_1446 = tpu.memref_slice %arg16[%dma_start3A_1435, %dma_start3A_1444, %dma_start3A_1445] : memref<3x64x128xf32, #tpu.memory_space<vmem>> -> memref<1x64x128xf32, #tpu.memory_space<vmem>>
    %dma_start3A_1447 = tpu.memref_squeeze %dma_start3A_1446 : memref<1x64x128xf32, #tpu.memory_space<vmem>> -> memref<64x128xf32, #tpu.memory_space<vmem>>
    tpu.enqueue_dma source(%dma_start3A_1447 : memref<64x128xf32, #tpu.memory_space<vmem>>) target(%dma_start3A_1443 : memref<64x128xf32, #tpu.memory_space<hbm>>) target_semaphore(%arg20 : memref<!tpu.dma_semaphore, #tpu.memory_space<semaphore_mem>>)
    %dma_wait3A_1448 = arith.constant 2 : i32
    %dma_wait3A_1449 = arith.constant 0 : i32
    %dma_wait3A_1450 = arith.constant 0 : i32
    %dma_wait3A_1451 = tpu.memref_slice %arg16[%dma_wait3A_1448, %dma_wait3A_1449, %dma_wait3A_1450] : memref<3x64x128xf32, #tpu.memory_space<vmem>> -> memref<1x64x128xf32, #tpu.memory_space<vmem>>
    %dma_wait3A_1452 = tpu.memref_squeeze %dma_wait3A_1451 : memref<1x64x128xf32, #tpu.memory_space<vmem>> -> memref<64x128xf32, #tpu.memory_space<vmem>>
    %dma_wait3A_1453 = arith.constant 0 : i32
    %dma_wait3A_1454 = tpu.memref_slice %arg9[%multiple_of3A_1383, %dma_wait3A_1453] : memref<49152x128xf32, #tpu.memory_space<hbm>> -> memref<64x128xf32, #tpu.memory_space<hbm>>
    %dma_wait3A_1455 = arith.constant 0 : i32
    %dma_wait3A_1456 = tpu.memref_slice %arg9[%multiple_of3A_1383, %dma_wait3A_1455] : memref<49152x128xf32, #tpu.memory_space<hbm>> -> memref<64x128xf32, #tpu.memory_space<hbm>>
    %dma_wait3A_1457 = arith.constant 0 : i32
    %dma_wait3A_1458 = arith.constant 0 : i32
    %dma_wait3A_1459 = tpu.memref_slice %arg16[%dma_wait3A_1448, %dma_wait3A_1457, %dma_wait3A_1458] : memref<3x64x128xf32, #tpu.memory_space<vmem>> -> memref<1x64x128xf32, #tpu.memory_space<vmem>>
    %dma_wait3A_1460 = tpu.memref_squeeze %dma_wait3A_1459 : memref<1x64x128xf32, #tpu.memory_space<vmem>> -> memref<64x128xf32, #tpu.memory_space<vmem>>
    tpu.wait_dma2 semaphore(%arg22 : memref<!tpu.dma_semaphore, #tpu.memory_space<semaphore_mem>>) src(%dma_wait3A_1460 : memref<64x128xf32, #tpu.memory_space<vmem>>) dst(%dma_wait3A_1456 : memref<64x128xf32, #tpu.memory_space<hbm>>)
    %dma_start3A_1461 = arith.constant 2 : i32
    %dma_start3A_1462 = arith.constant 0 : i32
    %dma_start3A_1463 = arith.constant 0 : i32
    %dma_start3A_1464 = tpu.memref_slice %arg16[%dma_start3A_1461, %dma_start3A_1462, %dma_start3A_1463] : memref<3x64x128xf32, #tpu.memory_space<vmem>> -> memref<1x64x128xf32, #tpu.memory_space<vmem>>
    %dma_start3A_1465 = tpu.memref_squeeze %dma_start3A_1464 : memref<1x64x128xf32, #tpu.memory_space<vmem>> -> memref<64x128xf32, #tpu.memory_space<vmem>>
    %dma_start3A_1466 = arith.constant 1280 : i32
    %dma_start3A_1467 = tpu.memref_slice %arg12[%dma_start3A_1466] : memref<1536xi32, #tpu.memory_space<vmem>> -> memref<64xi32, #tpu.memory_space<vmem>>
    %dma_start3A_1468 = arith.constant 0 : i32
    %dma_start3A_1469 = arith.constant 0 : i32
    %dma_start3A_1470 = tpu.memref_slice %arg3[%dma_start3A_1468, %dma_start3A_1469] : memref<100000x128xf32, #tpu.memory_space<hbm>> -> memref<100000x128xf32, #tpu.memory_space<hbm>>
    tpu.enqueue_indirect_dma source(%dma_start3A_1470 : memref<100000x128xf32, #tpu.memory_space<hbm>>) target(%dma_start3A_1465 : memref<64x128xf32, #tpu.memory_space<vmem>>) offsets(%dma_start3A_1467 : memref<64xi32, #tpu.memory_space<vmem>>) semaphore(%arg19 : memref<!tpu.dma_semaphore, #tpu.memory_space<semaphore_mem>>)
    %dma_wait3A_1471 = arith.constant 1 : i32
    %dma_wait3A_1472 = arith.constant 0 : i32
    %dma_wait3A_1473 = arith.constant 0 : i32
    %dma_wait3A_1474 = tpu.memref_slice %arg16[%dma_wait3A_1471, %dma_wait3A_1472, %dma_wait3A_1473] : memref<3x64x128xf32, #tpu.memory_space<vmem>> -> memref<1x64x128xf32, #tpu.memory_space<vmem>>
    %dma_wait3A_1475 = tpu.memref_squeeze %dma_wait3A_1474 : memref<1x64x128xf32, #tpu.memory_space<vmem>> -> memref<64x128xf32, #tpu.memory_space<vmem>>
    %dma_wait3A_1476 = arith.constant 1216 : i32
    %dma_wait3A_1477 = tpu.memref_slice %arg12[%dma_wait3A_1476] : memref<1536xi32, #tpu.memory_space<vmem>> -> memref<64xi32, #tpu.memory_space<vmem>>
    %dma_wait3A_1478 = arith.constant 0 : i32
    %dma_wait3A_1479 = arith.constant 0 : i32
    %dma_wait3A_1480 = tpu.memref_slice %arg3[%dma_wait3A_1478, %dma_wait3A_1479] : memref<100000x128xf32, #tpu.memory_space<hbm>> -> memref<100000x128xf32, #tpu.memory_space<hbm>>
    tpu.wait_indirect_dma semaphore(%arg18 : memref<!tpu.dma_semaphore, #tpu.memory_space<semaphore_mem>>) src(%dma_wait3A_1480 : memref<100000x128xf32, #tpu.memory_space<hbm>>) dst(%dma_wait3A_1475 : memref<64x128xf32, #tpu.memory_space<vmem>>)
    %add3A_1481 = arith.constant 32768 : i32
    %add3A_1482 = arith.addi %add3A_1481, %multiple_of3A_5 : i32
    %add3A_1483 = arith.constant 192 : i32
    %add3A_1484 = arith.addi %add3A_1482, %add3A_1483 : i32
    %multiple_of3A_1485 = tpu.assume_multiple %add3A_1484, 64 : i32
    %dma_start3A_1486 = arith.constant 1 : i32
    %dma_start3A_1487 = arith.constant 0 : i32
    %dma_start3A_1488 = arith.constant 0 : i32
    %dma_start3A_1489 = tpu.memref_slice %arg16[%dma_start3A_1486, %dma_start3A_1487, %dma_start3A_1488] : memref<3x64x128xf32, #tpu.memory_space<vmem>> -> memref<1x64x128xf32, #tpu.memory_space<vmem>>
    %dma_start3A_1490 = tpu.memref_squeeze %dma_start3A_1489 : memref<1x64x128xf32, #tpu.memory_space<vmem>> -> memref<64x128xf32, #tpu.memory_space<vmem>>
    %dma_start3A_1491 = arith.constant 0 : i32
    %dma_start3A_1492 = tpu.memref_slice %arg9[%multiple_of3A_1485, %dma_start3A_1491] : memref<49152x128xf32, #tpu.memory_space<hbm>> -> memref<64x128xf32, #tpu.memory_space<hbm>>
    %dma_start3A_1493 = arith.constant 0 : i32
    %dma_start3A_1494 = tpu.memref_slice %arg9[%multiple_of3A_1485, %dma_start3A_1493] : memref<49152x128xf32, #tpu.memory_space<hbm>> -> memref<64x128xf32, #tpu.memory_space<hbm>>
    %dma_start3A_1495 = arith.constant 0 : i32
    %dma_start3A_1496 = arith.constant 0 : i32
    %dma_start3A_1497 = tpu.memref_slice %arg16[%dma_start3A_1486, %dma_start3A_1495, %dma_start3A_1496] : memref<3x64x128xf32, #tpu.memory_space<vmem>> -> memref<1x64x128xf32, #tpu.memory_space<vmem>>
    %dma_start3A_1498 = tpu.memref_squeeze %dma_start3A_1497 : memref<1x64x128xf32, #tpu.memory_space<vmem>> -> memref<64x128xf32, #tpu.memory_space<vmem>>
    tpu.enqueue_dma source(%dma_start3A_1498 : memref<64x128xf32, #tpu.memory_space<vmem>>) target(%dma_start3A_1494 : memref<64x128xf32, #tpu.memory_space<hbm>>) target_semaphore(%arg21 : memref<!tpu.dma_semaphore, #tpu.memory_space<semaphore_mem>>)
    %dma_wait3A_1499 = arith.constant 0 : i32
    %dma_wait3A_1500 = arith.constant 0 : i32
    %dma_wait3A_1501 = arith.constant 0 : i32
    %dma_wait3A_1502 = tpu.memref_slice %arg16[%dma_wait3A_1499, %dma_wait3A_1500, %dma_wait3A_1501] : memref<3x64x128xf32, #tpu.memory_space<vmem>> -> memref<1x64x128xf32, #tpu.memory_space<vmem>>
    %dma_wait3A_1503 = tpu.memref_squeeze %dma_wait3A_1502 : memref<1x64x128xf32, #tpu.memory_space<vmem>> -> memref<64x128xf32, #tpu.memory_space<vmem>>
    %dma_wait3A_1504 = arith.constant 0 : i32
    %dma_wait3A_1505 = tpu.memref_slice %arg9[%multiple_of3A_1434, %dma_wait3A_1504] : memref<49152x128xf32, #tpu.memory_space<hbm>> -> memref<64x128xf32, #tpu.memory_space<hbm>>
    %dma_wait3A_1506 = arith.constant 0 : i32
    %dma_wait3A_1507 = tpu.memref_slice %arg9[%multiple_of3A_1434, %dma_wait3A_1506] : memref<49152x128xf32, #tpu.memory_space<hbm>> -> memref<64x128xf32, #tpu.memory_space<hbm>>
    %dma_wait3A_1508 = arith.constant 0 : i32
    %dma_wait3A_1509 = arith.constant 0 : i32
    %dma_wait3A_1510 = tpu.memref_slice %arg16[%dma_wait3A_1499, %dma_wait3A_1508, %dma_wait3A_1509] : memref<3x64x128xf32, #tpu.memory_space<vmem>> -> memref<1x64x128xf32, #tpu.memory_space<vmem>>
    %dma_wait3A_1511 = tpu.memref_squeeze %dma_wait3A_1510 : memref<1x64x128xf32, #tpu.memory_space<vmem>> -> memref<64x128xf32, #tpu.memory_space<vmem>>
    tpu.wait_dma2 semaphore(%arg20 : memref<!tpu.dma_semaphore, #tpu.memory_space<semaphore_mem>>) src(%dma_wait3A_1511 : memref<64x128xf32, #tpu.memory_space<vmem>>) dst(%dma_wait3A_1507 : memref<64x128xf32, #tpu.memory_space<hbm>>)
    %dma_start3A_1512 = arith.constant 0 : i32
    %dma_start3A_1513 = arith.constant 0 : i32
    %dma_start3A_1514 = arith.constant 0 : i32
    %dma_start3A_1515 = tpu.memref_slice %arg16[%dma_start3A_1512, %dma_start3A_1513, %dma_start3A_1514] : memref<3x64x128xf32, #tpu.memory_space<vmem>> -> memref<1x64x128xf32, #tpu.memory_space<vmem>>
    %dma_start3A_1516 = tpu.memref_squeeze %dma_start3A_1515 : memref<1x64x128xf32, #tpu.memory_space<vmem>> -> memref<64x128xf32, #tpu.memory_space<vmem>>
    %dma_start3A_1517 = arith.constant 1344 : i32
    %dma_start3A_1518 = tpu.memref_slice %arg12[%dma_start3A_1517] : memref<1536xi32, #tpu.memory_space<vmem>> -> memref<64xi32, #tpu.memory_space<vmem>>
    %dma_start3A_1519 = arith.constant 0 : i32
    %dma_start3A_1520 = arith.constant 0 : i32
    %dma_start3A_1521 = tpu.memref_slice %arg3[%dma_start3A_1519, %dma_start3A_1520] : memref<100000x128xf32, #tpu.memory_space<hbm>> -> memref<100000x128xf32, #tpu.memory_space<hbm>>
    tpu.enqueue_indirect_dma source(%dma_start3A_1521 : memref<100000x128xf32, #tpu.memory_space<hbm>>) target(%dma_start3A_1516 : memref<64x128xf32, #tpu.memory_space<vmem>>) offsets(%dma_start3A_1518 : memref<64xi32, #tpu.memory_space<vmem>>) semaphore(%arg17 : memref<!tpu.dma_semaphore, #tpu.memory_space<semaphore_mem>>)
    %dma_wait3A_1522 = arith.constant 2 : i32
    %dma_wait3A_1523 = arith.constant 0 : i32
    %dma_wait3A_1524 = arith.constant 0 : i32
    %dma_wait3A_1525 = tpu.memref_slice %arg16[%dma_wait3A_1522, %dma_wait3A_1523, %dma_wait3A_1524] : memref<3x64x128xf32, #tpu.memory_space<vmem>> -> memref<1x64x128xf32, #tpu.memory_space<vmem>>
    %dma_wait3A_1526 = tpu.memref_squeeze %dma_wait3A_1525 : memref<1x64x128xf32, #tpu.memory_space<vmem>> -> memref<64x128xf32, #tpu.memory_space<vmem>>
    %dma_wait3A_1527 = arith.constant 1280 : i32
    %dma_wait3A_1528 = tpu.memref_slice %arg12[%dma_wait3A_1527] : memref<1536xi32, #tpu.memory_space<vmem>> -> memref<64xi32, #tpu.memory_space<vmem>>
    %dma_wait3A_1529 = arith.constant 0 : i32
    %dma_wait3A_1530 = arith.constant 0 : i32
    %dma_wait3A_1531 = tpu.memref_slice %arg3[%dma_wait3A_1529, %dma_wait3A_1530] : memref<100000x128xf32, #tpu.memory_space<hbm>> -> memref<100000x128xf32, #tpu.memory_space<hbm>>
    tpu.wait_indirect_dma semaphore(%arg19 : memref<!tpu.dma_semaphore, #tpu.memory_space<semaphore_mem>>) src(%dma_wait3A_1531 : memref<100000x128xf32, #tpu.memory_space<hbm>>) dst(%dma_wait3A_1526 : memref<64x128xf32, #tpu.memory_space<vmem>>)
    %add3A_1532 = arith.constant 32768 : i32
    %add3A_1533 = arith.addi %add3A_1532, %multiple_of3A_5 : i32
    %add3A_1534 = arith.constant 256 : i32
    %add3A_1535 = arith.addi %add3A_1533, %add3A_1534 : i32
    %multiple_of3A_1536 = tpu.assume_multiple %add3A_1535, 64 : i32
    %dma_start3A_1537 = arith.constant 2 : i32
    %dma_start3A_1538 = arith.constant 0 : i32
    %dma_start3A_1539 = arith.constant 0 : i32
    %dma_start3A_1540 = tpu.memref_slice %arg16[%dma_start3A_1537, %dma_start3A_1538, %dma_start3A_1539] : memref<3x64x128xf32, #tpu.memory_space<vmem>> -> memref<1x64x128xf32, #tpu.memory_space<vmem>>
    %dma_start3A_1541 = tpu.memref_squeeze %dma_start3A_1540 : memref<1x64x128xf32, #tpu.memory_space<vmem>> -> memref<64x128xf32, #tpu.memory_space<vmem>>
    %dma_start3A_1542 = arith.constant 0 : i32
    %dma_start3A_1543 = tpu.memref_slice %arg9[%multiple_of3A_1536, %dma_start3A_1542] : memref<49152x128xf32, #tpu.memory_space<hbm>> -> memref<64x128xf32, #tpu.memory_space<hbm>>
    %dma_start3A_1544 = arith.constant 0 : i32
    %dma_start3A_1545 = tpu.memref_slice %arg9[%multiple_of3A_1536, %dma_start3A_1544] : memref<49152x128xf32, #tpu.memory_space<hbm>> -> memref<64x128xf32, #tpu.memory_space<hbm>>
    %dma_start3A_1546 = arith.constant 0 : i32
    %dma_start3A_1547 = arith.constant 0 : i32
    %dma_start3A_1548 = tpu.memref_slice %arg16[%dma_start3A_1537, %dma_start3A_1546, %dma_start3A_1547] : memref<3x64x128xf32, #tpu.memory_space<vmem>> -> memref<1x64x128xf32, #tpu.memory_space<vmem>>
    %dma_start3A_1549 = tpu.memref_squeeze %dma_start3A_1548 : memref<1x64x128xf32, #tpu.memory_space<vmem>> -> memref<64x128xf32, #tpu.memory_space<vmem>>
    tpu.enqueue_dma source(%dma_start3A_1549 : memref<64x128xf32, #tpu.memory_space<vmem>>) target(%dma_start3A_1545 : memref<64x128xf32, #tpu.memory_space<hbm>>) target_semaphore(%arg22 : memref<!tpu.dma_semaphore, #tpu.memory_space<semaphore_mem>>)
    %dma_wait3A_1550 = arith.constant 1 : i32
    %dma_wait3A_1551 = arith.constant 0 : i32
    %dma_wait3A_1552 = arith.constant 0 : i32
    %dma_wait3A_1553 = tpu.memref_slice %arg16[%dma_wait3A_1550, %dma_wait3A_1551, %dma_wait3A_1552] : memref<3x64x128xf32, #tpu.memory_space<vmem>> -> memref<1x64x128xf32, #tpu.memory_space<vmem>>
    %dma_wait3A_1554 = tpu.memref_squeeze %dma_wait3A_1553 : memref<1x64x128xf32, #tpu.memory_space<vmem>> -> memref<64x128xf32, #tpu.memory_space<vmem>>
    %dma_wait3A_1555 = arith.constant 0 : i32
    %dma_wait3A_1556 = tpu.memref_slice %arg9[%multiple_of3A_1485, %dma_wait3A_1555] : memref<49152x128xf32, #tpu.memory_space<hbm>> -> memref<64x128xf32, #tpu.memory_space<hbm>>
    %dma_wait3A_1557 = arith.constant 0 : i32
    %dma_wait3A_1558 = tpu.memref_slice %arg9[%multiple_of3A_1485, %dma_wait3A_1557] : memref<49152x128xf32, #tpu.memory_space<hbm>> -> memref<64x128xf32, #tpu.memory_space<hbm>>
    %dma_wait3A_1559 = arith.constant 0 : i32
    %dma_wait3A_1560 = arith.constant 0 : i32
    %dma_wait3A_1561 = tpu.memref_slice %arg16[%dma_wait3A_1550, %dma_wait3A_1559, %dma_wait3A_1560] : memref<3x64x128xf32, #tpu.memory_space<vmem>> -> memref<1x64x128xf32, #tpu.memory_space<vmem>>
    %dma_wait3A_1562 = tpu.memref_squeeze %dma_wait3A_1561 : memref<1x64x128xf32, #tpu.memory_space<vmem>> -> memref<64x128xf32, #tpu.memory_space<vmem>>
    tpu.wait_dma2 semaphore(%arg21 : memref<!tpu.dma_semaphore, #tpu.memory_space<semaphore_mem>>) src(%dma_wait3A_1562 : memref<64x128xf32, #tpu.memory_space<vmem>>) dst(%dma_wait3A_1558 : memref<64x128xf32, #tpu.memory_space<hbm>>)
    %dma_start3A_1563 = arith.constant 1 : i32
    %dma_start3A_1564 = arith.constant 0 : i32
    %dma_start3A_1565 = arith.constant 0 : i32
    %dma_start3A_1566 = tpu.memref_slice %arg16[%dma_start3A_1563, %dma_start3A_1564, %dma_start3A_1565] : memref<3x64x128xf32, #tpu.memory_space<vmem>> -> memref<1x64x128xf32, #tpu.memory_space<vmem>>
    %dma_start3A_1567 = tpu.memref_squeeze %dma_start3A_1566 : memref<1x64x128xf32, #tpu.memory_space<vmem>> -> memref<64x128xf32, #tpu.memory_space<vmem>>
    %dma_start3A_1568 = arith.constant 1408 : i32
    %dma_start3A_1569 = tpu.memref_slice %arg12[%dma_start3A_1568] : memref<1536xi32, #tpu.memory_space<vmem>> -> memref<64xi32, #tpu.memory_space<vmem>>
    %dma_start3A_1570 = arith.constant 0 : i32
    %dma_start3A_1571 = arith.constant 0 : i32
    %dma_start3A_1572 = tpu.memref_slice %arg3[%dma_start3A_1570, %dma_start3A_1571] : memref<100000x128xf32, #tpu.memory_space<hbm>> -> memref<100000x128xf32, #tpu.memory_space<hbm>>
    tpu.enqueue_indirect_dma source(%dma_start3A_1572 : memref<100000x128xf32, #tpu.memory_space<hbm>>) target(%dma_start3A_1567 : memref<64x128xf32, #tpu.memory_space<vmem>>) offsets(%dma_start3A_1569 : memref<64xi32, #tpu.memory_space<vmem>>) semaphore(%arg18 : memref<!tpu.dma_semaphore, #tpu.memory_space<semaphore_mem>>)
    %dma_wait3A_1573 = arith.constant 0 : i32
    %dma_wait3A_1574 = arith.constant 0 : i32
    %dma_wait3A_1575 = arith.constant 0 : i32
    %dma_wait3A_1576 = tpu.memref_slice %arg16[%dma_wait3A_1573, %dma_wait3A_1574, %dma_wait3A_1575] : memref<3x64x128xf32, #tpu.memory_space<vmem>> -> memref<1x64x128xf32, #tpu.memory_space<vmem>>
    %dma_wait3A_1577 = tpu.memref_squeeze %dma_wait3A_1576 : memref<1x64x128xf32, #tpu.memory_space<vmem>> -> memref<64x128xf32, #tpu.memory_space<vmem>>
    %dma_wait3A_1578 = arith.constant 1344 : i32
    %dma_wait3A_1579 = tpu.memref_slice %arg12[%dma_wait3A_1578] : memref<1536xi32, #tpu.memory_space<vmem>> -> memref<64xi32, #tpu.memory_space<vmem>>
    %dma_wait3A_1580 = arith.constant 0 : i32
    %dma_wait3A_1581 = arith.constant 0 : i32
    %dma_wait3A_1582 = tpu.memref_slice %arg3[%dma_wait3A_1580, %dma_wait3A_1581] : memref<100000x128xf32, #tpu.memory_space<hbm>> -> memref<100000x128xf32, #tpu.memory_space<hbm>>
    tpu.wait_indirect_dma semaphore(%arg17 : memref<!tpu.dma_semaphore, #tpu.memory_space<semaphore_mem>>) src(%dma_wait3A_1582 : memref<100000x128xf32, #tpu.memory_space<hbm>>) dst(%dma_wait3A_1577 : memref<64x128xf32, #tpu.memory_space<vmem>>)
    %add3A_1583 = arith.constant 32768 : i32
    %add3A_1584 = arith.addi %add3A_1583, %multiple_of3A_5 : i32
    %add3A_1585 = arith.constant 320 : i32
    %add3A_1586 = arith.addi %add3A_1584, %add3A_1585 : i32
    %multiple_of3A_1587 = tpu.assume_multiple %add3A_1586, 64 : i32
    %dma_start3A_1588 = arith.constant 0 : i32
    %dma_start3A_1589 = arith.constant 0 : i32
    %dma_start3A_1590 = arith.constant 0 : i32
    %dma_start3A_1591 = tpu.memref_slice %arg16[%dma_start3A_1588, %dma_start3A_1589, %dma_start3A_1590] : memref<3x64x128xf32, #tpu.memory_space<vmem>> -> memref<1x64x128xf32, #tpu.memory_space<vmem>>
    %dma_start3A_1592 = tpu.memref_squeeze %dma_start3A_1591 : memref<1x64x128xf32, #tpu.memory_space<vmem>> -> memref<64x128xf32, #tpu.memory_space<vmem>>
    %dma_start3A_1593 = arith.constant 0 : i32
    %dma_start3A_1594 = tpu.memref_slice %arg9[%multiple_of3A_1587, %dma_start3A_1593] : memref<49152x128xf32, #tpu.memory_space<hbm>> -> memref<64x128xf32, #tpu.memory_space<hbm>>
    %dma_start3A_1595 = arith.constant 0 : i32
    %dma_start3A_1596 = tpu.memref_slice %arg9[%multiple_of3A_1587, %dma_start3A_1595] : memref<49152x128xf32, #tpu.memory_space<hbm>> -> memref<64x128xf32, #tpu.memory_space<hbm>>
    %dma_start3A_1597 = arith.constant 0 : i32
    %dma_start3A_1598 = arith.constant 0 : i32
    %dma_start3A_1599 = tpu.memref_slice %arg16[%dma_start3A_1588, %dma_start3A_1597, %dma_start3A_1598] : memref<3x64x128xf32, #tpu.memory_space<vmem>> -> memref<1x64x128xf32, #tpu.memory_space<vmem>>
    %dma_start3A_1600 = tpu.memref_squeeze %dma_start3A_1599 : memref<1x64x128xf32, #tpu.memory_space<vmem>> -> memref<64x128xf32, #tpu.memory_space<vmem>>
    tpu.enqueue_dma source(%dma_start3A_1600 : memref<64x128xf32, #tpu.memory_space<vmem>>) target(%dma_start3A_1596 : memref<64x128xf32, #tpu.memory_space<hbm>>) target_semaphore(%arg20 : memref<!tpu.dma_semaphore, #tpu.memory_space<semaphore_mem>>)
    %dma_wait3A_1601 = arith.constant 2 : i32
    %dma_wait3A_1602 = arith.constant 0 : i32
    %dma_wait3A_1603 = arith.constant 0 : i32
    %dma_wait3A_1604 = tpu.memref_slice %arg16[%dma_wait3A_1601, %dma_wait3A_1602, %dma_wait3A_1603] : memref<3x64x128xf32, #tpu.memory_space<vmem>> -> memref<1x64x128xf32, #tpu.memory_space<vmem>>
    %dma_wait3A_1605 = tpu.memref_squeeze %dma_wait3A_1604 : memref<1x64x128xf32, #tpu.memory_space<vmem>> -> memref<64x128xf32, #tpu.memory_space<vmem>>
    %dma_wait3A_1606 = arith.constant 0 : i32
    %dma_wait3A_1607 = tpu.memref_slice %arg9[%multiple_of3A_1536, %dma_wait3A_1606] : memref<49152x128xf32, #tpu.memory_space<hbm>> -> memref<64x128xf32, #tpu.memory_space<hbm>>
    %dma_wait3A_1608 = arith.constant 0 : i32
    %dma_wait3A_1609 = tpu.memref_slice %arg9[%multiple_of3A_1536, %dma_wait3A_1608] : memref<49152x128xf32, #tpu.memory_space<hbm>> -> memref<64x128xf32, #tpu.memory_space<hbm>>
    %dma_wait3A_1610 = arith.constant 0 : i32
    %dma_wait3A_1611 = arith.constant 0 : i32
    %dma_wait3A_1612 = tpu.memref_slice %arg16[%dma_wait3A_1601, %dma_wait3A_1610, %dma_wait3A_1611] : memref<3x64x128xf32, #tpu.memory_space<vmem>> -> memref<1x64x128xf32, #tpu.memory_space<vmem>>
    %dma_wait3A_1613 = tpu.memref_squeeze %dma_wait3A_1612 : memref<1x64x128xf32, #tpu.memory_space<vmem>> -> memref<64x128xf32, #tpu.memory_space<vmem>>
    tpu.wait_dma2 semaphore(%arg22 : memref<!tpu.dma_semaphore, #tpu.memory_space<semaphore_mem>>) src(%dma_wait3A_1613 : memref<64x128xf32, #tpu.memory_space<vmem>>) dst(%dma_wait3A_1609 : memref<64x128xf32, #tpu.memory_space<hbm>>)
    %dma_start3A_1614 = arith.constant 2 : i32
    %dma_start3A_1615 = arith.constant 0 : i32
    %dma_start3A_1616 = arith.constant 0 : i32
    %dma_start3A_1617 = tpu.memref_slice %arg16[%dma_start3A_1614, %dma_start3A_1615, %dma_start3A_1616] : memref<3x64x128xf32, #tpu.memory_space<vmem>> -> memref<1x64x128xf32, #tpu.memory_space<vmem>>
    %dma_start3A_1618 = tpu.memref_squeeze %dma_start3A_1617 : memref<1x64x128xf32, #tpu.memory_space<vmem>> -> memref<64x128xf32, #tpu.memory_space<vmem>>
    %dma_start3A_1619 = arith.constant 1472 : i32
    %dma_start3A_1620 = tpu.memref_slice %arg12[%dma_start3A_1619] : memref<1536xi32, #tpu.memory_space<vmem>> -> memref<64xi32, #tpu.memory_space<vmem>>
    %dma_start3A_1621 = arith.constant 0 : i32
    %dma_start3A_1622 = arith.constant 0 : i32
    %dma_start3A_1623 = tpu.memref_slice %arg3[%dma_start3A_1621, %dma_start3A_1622] : memref<100000x128xf32, #tpu.memory_space<hbm>> -> memref<100000x128xf32, #tpu.memory_space<hbm>>
    tpu.enqueue_indirect_dma source(%dma_start3A_1623 : memref<100000x128xf32, #tpu.memory_space<hbm>>) target(%dma_start3A_1618 : memref<64x128xf32, #tpu.memory_space<vmem>>) offsets(%dma_start3A_1620 : memref<64xi32, #tpu.memory_space<vmem>>) semaphore(%arg19 : memref<!tpu.dma_semaphore, #tpu.memory_space<semaphore_mem>>)
    %dma_wait3A_1624 = arith.constant 1 : i32
    %dma_wait3A_1625 = arith.constant 0 : i32
    %dma_wait3A_1626 = arith.constant 0 : i32
    %dma_wait3A_1627 = tpu.memref_slice %arg16[%dma_wait3A_1624, %dma_wait3A_1625, %dma_wait3A_1626] : memref<3x64x128xf32, #tpu.memory_space<vmem>> -> memref<1x64x128xf32, #tpu.memory_space<vmem>>
    %dma_wait3A_1628 = tpu.memref_squeeze %dma_wait3A_1627 : memref<1x64x128xf32, #tpu.memory_space<vmem>> -> memref<64x128xf32, #tpu.memory_space<vmem>>
    %dma_wait3A_1629 = arith.constant 1408 : i32
    %dma_wait3A_1630 = tpu.memref_slice %arg12[%dma_wait3A_1629] : memref<1536xi32, #tpu.memory_space<vmem>> -> memref<64xi32, #tpu.memory_space<vmem>>
    %dma_wait3A_1631 = arith.constant 0 : i32
    %dma_wait3A_1632 = arith.constant 0 : i32
    %dma_wait3A_1633 = tpu.memref_slice %arg3[%dma_wait3A_1631, %dma_wait3A_1632] : memref<100000x128xf32, #tpu.memory_space<hbm>> -> memref<100000x128xf32, #tpu.memory_space<hbm>>
    tpu.wait_indirect_dma semaphore(%arg18 : memref<!tpu.dma_semaphore, #tpu.memory_space<semaphore_mem>>) src(%dma_wait3A_1633 : memref<100000x128xf32, #tpu.memory_space<hbm>>) dst(%dma_wait3A_1628 : memref<64x128xf32, #tpu.memory_space<vmem>>)
    %add3A_1634 = arith.constant 32768 : i32
    %add3A_1635 = arith.addi %add3A_1634, %multiple_of3A_5 : i32
    %add3A_1636 = arith.constant 384 : i32
    %add3A_1637 = arith.addi %add3A_1635, %add3A_1636 : i32
    %multiple_of3A_1638 = tpu.assume_multiple %add3A_1637, 64 : i32
    %dma_start3A_1639 = arith.constant 1 : i32
    %dma_start3A_1640 = arith.constant 0 : i32
    %dma_start3A_1641 = arith.constant 0 : i32
    %dma_start3A_1642 = tpu.memref_slice %arg16[%dma_start3A_1639, %dma_start3A_1640, %dma_start3A_1641] : memref<3x64x128xf32, #tpu.memory_space<vmem>> -> memref<1x64x128xf32, #tpu.memory_space<vmem>>
    %dma_start3A_1643 = tpu.memref_squeeze %dma_start3A_1642 : memref<1x64x128xf32, #tpu.memory_space<vmem>> -> memref<64x128xf32, #tpu.memory_space<vmem>>
    %dma_start3A_1644 = arith.constant 0 : i32
    %dma_start3A_1645 = tpu.memref_slice %arg9[%multiple_of3A_1638, %dma_start3A_1644] : memref<49152x128xf32, #tpu.memory_space<hbm>> -> memref<64x128xf32, #tpu.memory_space<hbm>>
    %dma_start3A_1646 = arith.constant 0 : i32
    %dma_start3A_1647 = tpu.memref_slice %arg9[%multiple_of3A_1638, %dma_start3A_1646] : memref<49152x128xf32, #tpu.memory_space<hbm>> -> memref<64x128xf32, #tpu.memory_space<hbm>>
    %dma_start3A_1648 = arith.constant 0 : i32
    %dma_start3A_1649 = arith.constant 0 : i32
    %dma_start3A_1650 = tpu.memref_slice %arg16[%dma_start3A_1639, %dma_start3A_1648, %dma_start3A_1649] : memref<3x64x128xf32, #tpu.memory_space<vmem>> -> memref<1x64x128xf32, #tpu.memory_space<vmem>>
    %dma_start3A_1651 = tpu.memref_squeeze %dma_start3A_1650 : memref<1x64x128xf32, #tpu.memory_space<vmem>> -> memref<64x128xf32, #tpu.memory_space<vmem>>
    tpu.enqueue_dma source(%dma_start3A_1651 : memref<64x128xf32, #tpu.memory_space<vmem>>) target(%dma_start3A_1647 : memref<64x128xf32, #tpu.memory_space<hbm>>) target_semaphore(%arg21 : memref<!tpu.dma_semaphore, #tpu.memory_space<semaphore_mem>>)
    %dma_wait3A_1652 = arith.constant 2 : i32
    %dma_wait3A_1653 = arith.constant 0 : i32
    %dma_wait3A_1654 = arith.constant 0 : i32
    %dma_wait3A_1655 = tpu.memref_slice %arg16[%dma_wait3A_1652, %dma_wait3A_1653, %dma_wait3A_1654] : memref<3x64x128xf32, #tpu.memory_space<vmem>> -> memref<1x64x128xf32, #tpu.memory_space<vmem>>
    %dma_wait3A_1656 = tpu.memref_squeeze %dma_wait3A_1655 : memref<1x64x128xf32, #tpu.memory_space<vmem>> -> memref<64x128xf32, #tpu.memory_space<vmem>>
    %dma_wait3A_1657 = arith.constant 1472 : i32
    %dma_wait3A_1658 = tpu.memref_slice %arg12[%dma_wait3A_1657] : memref<1536xi32, #tpu.memory_space<vmem>> -> memref<64xi32, #tpu.memory_space<vmem>>
    %dma_wait3A_1659 = arith.constant 0 : i32
    %dma_wait3A_1660 = arith.constant 0 : i32
    %dma_wait3A_1661 = tpu.memref_slice %arg3[%dma_wait3A_1659, %dma_wait3A_1660] : memref<100000x128xf32, #tpu.memory_space<hbm>> -> memref<100000x128xf32, #tpu.memory_space<hbm>>
    tpu.wait_indirect_dma semaphore(%arg19 : memref<!tpu.dma_semaphore, #tpu.memory_space<semaphore_mem>>) src(%dma_wait3A_1661 : memref<100000x128xf32, #tpu.memory_space<hbm>>) dst(%dma_wait3A_1656 : memref<64x128xf32, #tpu.memory_space<vmem>>)
    %add3A_1662 = arith.constant 32768 : i32
    %add3A_1663 = arith.addi %add3A_1662, %multiple_of3A_5 : i32
    %add3A_1664 = arith.constant 448 : i32
    %add3A_1665 = arith.addi %add3A_1663, %add3A_1664 : i32
    %multiple_of3A_1666 = tpu.assume_multiple %add3A_1665, 64 : i32
    %dma_start3A_1667 = arith.constant 2 : i32
    %dma_start3A_1668 = arith.constant 0 : i32
    %dma_start3A_1669 = arith.constant 0 : i32
    %dma_start3A_1670 = tpu.memref_slice %arg16[%dma_start3A_1667, %dma_start3A_1668, %dma_start3A_1669] : memref<3x64x128xf32, #tpu.memory_space<vmem>> -> memref<1x64x128xf32, #tpu.memory_space<vmem>>
    %dma_start3A_1671 = tpu.memref_squeeze %dma_start3A_1670 : memref<1x64x128xf32, #tpu.memory_space<vmem>> -> memref<64x128xf32, #tpu.memory_space<vmem>>
    %dma_start3A_1672 = arith.constant 0 : i32
    %dma_start3A_1673 = tpu.memref_slice %arg9[%multiple_of3A_1666, %dma_start3A_1672] : memref<49152x128xf32, #tpu.memory_space<hbm>> -> memref<64x128xf32, #tpu.memory_space<hbm>>
    %dma_start3A_1674 = arith.constant 0 : i32
    %dma_start3A_1675 = tpu.memref_slice %arg9[%multiple_of3A_1666, %dma_start3A_1674] : memref<49152x128xf32, #tpu.memory_space<hbm>> -> memref<64x128xf32, #tpu.memory_space<hbm>>
    %dma_start3A_1676 = arith.constant 0 : i32
    %dma_start3A_1677 = arith.constant 0 : i32
    %dma_start3A_1678 = tpu.memref_slice %arg16[%dma_start3A_1667, %dma_start3A_1676, %dma_start3A_1677] : memref<3x64x128xf32, #tpu.memory_space<vmem>> -> memref<1x64x128xf32, #tpu.memory_space<vmem>>
    %dma_start3A_1679 = tpu.memref_squeeze %dma_start3A_1678 : memref<1x64x128xf32, #tpu.memory_space<vmem>> -> memref<64x128xf32, #tpu.memory_space<vmem>>
    tpu.enqueue_dma source(%dma_start3A_1679 : memref<64x128xf32, #tpu.memory_space<vmem>>) target(%dma_start3A_1675 : memref<64x128xf32, #tpu.memory_space<hbm>>) target_semaphore(%arg22 : memref<!tpu.dma_semaphore, #tpu.memory_space<semaphore_mem>>)
    %dma_wait3A_1680 = arith.constant 0 : i32
    %dma_wait3A_1681 = arith.constant 0 : i32
    %dma_wait3A_1682 = arith.constant 0 : i32
    %dma_wait3A_1683 = tpu.memref_slice %arg16[%dma_wait3A_1680, %dma_wait3A_1681, %dma_wait3A_1682] : memref<3x64x128xf32, #tpu.memory_space<vmem>> -> memref<1x64x128xf32, #tpu.memory_space<vmem>>
    %dma_wait3A_1684 = tpu.memref_squeeze %dma_wait3A_1683 : memref<1x64x128xf32, #tpu.memory_space<vmem>> -> memref<64x128xf32, #tpu.memory_space<vmem>>
    %dma_wait3A_1685 = arith.constant 0 : i32
    %dma_wait3A_1686 = tpu.memref_slice %arg9[%multiple_of3A_1587, %dma_wait3A_1685] : memref<49152x128xf32, #tpu.memory_space<hbm>> -> memref<64x128xf32, #tpu.memory_space<hbm>>
    %dma_wait3A_1687 = arith.constant 0 : i32
    %dma_wait3A_1688 = tpu.memref_slice %arg9[%multiple_of3A_1587, %dma_wait3A_1687] : memref<49152x128xf32, #tpu.memory_space<hbm>> -> memref<64x128xf32, #tpu.memory_space<hbm>>
    %dma_wait3A_1689 = arith.constant 0 : i32
    %dma_wait3A_1690 = arith.constant 0 : i32
    %dma_wait3A_1691 = tpu.memref_slice %arg16[%dma_wait3A_1680, %dma_wait3A_1689, %dma_wait3A_1690] : memref<3x64x128xf32, #tpu.memory_space<vmem>> -> memref<1x64x128xf32, #tpu.memory_space<vmem>>
    %dma_wait3A_1692 = tpu.memref_squeeze %dma_wait3A_1691 : memref<1x64x128xf32, #tpu.memory_space<vmem>> -> memref<64x128xf32, #tpu.memory_space<vmem>>
    tpu.wait_dma2 semaphore(%arg20 : memref<!tpu.dma_semaphore, #tpu.memory_space<semaphore_mem>>) src(%dma_wait3A_1692 : memref<64x128xf32, #tpu.memory_space<vmem>>) dst(%dma_wait3A_1688 : memref<64x128xf32, #tpu.memory_space<hbm>>)
    %dma_wait3A_1693 = arith.constant 1 : i32
    %dma_wait3A_1694 = arith.constant 0 : i32
    %dma_wait3A_1695 = arith.constant 0 : i32
    %dma_wait3A_1696 = tpu.memref_slice %arg16[%dma_wait3A_1693, %dma_wait3A_1694, %dma_wait3A_1695] : memref<3x64x128xf32, #tpu.memory_space<vmem>> -> memref<1x64x128xf32, #tpu.memory_space<vmem>>
    %dma_wait3A_1697 = tpu.memref_squeeze %dma_wait3A_1696 : memref<1x64x128xf32, #tpu.memory_space<vmem>> -> memref<64x128xf32, #tpu.memory_space<vmem>>
    %dma_wait3A_1698 = arith.constant 0 : i32
    %dma_wait3A_1699 = tpu.memref_slice %arg9[%multiple_of3A_1638, %dma_wait3A_1698] : memref<49152x128xf32, #tpu.memory_space<hbm>> -> memref<64x128xf32, #tpu.memory_space<hbm>>
    %dma_wait3A_1700 = arith.constant 0 : i32
    %dma_wait3A_1701 = tpu.memref_slice %arg9[%multiple_of3A_1638, %dma_wait3A_1700] : memref<49152x128xf32, #tpu.memory_space<hbm>> -> memref<64x128xf32, #tpu.memory_space<hbm>>
    %dma_wait3A_1702 = arith.constant 0 : i32
    %dma_wait3A_1703 = arith.constant 0 : i32
    %dma_wait3A_1704 = tpu.memref_slice %arg16[%dma_wait3A_1693, %dma_wait3A_1702, %dma_wait3A_1703] : memref<3x64x128xf32, #tpu.memory_space<vmem>> -> memref<1x64x128xf32, #tpu.memory_space<vmem>>
    %dma_wait3A_1705 = tpu.memref_squeeze %dma_wait3A_1704 : memref<1x64x128xf32, #tpu.memory_space<vmem>> -> memref<64x128xf32, #tpu.memory_space<vmem>>
    tpu.wait_dma2 semaphore(%arg21 : memref<!tpu.dma_semaphore, #tpu.memory_space<semaphore_mem>>) src(%dma_wait3A_1705 : memref<64x128xf32, #tpu.memory_space<vmem>>) dst(%dma_wait3A_1701 : memref<64x128xf32, #tpu.memory_space<hbm>>)
    %dma_wait3A_1706 = arith.constant 2 : i32
    %dma_wait3A_1707 = arith.constant 0 : i32
    %dma_wait3A_1708 = arith.constant 0 : i32
    %dma_wait3A_1709 = tpu.memref_slice %arg16[%dma_wait3A_1706, %dma_wait3A_1707, %dma_wait3A_1708] : memref<3x64x128xf32, #tpu.memory_space<vmem>> -> memref<1x64x128xf32, #tpu.memory_space<vmem>>
    %dma_wait3A_1710 = tpu.memref_squeeze %dma_wait3A_1709 : memref<1x64x128xf32, #tpu.memory_space<vmem>> -> memref<64x128xf32, #tpu.memory_space<vmem>>
    %dma_wait3A_1711 = arith.constant 0 : i32
    %dma_wait3A_1712 = tpu.memref_slice %arg9[%multiple_of3A_1666, %dma_wait3A_1711] : memref<49152x128xf32, #tpu.memory_space<hbm>> -> memref<64x128xf32, #tpu.memory_space<hbm>>
    %dma_wait3A_1713 = arith.constant 0 : i32
    %dma_wait3A_1714 = tpu.memref_slice %arg9[%multiple_of3A_1666, %dma_wait3A_1713] : memref<49152x128xf32, #tpu.memory_space<hbm>> -> memref<64x128xf32, #tpu.memory_space<hbm>>
    %dma_wait3A_1715 = arith.constant 0 : i32
    %dma_wait3A_1716 = arith.constant 0 : i32
    %dma_wait3A_1717 = tpu.memref_slice %arg16[%dma_wait3A_1706, %dma_wait3A_1715, %dma_wait3A_1716] : memref<3x64x128xf32, #tpu.memory_space<vmem>> -> memref<1x64x128xf32, #tpu.memory_space<vmem>>
    %dma_wait3A_1718 = tpu.memref_squeeze %dma_wait3A_1717 : memref<1x64x128xf32, #tpu.memory_space<vmem>> -> memref<64x128xf32, #tpu.memory_space<vmem>>
    tpu.wait_dma2 semaphore(%arg22 : memref<!tpu.dma_semaphore, #tpu.memory_space<semaphore_mem>>) src(%dma_wait3A_1718 : memref<64x128xf32, #tpu.memory_space<vmem>>) dst(%dma_wait3A_1714 : memref<64x128xf32, #tpu.memory_space<hbm>>)
    %scan3A = arith.constant 0 : i32
    %scan3A_1719 = arith.constant 1024 : i32
    %scan3A_1720 = arith.addi %scan3A, %scan3A_1719 : i32
    %scan3A_1721 = arith.constant 4 : i32
    scf.for %scan3A_1723 = %scan3A to %scan3A_1720 step %scan3A_1721  : i32 {
      %mul3A_1724 = arith.constant 1 : i32
      %mul3A_1725 = arith.muli %scan3A_1723, %mul3A_1724 : i32
      %add3A_1726 = arith.constant 0 : i32
      %add3A_1727 = arith.addi %add3A_1726, %mul3A_1725 : i32
      %mul3A_1728 = arith.constant 16 : i32
      %mul3A_1729 = arith.muli %add3A_1727, %mul3A_1728 : i32
      %multiple_of3A_1730 = tpu.assume_multiple %mul3A_1729, 16 : i32
      %get3A = arith.index_cast %multiple_of3A_1730 : i32 to index
      %get3A_1731 = tpu.vector_load %arg13[%get3A] {strides = array<i32>} : memref<16384xi32, #tpu.memory_space<vmem>>, vector<16xi32>,
      %mul3A_1732 = arith.constant 16 : i32
      %mul3A_1733 = arith.muli %add3A_1727, %mul3A_1732 : i32
      %add3A_1734 = vector.broadcast %mul3A_1733 : i32 to vector<16xi32>
      %add3A_1735 = arith.addi %add3A_1734, %iota3A : vector<16xi32>
      %ge3A = vector.broadcast %multiple_of3A_8 : i32 to vector<16xi32>
      %ge3A_1736 = arith.cmpi sge, %get3A_1731, %ge3A : vector<16xi32>
      %add3A_1737 = arith.constant 3200 : i32
      %add3A_1738 = arith.addi %multiple_of3A_8, %add3A_1737 : i32
      %lt3A = vector.broadcast %add3A_1738 : i32 to vector<16xi32>
      %lt3A_1739 = arith.cmpi slt, %get3A_1731, %lt3A : vector<16xi32>
      %and3A = arith.andi %ge3A_1736, %lt3A_1739 : vector<16xi1>
      %sub3A = vector.broadcast %multiple_of3A_8 : i32 to vector<16xi32>
      %sub3A_1740 = arith.subi %get3A_1731, %sub3A : vector<16xi32>
      tpu.vector_store_idx %arg14[%sub3A_1740], %add3A_1735 masked %and3A : memref<3200xi32, #tpu.memory_space<vmem>>[vector<16xi32>], vector<16xi32>, vector<16xi1>
      %scan3A_1741 = arith.constant 1 : i32
      %scan3A_1742 = arith.addi %scan3A_1723, %scan3A_1741 : i32
      %mul3A_1743 = arith.constant 1 : i32
      %mul3A_1744 = arith.muli %scan3A_1742, %mul3A_1743 : i32
      %add3A_1745 = arith.constant 0 : i32
      %add3A_1746 = arith.addi %add3A_1745, %mul3A_1744 : i32
      %mul3A_1747 = arith.constant 16 : i32
      %mul3A_1748 = arith.muli %add3A_1746, %mul3A_1747 : i32
      %multiple_of3A_1749 = tpu.assume_multiple %mul3A_1748, 16 : i32
      %get3A_1750 = arith.index_cast %multiple_of3A_1749 : i32 to index
      %get3A_1751 = tpu.vector_load %arg13[%get3A_1750] {strides = array<i32>} : memref<16384xi32, #tpu.memory_space<vmem>>, vector<16xi32>,
      %mul3A_1752 = arith.constant 16 : i32
      %mul3A_1753 = arith.muli %add3A_1746, %mul3A_1752 : i32
      %add3A_1754 = vector.broadcast %mul3A_1753 : i32 to vector<16xi32>
      %add3A_1755 = arith.addi %add3A_1754, %iota3A : vector<16xi32>
      %ge3A_1756 = vector.broadcast %multiple_of3A_8 : i32 to vector<16xi32>
      %ge3A_1757 = arith.cmpi sge, %get3A_1751, %ge3A_1756 : vector<16xi32>
      %add3A_1758 = arith.constant 3200 : i32
      %add3A_1759 = arith.addi %multiple_of3A_8, %add3A_1758 : i32
      %lt3A_1760 = vector.broadcast %add3A_1759 : i32 to vector<16xi32>
      %lt3A_1761 = arith.cmpi slt, %get3A_1751, %lt3A_1760 : vector<16xi32>
      %and3A_1762 = arith.andi %ge3A_1757, %lt3A_1761 : vector<16xi1>
      %sub3A_1763 = vector.broadcast %multiple_of3A_8 : i32 to vector<16xi32>
      %sub3A_1764 = arith.subi %get3A_1751, %sub3A_1763 : vector<16xi32>
      tpu.vector_store_idx %arg14[%sub3A_1764], %add3A_1755 masked %and3A_1762 : memref<3200xi32, #tpu.memory_space<vmem>>[vector<16xi32>], vector<16xi32>, vector<16xi1>
      %scan3A_1765 = arith.constant 2 : i32
      %scan3A_1766 = arith.addi %scan3A_1723, %scan3A_1765 : i32
      %mul3A_1767 = arith.constant 1 : i32
      %mul3A_1768 = arith.muli %scan3A_1766, %mul3A_1767 : i32
      %add3A_1769 = arith.constant 0 : i32
      %add3A_1770 = arith.addi %add3A_1769, %mul3A_1768 : i32
      %mul3A_1771 = arith.constant 16 : i32
      %mul3A_1772 = arith.muli %add3A_1770, %mul3A_1771 : i32
      %multiple_of3A_1773 = tpu.assume_multiple %mul3A_1772, 16 : i32
      %get3A_1774 = arith.index_cast %multiple_of3A_1773 : i32 to index
      %get3A_1775 = tpu.vector_load %arg13[%get3A_1774] {strides = array<i32>} : memref<16384xi32, #tpu.memory_space<vmem>>, vector<16xi32>,
      %mul3A_1776 = arith.constant 16 : i32
      %mul3A_1777 = arith.muli %add3A_1770, %mul3A_1776 : i32
      %add3A_1778 = vector.broadcast %mul3A_1777 : i32 to vector<16xi32>
      %add3A_1779 = arith.addi %add3A_1778, %iota3A : vector<16xi32>
      %ge3A_1780 = vector.broadcast %multiple_of3A_8 : i32 to vector<16xi32>
      %ge3A_1781 = arith.cmpi sge, %get3A_1775, %ge3A_1780 : vector<16xi32>
      %add3A_1782 = arith.constant 3200 : i32
      %add3A_1783 = arith.addi %multiple_of3A_8, %add3A_1782 : i32
      %lt3A_1784 = vector.broadcast %add3A_1783 : i32 to vector<16xi32>
      %lt3A_1785 = arith.cmpi slt, %get3A_1775, %lt3A_1784 : vector<16xi32>
      %and3A_1786 = arith.andi %ge3A_1781, %lt3A_1785 : vector<16xi1>
      %sub3A_1787 = vector.broadcast %multiple_of3A_8 : i32 to vector<16xi32>
      %sub3A_1788 = arith.subi %get3A_1775, %sub3A_1787 : vector<16xi32>
      tpu.vector_store_idx %arg14[%sub3A_1788], %add3A_1779 masked %and3A_1786 : memref<3200xi32, #tpu.memory_space<vmem>>[vector<16xi32>], vector<16xi32>, vector<16xi1>
      %scan3A_1789 = arith.constant 3 : i32
      %scan3A_1790 = arith.addi %scan3A_1723, %scan3A_1789 : i32
      %mul3A_1791 = arith.constant 1 : i32
      %mul3A_1792 = arith.muli %scan3A_1790, %mul3A_1791 : i32
      %add3A_1793 = arith.constant 0 : i32
      %add3A_1794 = arith.addi %add3A_1793, %mul3A_1792 : i32
      %mul3A_1795 = arith.constant 16 : i32
      %mul3A_1796 = arith.muli %add3A_1794, %mul3A_1795 : i32
      %multiple_of3A_1797 = tpu.assume_multiple %mul3A_1796, 16 : i32
      %get3A_1798 = arith.index_cast %multiple_of3A_1797 : i32 to index
      %get3A_1799 = tpu.vector_load %arg13[%get3A_1798] {strides = array<i32>} : memref<16384xi32, #tpu.memory_space<vmem>>, vector<16xi32>,
      %mul3A_1800 = arith.constant 16 : i32
      %mul3A_1801 = arith.muli %add3A_1794, %mul3A_1800 : i32
      %add3A_1802 = vector.broadcast %mul3A_1801 : i32 to vector<16xi32>
      %add3A_1803 = arith.addi %add3A_1802, %iota3A : vector<16xi32>
      %ge3A_1804 = vector.broadcast %multiple_of3A_8 : i32 to vector<16xi32>
      %ge3A_1805 = arith.cmpi sge, %get3A_1799, %ge3A_1804 : vector<16xi32>
      %add3A_1806 = arith.constant 3200 : i32
      %add3A_1807 = arith.addi %multiple_of3A_8, %add3A_1806 : i32
      %lt3A_1808 = vector.broadcast %add3A_1807 : i32 to vector<16xi32>
      %lt3A_1809 = arith.cmpi slt, %get3A_1799, %lt3A_1808 : vector<16xi32>
      %and3A_1810 = arith.andi %ge3A_1805, %lt3A_1809 : vector<16xi1>
      %sub3A_1811 = vector.broadcast %multiple_of3A_8 : i32 to vector<16xi32>
      %sub3A_1812 = arith.subi %get3A_1799, %sub3A_1811 : vector<16xi32>
      tpu.vector_store_idx %arg14[%sub3A_1812], %add3A_1803 masked %and3A_1810 : memref<3200xi32, #tpu.memory_space<vmem>>[vector<16xi32>], vector<16xi32>, vector<16xi1>
    }
    %scan3A_1722 = arith.constant 1024 : i32
    "tpu.region"() ({
      %run_scoped3A = tpu.sem_alloc : memref<!tpu.dma_semaphore, #tpu.memory_space<semaphore_mem>>
      %dma_start3A_1723 = tpu.memref_slice %arg10[%multiple_of3A_8] : memref<102400xi32, #tpu.memory_space<hbm>> -> memref<3200xi32, #tpu.memory_space<hbm>>
      %dma_start3A_1724 = tpu.memref_slice %arg10[%multiple_of3A_8] : memref<102400xi32, #tpu.memory_space<hbm>> -> memref<3200xi32, #tpu.memory_space<hbm>>
      tpu.enqueue_dma source(%arg14 : memref<3200xi32, #tpu.memory_space<vmem>>) target(%dma_start3A_1724 : memref<3200xi32, #tpu.memory_space<hbm>>) target_semaphore(%run_scoped3A : memref<!tpu.dma_semaphore, #tpu.memory_space<semaphore_mem>>)
      %dma_wait3A_1725 = tpu.memref_slice %arg10[%multiple_of3A_8] : memref<102400xi32, #tpu.memory_space<hbm>> -> memref<3200xi32, #tpu.memory_space<hbm>>
      %dma_wait3A_1726 = tpu.memref_slice %arg10[%multiple_of3A_8] : memref<102400xi32, #tpu.memory_space<hbm>> -> memref<3200xi32, #tpu.memory_space<hbm>>
      tpu.wait_dma2 semaphore(%run_scoped3A : memref<!tpu.dma_semaphore, #tpu.memory_space<semaphore_mem>>) src(%arg14 : memref<3200xi32, #tpu.memory_space<vmem>>) dst(%dma_wait3A_1726 : memref<3200xi32, #tpu.memory_space<hbm>>)
      tpu.yield
    }) : () -> ()
    return
  }
}

#map = affine_map<(d0, d1) -> (0, 0, 0)>
#map1 = affine_map<(d0, d1) -> (0)>
module attributes {stable_mosaic.version = 14 : i64} {
  func.func @new_body(%arg0: i32, %arg1: i32, %arg2: memref<100000x2x128xf32, #tpu.memory_space<hbm>>, %arg3: memref<16384xi32, #tpu.memory_space<hbm>>, %arg4: memref<102400xi32, #tpu.memory_space<hbm>>, %arg5: memref<16384x2x128xf32, #tpu.memory_space<hbm>>, %arg6: memref<100000x2x128xf32, #tpu.memory_space<hbm>>, %arg7: memref<4x128xi32, #tpu.memory_space<vmem>>, %arg8: memref<4x128xi32, #tpu.memory_space<vmem>>, %arg9: memref<2x128x2x128xf32, #tpu.memory_space<vmem>>, %arg10: memref<!tpu.dma_semaphore, #tpu.memory_space<semaphore_mem>>, %arg11: memref<!tpu.dma_semaphore, #tpu.memory_space<semaphore_mem>>) attributes {dimension_semantics = [#tpu.dimension_semantics<core_parallel>, #tpu.dimension_semantics<subcore_parallel>], iteration_bounds = array<i64: 2, 16>, scalar_prefetch = 0 : i64, scratch_operands = 5 : i64, tpu.core_type = #tpu.core_type<sc_vector_subcore>, window_params = [{transform_indices = #map}, {transform_indices = #map1}, {transform_indices = #map1}, {transform_indices = #map}, {transform_indices = #map}]} {
    %mul3A = arith.constant 2 : i32
    %mul3A_0 = arith.muli %arg1, %mul3A : i32
    %add3A = arith.addi %mul3A_0, %arg0 : i32
    %mul3A_1 = arith.constant 512 : i32
    %mul3A_2 = arith.muli %add3A, %mul3A_1 : i32
    %add3A_3 = arith.constant 0 : i32
    %add3A_4 = arith.addi %mul3A_2, %add3A_3 : i32
    %multiple_of3A = tpu.assume_multiple %add3A_4, 128 : i32
    %dma_start3A = arith.constant 0 : i32
    %dma_start3A_5 = arith.constant 0 : i32
    %dma_start3A_6 = tpu.memref_slice %arg7[%dma_start3A, %dma_start3A_5] : memref<4x128xi32, #tpu.memory_space<vmem>> -> memref<1x128xi32, #tpu.memory_space<vmem>>
    %dma_start3A_7 = tpu.memref_squeeze %dma_start3A_6 : memref<1x128xi32, #tpu.memory_space<vmem>> -> memref<128xi32, #tpu.memory_space<vmem>>
    %dma_start3A_8 = tpu.memref_slice %arg3[%multiple_of3A] : memref<16384xi32, #tpu.memory_space<hbm>> -> memref<128xi32, #tpu.memory_space<hbm>>
    %dma_start3A_9 = arith.constant 0 : i32
    %dma_start3A_10 = tpu.memref_slice %arg7[%dma_start3A, %dma_start3A_9] : memref<4x128xi32, #tpu.memory_space<vmem>> -> memref<1x128xi32, #tpu.memory_space<vmem>>
    %dma_start3A_11 = tpu.memref_squeeze %dma_start3A_10 : memref<1x128xi32, #tpu.memory_space<vmem>> -> memref<128xi32, #tpu.memory_space<vmem>>
    %dma_start3A_12 = tpu.memref_slice %arg3[%multiple_of3A] : memref<16384xi32, #tpu.memory_space<hbm>> -> memref<128xi32, #tpu.memory_space<hbm>>
    tpu.enqueue_dma source(%dma_start3A_12 : memref<128xi32, #tpu.memory_space<hbm>>) target(%dma_start3A_11 : memref<128xi32, #tpu.memory_space<vmem>>) target_semaphore(%arg11 : memref<!tpu.dma_semaphore, #tpu.memory_space<semaphore_mem>>)
    %mul3A_13 = arith.constant 512 : i32
    %mul3A_14 = arith.muli %add3A, %mul3A_13 : i32
    %add3A_15 = arith.constant 128 : i32
    %add3A_16 = arith.addi %mul3A_14, %add3A_15 : i32
    %multiple_of3A_17 = tpu.assume_multiple %add3A_16, 128 : i32
    %dma_start3A_18 = arith.constant 1 : i32
    %dma_start3A_19 = arith.constant 0 : i32
    %dma_start3A_20 = tpu.memref_slice %arg7[%dma_start3A_18, %dma_start3A_19] : memref<4x128xi32, #tpu.memory_space<vmem>> -> memref<1x128xi32, #tpu.memory_space<vmem>>
    %dma_start3A_21 = tpu.memref_squeeze %dma_start3A_20 : memref<1x128xi32, #tpu.memory_space<vmem>> -> memref<128xi32, #tpu.memory_space<vmem>>
    %dma_start3A_22 = tpu.memref_slice %arg3[%multiple_of3A_17] : memref<16384xi32, #tpu.memory_space<hbm>> -> memref<128xi32, #tpu.memory_space<hbm>>
    %dma_start3A_23 = arith.constant 0 : i32
    %dma_start3A_24 = tpu.memref_slice %arg7[%dma_start3A_18, %dma_start3A_23] : memref<4x128xi32, #tpu.memory_space<vmem>> -> memref<1x128xi32, #tpu.memory_space<vmem>>
    %dma_start3A_25 = tpu.memref_squeeze %dma_start3A_24 : memref<1x128xi32, #tpu.memory_space<vmem>> -> memref<128xi32, #tpu.memory_space<vmem>>
    %dma_start3A_26 = tpu.memref_slice %arg3[%multiple_of3A_17] : memref<16384xi32, #tpu.memory_space<hbm>> -> memref<128xi32, #tpu.memory_space<hbm>>
    tpu.enqueue_dma source(%dma_start3A_26 : memref<128xi32, #tpu.memory_space<hbm>>) target(%dma_start3A_25 : memref<128xi32, #tpu.memory_space<vmem>>) target_semaphore(%arg11 : memref<!tpu.dma_semaphore, #tpu.memory_space<semaphore_mem>>)
    %mul3A_27 = arith.constant 512 : i32
    %mul3A_28 = arith.muli %add3A, %mul3A_27 : i32
    %add3A_29 = arith.constant 256 : i32
    %add3A_30 = arith.addi %mul3A_28, %add3A_29 : i32
    %multiple_of3A_31 = tpu.assume_multiple %add3A_30, 128 : i32
    %dma_start3A_32 = arith.constant 2 : i32
    %dma_start3A_33 = arith.constant 0 : i32
    %dma_start3A_34 = tpu.memref_slice %arg7[%dma_start3A_32, %dma_start3A_33] : memref<4x128xi32, #tpu.memory_space<vmem>> -> memref<1x128xi32, #tpu.memory_space<vmem>>
    %dma_start3A_35 = tpu.memref_squeeze %dma_start3A_34 : memref<1x128xi32, #tpu.memory_space<vmem>> -> memref<128xi32, #tpu.memory_space<vmem>>
    %dma_start3A_36 = tpu.memref_slice %arg3[%multiple_of3A_31] : memref<16384xi32, #tpu.memory_space<hbm>> -> memref<128xi32, #tpu.memory_space<hbm>>
    %dma_start3A_37 = arith.constant 0 : i32
    %dma_start3A_38 = tpu.memref_slice %arg7[%dma_start3A_32, %dma_start3A_37] : memref<4x128xi32, #tpu.memory_space<vmem>> -> memref<1x128xi32, #tpu.memory_space<vmem>>
    %dma_start3A_39 = tpu.memref_squeeze %dma_start3A_38 : memref<1x128xi32, #tpu.memory_space<vmem>> -> memref<128xi32, #tpu.memory_space<vmem>>
    %dma_start3A_40 = tpu.memref_slice %arg3[%multiple_of3A_31] : memref<16384xi32, #tpu.memory_space<hbm>> -> memref<128xi32, #tpu.memory_space<hbm>>
    tpu.enqueue_dma source(%dma_start3A_40 : memref<128xi32, #tpu.memory_space<hbm>>) target(%dma_start3A_39 : memref<128xi32, #tpu.memory_space<vmem>>) target_semaphore(%arg11 : memref<!tpu.dma_semaphore, #tpu.memory_space<semaphore_mem>>)
    %mul3A_41 = arith.constant 512 : i32
    %mul3A_42 = arith.muli %add3A, %mul3A_41 : i32
    %add3A_43 = arith.constant 384 : i32
    %add3A_44 = arith.addi %mul3A_42, %add3A_43 : i32
    %multiple_of3A_45 = tpu.assume_multiple %add3A_44, 128 : i32
    %dma_start3A_46 = arith.constant 3 : i32
    %dma_start3A_47 = arith.constant 0 : i32
    %dma_start3A_48 = tpu.memref_slice %arg7[%dma_start3A_46, %dma_start3A_47] : memref<4x128xi32, #tpu.memory_space<vmem>> -> memref<1x128xi32, #tpu.memory_space<vmem>>
    %dma_start3A_49 = tpu.memref_squeeze %dma_start3A_48 : memref<1x128xi32, #tpu.memory_space<vmem>> -> memref<128xi32, #tpu.memory_space<vmem>>
    %dma_start3A_50 = tpu.memref_slice %arg3[%multiple_of3A_45] : memref<16384xi32, #tpu.memory_space<hbm>> -> memref<128xi32, #tpu.memory_space<hbm>>
    %dma_start3A_51 = arith.constant 0 : i32
    %dma_start3A_52 = tpu.memref_slice %arg7[%dma_start3A_46, %dma_start3A_51] : memref<4x128xi32, #tpu.memory_space<vmem>> -> memref<1x128xi32, #tpu.memory_space<vmem>>
    %dma_start3A_53 = tpu.memref_squeeze %dma_start3A_52 : memref<1x128xi32, #tpu.memory_space<vmem>> -> memref<128xi32, #tpu.memory_space<vmem>>
    %dma_start3A_54 = tpu.memref_slice %arg3[%multiple_of3A_45] : memref<16384xi32, #tpu.memory_space<hbm>> -> memref<128xi32, #tpu.memory_space<hbm>>
    tpu.enqueue_dma source(%dma_start3A_54 : memref<128xi32, #tpu.memory_space<hbm>>) target(%dma_start3A_53 : memref<128xi32, #tpu.memory_space<vmem>>) target_semaphore(%arg11 : memref<!tpu.dma_semaphore, #tpu.memory_space<semaphore_mem>>)
    %dma_wait3A = arith.constant 0 : i32
    %dma_wait3A_55 = arith.constant 0 : i32
    %dma_wait3A_56 = tpu.memref_slice %arg7[%dma_wait3A, %dma_wait3A_55] : memref<4x128xi32, #tpu.memory_space<vmem>> -> memref<1x128xi32, #tpu.memory_space<vmem>>
    %dma_wait3A_57 = tpu.memref_squeeze %dma_wait3A_56 : memref<1x128xi32, #tpu.memory_space<vmem>> -> memref<128xi32, #tpu.memory_space<vmem>>
    %dma_wait3A_58 = tpu.memref_slice %arg3[%multiple_of3A] : memref<16384xi32, #tpu.memory_space<hbm>> -> memref<128xi32, #tpu.memory_space<hbm>>
    %dma_wait3A_59 = arith.constant 0 : i32
    %dma_wait3A_60 = tpu.memref_slice %arg7[%dma_wait3A, %dma_wait3A_59] : memref<4x128xi32, #tpu.memory_space<vmem>> -> memref<1x128xi32, #tpu.memory_space<vmem>>
    %dma_wait3A_61 = tpu.memref_squeeze %dma_wait3A_60 : memref<1x128xi32, #tpu.memory_space<vmem>> -> memref<128xi32, #tpu.memory_space<vmem>>
    %dma_wait3A_62 = tpu.memref_slice %arg3[%multiple_of3A] : memref<16384xi32, #tpu.memory_space<hbm>> -> memref<128xi32, #tpu.memory_space<hbm>>
    tpu.wait_dma2 semaphore(%arg11 : memref<!tpu.dma_semaphore, #tpu.memory_space<semaphore_mem>>) src(%dma_wait3A_62 : memref<128xi32, #tpu.memory_space<hbm>>) dst(%dma_wait3A_61 : memref<128xi32, #tpu.memory_space<vmem>>)
    %dma_wait3A_63 = arith.constant 1 : i32
    %dma_wait3A_64 = arith.constant 0 : i32
    %dma_wait3A_65 = tpu.memref_slice %arg7[%dma_wait3A_63, %dma_wait3A_64] : memref<4x128xi32, #tpu.memory_space<vmem>> -> memref<1x128xi32, #tpu.memory_space<vmem>>
    %dma_wait3A_66 = tpu.memref_squeeze %dma_wait3A_65 : memref<1x128xi32, #tpu.memory_space<vmem>> -> memref<128xi32, #tpu.memory_space<vmem>>
    %dma_wait3A_67 = tpu.memref_slice %arg3[%multiple_of3A_17] : memref<16384xi32, #tpu.memory_space<hbm>> -> memref<128xi32, #tpu.memory_space<hbm>>
    %dma_wait3A_68 = arith.constant 0 : i32
    %dma_wait3A_69 = tpu.memref_slice %arg7[%dma_wait3A_63, %dma_wait3A_68] : memref<4x128xi32, #tpu.memory_space<vmem>> -> memref<1x128xi32, #tpu.memory_space<vmem>>
    %dma_wait3A_70 = tpu.memref_squeeze %dma_wait3A_69 : memref<1x128xi32, #tpu.memory_space<vmem>> -> memref<128xi32, #tpu.memory_space<vmem>>
    %dma_wait3A_71 = tpu.memref_slice %arg3[%multiple_of3A_17] : memref<16384xi32, #tpu.memory_space<hbm>> -> memref<128xi32, #tpu.memory_space<hbm>>
    tpu.wait_dma2 semaphore(%arg11 : memref<!tpu.dma_semaphore, #tpu.memory_space<semaphore_mem>>) src(%dma_wait3A_71 : memref<128xi32, #tpu.memory_space<hbm>>) dst(%dma_wait3A_70 : memref<128xi32, #tpu.memory_space<vmem>>)
    %dma_wait3A_72 = arith.constant 2 : i32
    %dma_wait3A_73 = arith.constant 0 : i32
    %dma_wait3A_74 = tpu.memref_slice %arg7[%dma_wait3A_72, %dma_wait3A_73] : memref<4x128xi32, #tpu.memory_space<vmem>> -> memref<1x128xi32, #tpu.memory_space<vmem>>
    %dma_wait3A_75 = tpu.memref_squeeze %dma_wait3A_74 : memref<1x128xi32, #tpu.memory_space<vmem>> -> memref<128xi32, #tpu.memory_space<vmem>>
    %dma_wait3A_76 = tpu.memref_slice %arg3[%multiple_of3A_31] : memref<16384xi32, #tpu.memory_space<hbm>> -> memref<128xi32, #tpu.memory_space<hbm>>
    %dma_wait3A_77 = arith.constant 0 : i32
    %dma_wait3A_78 = tpu.memref_slice %arg7[%dma_wait3A_72, %dma_wait3A_77] : memref<4x128xi32, #tpu.memory_space<vmem>> -> memref<1x128xi32, #tpu.memory_space<vmem>>
    %dma_wait3A_79 = tpu.memref_squeeze %dma_wait3A_78 : memref<1x128xi32, #tpu.memory_space<vmem>> -> memref<128xi32, #tpu.memory_space<vmem>>
    %dma_wait3A_80 = tpu.memref_slice %arg3[%multiple_of3A_31] : memref<16384xi32, #tpu.memory_space<hbm>> -> memref<128xi32, #tpu.memory_space<hbm>>
    tpu.wait_dma2 semaphore(%arg11 : memref<!tpu.dma_semaphore, #tpu.memory_space<semaphore_mem>>) src(%dma_wait3A_80 : memref<128xi32, #tpu.memory_space<hbm>>) dst(%dma_wait3A_79 : memref<128xi32, #tpu.memory_space<vmem>>)
    %dma_wait3A_81 = arith.constant 3 : i32
    %dma_wait3A_82 = arith.constant 0 : i32
    %dma_wait3A_83 = tpu.memref_slice %arg7[%dma_wait3A_81, %dma_wait3A_82] : memref<4x128xi32, #tpu.memory_space<vmem>> -> memref<1x128xi32, #tpu.memory_space<vmem>>
    %dma_wait3A_84 = tpu.memref_squeeze %dma_wait3A_83 : memref<1x128xi32, #tpu.memory_space<vmem>> -> memref<128xi32, #tpu.memory_space<vmem>>
    %dma_wait3A_85 = tpu.memref_slice %arg3[%multiple_of3A_45] : memref<16384xi32, #tpu.memory_space<hbm>> -> memref<128xi32, #tpu.memory_space<hbm>>
    %dma_wait3A_86 = arith.constant 0 : i32
    %dma_wait3A_87 = tpu.memref_slice %arg7[%dma_wait3A_81, %dma_wait3A_86] : memref<4x128xi32, #tpu.memory_space<vmem>> -> memref<1x128xi32, #tpu.memory_space<vmem>>
    %dma_wait3A_88 = tpu.memref_squeeze %dma_wait3A_87 : memref<1x128xi32, #tpu.memory_space<vmem>> -> memref<128xi32, #tpu.memory_space<vmem>>
    %dma_wait3A_89 = tpu.memref_slice %arg3[%multiple_of3A_45] : memref<16384xi32, #tpu.memory_space<hbm>> -> memref<128xi32, #tpu.memory_space<hbm>>
    tpu.wait_dma2 semaphore(%arg11 : memref<!tpu.dma_semaphore, #tpu.memory_space<semaphore_mem>>) src(%dma_wait3A_89 : memref<128xi32, #tpu.memory_space<hbm>>) dst(%dma_wait3A_88 : memref<128xi32, #tpu.memory_space<vmem>>)
    %dma_start3A_90 = arith.constant 0 : i32
    %dma_start3A_91 = arith.constant 0 : i32
    %dma_start3A_92 = arith.constant 0 : i32
    %dma_start3A_93 = tpu.memref_slice %arg8[%dma_start3A_91, %dma_start3A_92] : memref<4x128xi32, #tpu.memory_space<vmem>> -> memref<1x128xi32, #tpu.memory_space<vmem>>
    %dma_start3A_94 = tpu.memref_squeeze %dma_start3A_93 : memref<1x128xi32, #tpu.memory_space<vmem>> -> memref<128xi32, #tpu.memory_space<vmem>>
    %dma_start3A_95 = arith.constant 0 : i32
    %dma_start3A_96 = tpu.memref_slice %arg7[%dma_start3A_90, %dma_start3A_95] : memref<4x128xi32, #tpu.memory_space<vmem>> -> memref<1x128xi32, #tpu.memory_space<vmem>>
    %dma_start3A_97 = tpu.memref_squeeze %dma_start3A_96 : memref<1x128xi32, #tpu.memory_space<vmem>> -> memref<128xi32, #tpu.memory_space<vmem>>
    %dma_start3A_98 = arith.constant 0 : i32
    %dma_start3A_99 = tpu.memref_slice %arg4[%dma_start3A_98] : memref<102400xi32, #tpu.memory_space<hbm>> -> memref<102400xi32, #tpu.memory_space<hbm>>
    tpu.enqueue_indirect_dma source(%dma_start3A_99 : memref<102400xi32, #tpu.memory_space<hbm>>) target(%dma_start3A_94 : memref<128xi32, #tpu.memory_space<vmem>>) offsets(%dma_start3A_97 : memref<128xi32, #tpu.memory_space<vmem>>) semaphore(%arg10 : memref<!tpu.dma_semaphore, #tpu.memory_space<semaphore_mem>>)
    %dma_start3A_100 = arith.constant 1 : i32
    %dma_start3A_101 = arith.constant 1 : i32
    %dma_start3A_102 = arith.constant 0 : i32
    %dma_start3A_103 = tpu.memref_slice %arg8[%dma_start3A_101, %dma_start3A_102] : memref<4x128xi32, #tpu.memory_space<vmem>> -> memref<1x128xi32, #tpu.memory_space<vmem>>
    %dma_start3A_104 = tpu.memref_squeeze %dma_start3A_103 : memref<1x128xi32, #tpu.memory_space<vmem>> -> memref<128xi32, #tpu.memory_space<vmem>>
    %dma_start3A_105 = arith.constant 0 : i32
    %dma_start3A_106 = tpu.memref_slice %arg7[%dma_start3A_100, %dma_start3A_105] : memref<4x128xi32, #tpu.memory_space<vmem>> -> memref<1x128xi32, #tpu.memory_space<vmem>>
    %dma_start3A_107 = tpu.memref_squeeze %dma_start3A_106 : memref<1x128xi32, #tpu.memory_space<vmem>> -> memref<128xi32, #tpu.memory_space<vmem>>
    %dma_start3A_108 = arith.constant 0 : i32
    %dma_start3A_109 = tpu.memref_slice %arg4[%dma_start3A_108] : memref<102400xi32, #tpu.memory_space<hbm>> -> memref<102400xi32, #tpu.memory_space<hbm>>
    tpu.enqueue_indirect_dma source(%dma_start3A_109 : memref<102400xi32, #tpu.memory_space<hbm>>) target(%dma_start3A_104 : memref<128xi32, #tpu.memory_space<vmem>>) offsets(%dma_start3A_107 : memref<128xi32, #tpu.memory_space<vmem>>) semaphore(%arg10 : memref<!tpu.dma_semaphore, #tpu.memory_space<semaphore_mem>>)
    %dma_start3A_110 = arith.constant 2 : i32
    %dma_start3A_111 = arith.constant 2 : i32
    %dma_start3A_112 = arith.constant 0 : i32
    %dma_start3A_113 = tpu.memref_slice %arg8[%dma_start3A_111, %dma_start3A_112] : memref<4x128xi32, #tpu.memory_space<vmem>> -> memref<1x128xi32, #tpu.memory_space<vmem>>
    %dma_start3A_114 = tpu.memref_squeeze %dma_start3A_113 : memref<1x128xi32, #tpu.memory_space<vmem>> -> memref<128xi32, #tpu.memory_space<vmem>>
    %dma_start3A_115 = arith.constant 0 : i32
    %dma_start3A_116 = tpu.memref_slice %arg7[%dma_start3A_110, %dma_start3A_115] : memref<4x128xi32, #tpu.memory_space<vmem>> -> memref<1x128xi32, #tpu.memory_space<vmem>>
    %dma_start3A_117 = tpu.memref_squeeze %dma_start3A_116 : memref<1x128xi32, #tpu.memory_space<vmem>> -> memref<128xi32, #tpu.memory_space<vmem>>
    %dma_start3A_118 = arith.constant 0 : i32
    %dma_start3A_119 = tpu.memref_slice %arg4[%dma_start3A_118] : memref<102400xi32, #tpu.memory_space<hbm>> -> memref<102400xi32, #tpu.memory_space<hbm>>
    tpu.enqueue_indirect_dma source(%dma_start3A_119 : memref<102400xi32, #tpu.memory_space<hbm>>) target(%dma_start3A_114 : memref<128xi32, #tpu.memory_space<vmem>>) offsets(%dma_start3A_117 : memref<128xi32, #tpu.memory_space<vmem>>) semaphore(%arg10 : memref<!tpu.dma_semaphore, #tpu.memory_space<semaphore_mem>>)
    %dma_start3A_120 = arith.constant 3 : i32
    %dma_start3A_121 = arith.constant 3 : i32
    %dma_start3A_122 = arith.constant 0 : i32
    %dma_start3A_123 = tpu.memref_slice %arg8[%dma_start3A_121, %dma_start3A_122] : memref<4x128xi32, #tpu.memory_space<vmem>> -> memref<1x128xi32, #tpu.memory_space<vmem>>
    %dma_start3A_124 = tpu.memref_squeeze %dma_start3A_123 : memref<1x128xi32, #tpu.memory_space<vmem>> -> memref<128xi32, #tpu.memory_space<vmem>>
    %dma_start3A_125 = arith.constant 0 : i32
    %dma_start3A_126 = tpu.memref_slice %arg7[%dma_start3A_120, %dma_start3A_125] : memref<4x128xi32, #tpu.memory_space<vmem>> -> memref<1x128xi32, #tpu.memory_space<vmem>>
    %dma_start3A_127 = tpu.memref_squeeze %dma_start3A_126 : memref<1x128xi32, #tpu.memory_space<vmem>> -> memref<128xi32, #tpu.memory_space<vmem>>
    %dma_start3A_128 = arith.constant 0 : i32
    %dma_start3A_129 = tpu.memref_slice %arg4[%dma_start3A_128] : memref<102400xi32, #tpu.memory_space<hbm>> -> memref<102400xi32, #tpu.memory_space<hbm>>
    tpu.enqueue_indirect_dma source(%dma_start3A_129 : memref<102400xi32, #tpu.memory_space<hbm>>) target(%dma_start3A_124 : memref<128xi32, #tpu.memory_space<vmem>>) offsets(%dma_start3A_127 : memref<128xi32, #tpu.memory_space<vmem>>) semaphore(%arg10 : memref<!tpu.dma_semaphore, #tpu.memory_space<semaphore_mem>>)
    %dma_wait3A_130 = arith.constant 0 : i32
    %dma_wait3A_131 = arith.constant 0 : i32
    %dma_wait3A_132 = arith.constant 0 : i32
    %dma_wait3A_133 = tpu.memref_slice %arg8[%dma_wait3A_131, %dma_wait3A_132] : memref<4x128xi32, #tpu.memory_space<vmem>> -> memref<1x128xi32, #tpu.memory_space<vmem>>
    %dma_wait3A_134 = tpu.memref_squeeze %dma_wait3A_133 : memref<1x128xi32, #tpu.memory_space<vmem>> -> memref<128xi32, #tpu.memory_space<vmem>>
    %dma_wait3A_135 = arith.constant 0 : i32
    %dma_wait3A_136 = tpu.memref_slice %arg7[%dma_wait3A_130, %dma_wait3A_135] : memref<4x128xi32, #tpu.memory_space<vmem>> -> memref<1x128xi32, #tpu.memory_space<vmem>>
    %dma_wait3A_137 = tpu.memref_squeeze %dma_wait3A_136 : memref<1x128xi32, #tpu.memory_space<vmem>> -> memref<128xi32, #tpu.memory_space<vmem>>
    %dma_wait3A_138 = arith.constant 0 : i32
    %dma_wait3A_139 = tpu.memref_slice %arg4[%dma_wait3A_138] : memref<102400xi32, #tpu.memory_space<hbm>> -> memref<102400xi32, #tpu.memory_space<hbm>>
    tpu.wait_indirect_dma semaphore(%arg10 : memref<!tpu.dma_semaphore, #tpu.memory_space<semaphore_mem>>) src(%dma_wait3A_139 : memref<102400xi32, #tpu.memory_space<hbm>>) dst(%dma_wait3A_134 : memref<128xi32, #tpu.memory_space<vmem>>)
    %dma_wait3A_140 = arith.constant 1 : i32
    %dma_wait3A_141 = arith.constant 1 : i32
    %dma_wait3A_142 = arith.constant 0 : i32
    %dma_wait3A_143 = tpu.memref_slice %arg8[%dma_wait3A_141, %dma_wait3A_142] : memref<4x128xi32, #tpu.memory_space<vmem>> -> memref<1x128xi32, #tpu.memory_space<vmem>>
    %dma_wait3A_144 = tpu.memref_squeeze %dma_wait3A_143 : memref<1x128xi32, #tpu.memory_space<vmem>> -> memref<128xi32, #tpu.memory_space<vmem>>
    %dma_wait3A_145 = arith.constant 0 : i32
    %dma_wait3A_146 = tpu.memref_slice %arg7[%dma_wait3A_140, %dma_wait3A_145] : memref<4x128xi32, #tpu.memory_space<vmem>> -> memref<1x128xi32, #tpu.memory_space<vmem>>
    %dma_wait3A_147 = tpu.memref_squeeze %dma_wait3A_146 : memref<1x128xi32, #tpu.memory_space<vmem>> -> memref<128xi32, #tpu.memory_space<vmem>>
    %dma_wait3A_148 = arith.constant 0 : i32
    %dma_wait3A_149 = tpu.memref_slice %arg4[%dma_wait3A_148] : memref<102400xi32, #tpu.memory_space<hbm>> -> memref<102400xi32, #tpu.memory_space<hbm>>
    tpu.wait_indirect_dma semaphore(%arg10 : memref<!tpu.dma_semaphore, #tpu.memory_space<semaphore_mem>>) src(%dma_wait3A_149 : memref<102400xi32, #tpu.memory_space<hbm>>) dst(%dma_wait3A_144 : memref<128xi32, #tpu.memory_space<vmem>>)
    %dma_wait3A_150 = arith.constant 2 : i32
    %dma_wait3A_151 = arith.constant 2 : i32
    %dma_wait3A_152 = arith.constant 0 : i32
    %dma_wait3A_153 = tpu.memref_slice %arg8[%dma_wait3A_151, %dma_wait3A_152] : memref<4x128xi32, #tpu.memory_space<vmem>> -> memref<1x128xi32, #tpu.memory_space<vmem>>
    %dma_wait3A_154 = tpu.memref_squeeze %dma_wait3A_153 : memref<1x128xi32, #tpu.memory_space<vmem>> -> memref<128xi32, #tpu.memory_space<vmem>>
    %dma_wait3A_155 = arith.constant 0 : i32
    %dma_wait3A_156 = tpu.memref_slice %arg7[%dma_wait3A_150, %dma_wait3A_155] : memref<4x128xi32, #tpu.memory_space<vmem>> -> memref<1x128xi32, #tpu.memory_space<vmem>>
    %dma_wait3A_157 = tpu.memref_squeeze %dma_wait3A_156 : memref<1x128xi32, #tpu.memory_space<vmem>> -> memref<128xi32, #tpu.memory_space<vmem>>
    %dma_wait3A_158 = arith.constant 0 : i32
    %dma_wait3A_159 = tpu.memref_slice %arg4[%dma_wait3A_158] : memref<102400xi32, #tpu.memory_space<hbm>> -> memref<102400xi32, #tpu.memory_space<hbm>>
    tpu.wait_indirect_dma semaphore(%arg10 : memref<!tpu.dma_semaphore, #tpu.memory_space<semaphore_mem>>) src(%dma_wait3A_159 : memref<102400xi32, #tpu.memory_space<hbm>>) dst(%dma_wait3A_154 : memref<128xi32, #tpu.memory_space<vmem>>)
    %dma_wait3A_160 = arith.constant 3 : i32
    %dma_wait3A_161 = arith.constant 3 : i32
    %dma_wait3A_162 = arith.constant 0 : i32
    %dma_wait3A_163 = tpu.memref_slice %arg8[%dma_wait3A_161, %dma_wait3A_162] : memref<4x128xi32, #tpu.memory_space<vmem>> -> memref<1x128xi32, #tpu.memory_space<vmem>>
    %dma_wait3A_164 = tpu.memref_squeeze %dma_wait3A_163 : memref<1x128xi32, #tpu.memory_space<vmem>> -> memref<128xi32, #tpu.memory_space<vmem>>
    %dma_wait3A_165 = arith.constant 0 : i32
    %dma_wait3A_166 = tpu.memref_slice %arg7[%dma_wait3A_160, %dma_wait3A_165] : memref<4x128xi32, #tpu.memory_space<vmem>> -> memref<1x128xi32, #tpu.memory_space<vmem>>
    %dma_wait3A_167 = tpu.memref_squeeze %dma_wait3A_166 : memref<1x128xi32, #tpu.memory_space<vmem>> -> memref<128xi32, #tpu.memory_space<vmem>>
    %dma_wait3A_168 = arith.constant 0 : i32
    %dma_wait3A_169 = tpu.memref_slice %arg4[%dma_wait3A_168] : memref<102400xi32, #tpu.memory_space<hbm>> -> memref<102400xi32, #tpu.memory_space<hbm>>
    tpu.wait_indirect_dma semaphore(%arg10 : memref<!tpu.dma_semaphore, #tpu.memory_space<semaphore_mem>>) src(%dma_wait3A_169 : memref<102400xi32, #tpu.memory_space<hbm>>) dst(%dma_wait3A_164 : memref<128xi32, #tpu.memory_space<vmem>>)
    %dma_start3A_170 = arith.constant 0 : i32
    %dma_start3A_171 = arith.constant 0 : i32
    %dma_start3A_172 = arith.constant 0 : i32
    %dma_start3A_173 = arith.constant 0 : i32
    %dma_start3A_174 = arith.constant 0 : i32
    %dma_start3A_175 = tpu.memref_slice %arg9[%dma_start3A_171, %dma_start3A_172, %dma_start3A_173, %dma_start3A_174] : memref<2x128x2x128xf32, #tpu.memory_space<vmem>> -> memref<1x128x2x128xf32, #tpu.memory_space<vmem>>
    %dma_start3A_176 = tpu.memref_squeeze %dma_start3A_175 : memref<1x128x2x128xf32, #tpu.memory_space<vmem>> -> memref<128x2x128xf32, #tpu.memory_space<vmem>>
    %dma_start3A_177 = arith.constant 0 : i32
    %dma_start3A_178 = tpu.memref_slice %arg8[%dma_start3A_170, %dma_start3A_177] : memref<4x128xi32, #tpu.memory_space<vmem>> -> memref<1x128xi32, #tpu.memory_space<vmem>>
    %dma_start3A_179 = tpu.memref_squeeze %dma_start3A_178 : memref<1x128xi32, #tpu.memory_space<vmem>> -> memref<128xi32, #tpu.memory_space<vmem>>
    %dma_start3A_180 = arith.constant 0 : i32
    %dma_start3A_181 = arith.constant 0 : i32
    %dma_start3A_182 = arith.constant 0 : i32
    %dma_start3A_183 = tpu.memref_slice %arg5[%dma_start3A_180, %dma_start3A_181, %dma_start3A_182] : memref<16384x2x128xf32, #tpu.memory_space<hbm>> -> memref<16384x2x128xf32, #tpu.memory_space<hbm>>
    tpu.enqueue_indirect_dma source(%dma_start3A_183 : memref<16384x2x128xf32, #tpu.memory_space<hbm>>) target(%dma_start3A_176 : memref<128x2x128xf32, #tpu.memory_space<vmem>>) offsets(%dma_start3A_179 : memref<128xi32, #tpu.memory_space<vmem>>) semaphore(%arg10 : memref<!tpu.dma_semaphore, #tpu.memory_space<semaphore_mem>>)
    %dma_wait3A_184 = arith.constant 0 : i32
    %dma_wait3A_185 = arith.constant 0 : i32
    %dma_wait3A_186 = arith.constant 0 : i32
    %dma_wait3A_187 = arith.constant 0 : i32
    %dma_wait3A_188 = arith.constant 0 : i32
    %dma_wait3A_189 = tpu.memref_slice %arg9[%dma_wait3A_185, %dma_wait3A_186, %dma_wait3A_187, %dma_wait3A_188] : memref<2x128x2x128xf32, #tpu.memory_space<vmem>> -> memref<1x128x2x128xf32, #tpu.memory_space<vmem>>
    %dma_wait3A_190 = tpu.memref_squeeze %dma_wait3A_189 : memref<1x128x2x128xf32, #tpu.memory_space<vmem>> -> memref<128x2x128xf32, #tpu.memory_space<vmem>>
    %dma_wait3A_191 = arith.constant 0 : i32
    %dma_wait3A_192 = tpu.memref_slice %arg8[%dma_wait3A_184, %dma_wait3A_191] : memref<4x128xi32, #tpu.memory_space<vmem>> -> memref<1x128xi32, #tpu.memory_space<vmem>>
    %dma_wait3A_193 = tpu.memref_squeeze %dma_wait3A_192 : memref<1x128xi32, #tpu.memory_space<vmem>> -> memref<128xi32, #tpu.memory_space<vmem>>
    %dma_wait3A_194 = arith.constant 0 : i32
    %dma_wait3A_195 = arith.constant 0 : i32
    %dma_wait3A_196 = arith.constant 0 : i32
    %dma_wait3A_197 = tpu.memref_slice %arg5[%dma_wait3A_194, %dma_wait3A_195, %dma_wait3A_196] : memref<16384x2x128xf32, #tpu.memory_space<hbm>> -> memref<16384x2x128xf32, #tpu.memory_space<hbm>>
    tpu.wait_indirect_dma semaphore(%arg10 : memref<!tpu.dma_semaphore, #tpu.memory_space<semaphore_mem>>) src(%dma_wait3A_197 : memref<16384x2x128xf32, #tpu.memory_space<hbm>>) dst(%dma_wait3A_190 : memref<128x2x128xf32, #tpu.memory_space<vmem>>)
    %dma_start3A_198 = arith.constant 0 : i32
    %dma_start3A_199 = arith.constant 0 : i32
    %dma_start3A_200 = arith.constant 0 : i32
    %dma_start3A_201 = arith.constant 0 : i32
    %dma_start3A_202 = arith.constant 0 : i32
    %dma_start3A_203 = tpu.memref_slice %arg9[%dma_start3A_198, %dma_start3A_200, %dma_start3A_201, %dma_start3A_202] : memref<2x128x2x128xf32, #tpu.memory_space<vmem>> -> memref<1x128x2x128xf32, #tpu.memory_space<vmem>>
    %dma_start3A_204 = tpu.memref_squeeze %dma_start3A_203 : memref<1x128x2x128xf32, #tpu.memory_space<vmem>> -> memref<128x2x128xf32, #tpu.memory_space<vmem>>
    %dma_start3A_205 = arith.constant 0 : i32
    %dma_start3A_206 = tpu.memref_slice %arg7[%dma_start3A_199, %dma_start3A_205] : memref<4x128xi32, #tpu.memory_space<vmem>> -> memref<1x128xi32, #tpu.memory_space<vmem>>
    %dma_start3A_207 = tpu.memref_squeeze %dma_start3A_206 : memref<1x128xi32, #tpu.memory_space<vmem>> -> memref<128xi32, #tpu.memory_space<vmem>>
    %dma_start3A_208 = arith.constant 0 : i32
    %dma_start3A_209 = arith.constant 0 : i32
    %dma_start3A_210 = arith.constant 0 : i32
    %dma_start3A_211 = tpu.memref_slice %arg2[%dma_start3A_208, %dma_start3A_209, %dma_start3A_210] : memref<100000x2x128xf32, #tpu.memory_space<hbm>> -> memref<100000x2x128xf32, #tpu.memory_space<hbm>>
    tpu.enqueue_indirect_dma source(%dma_start3A_204 : memref<128x2x128xf32, #tpu.memory_space<vmem>>) target(%dma_start3A_211 : memref<100000x2x128xf32, #tpu.memory_space<hbm>>) offsets(%dma_start3A_207 : memref<128xi32, #tpu.memory_space<vmem>>) semaphore(%arg10 : memref<!tpu.dma_semaphore, #tpu.memory_space<semaphore_mem>>)
    %dma_start3A_212 = arith.constant 1 : i32
    %dma_start3A_213 = arith.constant 1 : i32
    %dma_start3A_214 = arith.constant 0 : i32
    %dma_start3A_215 = arith.constant 0 : i32
    %dma_start3A_216 = arith.constant 0 : i32
    %dma_start3A_217 = tpu.memref_slice %arg9[%dma_start3A_213, %dma_start3A_214, %dma_start3A_215, %dma_start3A_216] : memref<2x128x2x128xf32, #tpu.memory_space<vmem>> -> memref<1x128x2x128xf32, #tpu.memory_space<vmem>>
    %dma_start3A_218 = tpu.memref_squeeze %dma_start3A_217 : memref<1x128x2x128xf32, #tpu.memory_space<vmem>> -> memref<128x2x128xf32, #tpu.memory_space<vmem>>
    %dma_start3A_219 = arith.constant 0 : i32
    %dma_start3A_220 = tpu.memref_slice %arg8[%dma_start3A_212, %dma_start3A_219] : memref<4x128xi32, #tpu.memory_space<vmem>> -> memref<1x128xi32, #tpu.memory_space<vmem>>
    %dma_start3A_221 = tpu.memref_squeeze %dma_start3A_220 : memref<1x128xi32, #tpu.memory_space<vmem>> -> memref<128xi32, #tpu.memory_space<vmem>>
    %dma_start3A_222 = arith.constant 0 : i32
    %dma_start3A_223 = arith.constant 0 : i32
    %dma_start3A_224 = arith.constant 0 : i32
    %dma_start3A_225 = tpu.memref_slice %arg5[%dma_start3A_222, %dma_start3A_223, %dma_start3A_224] : memref<16384x2x128xf32, #tpu.memory_space<hbm>> -> memref<16384x2x128xf32, #tpu.memory_space<hbm>>
    tpu.enqueue_indirect_dma source(%dma_start3A_225 : memref<16384x2x128xf32, #tpu.memory_space<hbm>>) target(%dma_start3A_218 : memref<128x2x128xf32, #tpu.memory_space<vmem>>) offsets(%dma_start3A_221 : memref<128xi32, #tpu.memory_space<vmem>>) semaphore(%arg11 : memref<!tpu.dma_semaphore, #tpu.memory_space<semaphore_mem>>)
    %dma_wait3A_226 = arith.constant 1 : i32
    %dma_wait3A_227 = arith.constant 1 : i32
    %dma_wait3A_228 = arith.constant 0 : i32
    %dma_wait3A_229 = arith.constant 0 : i32
    %dma_wait3A_230 = arith.constant 0 : i32
    %dma_wait3A_231 = tpu.memref_slice %arg9[%dma_wait3A_227, %dma_wait3A_228, %dma_wait3A_229, %dma_wait3A_230] : memref<2x128x2x128xf32, #tpu.memory_space<vmem>> -> memref<1x128x2x128xf32, #tpu.memory_space<vmem>>
    %dma_wait3A_232 = tpu.memref_squeeze %dma_wait3A_231 : memref<1x128x2x128xf32, #tpu.memory_space<vmem>> -> memref<128x2x128xf32, #tpu.memory_space<vmem>>
    %dma_wait3A_233 = arith.constant 0 : i32
    %dma_wait3A_234 = tpu.memref_slice %arg8[%dma_wait3A_226, %dma_wait3A_233] : memref<4x128xi32, #tpu.memory_space<vmem>> -> memref<1x128xi32, #tpu.memory_space<vmem>>
    %dma_wait3A_235 = tpu.memref_squeeze %dma_wait3A_234 : memref<1x128xi32, #tpu.memory_space<vmem>> -> memref<128xi32, #tpu.memory_space<vmem>>
    %dma_wait3A_236 = arith.constant 0 : i32
    %dma_wait3A_237 = arith.constant 0 : i32
    %dma_wait3A_238 = arith.constant 0 : i32
    %dma_wait3A_239 = tpu.memref_slice %arg5[%dma_wait3A_236, %dma_wait3A_237, %dma_wait3A_238] : memref<16384x2x128xf32, #tpu.memory_space<hbm>> -> memref<16384x2x128xf32, #tpu.memory_space<hbm>>
    tpu.wait_indirect_dma semaphore(%arg11 : memref<!tpu.dma_semaphore, #tpu.memory_space<semaphore_mem>>) src(%dma_wait3A_239 : memref<16384x2x128xf32, #tpu.memory_space<hbm>>) dst(%dma_wait3A_232 : memref<128x2x128xf32, #tpu.memory_space<vmem>>)
    %dma_start3A_240 = arith.constant 1 : i32
    %dma_start3A_241 = arith.constant 1 : i32
    %dma_start3A_242 = arith.constant 0 : i32
    %dma_start3A_243 = arith.constant 0 : i32
    %dma_start3A_244 = arith.constant 0 : i32
    %dma_start3A_245 = tpu.memref_slice %arg9[%dma_start3A_240, %dma_start3A_242, %dma_start3A_243, %dma_start3A_244] : memref<2x128x2x128xf32, #tpu.memory_space<vmem>> -> memref<1x128x2x128xf32, #tpu.memory_space<vmem>>
    %dma_start3A_246 = tpu.memref_squeeze %dma_start3A_245 : memref<1x128x2x128xf32, #tpu.memory_space<vmem>> -> memref<128x2x128xf32, #tpu.memory_space<vmem>>
    %dma_start3A_247 = arith.constant 0 : i32
    %dma_start3A_248 = tpu.memref_slice %arg7[%dma_start3A_241, %dma_start3A_247] : memref<4x128xi32, #tpu.memory_space<vmem>> -> memref<1x128xi32, #tpu.memory_space<vmem>>
    %dma_start3A_249 = tpu.memref_squeeze %dma_start3A_248 : memref<1x128xi32, #tpu.memory_space<vmem>> -> memref<128xi32, #tpu.memory_space<vmem>>
    %dma_start3A_250 = arith.constant 0 : i32
    %dma_start3A_251 = arith.constant 0 : i32
    %dma_start3A_252 = arith.constant 0 : i32
    %dma_start3A_253 = tpu.memref_slice %arg2[%dma_start3A_250, %dma_start3A_251, %dma_start3A_252] : memref<100000x2x128xf32, #tpu.memory_space<hbm>> -> memref<100000x2x128xf32, #tpu.memory_space<hbm>>
    tpu.enqueue_indirect_dma source(%dma_start3A_246 : memref<128x2x128xf32, #tpu.memory_space<vmem>>) target(%dma_start3A_253 : memref<100000x2x128xf32, #tpu.memory_space<hbm>>) offsets(%dma_start3A_249 : memref<128xi32, #tpu.memory_space<vmem>>) semaphore(%arg11 : memref<!tpu.dma_semaphore, #tpu.memory_space<semaphore_mem>>)
    %dma_wait3A_254 = arith.constant 0 : i32
    %dma_wait3A_255 = arith.constant 0 : i32
    %dma_wait3A_256 = arith.constant 0 : i32
    %dma_wait3A_257 = arith.constant 0 : i32
    %dma_wait3A_258 = arith.constant 0 : i32
    %dma_wait3A_259 = tpu.memref_slice %arg9[%dma_wait3A_254, %dma_wait3A_256, %dma_wait3A_257, %dma_wait3A_258] : memref<2x128x2x128xf32, #tpu.memory_space<vmem>> -> memref<1x128x2x128xf32, #tpu.memory_space<vmem>>
    %dma_wait3A_260 = tpu.memref_squeeze %dma_wait3A_259 : memref<1x128x2x128xf32, #tpu.memory_space<vmem>> -> memref<128x2x128xf32, #tpu.memory_space<vmem>>
    %dma_wait3A_261 = arith.constant 0 : i32
    %dma_wait3A_262 = tpu.memref_slice %arg7[%dma_wait3A_255, %dma_wait3A_261] : memref<4x128xi32, #tpu.memory_space<vmem>> -> memref<1x128xi32, #tpu.memory_space<vmem>>
    %dma_wait3A_263 = tpu.memref_squeeze %dma_wait3A_262 : memref<1x128xi32, #tpu.memory_space<vmem>> -> memref<128xi32, #tpu.memory_space<vmem>>
    %dma_wait3A_264 = arith.constant 0 : i32
    %dma_wait3A_265 = arith.constant 0 : i32
    %dma_wait3A_266 = arith.constant 0 : i32
    %dma_wait3A_267 = tpu.memref_slice %arg2[%dma_wait3A_264, %dma_wait3A_265, %dma_wait3A_266] : memref<100000x2x128xf32, #tpu.memory_space<hbm>> -> memref<100000x2x128xf32, #tpu.memory_space<hbm>>
    tpu.wait_indirect_dma semaphore(%arg10 : memref<!tpu.dma_semaphore, #tpu.memory_space<semaphore_mem>>) src(%dma_wait3A_260 : memref<128x2x128xf32, #tpu.memory_space<vmem>>) dst(%dma_wait3A_267 : memref<100000x2x128xf32, #tpu.memory_space<hbm>>)
    %dma_start3A_268 = arith.constant 2 : i32
    %dma_start3A_269 = arith.constant 0 : i32
    %dma_start3A_270 = arith.constant 0 : i32
    %dma_start3A_271 = arith.constant 0 : i32
    %dma_start3A_272 = arith.constant 0 : i32
    %dma_start3A_273 = tpu.memref_slice %arg9[%dma_start3A_269, %dma_start3A_270, %dma_start3A_271, %dma_start3A_272] : memref<2x128x2x128xf32, #tpu.memory_space<vmem>> -> memref<1x128x2x128xf32, #tpu.memory_space<vmem>>
    %dma_start3A_274 = tpu.memref_squeeze %dma_start3A_273 : memref<1x128x2x128xf32, #tpu.memory_space<vmem>> -> memref<128x2x128xf32, #tpu.memory_space<vmem>>
    %dma_start3A_275 = arith.constant 0 : i32
    %dma_start3A_276 = tpu.memref_slice %arg8[%dma_start3A_268, %dma_start3A_275] : memref<4x128xi32, #tpu.memory_space<vmem>> -> memref<1x128xi32, #tpu.memory_space<vmem>>
    %dma_start3A_277 = tpu.memref_squeeze %dma_start3A_276 : memref<1x128xi32, #tpu.memory_space<vmem>> -> memref<128xi32, #tpu.memory_space<vmem>>
    %dma_start3A_278 = arith.constant 0 : i32
    %dma_start3A_279 = arith.constant 0 : i32
    %dma_start3A_280 = arith.constant 0 : i32
    %dma_start3A_281 = tpu.memref_slice %arg5[%dma_start3A_278, %dma_start3A_279, %dma_start3A_280] : memref<16384x2x128xf32, #tpu.memory_space<hbm>> -> memref<16384x2x128xf32, #tpu.memory_space<hbm>>
    tpu.enqueue_indirect_dma source(%dma_start3A_281 : memref<16384x2x128xf32, #tpu.memory_space<hbm>>) target(%dma_start3A_274 : memref<128x2x128xf32, #tpu.memory_space<vmem>>) offsets(%dma_start3A_277 : memref<128xi32, #tpu.memory_space<vmem>>) semaphore(%arg10 : memref<!tpu.dma_semaphore, #tpu.memory_space<semaphore_mem>>)
    %dma_wait3A_282 = arith.constant 2 : i32
    %dma_wait3A_283 = arith.constant 0 : i32
    %dma_wait3A_284 = arith.constant 0 : i32
    %dma_wait3A_285 = arith.constant 0 : i32
    %dma_wait3A_286 = arith.constant 0 : i32
    %dma_wait3A_287 = tpu.memref_slice %arg9[%dma_wait3A_283, %dma_wait3A_284, %dma_wait3A_285, %dma_wait3A_286] : memref<2x128x2x128xf32, #tpu.memory_space<vmem>> -> memref<1x128x2x128xf32, #tpu.memory_space<vmem>>
    %dma_wait3A_288 = tpu.memref_squeeze %dma_wait3A_287 : memref<1x128x2x128xf32, #tpu.memory_space<vmem>> -> memref<128x2x128xf32, #tpu.memory_space<vmem>>
    %dma_wait3A_289 = arith.constant 0 : i32
    %dma_wait3A_290 = tpu.memref_slice %arg8[%dma_wait3A_282, %dma_wait3A_289] : memref<4x128xi32, #tpu.memory_space<vmem>> -> memref<1x128xi32, #tpu.memory_space<vmem>>
    %dma_wait3A_291 = tpu.memref_squeeze %dma_wait3A_290 : memref<1x128xi32, #tpu.memory_space<vmem>> -> memref<128xi32, #tpu.memory_space<vmem>>
    %dma_wait3A_292 = arith.constant 0 : i32
    %dma_wait3A_293 = arith.constant 0 : i32
    %dma_wait3A_294 = arith.constant 0 : i32
    %dma_wait3A_295 = tpu.memref_slice %arg5[%dma_wait3A_292, %dma_wait3A_293, %dma_wait3A_294] : memref<16384x2x128xf32, #tpu.memory_space<hbm>> -> memref<16384x2x128xf32, #tpu.memory_space<hbm>>
    tpu.wait_indirect_dma semaphore(%arg10 : memref<!tpu.dma_semaphore, #tpu.memory_space<semaphore_mem>>) src(%dma_wait3A_295 : memref<16384x2x128xf32, #tpu.memory_space<hbm>>) dst(%dma_wait3A_288 : memref<128x2x128xf32, #tpu.memory_space<vmem>>)
    %dma_start3A_296 = arith.constant 0 : i32
    %dma_start3A_297 = arith.constant 2 : i32
    %dma_start3A_298 = arith.constant 0 : i32
    %dma_start3A_299 = arith.constant 0 : i32
    %dma_start3A_300 = arith.constant 0 : i32
    %dma_start3A_301 = tpu.memref_slice %arg9[%dma_start3A_296, %dma_start3A_298, %dma_start3A_299, %dma_start3A_300] : memref<2x128x2x128xf32, #tpu.memory_space<vmem>> -> memref<1x128x2x128xf32, #tpu.memory_space<vmem>>
    %dma_start3A_302 = tpu.memref_squeeze %dma_start3A_301 : memref<1x128x2x128xf32, #tpu.memory_space<vmem>> -> memref<128x2x128xf32, #tpu.memory_space<vmem>>
    %dma_start3A_303 = arith.constant 0 : i32
    %dma_start3A_304 = tpu.memref_slice %arg7[%dma_start3A_297, %dma_start3A_303] : memref<4x128xi32, #tpu.memory_space<vmem>> -> memref<1x128xi32, #tpu.memory_space<vmem>>
    %dma_start3A_305 = tpu.memref_squeeze %dma_start3A_304 : memref<1x128xi32, #tpu.memory_space<vmem>> -> memref<128xi32, #tpu.memory_space<vmem>>
    %dma_start3A_306 = arith.constant 0 : i32
    %dma_start3A_307 = arith.constant 0 : i32
    %dma_start3A_308 = arith.constant 0 : i32
    %dma_start3A_309 = tpu.memref_slice %arg2[%dma_start3A_306, %dma_start3A_307, %dma_start3A_308] : memref<100000x2x128xf32, #tpu.memory_space<hbm>> -> memref<100000x2x128xf32, #tpu.memory_space<hbm>>
    tpu.enqueue_indirect_dma source(%dma_start3A_302 : memref<128x2x128xf32, #tpu.memory_space<vmem>>) target(%dma_start3A_309 : memref<100000x2x128xf32, #tpu.memory_space<hbm>>) offsets(%dma_start3A_305 : memref<128xi32, #tpu.memory_space<vmem>>) semaphore(%arg10 : memref<!tpu.dma_semaphore, #tpu.memory_space<semaphore_mem>>)
    %dma_wait3A_310 = arith.constant 1 : i32
    %dma_wait3A_311 = arith.constant 1 : i32
    %dma_wait3A_312 = arith.constant 0 : i32
    %dma_wait3A_313 = arith.constant 0 : i32
    %dma_wait3A_314 = arith.constant 0 : i32
    %dma_wait3A_315 = tpu.memref_slice %arg9[%dma_wait3A_310, %dma_wait3A_312, %dma_wait3A_313, %dma_wait3A_314] : memref<2x128x2x128xf32, #tpu.memory_space<vmem>> -> memref<1x128x2x128xf32, #tpu.memory_space<vmem>>
    %dma_wait3A_316 = tpu.memref_squeeze %dma_wait3A_315 : memref<1x128x2x128xf32, #tpu.memory_space<vmem>> -> memref<128x2x128xf32, #tpu.memory_space<vmem>>
    %dma_wait3A_317 = arith.constant 0 : i32
    %dma_wait3A_318 = tpu.memref_slice %arg7[%dma_wait3A_311, %dma_wait3A_317] : memref<4x128xi32, #tpu.memory_space<vmem>> -> memref<1x128xi32, #tpu.memory_space<vmem>>
    %dma_wait3A_319 = tpu.memref_squeeze %dma_wait3A_318 : memref<1x128xi32, #tpu.memory_space<vmem>> -> memref<128xi32, #tpu.memory_space<vmem>>
    %dma_wait3A_320 = arith.constant 0 : i32
    %dma_wait3A_321 = arith.constant 0 : i32
    %dma_wait3A_322 = arith.constant 0 : i32
    %dma_wait3A_323 = tpu.memref_slice %arg2[%dma_wait3A_320, %dma_wait3A_321, %dma_wait3A_322] : memref<100000x2x128xf32, #tpu.memory_space<hbm>> -> memref<100000x2x128xf32, #tpu.memory_space<hbm>>
    tpu.wait_indirect_dma semaphore(%arg11 : memref<!tpu.dma_semaphore, #tpu.memory_space<semaphore_mem>>) src(%dma_wait3A_316 : memref<128x2x128xf32, #tpu.memory_space<vmem>>) dst(%dma_wait3A_323 : memref<100000x2x128xf32, #tpu.memory_space<hbm>>)
    %dma_start3A_324 = arith.constant 3 : i32
    %dma_start3A_325 = arith.constant 1 : i32
    %dma_start3A_326 = arith.constant 0 : i32
    %dma_start3A_327 = arith.constant 0 : i32
    %dma_start3A_328 = arith.constant 0 : i32
    %dma_start3A_329 = tpu.memref_slice %arg9[%dma_start3A_325, %dma_start3A_326, %dma_start3A_327, %dma_start3A_328] : memref<2x128x2x128xf32, #tpu.memory_space<vmem>> -> memref<1x128x2x128xf32, #tpu.memory_space<vmem>>
    %dma_start3A_330 = tpu.memref_squeeze %dma_start3A_329 : memref<1x128x2x128xf32, #tpu.memory_space<vmem>> -> memref<128x2x128xf32, #tpu.memory_space<vmem>>
    %dma_start3A_331 = arith.constant 0 : i32
    %dma_start3A_332 = tpu.memref_slice %arg8[%dma_start3A_324, %dma_start3A_331] : memref<4x128xi32, #tpu.memory_space<vmem>> -> memref<1x128xi32, #tpu.memory_space<vmem>>
    %dma_start3A_333 = tpu.memref_squeeze %dma_start3A_332 : memref<1x128xi32, #tpu.memory_space<vmem>> -> memref<128xi32, #tpu.memory_space<vmem>>
    %dma_start3A_334 = arith.constant 0 : i32
    %dma_start3A_335 = arith.constant 0 : i32
    %dma_start3A_336 = arith.constant 0 : i32
    %dma_start3A_337 = tpu.memref_slice %arg5[%dma_start3A_334, %dma_start3A_335, %dma_start3A_336] : memref<16384x2x128xf32, #tpu.memory_space<hbm>> -> memref<16384x2x128xf32, #tpu.memory_space<hbm>>
    tpu.enqueue_indirect_dma source(%dma_start3A_337 : memref<16384x2x128xf32, #tpu.memory_space<hbm>>) target(%dma_start3A_330 : memref<128x2x128xf32, #tpu.memory_space<vmem>>) offsets(%dma_start3A_333 : memref<128xi32, #tpu.memory_space<vmem>>) semaphore(%arg11 : memref<!tpu.dma_semaphore, #tpu.memory_space<semaphore_mem>>)
    %dma_wait3A_338 = arith.constant 3 : i32
    %dma_wait3A_339 = arith.constant 1 : i32
    %dma_wait3A_340 = arith.constant 0 : i32
    %dma_wait3A_341 = arith.constant 0 : i32
    %dma_wait3A_342 = arith.constant 0 : i32
    %dma_wait3A_343 = tpu.memref_slice %arg9[%dma_wait3A_339, %dma_wait3A_340, %dma_wait3A_341, %dma_wait3A_342] : memref<2x128x2x128xf32, #tpu.memory_space<vmem>> -> memref<1x128x2x128xf32, #tpu.memory_space<vmem>>
    %dma_wait3A_344 = tpu.memref_squeeze %dma_wait3A_343 : memref<1x128x2x128xf32, #tpu.memory_space<vmem>> -> memref<128x2x128xf32, #tpu.memory_space<vmem>>
    %dma_wait3A_345 = arith.constant 0 : i32
    %dma_wait3A_346 = tpu.memref_slice %arg8[%dma_wait3A_338, %dma_wait3A_345] : memref<4x128xi32, #tpu.memory_space<vmem>> -> memref<1x128xi32, #tpu.memory_space<vmem>>
    %dma_wait3A_347 = tpu.memref_squeeze %dma_wait3A_346 : memref<1x128xi32, #tpu.memory_space<vmem>> -> memref<128xi32, #tpu.memory_space<vmem>>
    %dma_wait3A_348 = arith.constant 0 : i32
    %dma_wait3A_349 = arith.constant 0 : i32
    %dma_wait3A_350 = arith.constant 0 : i32
    %dma_wait3A_351 = tpu.memref_slice %arg5[%dma_wait3A_348, %dma_wait3A_349, %dma_wait3A_350] : memref<16384x2x128xf32, #tpu.memory_space<hbm>> -> memref<16384x2x128xf32, #tpu.memory_space<hbm>>
    tpu.wait_indirect_dma semaphore(%arg11 : memref<!tpu.dma_semaphore, #tpu.memory_space<semaphore_mem>>) src(%dma_wait3A_351 : memref<16384x2x128xf32, #tpu.memory_space<hbm>>) dst(%dma_wait3A_344 : memref<128x2x128xf32, #tpu.memory_space<vmem>>)
    %dma_start3A_352 = arith.constant 1 : i32
    %dma_start3A_353 = arith.constant 3 : i32
    %dma_start3A_354 = arith.constant 0 : i32
    %dma_start3A_355 = arith.constant 0 : i32
    %dma_start3A_356 = arith.constant 0 : i32
    %dma_start3A_357 = tpu.memref_slice %arg9[%dma_start3A_352, %dma_start3A_354, %dma_start3A_355, %dma_start3A_356] : memref<2x128x2x128xf32, #tpu.memory_space<vmem>> -> memref<1x128x2x128xf32, #tpu.memory_space<vmem>>
    %dma_start3A_358 = tpu.memref_squeeze %dma_start3A_357 : memref<1x128x2x128xf32, #tpu.memory_space<vmem>> -> memref<128x2x128xf32, #tpu.memory_space<vmem>>
    %dma_start3A_359 = arith.constant 0 : i32
    %dma_start3A_360 = tpu.memref_slice %arg7[%dma_start3A_353, %dma_start3A_359] : memref<4x128xi32, #tpu.memory_space<vmem>> -> memref<1x128xi32, #tpu.memory_space<vmem>>
    %dma_start3A_361 = tpu.memref_squeeze %dma_start3A_360 : memref<1x128xi32, #tpu.memory_space<vmem>> -> memref<128xi32, #tpu.memory_space<vmem>>
    %dma_start3A_362 = arith.constant 0 : i32
    %dma_start3A_363 = arith.constant 0 : i32
    %dma_start3A_364 = arith.constant 0 : i32
    %dma_start3A_365 = tpu.memref_slice %arg2[%dma_start3A_362, %dma_start3A_363, %dma_start3A_364] : memref<100000x2x128xf32, #tpu.memory_space<hbm>> -> memref<100000x2x128xf32, #tpu.memory_space<hbm>>
    tpu.enqueue_indirect_dma source(%dma_start3A_358 : memref<128x2x128xf32, #tpu.memory_space<vmem>>) target(%dma_start3A_365 : memref<100000x2x128xf32, #tpu.memory_space<hbm>>) offsets(%dma_start3A_361 : memref<128xi32, #tpu.memory_space<vmem>>) semaphore(%arg11 : memref<!tpu.dma_semaphore, #tpu.memory_space<semaphore_mem>>)
    %dma_wait3A_366 = arith.constant 0 : i32
    %dma_wait3A_367 = arith.constant 2 : i32
    %dma_wait3A_368 = arith.constant 0 : i32
    %dma_wait3A_369 = arith.constant 0 : i32
    %dma_wait3A_370 = arith.constant 0 : i32
    %dma_wait3A_371 = tpu.memref_slice %arg9[%dma_wait3A_366, %dma_wait3A_368, %dma_wait3A_369, %dma_wait3A_370] : memref<2x128x2x128xf32, #tpu.memory_space<vmem>> -> memref<1x128x2x128xf32, #tpu.memory_space<vmem>>
    %dma_wait3A_372 = tpu.memref_squeeze %dma_wait3A_371 : memref<1x128x2x128xf32, #tpu.memory_space<vmem>> -> memref<128x2x128xf32, #tpu.memory_space<vmem>>
    %dma_wait3A_373 = arith.constant 0 : i32
    %dma_wait3A_374 = tpu.memref_slice %arg7[%dma_wait3A_367, %dma_wait3A_373] : memref<4x128xi32, #tpu.memory_space<vmem>> -> memref<1x128xi32, #tpu.memory_space<vmem>>
    %dma_wait3A_375 = tpu.memref_squeeze %dma_wait3A_374 : memref<1x128xi32, #tpu.memory_space<vmem>> -> memref<128xi32, #tpu.memory_space<vmem>>
    %dma_wait3A_376 = arith.constant 0 : i32
    %dma_wait3A_377 = arith.constant 0 : i32
    %dma_wait3A_378 = arith.constant 0 : i32
    %dma_wait3A_379 = tpu.memref_slice %arg2[%dma_wait3A_376, %dma_wait3A_377, %dma_wait3A_378] : memref<100000x2x128xf32, #tpu.memory_space<hbm>> -> memref<100000x2x128xf32, #tpu.memory_space<hbm>>
    tpu.wait_indirect_dma semaphore(%arg10 : memref<!tpu.dma_semaphore, #tpu.memory_space<semaphore_mem>>) src(%dma_wait3A_372 : memref<128x2x128xf32, #tpu.memory_space<vmem>>) dst(%dma_wait3A_379 : memref<100000x2x128xf32, #tpu.memory_space<hbm>>)
    %dma_wait3A_380 = arith.constant 1 : i32
    %dma_wait3A_381 = arith.constant 3 : i32
    %dma_wait3A_382 = arith.constant 0 : i32
    %dma_wait3A_383 = arith.constant 0 : i32
    %dma_wait3A_384 = arith.constant 0 : i32
    %dma_wait3A_385 = tpu.memref_slice %arg9[%dma_wait3A_380, %dma_wait3A_382, %dma_wait3A_383, %dma_wait3A_384] : memref<2x128x2x128xf32, #tpu.memory_space<vmem>> -> memref<1x128x2x128xf32, #tpu.memory_space<vmem>>
    %dma_wait3A_386 = tpu.memref_squeeze %dma_wait3A_385 : memref<1x128x2x128xf32, #tpu.memory_space<vmem>> -> memref<128x2x128xf32, #tpu.memory_space<vmem>>
    %dma_wait3A_387 = arith.constant 0 : i32
    %dma_wait3A_388 = tpu.memref_slice %arg7[%dma_wait3A_381, %dma_wait3A_387] : memref<4x128xi32, #tpu.memory_space<vmem>> -> memref<1x128xi32, #tpu.memory_space<vmem>>
    %dma_wait3A_389 = tpu.memref_squeeze %dma_wait3A_388 : memref<1x128xi32, #tpu.memory_space<vmem>> -> memref<128xi32, #tpu.memory_space<vmem>>
    %dma_wait3A_390 = arith.constant 0 : i32
    %dma_wait3A_391 = arith.constant 0 : i32
    %dma_wait3A_392 = arith.constant 0 : i32
    %dma_wait3A_393 = tpu.memref_slice %arg2[%dma_wait3A_390, %dma_wait3A_391, %dma_wait3A_392] : memref<100000x2x128xf32, #tpu.memory_space<hbm>> -> memref<100000x2x128xf32, #tpu.memory_space<hbm>>
    tpu.wait_indirect_dma semaphore(%arg11 : memref<!tpu.dma_semaphore, #tpu.memory_space<semaphore_mem>>) src(%dma_wait3A_386 : memref<128x2x128xf32, #tpu.memory_space<vmem>>) dst(%dma_wait3A_393 : memref<100000x2x128xf32, #tpu.memory_space<hbm>>)
    return
  }
}

module attributes {stable_mosaic.version = 14 : i64} {
  func.func @body(%arg0: i32, %arg1: memref<2048x2x128xf32, #tpu.memory_space<vmem>>, %arg2: memref<2048x128xf32, #tpu.memory_space<vmem>>, %arg3: memref<2048x128xf32, #tpu.memory_space<vmem>>, %arg4: memref<2048x128xf32, #tpu.memory_space<vmem>>, %arg5: memref<2x384x128xf32, #tpu.memory_space<vmem>>, %arg6: memref<2x384x128xf32, #tpu.memory_space<vmem>>, %arg7: memref<2x384xf32, #tpu.memory_space<vmem>>, %arg8: memref<2x384xf32, #tpu.memory_space<vmem>>, %arg9: memref<2048x2x128xf32, #tpu.memory_space<vmem>>, %arg10: memref<2048x1xf32, #tpu.memory_space<vmem>>) attributes {dimension_semantics = [#tpu.dimension_semantics<arbitrary>], iteration_bounds = array<i64: 8>, scalar_prefetch = 0 : i64, scratch_operands = 0 : i64, tpu.core_type = #tpu.core_type<tc>, window_params = [{transform_indices = @transform_0, window_bounds = array<i64: 2048, 2, 128>}, {transform_indices = @transform_1, window_bounds = array<i64: 2048, 128>}, {transform_indices = @transform_2, window_bounds = array<i64: 2048, 128>}, {transform_indices = @transform_3, window_bounds = array<i64: 2048, 128>}, {pipeline_mode = #tpu.pipeline_mode<synchronous>, transform_indices = @transform_4, window_bounds = array<i64: 2, 384, 128>}, {pipeline_mode = #tpu.pipeline_mode<synchronous>, transform_indices = @transform_5, window_bounds = array<i64: 2, 384, 128>}, {pipeline_mode = #tpu.pipeline_mode<synchronous>, transform_indices = @transform_6, window_bounds = array<i64: 2, 384>}, {pipeline_mode = #tpu.pipeline_mode<synchronous>, transform_indices = @transform_7, window_bounds = array<i64: 2, 384>}, {transform_indices = @transform_8, window_bounds = array<i64: 2048, 2, 128>}, {transform_indices = @transform_9, window_bounds = array<i64: 2048, 1>}]} {
    %get3A = arith.constant 0 : index
    %get3A_0 = arith.constant 0 : index
    %get3A_1 = vector.load %arg2[%get3A, %get3A_0] : memref<2048x128xf32, #tpu.memory_space<vmem>>, vector<2048x128xf32>
    %get3A_2 = arith.constant 0 : index
    %get3A_3 = arith.constant 0 : index
    %get3A_4 = arith.constant 0 : index
    %get3A_5 = vector.load %arg1[%get3A_2, %get3A_3, %get3A_4] : memref<2048x2x128xf32, #tpu.memory_space<vmem>>, vector<2048x1x128xf32>
    %get3A_6 = vector.shape_cast %get3A_5 : vector<2048x1x128xf32> to vector<2048x128xf32>
    %get3A_7 = arith.constant 0 : index
    %get3A_8 = arith.constant 0 : index
    %get3A_9 = arith.constant 0 : index
    %get3A_10 = vector.load %arg5[%get3A_7, %get3A_8, %get3A_9] : memref<2x384x128xf32, #tpu.memory_space<vmem>>, vector<1x384x128xf32>
    %get3A_11 = vector.shape_cast %get3A_10 : vector<1x384x128xf32> to vector<384x128xf32>
    %dot_general3A = arith.constant dense<0.000000e+00> : vector<2048x384xf32>
    %dot_general3A_12 = tpu.matmul %get3A_1, %get3A_11, %dot_general3A {dimension_numbers = #tpu.dot_dimension_numbers<[1], [1], [0], [0], [0, 0, 1, 0], [], []>, transpose_lhs_hint = false} : vector<2048x128xf32>, vector<384x128xf32>, vector<2048x384xf32> -> vector<2048x384xf32>
    %get3A_13 = arith.constant 0 : index
    %get3A_14 = arith.constant 0 : index
    %get3A_15 = vector.load %arg7[%get3A_13, %get3A_14] : memref<2x384xf32, #tpu.memory_space<vmem>>, vector<1x384xf32>
    %get3A_16 = vector.shape_cast %get3A_15 : vector<1x384xf32> to vector<384xf32>
    %broadcast_in_dim3A = vector.shape_cast %get3A_16 : vector<384xf32> to vector<1x384xf32>
    %add3A = vector.broadcast %broadcast_in_dim3A : vector<1x384xf32> to vector<2048x384xf32>
    %add3A_17 = arith.addf %dot_general3A_12, %add3A : vector<2048x384xf32>
    %get3A_18 = arith.constant 0 : index
    %get3A_19 = arith.constant 0 : index
    %get3A_20 = arith.constant 0 : index
    %get3A_21 = vector.load %arg6[%get3A_18, %get3A_19, %get3A_20] : memref<2x384x128xf32, #tpu.memory_space<vmem>>, vector<1x384x128xf32>
    %get3A_22 = vector.shape_cast %get3A_21 : vector<1x384x128xf32> to vector<384x128xf32>
    %dot_general3A_23 = arith.constant dense<0.000000e+00> : vector<2048x384xf32>
    %dot_general3A_24 = tpu.matmul %get3A_6, %get3A_22, %dot_general3A_23 {dimension_numbers = #tpu.dot_dimension_numbers<[1], [1], [0], [0], [0, 0, 1, 0], [], []>, transpose_lhs_hint = false} : vector<2048x128xf32>, vector<384x128xf32>, vector<2048x384xf32> -> vector<2048x384xf32>
    %get3A_25 = arith.constant 0 : index
    %get3A_26 = arith.constant 0 : index
    %get3A_27 = vector.load %arg8[%get3A_25, %get3A_26] : memref<2x384xf32, #tpu.memory_space<vmem>>, vector<1x384xf32>
    %get3A_28 = vector.shape_cast %get3A_27 : vector<1x384xf32> to vector<384xf32>
    %broadcast_in_dim3A_29 = vector.shape_cast %get3A_28 : vector<384xf32> to vector<1x384xf32>
    %add3A_30 = vector.broadcast %broadcast_in_dim3A_29 : vector<1x384xf32> to vector<2048x384xf32>
    %add3A_31 = arith.addf %dot_general3A_24, %add3A_30 : vector<2048x384xf32>
    %slice3A = vector.extract_strided_slice %add3A_17 {offsets = [0, 0], sizes = [2048, 128], strides = [1, 1]} : vector<2048x384xf32> to vector<2048x128xf32>
    %slice3A_32 = vector.extract_strided_slice %add3A_31 {offsets = [0, 0], sizes = [2048, 128], strides = [1, 1]} : vector<2048x384xf32> to vector<2048x128xf32>
    %add3A_33 = arith.addf %slice3A, %slice3A_32 : vector<2048x128xf32>
    %logistic3A = arith.negf %add3A_33 : vector<2048x128xf32>
    %logistic3A_34 = math.exp %logistic3A : vector<2048x128xf32>
    %logistic3A_35 = arith.constant 1.000000e+00 : f32
    %logistic3A_36 = vector.broadcast %logistic3A_35 : f32 to vector<2048x128xf32>
    %logistic3A_37 = arith.addf %logistic3A_36, %logistic3A_34 : vector<2048x128xf32>
    %logistic3A_38 = arith.divf %logistic3A_36, %logistic3A_37 : vector<2048x128xf32>
    %slice3A_39 = vector.extract_strided_slice %add3A_17 {offsets = [0, 128], sizes = [2048, 128], strides = [1, 1]} : vector<2048x384xf32> to vector<2048x128xf32>
    %slice3A_40 = vector.extract_strided_slice %add3A_31 {offsets = [0, 128], sizes = [2048, 128], strides = [1, 1]} : vector<2048x384xf32> to vector<2048x128xf32>
    %add3A_41 = arith.addf %slice3A_39, %slice3A_40 : vector<2048x128xf32>
    %logistic3A_42 = arith.negf %add3A_41 : vector<2048x128xf32>
    %logistic3A_43 = math.exp %logistic3A_42 : vector<2048x128xf32>
    %logistic3A_44 = arith.constant 1.000000e+00 : f32
    %logistic3A_45 = vector.broadcast %logistic3A_44 : f32 to vector<2048x128xf32>
    %logistic3A_46 = arith.addf %logistic3A_45, %logistic3A_43 : vector<2048x128xf32>
    %logistic3A_47 = arith.divf %logistic3A_45, %logistic3A_46 : vector<2048x128xf32>
    %slice3A_48 = vector.extract_strided_slice %add3A_17 {offsets = [0, 256], sizes = [2048, 128], strides = [1, 1]} : vector<2048x384xf32> to vector<2048x128xf32>
    %slice3A_49 = vector.extract_strided_slice %add3A_31 {offsets = [0, 256], sizes = [2048, 128], strides = [1, 1]} : vector<2048x384xf32> to vector<2048x128xf32>
    %mul3A = arith.mulf %logistic3A_38, %slice3A_49 : vector<2048x128xf32>
    %add3A_50 = arith.addf %slice3A_48, %mul3A : vector<2048x128xf32>
    %tanh3A = math.tanh %add3A_50 : vector<2048x128xf32>
    %sub3A = arith.constant 1.000000e+00 : f32
    %sub3A_51 = vector.broadcast %sub3A : f32 to vector<2048x128xf32>
    %sub3A_52 = arith.subf %sub3A_51, %logistic3A_47 : vector<2048x128xf32>
    %mul3A_53 = arith.mulf %sub3A_52, %tanh3A : vector<2048x128xf32>
    %mul3A_54 = arith.mulf %logistic3A_47, %get3A_6 : vector<2048x128xf32>
    %add3A_55 = arith.addf %mul3A_53, %mul3A_54 : vector<2048x128xf32>
    %get3A_56 = arith.constant 0 : index
    %get3A_57 = arith.constant 1 : index
    %get3A_58 = arith.constant 0 : index
    %get3A_59 = vector.load %arg1[%get3A_56, %get3A_57, %get3A_58] : memref<2048x2x128xf32, #tpu.memory_space<vmem>>, vector<2048x1x128xf32>
    %get3A_60 = vector.shape_cast %get3A_59 : vector<2048x1x128xf32> to vector<2048x128xf32>
    %get3A_61 = arith.constant 1 : index
    %get3A_62 = arith.constant 0 : index
    %get3A_63 = arith.constant 0 : index
    %get3A_64 = vector.load %arg5[%get3A_61, %get3A_62, %get3A_63] : memref<2x384x128xf32, #tpu.memory_space<vmem>>, vector<1x384x128xf32>
    %get3A_65 = vector.shape_cast %get3A_64 : vector<1x384x128xf32> to vector<384x128xf32>
    %dot_general3A_66 = arith.constant dense<0.000000e+00> : vector<2048x384xf32>
    %dot_general3A_67 = tpu.matmul %add3A_55, %get3A_65, %dot_general3A_66 {dimension_numbers = #tpu.dot_dimension_numbers<[1], [1], [0], [0], [0, 0, 1, 0], [], []>, transpose_lhs_hint = false} : vector<2048x128xf32>, vector<384x128xf32>, vector<2048x384xf32> -> vector<2048x384xf32>
    %get3A_68 = arith.constant 1 : index
    %get3A_69 = arith.constant 0 : index
    %get3A_70 = vector.load %arg7[%get3A_68, %get3A_69] : memref<2x384xf32, #tpu.memory_space<vmem>>, vector<1x384xf32>
    %get3A_71 = vector.shape_cast %get3A_70 : vector<1x384xf32> to vector<384xf32>
    %broadcast_in_dim3A_72 = vector.shape_cast %get3A_71 : vector<384xf32> to vector<1x384xf32>
    %add3A_73 = vector.broadcast %broadcast_in_dim3A_72 : vector<1x384xf32> to vector<2048x384xf32>
    %add3A_74 = arith.addf %dot_general3A_67, %add3A_73 : vector<2048x384xf32>
    %get3A_75 = arith.constant 1 : index
    %get3A_76 = arith.constant 0 : index
    %get3A_77 = arith.constant 0 : index
    %get3A_78 = vector.load %arg6[%get3A_75, %get3A_76, %get3A_77] : memref<2x384x128xf32, #tpu.memory_space<vmem>>, vector<1x384x128xf32>
    %get3A_79 = vector.shape_cast %get3A_78 : vector<1x384x128xf32> to vector<384x128xf32>
    %dot_general3A_80 = arith.constant dense<0.000000e+00> : vector<2048x384xf32>
    %dot_general3A_81 = tpu.matmul %get3A_60, %get3A_79, %dot_general3A_80 {dimension_numbers = #tpu.dot_dimension_numbers<[1], [1], [0], [0], [0, 0, 1, 0], [], []>, transpose_lhs_hint = false} : vector<2048x128xf32>, vector<384x128xf32>, vector<2048x384xf32> -> vector<2048x384xf32>
    %get3A_82 = arith.constant 1 : index
    %get3A_83 = arith.constant 0 : index
    %get3A_84 = vector.load %arg8[%get3A_82, %get3A_83] : memref<2x384xf32, #tpu.memory_space<vmem>>, vector<1x384xf32>
    %get3A_85 = vector.shape_cast %get3A_84 : vector<1x384xf32> to vector<384xf32>
    %broadcast_in_dim3A_86 = vector.shape_cast %get3A_85 : vector<384xf32> to vector<1x384xf32>
    %add3A_87 = vector.broadcast %broadcast_in_dim3A_86 : vector<1x384xf32> to vector<2048x384xf32>
    %add3A_88 = arith.addf %dot_general3A_81, %add3A_87 : vector<2048x384xf32>
    %slice3A_89 = vector.extract_strided_slice %add3A_74 {offsets = [0, 0], sizes = [2048, 128], strides = [1, 1]} : vector<2048x384xf32> to vector<2048x128xf32>
    %slice3A_90 = vector.extract_strided_slice %add3A_88 {offsets = [0, 0], sizes = [2048, 128], strides = [1, 1]} : vector<2048x384xf32> to vector<2048x128xf32>
    %add3A_91 = arith.addf %slice3A_89, %slice3A_90 : vector<2048x128xf32>
    %logistic3A_92 = arith.negf %add3A_91 : vector<2048x128xf32>
    %logistic3A_93 = math.exp %logistic3A_92 : vector<2048x128xf32>
    %logistic3A_94 = arith.constant 1.000000e+00 : f32
    %logistic3A_95 = vector.broadcast %logistic3A_94 : f32 to vector<2048x128xf32>
    %logistic3A_96 = arith.addf %logistic3A_95, %logistic3A_93 : vector<2048x128xf32>
    %logistic3A_97 = arith.divf %logistic3A_95, %logistic3A_96 : vector<2048x128xf32>
    %slice3A_98 = vector.extract_strided_slice %add3A_74 {offsets = [0, 128], sizes = [2048, 128], strides = [1, 1]} : vector<2048x384xf32> to vector<2048x128xf32>
    %slice3A_99 = vector.extract_strided_slice %add3A_88 {offsets = [0, 128], sizes = [2048, 128], strides = [1, 1]} : vector<2048x384xf32> to vector<2048x128xf32>
    %add3A_100 = arith.addf %slice3A_98, %slice3A_99 : vector<2048x128xf32>
    %logistic3A_101 = arith.negf %add3A_100 : vector<2048x128xf32>
    %logistic3A_102 = math.exp %logistic3A_101 : vector<2048x128xf32>
    %logistic3A_103 = arith.constant 1.000000e+00 : f32
    %logistic3A_104 = vector.broadcast %logistic3A_103 : f32 to vector<2048x128xf32>
    %logistic3A_105 = arith.addf %logistic3A_104, %logistic3A_102 : vector<2048x128xf32>
    %logistic3A_106 = arith.divf %logistic3A_104, %logistic3A_105 : vector<2048x128xf32>
    %slice3A_107 = vector.extract_strided_slice %add3A_74 {offsets = [0, 256], sizes = [2048, 128], strides = [1, 1]} : vector<2048x384xf32> to vector<2048x128xf32>
    %slice3A_108 = vector.extract_strided_slice %add3A_88 {offsets = [0, 256], sizes = [2048, 128], strides = [1, 1]} : vector<2048x384xf32> to vector<2048x128xf32>
    %mul3A_109 = arith.mulf %logistic3A_97, %slice3A_108 : vector<2048x128xf32>
    %add3A_110 = arith.addf %slice3A_107, %mul3A_109 : vector<2048x128xf32>
    %tanh3A_111 = math.tanh %add3A_110 : vector<2048x128xf32>
    %sub3A_112 = arith.constant 1.000000e+00 : f32
    %sub3A_113 = vector.broadcast %sub3A_112 : f32 to vector<2048x128xf32>
    %sub3A_114 = arith.subf %sub3A_113, %logistic3A_106 : vector<2048x128xf32>
    %mul3A_115 = arith.mulf %sub3A_114, %tanh3A_111 : vector<2048x128xf32>
    %mul3A_116 = arith.mulf %logistic3A_106, %get3A_60 : vector<2048x128xf32>
    %add3A_117 = arith.addf %mul3A_115, %mul3A_116 : vector<2048x128xf32>
    %swap3A = arith.constant 0 : index
    %swap3A_118 = arith.constant 0 : index
    %swap3A_119 = arith.constant 0 : index
    %swap3A_120 = vector.load %arg9[%swap3A, %swap3A_118, %swap3A_119] : memref<2048x2x128xf32, #tpu.memory_space<vmem>>, vector<2048x1x128xf32>
    %swap3A_121 = vector.shape_cast %swap3A_120 : vector<2048x1x128xf32> to vector<2048x128xf32>
    %swap3A_122 = vector.shape_cast %add3A_55 : vector<2048x128xf32> to vector<2048x1x128xf32>
    tpu.vector_store %arg9[%swap3A, %swap3A_118, %swap3A_119], %swap3A_122 {strides = array<i32>} : memref<2048x2x128xf32, #tpu.memory_space<vmem>>, vector<2048x1x128xf32>,
    %swap3A_123 = arith.constant 0 : index
    %swap3A_124 = arith.constant 1 : index
    %swap3A_125 = arith.constant 0 : index
    %swap3A_126 = vector.load %arg9[%swap3A_123, %swap3A_124, %swap3A_125] : memref<2048x2x128xf32, #tpu.memory_space<vmem>>, vector<2048x1x128xf32>
    %swap3A_127 = vector.shape_cast %swap3A_126 : vector<2048x1x128xf32> to vector<2048x128xf32>
    %swap3A_128 = vector.shape_cast %add3A_117 : vector<2048x128xf32> to vector<2048x1x128xf32>
    tpu.vector_store %arg9[%swap3A_123, %swap3A_124, %swap3A_125], %swap3A_128 {strides = array<i32>} : memref<2048x2x128xf32, #tpu.memory_space<vmem>>, vector<2048x1x128xf32>,
    %get3A_129 = arith.constant 0 : index
    %get3A_130 = arith.constant 0 : index
    %get3A_131 = vector.load %arg3[%get3A_129, %get3A_130] : memref<2048x128xf32, #tpu.memory_space<vmem>>, vector<2048x128xf32>
    %get3A_132 = arith.constant 0 : index
    %get3A_133 = arith.constant 0 : index
    %get3A_134 = vector.load %arg4[%get3A_132, %get3A_133] : memref<2048x128xf32, #tpu.memory_space<vmem>>, vector<2048x128xf32>
    %sub3A_135 = arith.subf %get3A_131, %get3A_134 : vector<2048x128xf32>
    %mul3A_136 = arith.mulf %add3A_117, %sub3A_135 : vector<2048x128xf32>
    %reduce_sum3A = arith.constant dense<0.000000e+00> : vector<2048xf32>
    %reduce_sum3A_137 = vector.multi_reduction <add>, %mul3A_136, %reduce_sum3A [1] : vector<2048x128xf32> to vector<2048xf32>
    %broadcast_in_dim3A_138 = vector.shape_cast %reduce_sum3A_137 : vector<2048xf32> to vector<2048x1xf32>
    %swap3A_139 = arith.constant 0 : index
    %swap3A_140 = arith.constant 0 : index
    %swap3A_141 = vector.load %arg10[%swap3A_139, %swap3A_140] : memref<2048x1xf32, #tpu.memory_space<vmem>>, vector<2048x1xf32>
    tpu.vector_store %arg10[%swap3A_139, %swap3A_140], %broadcast_in_dim3A_138 {strides = array<i32>} : memref<2048x1xf32, #tpu.memory_space<vmem>>, vector<2048x1xf32>,
    return
  }
  func.func @transform_0(%arg0: i32) -> (i32, i32, i32) {
    %c0_i32 = arith.constant 0 : i32
    %c0_i32_0 = arith.constant 0 : i32
    %c0_i32_1 = arith.constant 0 : i32
    return %arg0, %c0_i32, %c0_i32_0 : i32, i32, i32
  }
  func.func @transform_1(%arg0: i32) -> (i32, i32) {
    %c0_i32 = arith.constant 0 : i32
    %c0_i32_0 = arith.constant 0 : i32
    return %arg0, %c0_i32 : i32, i32
  }
  func.func @transform_2(%arg0: i32) -> (i32, i32) {
    %add3A = arith.constant 8 : i32
    %add3A_0 = arith.addi %arg0, %add3A : i32
    %c0_i32 = arith.constant 0 : i32
    %c0_i32_1 = arith.constant 0 : i32
    return %add3A_0, %c0_i32 : i32, i32
  }
  func.func @transform_3(%arg0: i32) -> (i32, i32) {
    %add3A = arith.constant 16 : i32
    %add3A_0 = arith.addi %arg0, %add3A : i32
    %c0_i32 = arith.constant 0 : i32
    %c0_i32_1 = arith.constant 0 : i32
    return %add3A_0, %c0_i32 : i32, i32
  }
  func.func @transform_4(%arg0: i32) -> (i32, i32, i32) {
    %c0_i32 = arith.constant 0 : i32
    %c0_i32_0 = arith.constant 0 : i32
    %c0_i32_1 = arith.constant 0 : i32
    %c0_i32_2 = arith.constant 0 : i32
    return %c0_i32, %c0_i32_0, %c0_i32_1 : i32, i32, i32
  }
  func.func @transform_5(%arg0: i32) -> (i32, i32, i32) {
    %c0_i32 = arith.constant 0 : i32
    %c0_i32_0 = arith.constant 0 : i32
    %c0_i32_1 = arith.constant 0 : i32
    %c0_i32_2 = arith.constant 0 : i32
    return %c0_i32, %c0_i32_0, %c0_i32_1 : i32, i32, i32
  }
  func.func @transform_6(%arg0: i32) -> (i32, i32) {
    %c0_i32 = arith.constant 0 : i32
    %c0_i32_0 = arith.constant 0 : i32
    %c0_i32_1 = arith.constant 0 : i32
    return %c0_i32, %c0_i32_0 : i32, i32
  }
  func.func @transform_7(%arg0: i32) -> (i32, i32) {
    %c0_i32 = arith.constant 0 : i32
    %c0_i32_0 = arith.constant 0 : i32
    %c0_i32_1 = arith.constant 0 : i32
    return %c0_i32, %c0_i32_0 : i32, i32
  }
  func.func @transform_8(%arg0: i32) -> (i32, i32, i32) {
    %c0_i32 = arith.constant 0 : i32
    %c0_i32_0 = arith.constant 0 : i32
    %c0_i32_1 = arith.constant 0 : i32
    return %arg0, %c0_i32, %c0_i32_0 : i32, i32, i32
  }
  func.func @transform_9(%arg0: i32) -> (i32, i32) {
    %c0_i32 = arith.constant 0 : i32
    %c0_i32_0 = arith.constant 0 : i32
    return %arg0, %c0_i32 : i32, i32
  }
}

module attributes {stable_mosaic.version = 14 : i64} {
  func.func @body(%arg0: i32, %arg1: memref<5000x2x128xf32, #tpu.memory_space<vmem>>, %arg2: memref<5000x2x128xf32, #tpu.memory_space<vmem>>) attributes {dimension_semantics = [#tpu.dimension_semantics<arbitrary>], iteration_bounds = array<i64: 20>, scalar_prefetch = 0 : i64, scratch_operands = 0 : i64, tpu.core_type = #tpu.core_type<tc>, window_params = [{transform_indices = @transform_0, window_bounds = array<i64: 5000, 2, 128>}, {transform_indices = @transform_1, window_bounds = array<i64: 5000, 2, 128>}]} {
    %get3A = arith.constant 0 : index
    %get3A_0 = arith.constant 0 : index
    %get3A_1 = arith.constant 0 : index
    %get3A_2 = vector.load %arg1[%get3A, %get3A_0, %get3A_1] : memref<5000x2x128xf32, #tpu.memory_space<vmem>>, vector<5000x2x128xf32>
    %swap3A = arith.constant 0 : index
    %swap3A_3 = arith.constant 0 : index
    %swap3A_4 = arith.constant 0 : index
    %swap3A_5 = vector.load %arg2[%swap3A, %swap3A_3, %swap3A_4] : memref<5000x2x128xf32, #tpu.memory_space<vmem>>, vector<5000x2x128xf32>
    tpu.vector_store %arg2[%swap3A, %swap3A_3, %swap3A_4], %get3A_2 {strides = array<i32>} : memref<5000x2x128xf32, #tpu.memory_space<vmem>>, vector<5000x2x128xf32>,
    return
  }
  func.func @transform_0(%arg0: i32) -> (i32, i32, i32) {
    %c0_i32 = arith.constant 0 : i32
    %c0_i32_0 = arith.constant 0 : i32
    %c0_i32_1 = arith.constant 0 : i32
    return %arg0, %c0_i32, %c0_i32_0 : i32, i32, i32
  }
  func.func @transform_1(%arg0: i32) -> (i32, i32, i32) {
    %c0_i32 = arith.constant 0 : i32
    %c0_i32_0 = arith.constant 0 : i32
    %c0_i32_1 = arith.constant 0 : i32
    return %arg0, %c0_i32, %c0_i32_0 : i32, i32, i32
  }
}

</mosaic_0001>

<sc_bundles>
// kernel: kernel.6.cloned.1.call-start
scs
__scs_entry_jumppad:
0x0: {  	(pc) =	sbr.rel $0x88, $3  }
0x1: {  	(tag) =	ssettag $0x0;
	lr =	simm.s32 $0x1  }
0x2: {  	[smem:$0x3F97] =	sst lr;
	_ =	strace $0xD0000000  }
0x3: {  	_ = 	snop  }
0x4: {  	_ = 	snop  }
0x5: {  	_ = 	snop  }
0x6: {  	_ = 	snop  }
0x7: {  	_ = 	snop  }
__scs_overlays_trampoline_lowered:
0x8: {  	[smem:$0x3FA6] =	sst s0  }
0x9: {  	[smem:$0x3FA7] =	sst s1  }
0xa: {  	[smem:$0x3FA8] =	sst s2  }
0xb: {  	[smem:$0x3FA9] =	sst s3  }
0xc: {  	[smem:$0x3FAA] =	sst s4  }
0xd: {  	[smem:$0x3FAB] =	sst s5  }
0xe: {  	[smem:$0x3FAC] =	sst s6  }
0xf: {  	[smem:$0x3FAD] =	sst s7  }
0x10: {  	[smem:$0x3FAE] =	sst s8  }
0x11: {  	[smem:$0x3FAF] =	sst s9;
	s0 =	simm.s32 @!p0 $0x0  }
0x12: {  	s1 =	sld [smem:$0x3F95];
	s0 =	simm.s32 @p0 $0x1  }
0x13: {  	[smem:$0x3FB0] =	sst s0;
	s0 =	simm.s32 @!p1 $0x0  }
0x14: {  	s2 =	sld [smem:$0x3F94];
	s0 =	simm.s32 @p1 $0x1  }
0x15: {  	[smem:$0x3FB1] =	sst s0;
	s0 =	simm.s32 @!p2 $0x0  }
0x16: {  	s3 =	sld [smem:$0x3FDB];
	s0 =	simm.s32 @p2 $0x1  }
0x17: {  	s4 =	simm.s32 $0x1BF5;
	[smem:$0x3FB3] =	sst s0  }
0x18: {  	s0 =	sld [smem:$0x3F96];
	_ =	swait.ge [sflag:s4], $0x0  }
0x19: {  	s7 =	sld [smem:$0x3F97]  }
0x1a: {  	s8 =	sadd.s32 $0xFFFFE003, lr  }
0x1b: {  	s9 =	sadd.s32 $0xFFFFFEF7, lr;
	s5 =	simm.s32 $0xFFFFFFFF;
	p2 =	slt.u32 s8, $0xFFFFF086  }
0x1c: {  	p1 =	slt.u32 s9, $0xF7A;
	s5 =	simm.s32 @!p2 $0x0  }
0x1d: {  	s5 =	simm.s32 @p1 $0x1;
	p0 =	seq.s32 s7, s2  }
0x1e: {  	s7 =	smul.u32 @!p0 $0xF7A, s2;
	p2 =	seq.s32 @!p0 s5, $0x0  }
0x1f: {  	s9 =	smul.u32 $0xF7A, s1;
	s8 =	simm.s32 @!p0 $0x1BF5;
	p2 =	por !p2, p0  }
0x20: {  	[sflag:s8] =	ssyncset.s32 @!p0 $0xFFFFF086;
	s6 =	sadd.s32 @!p0 s3, s7;
	s7 =	simm.s32 @!p0 $0x108  }
0x21: {  	s3 =	sadd.s32 s3, s9;
	s6 =	sadd.s32 @!p0 $0x88, s6;
	s7 =	simm.s32 @p2 $0x1082  }
0x22: {  	[simem:s7], [sflag:s8] =	dma.local @!p0 [hbm:s6], $0xF7A  }
0x23: {  	s9 =	sor.u32 $0xD0000000, s2;
	s6 =	simm.s32 $0x108;
	_ =	swait.ge @!p0 [sflag:s8], $0x0  }
0x24: {  	s3 =	sadd.s32 $0x88, s3;
	s6 =	simm.s32 @!p1 $0x1082;
	[sflag:s4] =	ssyncset.s32 $0xFFFFF086  }
0x25: {  	[simem:s6], [sflag:s4] =	dma.local [hbm:s3], $0xF7A  }
0x26: {  	[smem:$0x3F97] =	sst s1;
	(tag) =	ssettag s2;
	_ =	strace s9  }
0x27: {  	s1 =	sld [smem:$0x3FA7]  }
0x28: {  	s2 =	sld [smem:$0x3FA8]  }
0x29: {  	s4 =	sld [smem:$0x3FAA]  }
0x2a: {  	p0 =	seq.s32 s5, $0x0;
	s5 =	sld [smem:$0x3FAB]  }
0x2b: {  	s6 =	sld [smem:$0x3FAC]  }
0x2c: {  	s7 =	sld [smem:$0x3FAD]  }
0x2d: {  	s3 =	simm.s32 $0x108;
	s8 =	sld [smem:$0x3FAE]  }
0x2e: {  	s3 =	simm.s32 @!p0 $0x1082;
	s9 =	sld [smem:$0x3FAF]  }
0x2f: {  	lr =	sadd.s32 s0, s3;
	s0 =	sld [smem:$0x3FA6]  }
0x30: {  	s3 =	sld [smem:$0x3FA9]  }
0x31: {  	[smem:$0x3FB2] =	sst s10  }
0x32: {  	s10 =	sld [smem:$0x3FB0];
	_ =	sdelay $0x3  }
0x33: {  	p0 =	seq.s32 s10, $0x1;
	s10 =	sld [smem:$0x3FB2];
	_ =	sdelay $0x3  }
0x34: {  	[smem:$0x3FB2] =	sst s10  }
0x35: {  	s10 =	sld [smem:$0x3FB1];
	_ =	sdelay $0x3  }
0x36: {  	p1 =	seq.s32 s10, $0x1;
	s10 =	sld [smem:$0x3FB2];
	_ =	sdelay $0x3  }
0x37: {  	[smem:$0x3FB2] =	sst s10  }
0x38: {  	s10 =	sld [smem:$0x3FB3]  }
0x39: {  	_ = 	snop;
	(pc) =	sbr.ind lr, $3  }
0x3a: {  	_ = 	snop  }
0x3b: {  	_ = 	snop  }
0x3c: {  	p2 =	seq.s32 s10, $0x1;
	s10 =	sld [smem:$0x3FB2]  }
0x3d: {  	_ =	shalt  }
0x3e: {  	_ =	shalt  }
0x3f: {  	_ =	shalt  }
0x40: {  	_ =	shalt  }
0x41: {  	_ =	shalt  }
0x42: {  	_ =	shalt  }
0x43: {  	_ =	shalt  }
0x44: {  	_ =	shalt  }
0x45: {  	_ =	shalt  }
0x46: {  	_ =	shalt  }
0x47: {  	_ =	shalt  }
0x48: {  	_ =	shalt  }
0x49: {  	_ =	shalt  }
0x4a: {  	_ =	shalt  }
0x4b: {  	_ =	shalt  }
0x4c: {  	_ =	shalt  }
0x4d: {  	_ =	shalt  }
0x4e: {  	_ =	shalt  }
0x4f: {  	_ =	shalt  }
0x50: {  	_ =	shalt  }
0x51: {  	_ =	shalt  }
0x52: {  	_ =	shalt  }
0x53: {  	_ =	shalt  }
0x54: {  	_ =	shalt  }
0x55: {  	_ =	shalt  }
0x56: {  	_ =	shalt  }
0x57: {  	_ =	shalt  }
0x58: {  	_ =	shalt  }
0x59: {  	_ =	shalt  }
0x5a: {  	_ =	shalt  }
0x5b: {  	_ =	shalt  }
0x5c: {  	_ =	shalt  }
0x5d: {  	_ =	shalt  }
0x5e: {  	_ =	shalt  }
0x5f: {  	_ =	shalt  }
0x60: {  	_ =	shalt  }
0x61: {  	_ =	shalt  }
0x62: {  	_ =	shalt  }
0x63: {  	_ =	shalt  }
0x64: {  	_ =	shalt  }
0x65: {  	_ =	shalt  }
0x66: {  	_ =	shalt  }
0x67: {  	_ =	shalt  }
0x68: {  	_ =	shalt  }
0x69: {  	_ =	shalt  }
0x6a: {  	_ =	shalt  }
0x6b: {  	_ =	shalt  }
0x6c: {  	_ =	shalt  }
0x6d: {  	_ =	shalt  }
0x6e: {  	_ =	shalt  }
0x6f: {  	_ =	shalt  }
0x70: {  	_ =	shalt  }
0x71: {  	_ =	shalt  }
0x72: {  	_ =	shalt  }
0x73: {  	_ =	shalt  }
0x74: {  	_ =	shalt  }
0x75: {  	_ =	shalt  }
0x76: {  	_ =	shalt  }
0x77: {  	_ =	shalt  }
0x78: {  	_ =	shalt  }
0x79: {  	_ =	shalt  }
0x7a: {  	_ =	shalt  }
0x7b: {  	_ =	shalt  }
0x7c: {  	_ =	shalt  }
0x7d: {  	_ =	shalt  }
0x7e: {  	_ =	shalt  }
0x7f: {  	_ =	shalt  }
0x80: {  	_ =	shalt  }
0x81: {  	_ =	shalt  }
0x82: {  	_ =	shalt  }
0x83: {  	_ =	shalt  }
0x84: {  	_ =	shalt  }
0x85: {  	_ =	shalt  }
0x86: {  	_ =	shalt  }
0x87: {  	_ =	shalt  }
.Lfunc_end0:
.L_simem_size_0:
called_computation_lowered:
.L_overlay_start_0:
0x88: {  	s2 =	sld [smem:$0x3FD9]  }
0x89: {  	s3 =	sld [smem:$0x3FFE];
	_ =	sdelay $0x1  }
0x8a: {  	s1 =	srdreg.scid  }
0x8b: {  	s0 =	sand.u32 $0x1, s1  }
0x8c: {  	s17 =	sshll.u32 s0, $0xA;
	s2 =	sadd.s32 s3, s2  }
0x8d: {  	s2 =	sadd.s32 s2, s17  }
0x8e: {  	[smem:$0x3FBE] =	sst s2  }
0x8f: {  	_ = 	snop  }
0x90: {  	s2 =	sld [smem:$0x3FC9]  }
0x91: {  	s18 =	sld [smem:$0x3FC8]  }
0x92: {  	s4 =	sld [smem:$0x3FC7]  }
0x93: {  	s5 =	sld [smem:$0x3FC6]  }
0x94: {  	s6 =	sld [smem:$0x3FC5]  }
0x95: {  	s7 =	sld [smem:$0x3FC4];
	(tm) =	ssettm $0x1  }
0x96: {  	s8 =	sld [smem:$0x3FFB];
	_ =	sdelay $0x3  }
0x97: {  	_ =	strace s8  }
0x98: {  	s8 =	sld [smem:$0x3FFC];
	_ =	sdelay $0x3  }
0x99: {  	_ =	strace s8  }
0x9a: {  	s8 =	sld [smem:$0x3FFD];
	_ =	sdelay $0x3  }
0x9b: {  	_ =	strace s8  }
0x9c: {  	_ =	strace $0x8FFFFFFF  }
0x9d: {  	s19 =	sld [smem:$0x3FDB];
	_ =	sdelay $0x1  }
0x9e: {  	s9 =	simm.s32 $_scs_section_size  }
0x9f: {  	s10 =	simm.s32 $_size__tile_overlayer_lowered;
	s11 =	simm.s32 $_tile_overlayer_lowered  }
0xa0: {  	s22 =	simm.s32 $0x1BFF;
	s21 =	sshll.u32 s11, $0x1;
	s8 =	sadd.s32 s9, s19  }
0xa1: {  	s12 =	simm.s32 $0x0;
	s20 =	sshll.u32 s10, $0x1;
	s10 =	sadd.s32 s21, s8  }
0xa2: {  	[timem:s12], [sflag:s22] =	dma.local [hbm:s10], s20  }
0xa3: {  	_ =	swait.ge [sflag:s22], s20  }
0xa4: {  	s9 =	ssub.s32 $0x0, s20;
	[sflag:s22] =	ssyncset.done $0x0  }
0xa5: {  	[sflag:s22] =	ssyncadd.s32 s9;
	_ =	sdelay $0x1  }
0xa6: {  	s23 =	simm.s32 $0x1B8B  }
0xa7: {  	_ =	swait.ge [sflag:s23], $0x1  }
0xa8: {  	[sflag:s23] =	ssyncset.done $0x0  }
0xa9: {  	s25 =	simm.s32 $0x1B8E;
	s24 =	sld [smem:$0x3FFE];
	[sflag:s23] =	ssyncadd.s32 $0xFFFFFFFF  }
0xaa: {  	s26 =	simm.s32 $execute0_lowered;
	[smem:$0x3FD2] =	sst s25  }
0xab: {  	s10 =	sshll.u32 s26, $0x1;
	_ =	strace $0x80000046;
	[dreg:$0x1] =	wrdreg $0xFFFFFFFF  }
0xac: {  	s28 =	simm.s32 $_size_execute0_lowered;
	s8 =	sadd.s32 s8, s10;
	[dreg:$0x0] =	wrdreg $0x0  }
0xad: {  	s10 =	sshll.u32 s28, $0x1;
	[dreg:$0x2] =	wrdreg s8  }
0xae: {  	[dreg:$0x3] =	wrdreg s10  }
0xaf: {  	[dreg:$0x4] =	wrdreg $0xC0  }
0xb0: {  	_ =	task [dreg:s12], $0x5FFFF  }
0xb1: {  	[dreg:$0x1] =	wrdreg $0xFFFFFFFF  }
0xb2: {  	[dreg:$0x0] =	wrdreg $0x60  }
0xb3: {  	[dreg:$0x2] =	wrdreg s6  }
0xb4: {  	[dreg:$0x3] =	wrdreg s7  }
0xb5: {  	[dreg:$0x4] =	wrdreg s2  }
0xb6: {  	[dreg:$0x5] =	wrdreg s18  }
0xb7: {  	[dreg:$0x6] =	wrdreg s4  }
0xb8: {  	[dreg:$0x7] =	wrdreg s5  }
0xb9: {  	[dreg:$0x8] =	wrdreg s24  }
0xba: {  	[dreg:$0x9] =	wrdreg $0x9  }
0xbb: {  	_ =	task.clear_ibuf [dreg:s12], $0xAFFFF;
	_ =	strace $0x90000046  }
0xbc: {  	s29 =	simm.s32 $0x9;
	_ =	strace $0x80000048  }
0xbd: {  	_ =	swait.ge [sflag:s29], $0x1  }
0xbe: {  	[sflag:s29] =	ssyncadd.s32 $0xFFFFFFFF  }
0xbf: {  	_ =	strace $0x90000048  }
0xc0: {  	_ =	sfence  }
0xc1: {  	s30 =	sld [smem:$0x0];
	_ =	sdelay $0x2  }
0xc2: {  	s31 =	sshll.u32 s1, $0xD;
	s1 =	sshrl.u32 s1, $0x2  }
0xc3: {  	s3 =	sand.u32 $0x4000, s31;
	s1 =	sadd.s32 s1, s30  }
0xc4: {  	s0 =	sor.u32 s3, s0;
	s1 =	sshll.u32 s1, $0x11  }
0xc5: {  	s0 =	sor.u32 s1, s0  }
0xc6: {  	s0 =	sadd.s32 $0x8F2B, s0  }
0xc7: {  	[sflag:s0] =	ssyncadd.remote.s32 $0x1  }
0xc8: {  	_ =	sfence.sel $0xFFFF  }
0xc9: {  	[dreg:$0x0] =	wrdreg $0xFFFFFFFF;
	(pc) =	sbr.abs _section_cstart, $3  }
0xca: {  	[dreg:$0x1] =	wrdreg $0xFFFFFFFF  }
0xcb: {  	_ =	task.clear_ibuf [dreg:s12], $0x2FFFF;
	_ =	strace $0x9FFFFFFF  }
0xcc: {  	(tm) =	ssettm $0x7FFFFFFF  }
0xcd: {  	_ =	shalt  }
tec
execute0_lowered:
.L_overlay_start_1:
0x0: {  	(tag) =	ssettag $0x1  }
0x1: {  	s1 =	rddreg [dreg:$0x0]  }
0x2: {  	s2 =	rddreg [dreg:$0x1]  }
0x3: {  	s0 =	srdreg.scid;
	s18 =	rddreg [dreg:$0x2]  }
0x4: {  	s3 =	stileid.u32;
	s6 =	rddreg [dreg:$0x6]  }
0x5: {  	s4 =	simm.s32 $0x0;
	s0 =	sand.u32 $0x1, s0;
	s3 =	sshll.u32 s3, $0x1  }
0x6: {  	[smem:$0x7FF] =	sst s4;
	s7 =	sadd.s32 $0x1800, s6;
	s3 =	sor.u32 s0, s3  }
0x7: {  	s8 =	sadd.s32 $0x81800, s6;
	s0 =	ssub.s32 $0x2, s0;
	s5 =	smul.u32 $0xC80, s3  }
0x8: {  	s26 =	sshll.u32 s3, $0x9;
	s10 =	sshrl.u32 s0, $0x1;
	s11 =	sshll.u32 s3, $0xE  }
0x9: {  	s12 =	sor.u32 $0x40, s26;
	s0 =	ssub.s32 s0, s10;
	s16 =	sadd.s32 s7, s11  }
0xa: {  	s19 =	sor.u32 $0x80, s26;
	s20 =	sor.u32 $0xC0, s26;
	s15 =	sor.u32 $0x100, s26  }
0xb: {  	s23 =	sor.u32 $0x140, s26;
	s9 =	sshrl.u32 s5, $0x3;
	s17 =	sshll.u32 s12, $0x5  }
0xc: {  	[dreg:$0x8] =	wrdreg s16;
	s13 =	sshll.u32 s19, $0x5;
	s10 =	sadd.s32 s7, s17  }
0xd: {  	s14 =	sshll.u32 s20, $0x5;
	s13 =	sadd.s32 s7, s13;
	[dreg:$0x9] =	wrdreg s10  }
0xe: {  	s22 =	sshll.u32 s15, $0x5;
	s21 =	sadd.s32 s7, s14;
	[dreg:$0xa] =	wrdreg s13  }
0xf: {  	s16 =	sor.u32 $0x180, s26;
	s24 =	sshll.u32 s23, $0x5;
	[dreg:$0xb] =	wrdreg s21  }
0x10: {  	s17 =	sshll.u32 s16, $0x5;
	s13 =	sadd.s32 s7, s22;
	s22 =	rddreg [dreg:$0x3]  }
0x11: {  	s20 =	sshll.u32 s20, $0x4;
	s25 =	sadd.s32 s7, s17;
	[dreg:$0xc] =	wrdreg s13  }
0x12: {  	s6 =	sadd.s32 s9, s6;
	s9 =	sor.u32 $0x1C0, s26;
	[dreg:$0xe] =	wrdreg s25  }
0x13: {  	s26 =	sshll.u32 s9, $0x5;
	s13 =	sadd.s32 s7, s24;
	s24 =	rddreg [dreg:$0x4]  }
0x14: {  	s10 =	sshll.u32 s19, $0x4;
	s7 =	sadd.s32 s7, s26;
	s26 =	rddreg [dreg:$0x5]  }
0x15: {  	s17 =	sshll.u32 s12, $0x4;
	s19 =	sadd.s32 s8, s10;
	[dreg:$0xd] =	wrdreg s13  }
0x16: {  	[dreg:$0xf] =	wrdreg s7;
	s7 =	sshll.u32 s3, $0x6;
	s3 =	sshll.u32 s3, $0xD  }
0x17: {  	[dreg:$0x11] =	wrdreg s19;
	s13 =	sadd.s32 s8, s3;
	s3 =	sadd.s32 s8, s17  }
0x18: {  	s21 =	sshll.u32 s15, $0x4;
	[dreg:$0x10] =	wrdreg s3;
	s3 =	sadd.s32 s8, s20  }
0x19: {  	s23 =	sshll.u32 s23, $0x4;
	[dreg:$0x12] =	wrdreg s3;
	s3 =	sadd.s32 s8, s21  }
0x1a: {  	s25 =	sshll.u32 s16, $0x4;
	[dreg:$0x13] =	wrdreg s3;
	s3 =	sadd.s32 s8, s23  }
0x1b: {  	s14 =	sshll.u32 s9, $0x4;
	[dreg:$0x14] =	wrdreg s3;
	s3 =	sadd.s32 s8, s25  }
0x1c: {  	[dreg:$0x15] =	wrdreg s3;
	s3 =	sadd.s32 s8, s14  }
0x1d: {  	s15 =	sadd.s32 s22, s7;
	[dreg:$0x16] =	wrdreg s3  }
0x1e: {  	s16 =	sadd.s32 s24, s7;
	_ =	strace $0x80000047;
	[dreg:$0x17] =	wrdreg s15  }
0x1f: {  	s17 =	sadd.s32 s26, s7;
	[dreg:$0x18] =	wrdreg s16  }
0x20: {  	s18 =	sadd.s32 s18, s7;
	[dreg:$0x19] =	wrdreg s17  }
0x21: {  	s19 =	sadd.s32 $0x141800, s6;
	[dreg:$0x1a] =	wrdreg s18  }
0x22: {  	s0 =	smax.u32 s0, $0x1;
	[dreg:$0x1b] =	wrdreg s19  }
0x23: {  	s20 =	sadd.s32 $0x40000, s13;
	[dreg:$0x1c] =	wrdreg s0  }
0x24: {  	s21 =	sadd.s32 $0x40400, s13;
	[dreg:$0x1d] =	wrdreg s20  }
0x25: {  	s22 =	sadd.s32 $0x40800, s13;
	[dreg:$0x1e] =	wrdreg s21  }
0x26: {  	s23 =	sadd.s32 $0x40C00, s13;
	[dreg:$0x1f] =	wrdreg s22  }
0x27: {  	s24 =	sadd.s32 $0x41000, s13;
	[smem:$0x7F5] =	sst s23  }
0x28: {  	s28 =	simm.s32 $0x4;
	s25 =	sadd.s32 $0x41400, s13;
	[smem:$0x7F6] =	sst s24  }
0x29: {  	s29 =	simm.s32 $0x3;
	s26 =	sadd.s32 $0x41800, s13;
	[smem:$0x7F7] =	sst s25  }
0x2a: {  	s30 =	simm.s32 $0x5;
	s3 =	sadd.s32 $0x41C00, s13;
	[smem:$0x7F8] =	sst s26  }
0x2b: {  	s31 =	simm.s32 $0x6;
	s6 =	sadd.s32 $0x80000, s13;
	[smem:$0x7F9] =	sst s3  }
0x2c: {  	s10 =	sadd.s32 $0xC80, s5;
	s7 =	sadd.s32 $0x80400, s13;
	[smem:$0x7FA] =	sst s6  }
0x2d: {  	v0 =	vmov s5;
	s5 =	simm.s32 $0x4800;
	s8 =	sadd.s32 $0x80800, s13;
	[smem:$0x7FB] =	sst s7  }
0x2e: {  	s9 =	sadd.s32 $0x80C00, s13;
	s11 =	sadd.s32 $0x81000, s13;
	[smem:$0x7FC] =	sst s8  }
0x2f: {  	s12 =	sadd.s32 $0x81400, s13;
	s14 =	sadd.s32 $0x81800, s13;
	[smem:$0x7FD] =	sst s9  }
0x30: {  	s15 =	sadd.s32 $0x81C00, s13;
	s16 =	simm.s32 $0x7;
	s17 =	simm.s32 $0x200  }
0x31: {  	s19 =	simm.s32 $0x400;
	s20 =	simm.s32 $0x600;
	s21 =	simm.s32 $0x40  }
0x32: {  	s22 =	simm.s32 $0x5480;
	s23 =	simm.s32 $0x9480;
	s24 =	simm.s32 $0x1  }
0x33: {  	s25 =	simm.s32 $0xD480;
	s26 =	simm.s32 $0x2;
	s18 =	simm.s32 $0x11480  }
0x34: {  	v2 =	vlaneseq.u32;
	v1 =	vmov s10;
	s0 =	simm.s32 $0x13480;
	s3 =	simm.s32 $0x15480;
	s6 =	simm.s32 $0x0  }
.LBB2_1:
0x35: {  	s7 =	rddreg [dreg:$0x1a]  }
0x36: {  	[tilespmem:s4], [sflag:$0x7] =	stream.linear.gather [hbm4b:s7+s4], $0x200, $0x38;
	[tilespmem:$0x17480] =	vst v63  }
0x37: {  	_ =	swait.ge [sflag:s16], $0x200  }
0x38: {  	[sflag:s16] =	ssyncset.done $0x0  }
0x39: {  	s10 =	rddreg [dreg:$0x17];
	[sflag:s16] =	ssyncadd.s32 $0xFFFFFE00  }
0x3a: {  	[tilespmem:s17], [sflag:$0x7] =	stream.linear.gather [hbm4b:s10+s4], $0x200, $0x38;
	[tilespmem:$0x17480] =	vst v63  }
0x3b: {  	_ =	swait.ge [sflag:s16], $0x200  }
0x3c: {  	[sflag:s16] =	ssyncset.done $0x0  }
0x3d: {  	s8 =	rddreg [dreg:$0x18];
	[sflag:s16] =	ssyncadd.s32 $0xFFFFFE00  }
0x3e: {  	[tilespmem:s19], [sflag:$0x7] =	stream.linear.gather [hbm4b:s8+s4], $0x200, $0x38;
	[tilespmem:$0x17480] =	vst v63  }
0x3f: {  	_ =	swait.ge [sflag:s16], $0x200  }
0x40: {  	[sflag:s16] =	ssyncset.done $0x0  }
0x41: {  	s9 =	rddreg [dreg:$0x19];
	[sflag:s16] =	ssyncadd.s32 $0xFFFFFE00  }
0x42: {  	[tilespmem:s20], [sflag:$0x7] =	stream.linear.gather [hbm4b:s9+s4], $0x200, $0x38;
	[tilespmem:$0x17480] =	vst v63  }
0x43: {  	_ =	swait.ge [sflag:s16], $0x200  }
0x44: {  	[sflag:s16] =	ssyncset.done $0x0  }
0x45: {  	[sflag:s16] =	ssyncadd.s32 $0xFFFFFE00  }
0x46: {  	s8 =	simm.s32 $0x800;
	s10 =	rddreg [dreg:$0x2]  }
0x47: {  	[tilespmem:s8], [sflag:$0x7] =	stream.linear.gather [hbm4b:s10+s4], $0x4000, $0x38;
	[tilespmem:$0x17480] =	vst v63  }
0x48: {  	_ =	swait.ge [sflag:s16], $0x4000  }
0x49: {  	[sflag:s16] =	ssyncset.done $0x0  }
0x4a: {  	[sflag:s16] =	ssyncadd.s32 $0xFFFFC000  }
0x4b: {  	[tilespmem:s22], [sflag:$0x1] =	stream.indirect.gather [hbm4b:s1+s21], $0x100, s4, s21, $0xb8;
	[tilespmem:$0x17480] =	vst v63  }
0x4c: {  	_ = 	snop  }
0x4d: {  	[tilespmem:s23], [sflag:$0x2] =	stream.indirect.gather [hbm4b:s1+s21], $0x100, s21, s21, $0xb8;
	[tilespmem:$0x17480] =	vst v63  }
0x4e: {  	_ =	swait.ge [sflag:s24], $0x4000  }
0x4f: {  	[sflag:s24] =	ssyncset.done $0x0  }
0x50: {  	s8 =	rddreg [dreg:$0x8];
	[sflag:s24] =	ssyncadd.s32 $0xFFFFC000  }
0x51: {  	[hbm4b:s8+s4] =	stream.linear.scatter [tilespmem:s22], [sflag:$0x4], $0x4000, $0x38;
	[tilespmem:$0x17480] =	vst v63  }
0x52: {  	s9 =	simm.s32 $0x80  }
0x53: {  	[tilespmem:s25], [sflag:$0x3] =	stream.indirect.gather [hbm4b:s1+s21], $0x100, s9, s21, $0xb8;
	[tilespmem:$0x17480] =	vst v63  }
0x54: {  	_ =	swait.ge [sflag:s26], $0x4000  }
0x55: {  	[sflag:s26] =	ssyncset.done $0x0  }
0x56: {  	s10 =	rddreg [dreg:$0x9];
	[sflag:s26] =	ssyncadd.s32 $0xFFFFC000  }
0x57: {  	[hbm4b:s10+s4] =	stream.linear.scatter [tilespmem:s23], [sflag:$0x5], $0x4000, $0x38;
	[tilespmem:$0x17480] =	vst v63  }
0x58: {  	_ =	swait.ge [sflag:s28], $0x4000  }
0x59: {  	[sflag:s28] =	ssyncset.done $0x0  }
0x5a: {  	s8 =	simm.s32 $0xC0;
	[sflag:s28] =	ssyncadd.s32 $0xFFFFC000  }
0x5b: {  	[tilespmem:s22], [sflag:$0x1] =	stream.indirect.gather [hbm4b:s1+s21], $0x100, s8, s21, $0xb8;
	[tilespmem:$0x17480] =	vst v63  }
0x5c: {  	_ =	swait.ge [sflag:s29], $0x4000  }
0x5d: {  	[sflag:s29] =	ssyncset.done $0x0  }
0x5e: {  	s9 =	rddreg [dreg:$0xa];
	[sflag:s29] =	ssyncadd.s32 $0xFFFFC000  }
0x5f: {  	[hbm4b:s9+s4] =	stream.linear.scatter [tilespmem:s25], [sflag:$0x6], $0x4000, $0x38;
	[tilespmem:$0x17480] =	vst v63  }
0x60: {  	_ =	swait.ge [sflag:s30], $0x4000  }
0x61: {  	[sflag:s30] =	ssyncset.done $0x0  }
0x62: {  	s10 =	simm.s32 $0x100;
	[sflag:s30] =	ssyncadd.s32 $0xFFFFC000  }
0x63: {  	[tilespmem:s23], [sflag:$0x2] =	stream.indirect.gather [hbm4b:s1+s21], $0x100, s10, s21, $0xb8;
	[tilespmem:$0x17480] =	vst v63  }
0x64: {  	_ =	swait.ge [sflag:s24], $0x4000  }
0x65: {  	[sflag:s24] =	ssyncset.done $0x0  }
0x66: {  	s8 =	rddreg [dreg:$0xb];
	[sflag:s24] =	ssyncadd.s32 $0xFFFFC000  }
0x67: {  	[hbm4b:s8+s4] =	stream.linear.scatter [tilespmem:s22], [sflag:$0x4], $0x4000, $0x38;
	[tilespmem:$0x17480] =	vst v63  }
0x68: {  	_ =	swait.ge [sflag:s31], $0x4000  }
0x69: {  	[sflag:s31] =	ssyncset.done $0x0  }
0x6a: {  	s9 =	simm.s32 $0x140;
	[sflag:s31] =	ssyncadd.s32 $0xFFFFC000  }
0x6b: {  	[tilespmem:s25], [sflag:$0x3] =	stream.indirect.gather [hbm4b:s1+s21], $0x100, s9, s21, $0xb8;
	[tilespmem:$0x17480] =	vst v63  }
0x6c: {  	_ =	swait.ge [sflag:s26], $0x4000  }
0x6d: {  	[sflag:s26] =	ssyncset.done $0x0  }
0x6e: {  	s10 =	rddreg [dreg:$0xc];
	[sflag:s26] =	ssyncadd.s32 $0xFFFFC000  }
0x6f: {  	[hbm4b:s10+s4] =	stream.linear.scatter [tilespmem:s23], [sflag:$0x5], $0x4000, $0x38;
	[tilespmem:$0x17480] =	vst v63  }
0x70: {  	_ =	swait.ge [sflag:s28], $0x4000  }
0x71: {  	[sflag:s28] =	ssyncset.done $0x0  }
0x72: {  	s8 =	simm.s32 $0x180;
	[sflag:s28] =	ssyncadd.s32 $0xFFFFC000  }
0x73: {  	[tilespmem:s22], [sflag:$0x1] =	stream.indirect.gather [hbm4b:s1+s21], $0x100, s8, s21, $0xb8;
	[tilespmem:$0x17480] =	vst v63  }
0x74: {  	_ =	swait.ge [sflag:s29], $0x4000  }
0x75: {  	[sflag:s29] =	ssyncset.done $0x0  }
0x76: {  	s9 =	rddreg [dreg:$0xd];
	[sflag:s29] =	ssyncadd.s32 $0xFFFFC000  }
0x77: {  	[hbm4b:s9+s4] =	stream.linear.scatter [tilespmem:s25], [sflag:$0x6], $0x4000, $0x38;
	[tilespmem:$0x17480] =	vst v63  }
0x78: {  	_ =	swait.ge [sflag:s30], $0x4000  }
0x79: {  	[sflag:s30] =	ssyncset.done $0x0  }
0x7a: {  	s10 =	simm.s32 $0x1C0;
	[sflag:s30] =	ssyncadd.s32 $0xFFFFC000  }
0x7b: {  	[tilespmem:s23], [sflag:$0x2] =	stream.indirect.gather [hbm4b:s1+s21], $0x100, s10, s21, $0xb8;
	[tilespmem:$0x17480] =	vst v63  }
0x7c: {  	_ =	swait.ge [sflag:s24], $0x4000  }
0x7d: {  	[sflag:s24] =	ssyncset.done $0x0  }
0x7e: {  	s8 =	rddreg [dreg:$0xe];
	[sflag:s24] =	ssyncadd.s32 $0xFFFFC000  }
0x7f: {  	[hbm4b:s8+s4] =	stream.linear.scatter [tilespmem:s22], [sflag:$0x4], $0x4000, $0x38;
	[tilespmem:$0x17480] =	vst v63  }
0x80: {  	_ =	swait.ge [sflag:s26], $0x4000  }
0x81: {  	[sflag:s26] =	ssyncset.done $0x0  }
0x82: {  	s9 =	rddreg [dreg:$0xf];
	[sflag:s26] =	ssyncadd.s32 $0xFFFFC000  }
0x83: {  	[hbm4b:s9+s4] =	stream.linear.scatter [tilespmem:s23], [sflag:$0x5], $0x4000, $0x38;
	[tilespmem:$0x17480] =	vst v63  }
0x84: {  	_ =	swait.ge [sflag:s31], $0x4000  }
0x85: {  	[sflag:s31] =	ssyncset.done $0x0  }
0x86: {  	[sflag:s31] =	ssyncadd.s32 $0xFFFFC000  }
0x87: {  	_ =	swait.ge [sflag:s28], $0x4000  }
0x88: {  	[sflag:s28] =	ssyncset.done $0x0  }
0x89: {  	[sflag:s28] =	ssyncadd.s32 $0xFFFFC000  }
0x8a: {  	_ =	swait.ge [sflag:s30], $0x4000  }
0x8b: {  	[sflag:s30] =	ssyncset.done $0x0  }
0x8c: {  	[sflag:s30] =	ssyncadd.s32 $0xFFFFC000  }
0x8d: {  	[tilespmem:s18], [sflag:$0x1] =	stream.indirect.gather [hbm4b:s2+s21], $0x80, s17, s21, $0xb8;
	[tilespmem:$0x17480] =	vst v63  }
0x8e: {  	s10 =	simm.s32 $0x240  }
0x8f: {  	[tilespmem:s0], [sflag:$0x2] =	stream.indirect.gather [hbm4b:s2+s21], $0x80, s10, s21, $0xb8;
	[tilespmem:$0x17480] =	vst v63  }
0x90: {  	_ =	swait.ge [sflag:s24], $0x2000  }
0x91: {  	[sflag:s24] =	ssyncset.done $0x0  }
0x92: {  	[sflag:s24] =	ssyncadd.s32 $0xFFFFE000  }
0x93: {  	[hbm4b:s13+s4] =	stream.linear.scatter [tilespmem:s18], [sflag:$0x4], $0x2000, $0x38;
	[tilespmem:$0x17480] =	vst v63  }
0x94: {  	s8 =	simm.s32 $0x280  }
0x95: {  	[tilespmem:s3], [sflag:$0x3] =	stream.indirect.gather [hbm4b:s2+s21], $0x80, s8, s21, $0xb8;
	[tilespmem:$0x17480] =	vst v63  }
0x96: {  	_ =	swait.ge [sflag:s26], $0x2000  }
0x97: {  	[sflag:s26] =	ssyncset.done $0x0  }
0x98: {  	s9 =	rddreg [dreg:$0x10];
	[sflag:s26] =	ssyncadd.s32 $0xFFFFE000  }
0x99: {  	[hbm4b:s9+s4] =	stream.linear.scatter [tilespmem:s0], [sflag:$0x5], $0x2000, $0x38;
	[tilespmem:$0x17480] =	vst v63  }
0x9a: {  	_ =	swait.ge [sflag:s28], $0x2000  }
0x9b: {  	[sflag:s28] =	ssyncset.done $0x0  }
0x9c: {  	s10 =	simm.s32 $0x2C0;
	[sflag:s28] =	ssyncadd.s32 $0xFFFFE000  }
0x9d: {  	[tilespmem:s18], [sflag:$0x1] =	stream.indirect.gather [hbm4b:s2+s21], $0x80, s10, s21, $0xb8;
	[tilespmem:$0x17480] =	vst v63  }
0x9e: {  	_ =	swait.ge [sflag:s29], $0x2000  }
0x9f: {  	[sflag:s29] =	ssyncset.done $0x0  }
0xa0: {  	s8 =	rddreg [dreg:$0x11];
	[sflag:s29] =	ssyncadd.s32 $0xFFFFE000  }
0xa1: {  	[hbm4b:s8+s4] =	stream.linear.scatter [tilespmem:s3], [sflag:$0x6], $0x2000, $0x38;
	[tilespmem:$0x17480] =	vst v63  }
0xa2: {  	_ =	swait.ge [sflag:s30], $0x2000  }
0xa3: {  	[sflag:s30] =	ssyncset.done $0x0  }
0xa4: {  	s9 =	simm.s32 $0x300;
	[sflag:s30] =	ssyncadd.s32 $0xFFFFE000  }
0xa5: {  	[tilespmem:s0], [sflag:$0x2] =	stream.indirect.gather [hbm4b:s2+s21], $0x80, s9, s21, $0xb8;
	[tilespmem:$0x17480] =	vst v63  }
0xa6: {  	_ =	swait.ge [sflag:s24], $0x2000  }
0xa7: {  	[sflag:s24] =	ssyncset.done $0x0  }
0xa8: {  	s10 =	rddreg [dreg:$0x12];
	[sflag:s24] =	ssyncadd.s32 $0xFFFFE000  }
0xa9: {  	[hbm4b:s10+s4] =	stream.linear.scatter [tilespmem:s18], [sflag:$0x4], $0x2000, $0x38;
	[tilespmem:$0x17480] =	vst v63  }
0xaa: {  	_ =	swait.ge [sflag:s31], $0x2000  }
0xab: {  	[sflag:s31] =	ssyncset.done $0x0  }
0xac: {  	s8 =	simm.s32 $0x340;
	[sflag:s31] =	ssyncadd.s32 $0xFFFFE000  }
0xad: {  	[tilespmem:s3], [sflag:$0x3] =	stream.indirect.gather [hbm4b:s2+s21], $0x80, s8, s21, $0xb8;
	[tilespmem:$0x17480] =	vst v63  }
0xae: {  	_ =	swait.ge [sflag:s26], $0x2000  }
0xaf: {  	[sflag:s26] =	ssyncset.done $0x0  }
0xb0: {  	s9 =	rddreg [dreg:$0x13];
	[sflag:s26] =	ssyncadd.s32 $0xFFFFE000  }
0xb1: {  	[hbm4b:s9+s4] =	stream.linear.scatter [tilespmem:s0], [sflag:$0x5], $0x2000, $0x38;
	[tilespmem:$0x17480] =	vst v63  }
0xb2: {  	_ =	swait.ge [sflag:s28], $0x2000  }
0xb3: {  	[sflag:s28] =	ssyncset.done $0x0  }
0xb4: {  	s10 =	simm.s32 $0x380;
	[sflag:s28] =	ssyncadd.s32 $0xFFFFE000  }
0xb5: {  	[tilespmem:s18], [sflag:$0x1] =	stream.indirect.gather [hbm4b:s2+s21], $0x80, s10, s21, $0xb8;
	[tilespmem:$0x17480] =	vst v63  }
0xb6: {  	_ =	swait.ge [sflag:s29], $0x2000  }
0xb7: {  	[sflag:s29] =	ssyncset.done $0x0  }
0xb8: {  	s8 =	rddreg [dreg:$0x14];
	[sflag:s29] =	ssyncadd.s32 $0xFFFFE000  }
0xb9: {  	[hbm4b:s8+s4] =	stream.linear.scatter [tilespmem:s3], [sflag:$0x6], $0x2000, $0x38;
	[tilespmem:$0x17480] =	vst v63  }
0xba: {  	_ =	swait.ge [sflag:s30], $0x2000  }
0xbb: {  	[sflag:s30] =	ssyncset.done $0x0  }
0xbc: {  	s9 =	simm.s32 $0x3C0;
	[sflag:s30] =	ssyncadd.s32 $0xFFFFE000  }
0xbd: {  	[tilespmem:s0], [sflag:$0x2] =	stream.indirect.gather [hbm4b:s2+s21], $0x80, s9, s21, $0xb8;
	[tilespmem:$0x17480] =	vst v63  }
0xbe: {  	_ =	swait.ge [sflag:s24], $0x2000  }
0xbf: {  	[sflag:s24] =	ssyncset.done $0x0  }
0xc0: {  	s10 =	rddreg [dreg:$0x15];
	[sflag:s24] =	ssyncadd.s32 $0xFFFFE000  }
0xc1: {  	[hbm4b:s10+s4] =	stream.linear.scatter [tilespmem:s18], [sflag:$0x4], $0x2000, $0x38;
	[tilespmem:$0x17480] =	vst v63  }
0xc2: {  	_ =	swait.ge [sflag:s31], $0x2000  }
0xc3: {  	[sflag:s31] =	ssyncset.done $0x0  }
0xc4: {  	[sflag:s31] =	ssyncadd.s32 $0xFFFFE000  }
0xc5: {  	[tilespmem:s3], [sflag:$0x3] =	stream.indirect.gather [hbm4b:s2+s21], $0x80, s19, s21, $0xb8;
	[tilespmem:$0x17480] =	vst v63  }
0xc6: {  	_ =	swait.ge [sflag:s26], $0x2000  }
0xc7: {  	[sflag:s26] =	ssyncset.done $0x0  }
0xc8: {  	s8 =	rddreg [dreg:$0x16];
	[sflag:s26] =	ssyncadd.s32 $0xFFFFE000  }
0xc9: {  	[hbm4b:s8+s4] =	stream.linear.scatter [tilespmem:s0], [sflag:$0x5], $0x2000, $0x38;
	[tilespmem:$0x17480] =	vst v63  }
0xca: {  	_ =	swait.ge [sflag:s28], $0x2000  }
0xcb: {  	[sflag:s28] =	ssyncset.done $0x0  }
0xcc: {  	s9 =	simm.s32 $0x440;
	[sflag:s28] =	ssyncadd.s32 $0xFFFFE000  }
0xcd: {  	[tilespmem:s18], [sflag:$0x1] =	stream.indirect.gather [hbm4b:s2+s21], $0x80, s9, s21, $0xb8;
	[tilespmem:$0x17480] =	vst v63  }
0xce: {  	_ =	swait.ge [sflag:s29], $0x2000  }
0xcf: {  	[sflag:s29] =	ssyncset.done $0x0  }
0xd0: {  	s10 =	rddreg [dreg:$0x1d];
	[sflag:s29] =	ssyncadd.s32 $0xFFFFE000  }
0xd1: {  	[hbm4b:s10+s4] =	stream.linear.scatter [tilespmem:s3], [sflag:$0x6], $0x2000, $0x38;
	[tilespmem:$0x17480] =	vst v63  }
0xd2: {  	_ =	swait.ge [sflag:s30], $0x2000  }
0xd3: {  	[sflag:s30] =	ssyncset.done $0x0  }
0xd4: {  	s8 =	simm.s32 $0x480;
	[sflag:s30] =	ssyncadd.s32 $0xFFFFE000  }
0xd5: {  	[tilespmem:s0], [sflag:$0x2] =	stream.indirect.gather [hbm4b:s2+s21], $0x80, s8, s21, $0xb8;
	[tilespmem:$0x17480] =	vst v63  }
0xd6: {  	_ =	swait.ge [sflag:s24], $0x2000  }
0xd7: {  	[sflag:s24] =	ssyncset.done $0x0  }
0xd8: {  	s9 =	rddreg [dreg:$0x1e];
	[sflag:s24] =	ssyncadd.s32 $0xFFFFE000  }
0xd9: {  	[hbm4b:s9+s4] =	stream.linear.scatter [tilespmem:s18], [sflag:$0x4], $0x2000, $0x38;
	[tilespmem:$0x17480] =	vst v63  }
0xda: {  	_ =	swait.ge [sflag:s31], $0x2000  }
0xdb: {  	[sflag:s31] =	ssyncset.done $0x0  }
0xdc: {  	s10 =	simm.s32 $0x4C0;
	[sflag:s31] =	ssyncadd.s32 $0xFFFFE000  }
0xdd: {  	[tilespmem:s3], [sflag:$0x3] =	stream.indirect.gather [hbm4b:s2+s21], $0x80, s10, s21, $0xb8;
	[tilespmem:$0x17480] =	vst v63  }
0xde: {  	_ =	swait.ge [sflag:s26], $0x2000  }
0xdf: {  	[sflag:s26] =	ssyncset.done $0x0  }
0xe0: {  	s8 =	rddreg [dreg:$0x1f];
	[sflag:s26] =	ssyncadd.s32 $0xFFFFE000  }
0xe1: {  	[hbm4b:s8+s4] =	stream.linear.scatter [tilespmem:s0], [sflag:$0x5], $0x2000, $0x38;
	[tilespmem:$0x17480] =	vst v63  }
0xe2: {  	_ =	swait.ge [sflag:s28], $0x2000  }
0xe3: {  	[sflag:s28] =	ssyncset.done $0x0  }
0xe4: {  	s9 =	simm.s32 $0x500;
	[sflag:s28] =	ssyncadd.s32 $0xFFFFE000  }
0xe5: {  	[tilespmem:s18], [sflag:$0x1] =	stream.indirect.gather [hbm4b:s2+s21], $0x80, s9, s21, $0xb8;
	[tilespmem:$0x17480] =	vst v63  }
0xe6: {  	_ =	swait.ge [sflag:s29], $0x2000  }
0xe7: {  	s10 =	sld [smem:$0x7F5]  }
0xe8: {  	[sflag:s29] =	ssyncset.done $0x0  }
0xe9: {  	[sflag:s29] =	ssyncadd.s32 $0xFFFFE000  }
0xea: {  	[hbm4b:s10+s4] =	stream.linear.scatter [tilespmem:s3], [sflag:$0x6], $0x2000, $0x38;
	[tilespmem:$0x17480] =	vst v63  }
0xeb: {  	_ =	swait.ge [sflag:s30], $0x2000  }
0xec: {  	[sflag:s30] =	ssyncset.done $0x0  }
0xed: {  	s8 =	simm.s32 $0x540;
	[sflag:s30] =	ssyncadd.s32 $0xFFFFE000  }
0xee: {  	[tilespmem:s0], [sflag:$0x2] =	stream.indirect.gather [hbm4b:s2+s21], $0x80, s8, s21, $0xb8;
	[tilespmem:$0x17480] =	vst v63  }
0xef: {  	_ =	swait.ge [sflag:s24], $0x2000  }
0xf0: {  	s9 =	sld [smem:$0x7F6]  }
0xf1: {  	[sflag:s24] =	ssyncset.done $0x0  }
0xf2: {  	[sflag:s24] =	ssyncadd.s32 $0xFFFFE000  }
0xf3: {  	[hbm4b:s9+s4] =	stream.linear.scatter [tilespmem:s18], [sflag:$0x4], $0x2000, $0x38;
	[tilespmem:$0x17480] =	vst v63  }
0xf4: {  	_ =	swait.ge [sflag:s31], $0x2000  }
0xf5: {  	[sflag:s31] =	ssyncset.done $0x0  }
0xf6: {  	s10 =	simm.s32 $0x580;
	[sflag:s31] =	ssyncadd.s32 $0xFFFFE000  }
0xf7: {  	[tilespmem:s3], [sflag:$0x3] =	stream.indirect.gather [hbm4b:s2+s21], $0x80, s10, s21, $0xb8;
	[tilespmem:$0x17480] =	vst v63  }
0xf8: {  	_ =	swait.ge [sflag:s26], $0x2000  }
0xf9: {  	s8 =	sld [smem:$0x7F7]  }
0xfa: {  	[sflag:s26] =	ssyncset.done $0x0  }
0xfb: {  	[sflag:s26] =	ssyncadd.s32 $0xFFFFE000  }
0xfc: {  	[hbm4b:s8+s4] =	stream.linear.scatter [tilespmem:s0], [sflag:$0x5], $0x2000, $0x38;
	[tilespmem:$0x17480] =	vst v63  }
0xfd: {  	_ =	swait.ge [sflag:s28], $0x2000  }
0xfe: {  	[sflag:s28] =	ssyncset.done $0x0  }
0xff: {  	s9 =	simm.s32 $0x5C0;
	[sflag:s28] =	ssyncadd.s32 $0xFFFFE000  }
0x100: {  	[tilespmem:s18], [sflag:$0x1] =	stream.indirect.gather [hbm4b:s2+s21], $0x80, s9, s21, $0xb8;
	[tilespmem:$0x17480] =	vst v63  }
0x101: {  	_ =	swait.ge [sflag:s29], $0x2000  }
0x102: {  	s10 =	sld [smem:$0x7F8]  }
0x103: {  	[sflag:s29] =	ssyncset.done $0x0  }
0x104: {  	[sflag:s29] =	ssyncadd.s32 $0xFFFFE000  }
0x105: {  	[hbm4b:s10+s4] =	stream.linear.scatter [tilespmem:s3], [sflag:$0x6], $0x2000, $0x38;
	[tilespmem:$0x17480] =	vst v63  }
0x106: {  	_ =	swait.ge [sflag:s30], $0x2000  }
0x107: {  	[sflag:s30] =	ssyncset.done $0x0  }
0x108: {  	[sflag:s30] =	ssyncadd.s32 $0xFFFFE000  }
0x109: {  	[tilespmem:s0], [sflag:$0x2] =	stream.indirect.gather [hbm4b:s2+s21], $0x80, s20, s21, $0xb8;
	[tilespmem:$0x17480] =	vst v63  }
0x10a: {  	_ =	swait.ge [sflag:s24], $0x2000  }
0x10b: {  	s8 =	sld [smem:$0x7F9]  }
0x10c: {  	[sflag:s24] =	ssyncset.done $0x0  }
0x10d: {  	[sflag:s24] =	ssyncadd.s32 $0xFFFFE000  }
0x10e: {  	[hbm4b:s8+s4] =	stream.linear.scatter [tilespmem:s18], [sflag:$0x4], $0x2000, $0x38;
	[tilespmem:$0x17480] =	vst v63  }
0x10f: {  	_ =	swait.ge [sflag:s31], $0x2000  }
0x110: {  	[sflag:s31] =	ssyncset.done $0x0  }
0x111: {  	s9 =	simm.s32 $0x640;
	[sflag:s31] =	ssyncadd.s32 $0xFFFFE000  }
0x112: {  	[tilespmem:s3], [sflag:$0x3] =	stream.indirect.gather [hbm4b:s2+s21], $0x80, s9, s21, $0xb8;
	[tilespmem:$0x17480] =	vst v63  }
0x113: {  	_ =	swait.ge [sflag:s26], $0x2000  }
0x114: {  	s10 =	sld [smem:$0x7FA]  }
0x115: {  	[sflag:s26] =	ssyncset.done $0x0  }
0x116: {  	[sflag:s26] =	ssyncadd.s32 $0xFFFFE000  }
0x117: {  	[hbm4b:s10+s4] =	stream.linear.scatter [tilespmem:s0], [sflag:$0x5], $0x2000, $0x38;
	[tilespmem:$0x17480] =	vst v63  }
0x118: {  	_ =	swait.ge [sflag:s28], $0x2000  }
0x119: {  	[sflag:s28] =	ssyncset.done $0x0  }
0x11a: {  	s8 =	simm.s32 $0x680;
	[sflag:s28] =	ssyncadd.s32 $0xFFFFE000  }
0x11b: {  	[tilespmem:s18], [sflag:$0x1] =	stream.indirect.gather [hbm4b:s2+s21], $0x80, s8, s21, $0xb8;
	[tilespmem:$0x17480] =	vst v63  }
0x11c: {  	_ =	swait.ge [sflag:s29], $0x2000  }
0x11d: {  	s9 =	sld [smem:$0x7FB]  }
0x11e: {  	[sflag:s29] =	ssyncset.done $0x0  }
0x11f: {  	[sflag:s29] =	ssyncadd.s32 $0xFFFFE000  }
0x120: {  	[hbm4b:s9+s4] =	stream.linear.scatter [tilespmem:s3], [sflag:$0x6], $0x2000, $0x38;
	[tilespmem:$0x17480] =	vst v63  }
0x121: {  	_ =	swait.ge [sflag:s30], $0x2000  }
0x122: {  	[sflag:s30] =	ssyncset.done $0x0  }
0x123: {  	s10 =	simm.s32 $0x6C0;
	[sflag:s30] =	ssyncadd.s32 $0xFFFFE000  }
0x124: {  	[tilespmem:s0], [sflag:$0x2] =	stream.indirect.gather [hbm4b:s2+s21], $0x80, s10, s21, $0xb8;
	[tilespmem:$0x17480] =	vst v63  }
0x125: {  	_ =	swait.ge [sflag:s24], $0x2000  }
0x126: {  	s8 =	sld [smem:$0x7FC]  }
0x127: {  	[sflag:s24] =	ssyncset.done $0x0  }
0x128: {  	[sflag:s24] =	ssyncadd.s32 $0xFFFFE000  }
0x129: {  	[hbm4b:s8+s4] =	stream.linear.scatter [tilespmem:s18], [sflag:$0x4], $0x2000, $0x38;
	[tilespmem:$0x17480] =	vst v63  }
0x12a: {  	_ =	swait.ge [sflag:s31], $0x2000  }
0x12b: {  	[sflag:s31] =	ssyncset.done $0x0  }
0x12c: {  	s9 =	simm.s32 $0x700;
	[sflag:s31] =	ssyncadd.s32 $0xFFFFE000  }
0x12d: {  	[tilespmem:s3], [sflag:$0x3] =	stream.indirect.gather [hbm4b:s2+s21], $0x80, s9, s21, $0xb8;
	[tilespmem:$0x17480] =	vst v63  }
0x12e: {  	_ =	swait.ge [sflag:s26], $0x2000  }
0x12f: {  	s10 =	sld [smem:$0x7FD]  }
0x130: {  	[sflag:s26] =	ssyncset.done $0x0  }
0x131: {  	[sflag:s26] =	ssyncadd.s32 $0xFFFFE000  }
0x132: {  	[hbm4b:s10+s4] =	stream.linear.scatter [tilespmem:s0], [sflag:$0x5], $0x2000, $0x38;
	[tilespmem:$0x17480] =	vst v63  }
0x133: {  	_ =	swait.ge [sflag:s28], $0x2000  }
0x134: {  	[sflag:s28] =	ssyncset.done $0x0  }
0x135: {  	s8 =	simm.s32 $0x740;
	[sflag:s28] =	ssyncadd.s32 $0xFFFFE000  }
0x136: {  	[tilespmem:s18], [sflag:$0x1] =	stream.indirect.gather [hbm4b:s2+s21], $0x80, s8, s21, $0xb8;
	[tilespmem:$0x17480] =	vst v63  }
0x137: {  	_ =	swait.ge [sflag:s29], $0x2000  }
0x138: {  	[sflag:s29] =	ssyncset.done $0x0  }
0x139: {  	[sflag:s29] =	ssyncadd.s32 $0xFFFFE000  }
0x13a: {  	[hbm4b:s11+s4] =	stream.linear.scatter [tilespmem:s3], [sflag:$0x6], $0x2000, $0x38;
	[tilespmem:$0x17480] =	vst v63  }
0x13b: {  	_ =	swait.ge [sflag:s30], $0x2000  }
0x13c: {  	[sflag:s30] =	ssyncset.done $0x0  }
0x13d: {  	s9 =	simm.s32 $0x780;
	[sflag:s30] =	ssyncadd.s32 $0xFFFFE000  }
0x13e: {  	[tilespmem:s0], [sflag:$0x2] =	stream.indirect.gather [hbm4b:s2+s21], $0x80, s9, s21, $0xb8;
	[tilespmem:$0x17480] =	vst v63  }
0x13f: {  	_ =	swait.ge [sflag:s24], $0x2000  }
0x140: {  	[sflag:s24] =	ssyncset.done $0x0  }
0x141: {  	[sflag:s24] =	ssyncadd.s32 $0xFFFFE000  }
0x142: {  	[hbm4b:s12+s4] =	stream.linear.scatter [tilespmem:s18], [sflag:$0x4], $0x2000, $0x38;
	[tilespmem:$0x17480] =	vst v63  }
0x143: {  	_ =	swait.ge [sflag:s31], $0x2000  }
0x144: {  	[sflag:s31] =	ssyncset.done $0x0  }
0x145: {  	s10 =	simm.s32 $0x7C0;
	[sflag:s31] =	ssyncadd.s32 $0xFFFFE000  }
0x146: {  	[tilespmem:s3], [sflag:$0x3] =	stream.indirect.gather [hbm4b:s2+s21], $0x80, s10, s21, $0xb8;
	[tilespmem:$0x17480] =	vst v63  }
0x147: {  	_ =	swait.ge [sflag:s26], $0x2000  }
0x148: {  	[sflag:s26] =	ssyncset.done $0x0  }
0x149: {  	[sflag:s26] =	ssyncadd.s32 $0xFFFFE000  }
0x14a: {  	[hbm4b:s14+s4] =	stream.linear.scatter [tilespmem:s0], [sflag:$0x5], $0x2000, $0x38;
	[tilespmem:$0x17480] =	vst v63  }
0x14b: {  	_ =	swait.ge [sflag:s29], $0x2000  }
0x14c: {  	[sflag:s29] =	ssyncset.done $0x0  }
0x14d: {  	[sflag:s29] =	ssyncadd.s32 $0xFFFFE000  }
0x14e: {  	[hbm4b:s15+s4] =	stream.linear.scatter [tilespmem:s3], [sflag:$0x6], $0x2000, $0x38;
	[tilespmem:$0x17480] =	vst v63  }
0x14f: {  	_ =	swait.ge [sflag:s28], $0x2000  }
0x150: {  	[sflag:s28] =	ssyncset.done $0x0  }
0x151: {  	[sflag:s28] =	ssyncadd.s32 $0xFFFFE000  }
0x152: {  	_ =	swait.ge [sflag:s30], $0x2000  }
0x153: {  	[sflag:s30] =	ssyncset.done $0x0  }
0x154: {  	[sflag:s30] =	ssyncadd.s32 $0xFFFFE000  }
0x155: {  	_ =	swait.ge [sflag:s31], $0x2000  }
0x156: {  	s7 =	simm.s32 $0xFFFFFFFC;
	[sflag:s31] =	ssyncset.done $0x0  }
0x157: {  	s8 =	simm.s32 $0x820;
	s9 =	simm.s32 $0x0;
	[sflag:s31] =	ssyncadd.s32 $0xFFFFE000  }
.LBB2_2:
0x158: {  	v3 =	vld [tilespmem:s8+$0xFFFFFFE0];
	_ =	sdelay $0x4  }
0x159: {  	vm0 =	vge.s32 v3, v0;
	vm1 =	vlt.s32 v3, v1;
	v4 =	vsub.s32 v3, v0  }
0x15a: {  	v3 =	vand.u32 $0x7F, v3;
	vm0 =	vmand vm0, vm1;
	v4 =	vand.u32 $0xFFFFFF80, v4  }
0x15b: {  	v3 =	vor.u32 v3, v4;
	_ =	sdelay $0x3  }
0x15c: {  	v57 =	vor.u32 s9, v2  }
0x15d: {  	[tilespmem:v3+s5+$0x0] =	vst.idx.msk vm0, v57  }
0x15e: {  	v3 =	vld [tilespmem:s8+$0xFFFFFFF0];
	_ =	sdelay $0x4  }
0x15f: {  	vm10 =	vge.s32 v3, v0;
	vm11 =	vlt.s32 v3, v1;
	v58 =	vsub.s32 v3, v0  }
0x160: {  	v3 =	vand.u32 $0x7F, v3;
	vm0 =	vmand vm10, vm11;
	v4 =	vand.u32 $0xFFFFFF80, v58  }
0x161: {  	v3 =	vor.u32 v3, v4;
	_ =	sdelay $0x2  }
0x162: {  	s10 =	sadd.s32 $0x10, s9  }
0x163: {  	v59 =	vor.u32 s10, v2  }
0x164: {  	[tilespmem:v3+s5+$0x0] =	vst.idx.msk vm0, v59  }
0x165: {  	v3 =	vld [tilespmem:s8+$0x0];
	_ =	sdelay $0x4  }
0x166: {  	vm12 =	vge.s32 v3, v0;
	vm13 =	vlt.s32 v3, v1;
	v60 =	vsub.s32 v3, v0  }
0x167: {  	v3 =	vand.u32 $0x7F, v3;
	vm0 =	vmand vm12, vm13;
	v4 =	vand.u32 $0xFFFFFF80, v60  }
0x168: {  	v3 =	vor.u32 v3, v4;
	_ =	sdelay $0x2  }
0x169: {  	s10 =	sadd.s32 $0x20, s9  }
0x16a: {  	v61 =	vor.u32 s10, v2  }
0x16b: {  	[tilespmem:v3+s5+$0x0] =	vst.idx.msk vm0, v61  }
0x16c: {  	v3 =	vld [tilespmem:s8+$0x10];
	_ =	sdelay $0x4  }
0x16d: {  	vm14 =	vge.s32 v3, v0;
	vm15 =	vlt.s32 v3, v1;
	v62 =	vsub.s32 v3, v0  }
0x16e: {  	s7 =	sadd.s32 $0x4, s7;
	v3 =	vand.u32 $0x7F, v3;
	vm0 =	vmand vm14, vm15;
	v4 =	vand.u32 $0xFFFFFF80, v62  }
0x16f: {  	p0 =	slt.u32 s7, $0x3FC;
	v3 =	vor.u32 v3, v4  }
.Ltmp0:
0x170: {  	_ = 	snop;
	(pc) =	sbr.rel @p0 .LBB2_2-.Ltmp0, $4  }
0x171: {  	_ = 	snop  }
0x172: {  	s10 =	sadd.s32 $0x30, s9  }
0x173: {  	v63 =	vor.u32 s10, v2  }
0x174: {  	s9 =	sadd.s32 $0x40, s9;
	s8 =	sadd.s32 $0x40, s8;
	[tilespmem:v3+s5+$0x0] =	vst.idx.msk vm0, v63  }
0x175: {  	s7 =	rddreg [dreg:$0x1b]  }
0x176: {  	[hbm4b:s7+s4] =	stream.linear.scatter [tilespmem:s5], [sflag:$0x7], $0xC80, $0x38;
	[tilespmem:$0x17480] =	vst v63  }
0x177: {  	_ =	swait.ge [sflag:s16], $0xC80  }
0x178: {  	s6 =	sadd.s32 $0x1, s6;
	s10 =	rddreg [dreg:$0x1c]  }
0x179: {  	p0 =	sne.s32 s6, s10  }
.Ltmp1:
0x17a: {  	_ = 	snop;
	(pc) =	sbr.rel @p0 .LBB2_1-.Ltmp1, $3  }
0x17b: {  	_ =	sdelay $0x1  }
0x17c: {  	[sflag:s16] =	ssyncset.done $0x0  }
0x17d: {  	[sflag:s16] =	ssyncadd.s32 $0xFFFFF380  }
0x17e: {  	_ =	sfence.sel $0x180000  }
0x17f: {  	[bflag:$0x0] =	sbarrier.arrive $0xFFFF  }
0x180: {  	_ =	strace $0x90000047  }
0x181: {  	s0 =	stileid.u32;
	[bflag:$0x2] =	sbarrier.arrive $0xFFFF  }
0x182: {  	p0 =	sne.s32 s0, $0x0;
	s0 =	rddreg [dreg:$0x7]  }
0x183: {  	s0 =	sadd.s32 @!p0 $0x100000, s0  }
0x184: {  	[sflag:s0] =	ssyncadd.tile.s32 @!p0 $0x1;
	_ =	shalt  }
.Lfunc_end2:
_tile_overlayer_lowered:
.L_overlay_start_2:
0x185: {  	(tag) =	ssettag $0x2  }
0x186: {  	s0 =	rddreg [dreg:$0x0];
	s2 =	stileid.u32  }
0x187: {  	s1 =	rddreg [dreg:$0x1];
	p0 =	sne.s32 s2, $0x0  }
0x188: {  	s3 =	rddreg [dreg:$0x2];
	[bflag:$0x3] =	sbarrier.arrive $0xFFFF;
	s2 =	simm.s32 @!p0 $0x1C07  }
0x189: {  	[timem:s3], [sflag:s2] =	dma.local @!p0 [hbm:s0], s1  }
0x18a: {  	s0 =	simm.s32 @!p0 $0x7  }
0x18b: {  	_ =	swait.ge @!p0 [sflag:s0], s1  }
0x18c: {  	s1 =	ssub.s32 @!p0 $0x0, s1;
	[sflag:s0] =	ssyncset.done @!p0 $0x0  }
0x18d: {  	[sflag:s0] =	ssyncadd.s32 @!p0 s1  }
0x18e: {  	[bflag:$0x3] =	sbarrier.arrive $0xFFFF  }
0x18f: {  	_ =	shalt  }

// kernel: kernel.9.cloned.1.call-start
scs
__scs_entry_jumppad:
0x0: {  	(pc) =	sbr.rel $0x88, $3  }
0x1: {  	(tag) =	ssettag $0x0;
	lr =	simm.s32 $0x1  }
0x2: {  	[smem:$0x3F97] =	sst lr;
	_ =	strace $0xD0000000  }
0x3: {  	_ = 	snop  }
0x4: {  	_ = 	snop  }
0x5: {  	_ = 	snop  }
0x6: {  	_ = 	snop  }
0x7: {  	_ = 	snop  }
__scs_overlays_trampoline_lowered:
0x8: {  	[smem:$0x3FA6] =	sst s0  }
0x9: {  	[smem:$0x3FA7] =	sst s1  }
0xa: {  	[smem:$0x3FA8] =	sst s2  }
0xb: {  	[smem:$0x3FA9] =	sst s3  }
0xc: {  	[smem:$0x3FAA] =	sst s4  }
0xd: {  	[smem:$0x3FAB] =	sst s5  }
0xe: {  	[smem:$0x3FAC] =	sst s6  }
0xf: {  	[smem:$0x3FAD] =	sst s7  }
0x10: {  	[smem:$0x3FAE] =	sst s8  }
0x11: {  	[smem:$0x3FAF] =	sst s9;
	s0 =	simm.s32 @!p0 $0x0  }
0x12: {  	s1 =	sld [smem:$0x3F95];
	s0 =	simm.s32 @p0 $0x1  }
0x13: {  	[smem:$0x3FB0] =	sst s0;
	s0 =	simm.s32 @!p1 $0x0  }
0x14: {  	s2 =	sld [smem:$0x3F94];
	s0 =	simm.s32 @p1 $0x1  }
0x15: {  	[smem:$0x3FB1] =	sst s0;
	s0 =	simm.s32 @!p2 $0x0  }
0x16: {  	s3 =	sld [smem:$0x3FDB];
	s0 =	simm.s32 @p2 $0x1  }
0x17: {  	s4 =	simm.s32 $0x1BF5;
	[smem:$0x3FB3] =	sst s0  }
0x18: {  	s0 =	sld [smem:$0x3F96];
	_ =	swait.ge [sflag:s4], $0x0  }
0x19: {  	s7 =	sld [smem:$0x3F97]  }
0x1a: {  	s8 =	sadd.s32 $0xFFFFE003, lr  }
0x1b: {  	s9 =	sadd.s32 $0xFFFFFEF7, lr;
	s5 =	simm.s32 $0xFFFFFFFF;
	p2 =	slt.u32 s8, $0xFFFFF086  }
0x1c: {  	p1 =	slt.u32 s9, $0xF7A;
	s5 =	simm.s32 @!p2 $0x0  }
0x1d: {  	s5 =	simm.s32 @p1 $0x1;
	p0 =	seq.s32 s7, s2  }
0x1e: {  	s7 =	smul.u32 @!p0 $0xF7A, s2;
	p2 =	seq.s32 @!p0 s5, $0x0  }
0x1f: {  	s9 =	smul.u32 $0xF7A, s1;
	s8 =	simm.s32 @!p0 $0x1BF5;
	p2 =	por !p2, p0  }
0x20: {  	[sflag:s8] =	ssyncset.s32 @!p0 $0xFFFFF086;
	s6 =	sadd.s32 @!p0 s3, s7;
	s7 =	simm.s32 @!p0 $0x108  }
0x21: {  	s3 =	sadd.s32 s3, s9;
	s6 =	sadd.s32 @!p0 $0x88, s6;
	s7 =	simm.s32 @p2 $0x1082  }
0x22: {  	[simem:s7], [sflag:s8] =	dma.local @!p0 [hbm:s6], $0xF7A  }
0x23: {  	s9 =	sor.u32 $0xD0000000, s2;
	s6 =	simm.s32 $0x108;
	_ =	swait.ge @!p0 [sflag:s8], $0x0  }
0x24: {  	s3 =	sadd.s32 $0x88, s3;
	s6 =	simm.s32 @!p1 $0x1082;
	[sflag:s4] =	ssyncset.s32 $0xFFFFF086  }
0x25: {  	[simem:s6], [sflag:s4] =	dma.local [hbm:s3], $0xF7A  }
0x26: {  	[smem:$0x3F97] =	sst s1;
	(tag) =	ssettag s2;
	_ =	strace s9  }
0x27: {  	s1 =	sld [smem:$0x3FA7]  }
0x28: {  	s2 =	sld [smem:$0x3FA8]  }
0x29: {  	s4 =	sld [smem:$0x3FAA]  }
0x2a: {  	p0 =	seq.s32 s5, $0x0;
	s5 =	sld [smem:$0x3FAB]  }
0x2b: {  	s6 =	sld [smem:$0x3FAC]  }
0x2c: {  	s7 =	sld [smem:$0x3FAD]  }
0x2d: {  	s3 =	simm.s32 $0x108;
	s8 =	sld [smem:$0x3FAE]  }
0x2e: {  	s3 =	simm.s32 @!p0 $0x1082;
	s9 =	sld [smem:$0x3FAF]  }
0x2f: {  	lr =	sadd.s32 s0, s3;
	s0 =	sld [smem:$0x3FA6]  }
0x30: {  	s3 =	sld [smem:$0x3FA9]  }
0x31: {  	[smem:$0x3FB2] =	sst s10  }
0x32: {  	s10 =	sld [smem:$0x3FB0];
	_ =	sdelay $0x3  }
0x33: {  	p0 =	seq.s32 s10, $0x1;
	s10 =	sld [smem:$0x3FB2];
	_ =	sdelay $0x3  }
0x34: {  	[smem:$0x3FB2] =	sst s10  }
0x35: {  	s10 =	sld [smem:$0x3FB1];
	_ =	sdelay $0x3  }
0x36: {  	p1 =	seq.s32 s10, $0x1;
	s10 =	sld [smem:$0x3FB2];
	_ =	sdelay $0x3  }
0x37: {  	[smem:$0x3FB2] =	sst s10  }
0x38: {  	s10 =	sld [smem:$0x3FB3]  }
0x39: {  	_ = 	snop;
	(pc) =	sbr.ind lr, $3  }
0x3a: {  	_ = 	snop  }
0x3b: {  	_ = 	snop  }
0x3c: {  	p2 =	seq.s32 s10, $0x1;
	s10 =	sld [smem:$0x3FB2]  }
0x3d: {  	_ =	shalt  }
0x3e: {  	_ =	shalt  }
0x3f: {  	_ =	shalt  }
0x40: {  	_ =	shalt  }
0x41: {  	_ =	shalt  }
0x42: {  	_ =	shalt  }
0x43: {  	_ =	shalt  }
0x44: {  	_ =	shalt  }
0x45: {  	_ =	shalt  }
0x46: {  	_ =	shalt  }
0x47: {  	_ =	shalt  }
0x48: {  	_ =	shalt  }
0x49: {  	_ =	shalt  }
0x4a: {  	_ =	shalt  }
0x4b: {  	_ =	shalt  }
0x4c: {  	_ =	shalt  }
0x4d: {  	_ =	shalt  }
0x4e: {  	_ =	shalt  }
0x4f: {  	_ =	shalt  }
0x50: {  	_ =	shalt  }
0x51: {  	_ =	shalt  }
0x52: {  	_ =	shalt  }
0x53: {  	_ =	shalt  }
0x54: {  	_ =	shalt  }
0x55: {  	_ =	shalt  }
0x56: {  	_ =	shalt  }
0x57: {  	_ =	shalt  }
0x58: {  	_ =	shalt  }
0x59: {  	_ =	shalt  }
0x5a: {  	_ =	shalt  }
0x5b: {  	_ =	shalt  }
0x5c: {  	_ =	shalt  }
0x5d: {  	_ =	shalt  }
0x5e: {  	_ =	shalt  }
0x5f: {  	_ =	shalt  }
0x60: {  	_ =	shalt  }
0x61: {  	_ =	shalt  }
0x62: {  	_ =	shalt  }
0x63: {  	_ =	shalt  }
0x64: {  	_ =	shalt  }
0x65: {  	_ =	shalt  }
0x66: {  	_ =	shalt  }
0x67: {  	_ =	shalt  }
0x68: {  	_ =	shalt  }
0x69: {  	_ =	shalt  }
0x6a: {  	_ =	shalt  }
0x6b: {  	_ =	shalt  }
0x6c: {  	_ =	shalt  }
0x6d: {  	_ =	shalt  }
0x6e: {  	_ =	shalt  }
0x6f: {  	_ =	shalt  }
0x70: {  	_ =	shalt  }
0x71: {  	_ =	shalt  }
0x72: {  	_ =	shalt  }
0x73: {  	_ =	shalt  }
0x74: {  	_ =	shalt  }
0x75: {  	_ =	shalt  }
0x76: {  	_ =	shalt  }
0x77: {  	_ =	shalt  }
0x78: {  	_ =	shalt  }
0x79: {  	_ =	shalt  }
0x7a: {  	_ =	shalt  }
0x7b: {  	_ =	shalt  }
0x7c: {  	_ =	shalt  }
0x7d: {  	_ =	shalt  }
0x7e: {  	_ =	shalt  }
0x7f: {  	_ =	shalt  }
0x80: {  	_ =	shalt  }
0x81: {  	_ =	shalt  }
0x82: {  	_ =	shalt  }
0x83: {  	_ =	shalt  }
0x84: {  	_ =	shalt  }
0x85: {  	_ =	shalt  }
0x86: {  	_ =	shalt  }
0x87: {  	_ =	shalt  }
.Lfunc_end0:
.L_simem_size_0:
called_computation.1_lowered:
.L_overlay_start_0:
0x88: {  	s2 =	sld [smem:$0x3FD9]  }
0x89: {  	s3 =	sld [smem:$0x3FFE];
	_ =	sdelay $0x1  }
0x8a: {  	s1 =	srdreg.scid  }
0x8b: {  	s0 =	sand.u32 $0x1, s1  }
0x8c: {  	s14 =	sshll.u32 s0, $0xA;
	s2 =	sadd.s32 s3, s2  }
0x8d: {  	s2 =	sadd.s32 s2, s14  }
0x8e: {  	[smem:$0x3FBE] =	sst s2  }
0x8f: {  	_ = 	snop  }
0x90: {  	s2 =	sld [smem:$0x3FD0];
	_ =	sdelay $0x2  }
0x91: {  	s4 =	simm.s32 $0xA;
	s5 =	simm.s32 $0x10;
	s15 =	sld [smem:$0x3FC9]  }
0x92: {  	[smem:s5], [sflag:s4] =	dma.local [hbm:s2], $0x1  }
0x93: {  	_ =	swait.eq [sflag:s4], $0x1  }
0x94: {  	[sflag:s4] =	ssyncset.done $0x0  }
0x95: {  	[sflag:s4] =	ssyncadd.s32 $0xFFFFFFFF  }
0x96: {  	s16 =	sld [smem:$0x11];
	(tm) =	ssettm $0x1  }
0x97: {  	s17 =	sld [smem:$0x3FFB];
	_ =	sdelay $0x3  }
0x98: {  	_ =	strace s17  }
0x99: {  	s4 =	sld [smem:$0x3FFC];
	_ =	sdelay $0x3  }
0x9a: {  	_ =	strace s4  }
0x9b: {  	s4 =	sld [smem:$0x3FFD];
	_ =	sdelay $0x3  }
0x9c: {  	_ =	strace s4  }
0x9d: {  	_ =	strace $0x8FFFFFFF  }
0x9e: {  	s18 =	sld [smem:$0x3FDB];
	_ =	sdelay $0x1  }
0x9f: {  	s19 =	simm.s32 $_scs_section_size  }
0xa0: {  	s6 =	simm.s32 $_size__tile_overlayer_lowered;
	s7 =	simm.s32 $_tile_overlayer_lowered  }
0xa1: {  	s22 =	simm.s32 $0x1BFF;
	s21 =	sshll.u32 s7, $0x1;
	s4 =	sadd.s32 s19, s18  }
0xa2: {  	s8 =	simm.s32 $0x0;
	s20 =	sshll.u32 s6, $0x1;
	s6 =	sadd.s32 s21, s4  }
0xa3: {  	[timem:s8], [sflag:s22] =	dma.local [hbm:s6], s20  }
0xa4: {  	_ =	swait.ge [sflag:s22], s20  }
0xa5: {  	s5 =	ssub.s32 $0x0, s20;
	[sflag:s22] =	ssyncset.done $0x0  }
0xa6: {  	[sflag:s22] =	ssyncadd.s32 s5;
	_ =	sdelay $0x1  }
0xa7: {  	s23 =	simm.s32 $0x1B8B  }
0xa8: {  	_ =	swait.ge [sflag:s23], $0x1  }
0xa9: {  	[sflag:s23] =	ssyncset.done $0x0  }
0xaa: {  	s25 =	simm.s32 $0x1B8E;
	s24 =	sld [smem:$0x3FFE];
	[sflag:s23] =	ssyncadd.s32 $0xFFFFFFFF  }
0xab: {  	s26 =	simm.s32 $execute0_lowered;
	[smem:$0x3FD2] =	sst s25  }
0xac: {  	s6 =	sshll.u32 s26, $0x1;
	_ =	strace $0x80000049;
	[dreg:$0x1] =	wrdreg $0xFFFFFFFF  }
0xad: {  	s28 =	simm.s32 $_size_execute0_lowered;
	s4 =	sadd.s32 s4, s6;
	[dreg:$0x0] =	wrdreg $0x0  }
0xae: {  	s6 =	sshll.u32 s28, $0x1;
	[dreg:$0x2] =	wrdreg s4  }
0xaf: {  	[dreg:$0x3] =	wrdreg s6  }
0xb0: {  	[dreg:$0x4] =	wrdreg $0xC0  }
0xb1: {  	_ =	task [dreg:s8], $0x5FFFF  }
0xb2: {  	[dreg:$0x1] =	wrdreg $0xFFFFFFFF  }
0xb3: {  	[dreg:$0x0] =	wrdreg $0x60  }
0xb4: {  	[dreg:$0x2] =	wrdreg s16  }
0xb5: {  	[dreg:$0x3] =	wrdreg s15  }
0xb6: {  	[dreg:$0x4] =	wrdreg s24  }
0xb7: {  	[dreg:$0x5] =	wrdreg $0x9  }
0xb8: {  	_ =	task.clear_ibuf [dreg:s8], $0x6FFFF;
	_ =	strace $0x90000049  }
0xb9: {  	s29 =	simm.s32 $0x9;
	_ =	strace $0x8000004B  }
0xba: {  	_ =	swait.ge [sflag:s29], $0x1  }
0xbb: {  	[sflag:s29] =	ssyncadd.s32 $0xFFFFFFFF  }
0xbc: {  	_ =	strace $0x9000004B  }
0xbd: {  	_ =	sfence  }
0xbe: {  	s30 =	sld [smem:$0x0];
	_ =	sdelay $0x2  }
0xbf: {  	s31 =	sshll.u32 s1, $0xD;
	s1 =	sshrl.u32 s1, $0x2  }
0xc0: {  	s3 =	sand.u32 $0x4000, s31;
	s1 =	sadd.s32 s1, s30  }
0xc1: {  	s0 =	sor.u32 s3, s0;
	s1 =	sshll.u32 s1, $0x11  }
0xc2: {  	s0 =	sor.u32 s1, s0  }
0xc3: {  	s0 =	sadd.s32 $0x8F2B, s0  }
0xc4: {  	[sflag:s0] =	ssyncadd.remote.s32 $0x1  }
0xc5: {  	_ =	sfence.sel $0xFFFF  }
0xc6: {  	[dreg:$0x0] =	wrdreg $0xFFFFFFFF;
	(pc) =	sbr.abs _section_cstart, $3  }
0xc7: {  	[dreg:$0x1] =	wrdreg $0xFFFFFFFF  }
0xc8: {  	_ =	task.clear_ibuf [dreg:s8], $0x2FFFF;
	_ =	strace $0x9FFFFFFF  }
0xc9: {  	(tm) =	ssettm $0x7FFFFFFF  }
tec
execute0_lowered:
.L_overlay_start_1:
0x0: {  	(tag) =	ssettag $0x1  }
0x1: {  	s2 =	rddreg [dreg:$0x0]  }
0x2: {  	s4 =	rddreg [dreg:$0x1];
	s3 =	srdreg.scid  }
0x3: {  	s18 =	rddreg [dreg:$0x2];
	s1 =	stileid.u32;
	s21 =	sand.u32 $0x1, s3  }
0x4: {  	s3 =	simm.s32 $0x0;
	s5 =	sshll.u32 s1, $0x7;
	s6 =	sshll.u32 s21, $0x6  }
0x5: {  	[smem:$0x7FF] =	sst s3;
	s5 =	sor.u32 s6, s5  }
0x6: {  	s0 =	rddreg [dreg:$0x3];
	_ =	strace $0x8000004A;
	s4 =	sadd.s32 s4, s5  }
0x7: {  	[tilespmem:s3], [sflag:$0x2] =	stream.linear.gather [hbm4b:s4+s3], $0x80, $0x38;
	[tilespmem:$0x10400] =	vst v63  }
0x8: {  	s6 =	simm.s32 $0x80;
	s5 =	sadd.s32 $0x10, s4  }
0x9: {  	[tilespmem:s6], [sflag:$0x2] =	stream.linear.gather [hbm4b:s5+s3], $0x80, $0x38;
	[tilespmem:$0x10400] =	vst v63  }
0xa: {  	s8 =	simm.s32 $0x100;
	s7 =	sadd.s32 $0x20, s4  }
0xb: {  	[tilespmem:s8], [sflag:$0x2] =	stream.linear.gather [hbm4b:s7+s3], $0x80, $0x38;
	[tilespmem:$0x10400] =	vst v63  }
0xc: {  	s11 =	simm.s32 $0x180;
	s10 =	simm.s32 $0x2;
	s9 =	sadd.s32 $0x30, s4  }
0xd: {  	[tilespmem:s11], [sflag:$0x2] =	stream.linear.gather [hbm4b:s9+s3], $0x80, $0x38;
	[tilespmem:$0x10400] =	vst v63  }
0xe: {  	_ =	swait.ge [sflag:s10], $0x80  }
0xf: {  	[sflag:s10] =	ssyncset.done $0x0  }
0x10: {  	[sflag:s10] =	ssyncadd.s32 $0xFFFFFF80  }
0x11: {  	_ =	swait.ge [sflag:s10], $0x80  }
0x12: {  	[sflag:s10] =	ssyncset.done $0x0  }
0x13: {  	[sflag:s10] =	ssyncadd.s32 $0xFFFFFF80  }
0x14: {  	_ =	swait.ge [sflag:s10], $0x80  }
0x15: {  	[sflag:s10] =	ssyncset.done $0x0  }
0x16: {  	[sflag:s10] =	ssyncadd.s32 $0xFFFFFF80  }
0x17: {  	_ =	swait.ge [sflag:s10], $0x80  }
0x18: {  	[sflag:s10] =	ssyncset.done $0x0  }
0x19: {  	s13 =	simm.s32 $0x200;
	s12 =	sadd.s32 $0x141800, s18;
	[sflag:s10] =	ssyncadd.s32 $0xFFFFFF80  }
0x1a: {  	[tilespmem:s13], [sflag:$0x1] =	stream.indirect.gather [hbm4b:s12+s6], $0x1, s3, s6, $0xb8;
	[tilespmem:$0x10400] =	vst v63  }
0x1b: {  	s14 =	simm.s32 $0x280  }
0x1c: {  	[tilespmem:s14], [sflag:$0x1] =	stream.indirect.gather [hbm4b:s12+s6], $0x1, s6, s6, $0xb8;
	[tilespmem:$0x10400] =	vst v63  }
0x1d: {  	s15 =	simm.s32 $0x300  }
0x1e: {  	[tilespmem:s15], [sflag:$0x1] =	stream.indirect.gather [hbm4b:s12+s6], $0x1, s8, s6, $0xb8;
	[tilespmem:$0x10400] =	vst v63  }
0x1f: {  	s16 =	simm.s32 $0x380;
	s17 =	simm.s32 $0x1  }
0x20: {  	[tilespmem:s16], [sflag:$0x1] =	stream.indirect.gather [hbm4b:s12+s6], $0x1, s11, s6, $0xb8;
	[tilespmem:$0x10400] =	vst v63  }
0x21: {  	_ =	swait.ge [sflag:s17], $0x80  }
0x22: {  	[sflag:s17] =	ssyncset.done $0x0  }
0x23: {  	[sflag:s17] =	ssyncadd.s32 $0xFFFFFF80  }
0x24: {  	_ =	swait.ge [sflag:s17], $0x80  }
0x25: {  	[sflag:s17] =	ssyncset.done $0x0  }
0x26: {  	[sflag:s17] =	ssyncadd.s32 $0xFFFFFF80  }
0x27: {  	_ =	swait.ge [sflag:s17], $0x80  }
0x28: {  	[sflag:s17] =	ssyncset.done $0x0  }
0x29: {  	[sflag:s17] =	ssyncadd.s32 $0xFFFFFF80  }
0x2a: {  	_ =	swait.ge [sflag:s17], $0x80  }
0x2b: {  	[sflag:s17] =	ssyncset.done $0x0  }
0x2c: {  	s19 =	simm.s32 $0x400;
	s18 =	sadd.s32 $0x144A00, s18;
	[sflag:s17] =	ssyncadd.s32 $0xFFFFFF80  }
0x2d: {  	[tilespmem:s19], [sflag:$0x1] =	stream.indirect.gather [hbm4b:s18+s6], $0x100, s13, s6, $0xb8;
	[tilespmem:$0x10400] =	vst v63  }
0x2e: {  	_ =	swait.ge [sflag:s17], $0x8000  }
0x2f: {  	[sflag:s17] =	ssyncset.done $0x0  }
0x30: {  	[sflag:s17] =	ssyncadd.s32 $0xFFFF8000  }
0x31: {  	[hbm4b:s2+s6] =	stream.indirect.scatter [tilespmem:s19], [sflag:$0x1], $0x100, s3, s6, $0xb8;
	[tilespmem:$0x10400] =	vst v63  }
0x32: {  	s20 =	simm.s32 $0x8400  }
0x33: {  	[tilespmem:s20], [sflag:$0x2] =	stream.indirect.gather [hbm4b:s18+s6], $0x100, s14, s6, $0xb8;
	[tilespmem:$0x10400] =	vst v63  }
0x34: {  	_ =	swait.ge [sflag:s10], $0x8000  }
0x35: {  	[sflag:s10] =	ssyncset.done $0x0  }
0x36: {  	[sflag:s10] =	ssyncadd.s32 $0xFFFF8000  }
0x37: {  	[hbm4b:s2+s6] =	stream.indirect.scatter [tilespmem:s20], [sflag:$0x2], $0x100, s6, s6, $0xb8;
	[tilespmem:$0x10400] =	vst v63  }
0x38: {  	_ =	swait.ge [sflag:s17], $0x8000  }
0x39: {  	[sflag:s17] =	ssyncset.done $0x0  }
0x3a: {  	[sflag:s17] =	ssyncadd.s32 $0xFFFF8000  }
0x3b: {  	[tilespmem:s19], [sflag:$0x1] =	stream.indirect.gather [hbm4b:s18+s6], $0x100, s15, s6, $0xb8;
	[tilespmem:$0x10400] =	vst v63  }
0x3c: {  	_ =	swait.ge [sflag:s17], $0x8000  }
0x3d: {  	[sflag:s17] =	ssyncset.done $0x0  }
0x3e: {  	[sflag:s17] =	ssyncadd.s32 $0xFFFF8000  }
0x3f: {  	[hbm4b:s2+s6] =	stream.indirect.scatter [tilespmem:s19], [sflag:$0x1], $0x100, s8, s6, $0xb8;
	[tilespmem:$0x10400] =	vst v63  }
0x40: {  	_ =	swait.ge [sflag:s10], $0x8000  }
0x41: {  	s21 =	ssub.s32 $0x2, s21;
	[sflag:s10] =	ssyncset.done $0x0  }
0x42: {  	s22 =	sshrl.u32 s21, $0x1;
	[sflag:s10] =	ssyncadd.s32 $0xFFFF8000  }
0x43: {  	[tilespmem:s20], [sflag:$0x2] =	stream.indirect.gather [hbm4b:s18+s6], $0x100, s16, s6, $0xb8;
	[tilespmem:$0x10400] =	vst v63  }
0x44: {  	s21 =	ssub.s32 s21, s22;
	_ =	swait.ge [sflag:s10], $0x8000  }
0x45: {  	s21 =	smax.u32 s21, $0x1;
	[sflag:s10] =	ssyncset.done $0x0  }
0x46: {  	p0 =	sne.s32 s21, $0x1;
	[sflag:s10] =	ssyncadd.s32 $0xFFFF8000  }
0x47: {  	[hbm4b:s2+s6] =	stream.indirect.scatter [tilespmem:s20], [sflag:$0x2], $0x100, s11, s6, $0xb8;
	[tilespmem:$0x10400] =	vst v63  }
.Ltmp0:
0x48: {  	_ =	swait.ge [sflag:s17], $0x8000;
	(pc) =	sbr.rel @!p0 .LBB2_2-.Ltmp0, $4  }
0x49: {  	[sflag:s17] =	ssyncset.done $0x0  }
0x4a: {  	[sflag:s17] =	ssyncadd.s32 $0xFFFF8000  }
0x4b: {  	_ =	swait.ge [sflag:s10], $0x8000  }
0x4c: {  	s21 =	sadd.s32 $0xFFFFFFFF, s21;
	[sflag:s10] =	ssyncset.done $0x0  }
.LBB2_1:
0x4d: {  	p0 =	sne.s32 s21, $0x1;
	s21 =	sadd.s32 $0xFFFFFFFF, s21;
	[sflag:s10] =	ssyncadd.s32 $0xFFFF8000  }
0x4e: {  	[tilespmem:s3], [sflag:$0x2] =	stream.linear.gather [hbm4b:s4+s3], $0x80, $0x38;
	[tilespmem:$0x10400] =	vst v63  }
0x4f: {  	_ = 	snop  }
0x50: {  	[tilespmem:s6], [sflag:$0x2] =	stream.linear.gather [hbm4b:s5+s3], $0x80, $0x38;
	[tilespmem:$0x10400] =	vst v63  }
0x51: {  	_ = 	snop  }
0x52: {  	[tilespmem:s8], [sflag:$0x2] =	stream.linear.gather [hbm4b:s7+s3], $0x80, $0x38;
	[tilespmem:$0x10400] =	vst v63  }
0x53: {  	_ = 	snop  }
0x54: {  	[tilespmem:s11], [sflag:$0x2] =	stream.linear.gather [hbm4b:s9+s3], $0x80, $0x38;
	[tilespmem:$0x10400] =	vst v63  }
0x55: {  	_ =	swait.ge [sflag:s10], $0x80  }
0x56: {  	[sflag:s10] =	ssyncset.done $0x0  }
0x57: {  	[sflag:s10] =	ssyncadd.s32 $0xFFFFFF80  }
0x58: {  	_ =	swait.ge [sflag:s10], $0x80  }
0x59: {  	[sflag:s10] =	ssyncset.done $0x0  }
0x5a: {  	[sflag:s10] =	ssyncadd.s32 $0xFFFFFF80  }
0x5b: {  	_ =	swait.ge [sflag:s10], $0x80  }
0x5c: {  	[sflag:s10] =	ssyncset.done $0x0  }
0x5d: {  	[sflag:s10] =	ssyncadd.s32 $0xFFFFFF80  }
0x5e: {  	_ =	swait.ge [sflag:s10], $0x80  }
0x5f: {  	[sflag:s10] =	ssyncset.done $0x0  }
0x60: {  	[sflag:s10] =	ssyncadd.s32 $0xFFFFFF80  }
0x61: {  	[tilespmem:s13], [sflag:$0x1] =	stream.indirect.gather [hbm4b:s12+s6], $0x1, s3, s6, $0xb8;
	[tilespmem:$0x10400] =	vst v63  }
0x62: {  	_ = 	snop  }
0x63: {  	[tilespmem:s14], [sflag:$0x1] =	stream.indirect.gather [hbm4b:s12+s6], $0x1, s6, s6, $0xb8;
	[tilespmem:$0x10400] =	vst v63  }
0x64: {  	_ = 	snop  }
0x65: {  	[tilespmem:s15], [sflag:$0x1] =	stream.indirect.gather [hbm4b:s12+s6], $0x1, s8, s6, $0xb8;
	[tilespmem:$0x10400] =	vst v63  }
0x66: {  	_ = 	snop  }
0x67: {  	[tilespmem:s16], [sflag:$0x1] =	stream.indirect.gather [hbm4b:s12+s6], $0x1, s11, s6, $0xb8;
	[tilespmem:$0x10400] =	vst v63  }
0x68: {  	_ =	swait.ge [sflag:s17], $0x80  }
0x69: {  	[sflag:s17] =	ssyncset.done $0x0  }
0x6a: {  	[sflag:s17] =	ssyncadd.s32 $0xFFFFFF80  }
0x6b: {  	_ =	swait.ge [sflag:s17], $0x80  }
0x6c: {  	[sflag:s17] =	ssyncset.done $0x0  }
0x6d: {  	[sflag:s17] =	ssyncadd.s32 $0xFFFFFF80  }
0x6e: {  	_ =	swait.ge [sflag:s17], $0x80  }
0x6f: {  	[sflag:s17] =	ssyncset.done $0x0  }
0x70: {  	[sflag:s17] =	ssyncadd.s32 $0xFFFFFF80  }
0x71: {  	_ =	swait.ge [sflag:s17], $0x80  }
0x72: {  	[sflag:s17] =	ssyncset.done $0x0  }
0x73: {  	[sflag:s17] =	ssyncadd.s32 $0xFFFFFF80  }
0x74: {  	[tilespmem:s19], [sflag:$0x1] =	stream.indirect.gather [hbm4b:s18+s6], $0x100, s13, s6, $0xb8;
	[tilespmem:$0x10400] =	vst v63  }
0x75: {  	_ =	swait.ge [sflag:s17], $0x8000  }
0x76: {  	[sflag:s17] =	ssyncset.done $0x0  }
0x77: {  	[sflag:s17] =	ssyncadd.s32 $0xFFFF8000  }
0x78: {  	[hbm4b:s2+s6] =	stream.indirect.scatter [tilespmem:s19], [sflag:$0x1], $0x100, s3, s6, $0xb8;
	[tilespmem:$0x10400] =	vst v63  }
0x79: {  	_ = 	snop  }
0x7a: {  	[tilespmem:s20], [sflag:$0x2] =	stream.indirect.gather [hbm4b:s18+s6], $0x100, s14, s6, $0xb8;
	[tilespmem:$0x10400] =	vst v63  }
0x7b: {  	_ =	swait.ge [sflag:s10], $0x8000  }
0x7c: {  	[sflag:s10] =	ssyncset.done $0x0  }
0x7d: {  	[sflag:s10] =	ssyncadd.s32 $0xFFFF8000  }
0x7e: {  	[hbm4b:s2+s6] =	stream.indirect.scatter [tilespmem:s20], [sflag:$0x2], $0x100, s6, s6, $0xb8;
	[tilespmem:$0x10400] =	vst v63  }
0x7f: {  	_ =	swait.ge [sflag:s17], $0x8000  }
0x80: {  	[sflag:s17] =	ssyncset.done $0x0  }
0x81: {  	[sflag:s17] =	ssyncadd.s32 $0xFFFF8000  }
0x82: {  	[tilespmem:s19], [sflag:$0x1] =	stream.indirect.gather [hbm4b:s18+s6], $0x100, s15, s6, $0xb8;
	[tilespmem:$0x10400] =	vst v63  }
0x83: {  	_ =	swait.ge [sflag:s17], $0x8000  }
0x84: {  	[sflag:s17] =	ssyncset.done $0x0  }
0x85: {  	[sflag:s17] =	ssyncadd.s32 $0xFFFF8000  }
0x86: {  	[hbm4b:s2+s6] =	stream.indirect.scatter [tilespmem:s19], [sflag:$0x1], $0x100, s8, s6, $0xb8;
	[tilespmem:$0x10400] =	vst v63  }
0x87: {  	_ =	swait.ge [sflag:s10], $0x8000  }
0x88: {  	[sflag:s10] =	ssyncset.done $0x0  }
0x89: {  	[sflag:s10] =	ssyncadd.s32 $0xFFFF8000  }
0x8a: {  	[tilespmem:s20], [sflag:$0x2] =	stream.indirect.gather [hbm4b:s18+s6], $0x100, s16, s6, $0xb8;
	[tilespmem:$0x10400] =	vst v63  }
0x8b: {  	_ =	swait.ge [sflag:s10], $0x8000  }
0x8c: {  	[sflag:s10] =	ssyncset.done $0x0  }
0x8d: {  	[sflag:s10] =	ssyncadd.s32 $0xFFFF8000  }
0x8e: {  	[hbm4b:s2+s6] =	stream.indirect.scatter [tilespmem:s20], [sflag:$0x2], $0x100, s11, s6, $0xb8;
	[tilespmem:$0x10400] =	vst v63  }
.Ltmp1:
0x8f: {  	_ =	swait.ge [sflag:s17], $0x8000;
	(pc) =	sbr.rel @p0 .LBB2_1-.Ltmp1, $4  }
0x90: {  	[sflag:s17] =	ssyncset.done $0x0  }
0x91: {  	[sflag:s17] =	ssyncadd.s32 $0xFFFF8000  }
0x92: {  	_ =	swait.ge [sflag:s10], $0x8000  }
0x93: {  	[sflag:s10] =	ssyncset.done $0x0  }
.LBB2_2:
0x94: {  	[sflag:s10] =	ssyncadd.s32 $0xFFFF8000  }
0x95: {  	_ =	sfence.sel $0x180000  }
0x96: {  	[bflag:$0x0] =	sbarrier.arrive $0xFFFF  }
0x97: {  	p0 =	sne.s32 s1, $0x0;
	_ =	strace $0x9000004A  }
0x98: {  	s0 =	sadd.s32 @!p0 $0x100000, s0;
	[bflag:$0x2] =	sbarrier.arrive $0xFFFF  }
0x99: {  	[sflag:s0] =	ssyncadd.tile.s32 @!p0 $0x1;
	_ =	shalt  }
.Lfunc_end2:
_tile_overlayer_lowered:
.L_overlay_start_2:
0x9a: {  	(tag) =	ssettag $0x2  }
0x9b: {  	s0 =	rddreg [dreg:$0x0];
	s2 =	stileid.u32  }
0x9c: {  	s1 =	rddreg [dreg:$0x1];
	p0 =	sne.s32 s2, $0x0  }
0x9d: {  	s3 =	rddreg [dreg:$0x2];
	[bflag:$0x3] =	sbarrier.arrive $0xFFFF;
	s2 =	simm.s32 @!p0 $0x1C03  }
0x9e: {  	[timem:s3], [sflag:s2] =	dma.local @!p0 [hbm:s0], s1  }
0x9f: {  	s0 =	simm.s32 @!p0 $0x3  }
0xa0: {  	_ =	swait.ge @!p0 [sflag:s0], s1  }
0xa1: {  	s1 =	ssub.s32 @!p0 $0x0, s1;
	[sflag:s0] =	ssyncset.done @!p0 $0x0  }
0xa2: {  	[sflag:s0] =	ssyncadd.s32 @!p0 s1  }
0xa3: {  	[bflag:$0x3] =	sbarrier.arrive $0xFFFF  }
0xa4: {  	_ =	shalt  }

</sc_bundles>
